<compile_context>
chip_gen: v7x
topology: tpu7x:2x2x1
jax: 0.10.2.dev20260603
libtpu: 0.0.44.dev20260713+nightly
codegen_flags: <defaults>
</compile_context>

<pallas_src>
import functools

import jax
import jax.numpy as jnp
from jax import lax
from jax.experimental import pallas as pl
from jax.experimental.pallas import tpu as pltpu
from jax.experimental.pallas import tpu_sc as plsc

N = 10000
E = 320000
D_IN = 128
D_H = 128
N_CLASSES = 40
C_PAD = 128
N_PAD = 10240
NC, NS = 2, 16
NW = NC * NS
CHUNK = 128
NCHUNKS = 2560
E_PAD = NCHUNKS * CHUNK
CPW = NCHUNKS // NW
RPS = N_PAD // NS
SBLK = 40
CPW0, CPW1 = 120, 40
BLK = 256

_mesh = plsc.VectorSubcoreMesh(core_axis_name="c", subcore_axis_name="s")


def _make_seg(d):

    @functools.partial(
        pl.kernel,
        out_type=jax.ShapeDtypeStruct((NC * N_PAD, d), jnp.float32),
        mesh=_mesh,
        scratch_types=[
            pltpu.VMEM((SBLK, CHUNK), jnp.int32),
            pltpu.VMEM((SBLK, CHUNK), jnp.int32),
            pltpu.VMEM((CHUNK, d), jnp.float32),
            pltpu.VMEM((CHUNK, d), jnp.float32),
            pltpu.VMEM_SHARED((N_PAD, d), jnp.float32),
            pltpu.SemaphoreType.DMA,
            pltpu.SemaphoreType.DMA,
        ],
    )
    def seg(t_hbm, src_hbm, dst_hbm, zero_hbm, out_hbm, src_v, dst_v,
            rows0, rows1, acc_sh, ss0, ss1):
        c = lax.axis_index("c")
        s = lax.axis_index("s")
        pltpu.sync_copy(zero_hbm, acc_sh.at[pl.ds(s * RPS, RPS)])
        plsc.subcore_barrier()

        bufs = (rows0, rows1)
        sems = (ss0, ss1)

        def pipeline(cpw, base_w):
            for h in range(cpw // SBLK):
                base = base_w + h * SBLK
                pltpu.sync_copy(src_hbm.at[pl.ds(base, SBLK)], src_v)
                pltpu.sync_copy(dst_hbm.at[pl.ds(base, SBLK)], dst_v)
                for p in (0, 1):
                    pltpu.sync_copy(t_hbm.at[src_v.at[p]], bufs[p])
                    pltpu.async_copy(bufs[p], acc_sh.at[dst_v.at[p]],
                                     sems[p], add=True)

                @pl.loop(2, SBLK, step=2)
                def _(j):
                    for p in (0, 1):
                        jj = j + p
                        pltpu.make_async_copy(t_hbm.at[src_v.at[jj]], bufs[p],
                                              sems[p]).wait()
                        pltpu.sync_copy(t_hbm.at[src_v.at[jj]], bufs[p])
                        pltpu.async_copy(bufs[p], acc_sh.at[dst_v.at[jj]],
                                         sems[p], add=True)

                for p in (0, 1):
                    pltpu.make_async_copy(t_hbm.at[src_v.at[p]], bufs[p],
                                          sems[p]).wait()

        @pl.when(c == 0)
        def _():
            pipeline(CPW0, s * CPW0)

        @pl.when(c == 1)
        def _():
            pipeline(CPW1, NS * CPW0 + s * CPW1)

        plsc.subcore_barrier()
        pltpu.sync_copy(
            acc_sh.at[pl.ds(s * RPS, RPS)],
            out_hbm.at[pl.ds(c * N_PAD + s * RPS, RPS)],
        )

    return seg


@functools.partial(
    pl.kernel,
    out_type=jax.ShapeDtypeStruct((NC * N_PAD, 128), jnp.float32),
    mesh=_mesh,
    scratch_types=[
        pltpu.VMEM((CPW, CHUNK), jnp.int32),
        pltpu.VMEM((CHUNK, 128), jnp.float32),
        pltpu.VMEM_SHARED((N_PAD, 128), jnp.float32),
    ],
)
def _deg(dst_hbm, ones_hbm, zero_hbm, out_hbm, dst_v, ones_v, acc_sh):
    c = lax.axis_index("c")
    s = lax.axis_index("s")
    w = s * NC + c
    pltpu.sync_copy(zero_hbm, acc_sh.at[pl.ds(s * RPS, RPS)])
    pltpu.sync_copy(ones_hbm, ones_v)
    pltpu.sync_copy(dst_hbm.at[pl.ds(w * CPW, CPW)], dst_v)
    plsc.subcore_barrier()

    @pl.loop(0, CPW)
    def _(j):
        pltpu.sync_copy(ones_v, acc_sh.at[dst_v.at[j]], add=True)

    plsc.subcore_barrier()
    pltpu.sync_copy(
        acc_sh.at[pl.ds(s * RPS, RPS)],
        out_hbm.at[pl.ds(c * N_PAD + s * RPS, RPS)],
    )


def _mm(x, w):
    d_in, d_out = w.shape

    def body(x_ref, w_ref, o_ref):
        o_ref[...] = jnp.dot(x_ref[...], w_ref[...],
                             preferred_element_type=jnp.float32)

    return pl.pallas_call(
        body,
        grid=(N_PAD // BLK,),
        in_specs=[
            pl.BlockSpec((BLK, d_in), lambda i: (i, 0)),
            pl.BlockSpec((d_in, d_out), lambda i: (0, 0)),
        ],
        out_specs=pl.BlockSpec((BLK, d_out), lambda i: (i, 0)),
        out_shape=jax.ShapeDtypeStruct((N_PAD, d_out), jnp.float32),
    )(x, w)


def _normk(deg2, t0):

    def body(d0_ref, d1_ref, t_ref, tn_ref, n_ref):
        deg = d0_ref[..., 0] + d1_ref[..., 0]
        nrm = jnp.where(deg > 0, lax.rsqrt(jnp.maximum(deg, 1.0)), 0.0)
        tn_ref[...] = t_ref[...] * nrm[:, None]
        n_ref[...] = nrm

    nb = N_PAD // BLK
    return pl.pallas_call(
        body,
        grid=(nb,),
        in_specs=[
            pl.BlockSpec((BLK, 128), lambda i: (i, 0)),
            pl.BlockSpec((BLK, 128), lambda i, _nb=nb: (i + _nb, 0)),
            pl.BlockSpec((BLK, D_H), lambda i: (i, 0)),
        ],
        out_specs=[
            pl.BlockSpec((BLK, D_H), lambda i: (i, 0)),
            pl.BlockSpec((BLK,), lambda i: (i,)),
        ],
        out_shape=[
            jax.ShapeDtypeStruct((N_PAD, D_H), jnp.float32),
            jax.ShapeDtypeStruct((N_PAD,), jnp.float32),
        ],
    )(deg2, deg2, t0)


def _layerk(acc, nrm, b, w):
    d_in, d_out = w.shape

    def body(a0_ref, a1_ref, n_ref, b_ref, w_ref, o_ref):
        nv = n_ref[...][:, None]
        h = (a0_ref[...] + a1_ref[...]) * nv + b_ref[...][None, :]
        h = jnp.maximum(h, 0.0) * nv
        o_ref[...] = jnp.dot(h, w_ref[...], preferred_element_type=jnp.float32)

    nb = N_PAD // BLK
    return pl.pallas_call(
        body,
        grid=(nb,),
        in_specs=[
            pl.BlockSpec((BLK, d_in), lambda i: (i, 0)),
            pl.BlockSpec((BLK, d_in), lambda i, _nb=nb: (i + _nb, 0)),
            pl.BlockSpec((BLK,), lambda i: (i,)),
            pl.BlockSpec((d_in,), lambda i: (0,)),
            pl.BlockSpec((d_in, d_out), lambda i: (0, 0)),
        ],
        out_specs=pl.BlockSpec((BLK, d_out), lambda i: (i, 0)),
        out_shape=jax.ShapeDtypeStruct((N_PAD, d_out), jnp.float32),
    )(acc, acc, nrm, b, w)


def _finalk(acc, nrm, b):

    def body(a0_ref, a1_ref, n_ref, b_ref, o_ref):
        o_ref[...] = ((a0_ref[...] + a1_ref[...]) * n_ref[...][:, None]
                      + b_ref[...][None, :])

    nb = N_PAD // BLK
    return pl.pallas_call(
        body,
        grid=(nb,),
        in_specs=[
            pl.BlockSpec((BLK, C_PAD), lambda i: (i, 0)),
            pl.BlockSpec((BLK, C_PAD), lambda i, _nb=nb: (i + _nb, 0)),
            pl.BlockSpec((BLK,), lambda i: (i,)),
            pl.BlockSpec((C_PAD,), lambda i: (0,)),
        ],
        out_specs=pl.BlockSpec((BLK, C_PAD), lambda i: (i, 0)),
        out_shape=jax.ShapeDtypeStruct((N_PAD, C_PAD), jnp.float32),
    )(acc, acc, nrm, b)


_seg128 = _make_seg(D_H)
_seg64 = _make_seg(C_PAD)


def kernel(features, edge_index, W0, b0, W1, b1, W2, b2):
    f32 = jnp.float32
    pad_e = E_PAD - E
    src = jnp.concatenate(
        [edge_index[0], jnp.zeros((pad_e,), jnp.int32)]).reshape(NCHUNKS, CHUNK)
    dst = jnp.concatenate(
        [edge_index[1], jnp.full((pad_e,), N, jnp.int32)]).reshape(NCHUNKS, CHUNK)
    xp = jnp.concatenate(
        [features, jnp.zeros((N_PAD - N, D_IN), f32)], axis=0)
    zeros640 = jnp.zeros((RPS, 128), f32)
    ones128 = jnp.ones((CHUNK, 128), f32)
    W2p = jnp.concatenate(
        [W2, jnp.zeros((D_H, C_PAD - N_CLASSES), f32)], axis=1)
    b2p = jnp.concatenate([b2, jnp.zeros((C_PAD - N_CLASSES,), f32)])

    deg2 = _deg(dst, ones128, zeros640)
    t0 = _mm(xp, W0)
    t0n, nrm = _normk(deg2, t0)
    acc1 = _seg128(t0n, src, dst, zeros640)
    t1 = _layerk(acc1, nrm, b0, W1)
    acc2 = _seg128(t1, src, dst, zeros640)
    t2 = _layerk(acc2, nrm, b1, W2p)
    acc3 = _seg64(t2, src, dst, zeros640[:, :C_PAD])
    outp = _finalk(acc3, nrm, b2p)
    return outp[:N, :N_CLASSES]

# --- scband reference (transcript-rebuilt; emitter-appended) ---
"""Pipeline reference for scband-gcn-3470333575497 (READ-ONLY COPY).

The authoritative reference and input builder live on the scoring server;
editing this copy changes nothing except your own understanding.
"""

import jax, jax.numpy as jnp
import numpy as np

N = 10000
E = 320000
D_IN = 128
D_H = 128
N_CLASSES = 40


def setup_inputs(seed: int = 0) -> dict:
    key = jax.random.key(seed)
    ks = jax.random.split(key, 9)
    features = jax.random.normal(ks[0], (N, D_IN), dtype=jnp.float32)
    edge_index = jax.random.randint(ks[1], (2, E), 0, N, dtype=jnp.int32)
    W0 = jax.random.normal(ks[2], (D_IN, D_H), dtype=jnp.float32) * (1.0 / np.sqrt(D_IN))
    b0 = jnp.zeros((D_H,), dtype=jnp.float32)
    W1 = jax.random.normal(ks[3], (D_H, D_H), dtype=jnp.float32) * (1.0 / np.sqrt(D_H))
    b1 = jnp.zeros((D_H,), dtype=jnp.float32)
    W2 = jax.random.normal(ks[4], (D_H, N_CLASSES), dtype=jnp.float32) * (1.0 / np.sqrt(D_H))
    b2 = jnp.zeros((N_CLASSES,), dtype=jnp.float32)
    return {"features": features, "edge_index": edge_index,
            "W0": W0, "b0": b0, "W1": W1, "b1": b1, "W2": W2, "b2": b2}


def reference(features, edge_index, W0, b0, W1, b1, W2, b2):
    # DGL-style GCN with symmetric degree normalization.
    # Per layer: h = h*norm; h = h @ W (PreApply); gather sender nodes (EdgeBlock=Identity);
    # segment-sum into receivers (NodeBlock); h = h*norm + b; activation (AfterApply).
    src = edge_index[0]
    dst = edge_index[1]
    deg = jax.ops.segment_sum(jnp.ones((E,), dtype=jnp.float32), dst, num_segments=N)
    norm = jnp.where(deg > 0, jax.lax.rsqrt(jnp.maximum(deg, 1.0)), 0.0)[:, None]

    def gcn_layer(h, W, b, act):
        h = h * norm            # pre-normalization
        h = h @ W               # linear transform (PreApply)
        msgs = h[src]           # gather sender node features (EdgeBlock, use_sender_nodes)
        agg = jax.ops.segment_sum(msgs, dst, num_segments=N)  # received-edges reduce
        agg = agg * norm + b    # post-normalization + bias (AfterApply)
        if act:
            agg = jax.nn.relu(agg)
        return agg

    h = gcn_layer(features, W0, b0, True)   # in_feats -> n_hidden
    h = gcn_layer(h, W1, b1, True)          # n_hidden -> n_hidden
    h = gcn_layer(h, W2, b2, False)         # n_hidden -> n_classes (no activation)
    return h

if __name__ == "__main__":
    import jax
    _d = setup_inputs()
    print(jax.jit(kernel)(*tuple(_d.values())))

</pallas_src>

<mosaic_0001>
#map = affine_map<(d0, d1) -> (0, 0)>
module attributes {stable_mosaic.version = 14 : i64} {
  func.func @seg(%arg0: i32, %arg1: i32, %arg2: memref<10240x128xf32, #tpu.memory_space<hbm>>, %arg3: memref<2560x128xi32, #tpu.memory_space<hbm>>, %arg4: memref<2560x128xi32, #tpu.memory_space<hbm>>, %arg5: memref<640x128xf32, #tpu.memory_space<hbm>>, %arg6: memref<20480x128xf32, #tpu.memory_space<hbm>>, %arg7: memref<40x128xi32, #tpu.memory_space<vmem>>, %arg8: memref<40x128xi32, #tpu.memory_space<vmem>>, %arg9: memref<128x128xf32, #tpu.memory_space<vmem>>, %arg10: memref<128x128xf32, #tpu.memory_space<vmem>>, %arg11: memref<10240x128xf32, #tpu.memory_space<vmem_shared>>, %arg12: memref<!tpu.dma_semaphore, #tpu.memory_space<semaphore_mem>>, %arg13: memref<!tpu.dma_semaphore, #tpu.memory_space<semaphore_mem>>) attributes {dimension_semantics = [#tpu.dimension_semantics<core_parallel>, #tpu.dimension_semantics<subcore_parallel>], iteration_bounds = array<i64: 2, 16>, scalar_prefetch = 0 : i64, scratch_operands = 7 : i64, tpu.core_type = #tpu.core_type<sc_vector_subcore>, window_params = [{transform_indices = #map}, {transform_indices = #map}, {transform_indices = #map}, {transform_indices = #map}, {transform_indices = #map}]} {
    %mul3A = arith.constant 640 : i32
    %mul3A_0 = arith.muli %arg1, %mul3A : i32
    "tpu.region"() ({
      %run_scoped3A = tpu.sem_alloc : memref<!tpu.dma_semaphore, #tpu.memory_space<semaphore_mem>>
      %dma_start3A = arith.constant 0 : i32
      %dma_start3A_15 = tpu.memref_slice %arg11[%mul3A_0, %dma_start3A] : memref<10240x128xf32, #tpu.memory_space<vmem_shared>> -> memref<640x128xf32, #tpu.memory_space<vmem_shared>>
      tpu.enqueue_dma source(%arg5 : memref<640x128xf32, #tpu.memory_space<hbm>>) target(%dma_start3A_15 : memref<640x128xf32, #tpu.memory_space<vmem_shared>>) target_semaphore(%run_scoped3A : memref<!tpu.dma_semaphore, #tpu.memory_space<semaphore_mem>>)
      %dma_wait3A = arith.constant 0 : i32
      %dma_wait3A_16 = tpu.memref_slice %arg11[%mul3A_0, %dma_wait3A] : memref<10240x128xf32, #tpu.memory_space<vmem_shared>> -> memref<640x128xf32, #tpu.memory_space<vmem_shared>>
      tpu.wait_dma2 semaphore(%run_scoped3A : memref<!tpu.dma_semaphore, #tpu.memory_space<semaphore_mem>>) src(%arg5 : memref<640x128xf32, #tpu.memory_space<hbm>>) dst(%dma_wait3A_16 : memref<640x128xf32, #tpu.memory_space<vmem_shared>>)
      tpu.yield
    }) : () -> ()
    %barrier3A = arith.constant 0 : index
    tpu.barrier barrier_id(%barrier3A)
    %eq3A = arith.constant 0 : i32
    %eq3A_1 = arith.cmpi eq, %arg0, %eq3A : i32
    %convert_element_type3A = arith.extui %eq3A_1 : i1 to i32
    %cond3A = arith.constant 0 : i32
    %cond3A_2 = arith.cmpi ne, %convert_element_type3A, %cond3A : i32
    scf.if %cond3A_2 {
      %mul3A_15 = arith.constant 120 : i32
      %mul3A_16 = arith.muli %arg1, %mul3A_15 : i32
      %add3A_17 = arith.constant 0 : i32
      %add3A_18 = arith.addi %mul3A_16, %add3A_17 : i32
      "tpu.region"() ({
        %run_scoped3A_124 = tpu.sem_alloc : memref<!tpu.dma_semaphore, #tpu.memory_space<semaphore_mem>>
        %dma_start3A_125 = arith.constant 0 : i32
        %dma_start3A_126 = tpu.memref_slice %arg3[%add3A_18, %dma_start3A_125] : memref<2560x128xi32, #tpu.memory_space<hbm>> -> memref<40x128xi32, #tpu.memory_space<hbm>>
        %dma_start3A_127 = arith.constant 0 : i32
        %dma_start3A_128 = tpu.memref_slice %arg3[%add3A_18, %dma_start3A_127] : memref<2560x128xi32, #tpu.memory_space<hbm>> -> memref<40x128xi32, #tpu.memory_space<hbm>>
        tpu.enqueue_dma source(%dma_start3A_128 : memref<40x128xi32, #tpu.memory_space<hbm>>) target(%arg7 : memref<40x128xi32, #tpu.memory_space<vmem>>) target_semaphore(%run_scoped3A_124 : memref<!tpu.dma_semaphore, #tpu.memory_space<semaphore_mem>>)
        %dma_wait3A_129 = arith.constant 0 : i32
        %dma_wait3A_130 = tpu.memref_slice %arg3[%add3A_18, %dma_wait3A_129] : memref<2560x128xi32, #tpu.memory_space<hbm>> -> memref<40x128xi32, #tpu.memory_space<hbm>>
        %dma_wait3A_131 = arith.constant 0 : i32
        %dma_wait3A_132 = tpu.memref_slice %arg3[%add3A_18, %dma_wait3A_131] : memref<2560x128xi32, #tpu.memory_space<hbm>> -> memref<40x128xi32, #tpu.memory_space<hbm>>
        tpu.wait_dma2 semaphore(%run_scoped3A_124 : memref<!tpu.dma_semaphore, #tpu.memory_space<semaphore_mem>>) src(%dma_wait3A_132 : memref<40x128xi32, #tpu.memory_space<hbm>>) dst(%arg7 : memref<40x128xi32, #tpu.memory_space<vmem>>)
        tpu.yield
      }) : () -> ()
      "tpu.region"() ({
        %run_scoped3A_124 = tpu.sem_alloc : memref<!tpu.dma_semaphore, #tpu.memory_space<semaphore_mem>>
        %dma_start3A_125 = arith.constant 0 : i32
        %dma_start3A_126 = tpu.memref_slice %arg4[%add3A_18, %dma_start3A_125] : memref<2560x128xi32, #tpu.memory_space<hbm>> -> memref<40x128xi32, #tpu.memory_space<hbm>>
        %dma_start3A_127 = arith.constant 0 : i32
        %dma_start3A_128 = tpu.memref_slice %arg4[%add3A_18, %dma_start3A_127] : memref<2560x128xi32, #tpu.memory_space<hbm>> -> memref<40x128xi32, #tpu.memory_space<hbm>>
        tpu.enqueue_dma source(%dma_start3A_128 : memref<40x128xi32, #tpu.memory_space<hbm>>) target(%arg8 : memref<40x128xi32, #tpu.memory_space<vmem>>) target_semaphore(%run_scoped3A_124 : memref<!tpu.dma_semaphore, #tpu.memory_space<semaphore_mem>>)
        %dma_wait3A_129 = arith.constant 0 : i32
        %dma_wait3A_130 = tpu.memref_slice %arg4[%add3A_18, %dma_wait3A_129] : memref<2560x128xi32, #tpu.memory_space<hbm>> -> memref<40x128xi32, #tpu.memory_space<hbm>>
        %dma_wait3A_131 = arith.constant 0 : i32
        %dma_wait3A_132 = tpu.memref_slice %arg4[%add3A_18, %dma_wait3A_131] : memref<2560x128xi32, #tpu.memory_space<hbm>> -> memref<40x128xi32, #tpu.memory_space<hbm>>
        tpu.wait_dma2 semaphore(%run_scoped3A_124 : memref<!tpu.dma_semaphore, #tpu.memory_space<semaphore_mem>>) src(%dma_wait3A_132 : memref<40x128xi32, #tpu.memory_space<hbm>>) dst(%arg8 : memref<40x128xi32, #tpu.memory_space<vmem>>)
        tpu.yield
      }) : () -> ()
      %run_scoped3A = arith.constant 0 : i32
      "tpu.region"() ({
        %run_scoped3A_124 = tpu.sem_alloc : memref<!tpu.dma_semaphore, #tpu.memory_space<semaphore_mem>>
        %dma_start3A_125 = arith.constant 0 : i32
        %dma_start3A_126 = tpu.memref_slice %arg7[%run_scoped3A, %dma_start3A_125] : memref<40x128xi32, #tpu.memory_space<vmem>> -> memref<1x128xi32, #tpu.memory_space<vmem>>
        %dma_start3A_127 = tpu.memref_squeeze %dma_start3A_126 : memref<1x128xi32, #tpu.memory_space<vmem>> -> memref<128xi32, #tpu.memory_space<vmem>>
        %dma_start3A_128 = arith.constant 0 : i32
        %dma_start3A_129 = arith.constant 0 : i32
        %dma_start3A_130 = tpu.memref_slice %arg2[%dma_start3A_128, %dma_start3A_129] : memref<10240x128xf32, #tpu.memory_space<hbm>> -> memref<10240x128xf32, #tpu.memory_space<hbm>>
        tpu.enqueue_indirect_dma source(%dma_start3A_130 : memref<10240x128xf32, #tpu.memory_space<hbm>>) target(%arg9 : memref<128x128xf32, #tpu.memory_space<vmem>>) offsets(%dma_start3A_127 : memref<128xi32, #tpu.memory_space<vmem>>) semaphore(%run_scoped3A_124 : memref<!tpu.dma_semaphore, #tpu.memory_space<semaphore_mem>>)
        %dma_wait3A_131 = arith.constant 0 : i32
        %dma_wait3A_132 = tpu.memref_slice %arg7[%run_scoped3A, %dma_wait3A_131] : memref<40x128xi32, #tpu.memory_space<vmem>> -> memref<1x128xi32, #tpu.memory_space<vmem>>
        %dma_wait3A_133 = tpu.memref_squeeze %dma_wait3A_132 : memref<1x128xi32, #tpu.memory_space<vmem>> -> memref<128xi32, #tpu.memory_space<vmem>>
        %dma_wait3A_134 = arith.constant 0 : i32
        %dma_wait3A_135 = arith.constant 0 : i32
        %dma_wait3A_136 = tpu.memref_slice %arg2[%dma_wait3A_134, %dma_wait3A_135] : memref<10240x128xf32, #tpu.memory_space<hbm>> -> memref<10240x128xf32, #tpu.memory_space<hbm>>
        tpu.wait_indirect_dma semaphore(%run_scoped3A_124 : memref<!tpu.dma_semaphore, #tpu.memory_space<semaphore_mem>>) src(%dma_wait3A_136 : memref<10240x128xf32, #tpu.memory_space<hbm>>) dst(%arg9 : memref<128x128xf32, #tpu.memory_space<vmem>>)
        tpu.yield
      }) : () -> ()
      %dma_start3A = arith.constant 0 : i32
      %dma_start3A_19 = arith.constant 0 : i32
      %dma_start3A_20 = tpu.memref_slice %arg8[%dma_start3A, %dma_start3A_19] : memref<40x128xi32, #tpu.memory_space<vmem>> -> memref<1x128xi32, #tpu.memory_space<vmem>>
      %dma_start3A_21 = tpu.memref_squeeze %dma_start3A_20 : memref<1x128xi32, #tpu.memory_space<vmem>> -> memref<128xi32, #tpu.memory_space<vmem>>
      %dma_start3A_22 = arith.constant 0 : i32
      %dma_start3A_23 = arith.constant 0 : i32
      %dma_start3A_24 = tpu.memref_slice %arg11[%dma_start3A_22, %dma_start3A_23] : memref<10240x128xf32, #tpu.memory_space<vmem_shared>> -> memref<10240x128xf32, #tpu.memory_space<vmem_shared>>
      tpu.enqueue_indirect_dma source(%arg9 : memref<128x128xf32, #tpu.memory_space<vmem>>) target(%dma_start3A_24 : memref<10240x128xf32, #tpu.memory_space<vmem_shared>>) offsets(%dma_start3A_21 : memref<128xi32, #tpu.memory_space<vmem>>) semaphore(%arg12 : memref<!tpu.dma_semaphore, #tpu.memory_space<semaphore_mem>>) {add = true}
      %run_scoped3A_25 = arith.constant 1 : i32
      "tpu.region"() ({
        %run_scoped3A_124 = tpu.sem_alloc : memref<!tpu.dma_semaphore, #tpu.memory_space<semaphore_mem>>
        %dma_start3A_125 = arith.constant 0 : i32
        %dma_start3A_126 = tpu.memref_slice %arg7[%run_scoped3A_25, %dma_start3A_125] : memref<40x128xi32, #tpu.memory_space<vmem>> -> memref<1x128xi32, #tpu.memory_space<vmem>>
        %dma_start3A_127 = tpu.memref_squeeze %dma_start3A_126 : memref<1x128xi32, #tpu.memory_space<vmem>> -> memref<128xi32, #tpu.memory_space<vmem>>
        %dma_start3A_128 = arith.constant 0 : i32
        %dma_start3A_129 = arith.constant 0 : i32
        %dma_start3A_130 = tpu.memref_slice %arg2[%dma_start3A_128, %dma_start3A_129] : memref<10240x128xf32, #tpu.memory_space<hbm>> -> memref<10240x128xf32, #tpu.memory_space<hbm>>
        tpu.enqueue_indirect_dma source(%dma_start3A_130 : memref<10240x128xf32, #tpu.memory_space<hbm>>) target(%arg10 : memref<128x128xf32, #tpu.memory_space<vmem>>) offsets(%dma_start3A_127 : memref<128xi32, #tpu.memory_space<vmem>>) semaphore(%run_scoped3A_124 : memref<!tpu.dma_semaphore, #tpu.memory_space<semaphore_mem>>)
        %dma_wait3A_131 = arith.constant 0 : i32
        %dma_wait3A_132 = tpu.memref_slice %arg7[%run_scoped3A_25, %dma_wait3A_131] : memref<40x128xi32, #tpu.memory_space<vmem>> -> memref<1x128xi32, #tpu.memory_space<vmem>>
        %dma_wait3A_133 = tpu.memref_squeeze %dma_wait3A_132 : memref<1x128xi32, #tpu.memory_space<vmem>> -> memref<128xi32, #tpu.memory_space<vmem>>
        %dma_wait3A_134 = arith.constant 0 : i32
        %dma_wait3A_135 = arith.constant 0 : i32
        %dma_wait3A_136 = tpu.memref_slice %arg2[%dma_wait3A_134, %dma_wait3A_135] : memref<10240x128xf32, #tpu.memory_space<hbm>> -> memref<10240x128xf32, #tpu.memory_space<hbm>>
        tpu.wait_indirect_dma semaphore(%run_scoped3A_124 : memref<!tpu.dma_semaphore, #tpu.memory_space<semaphore_mem>>) src(%dma_wait3A_136 : memref<10240x128xf32, #tpu.memory_space<hbm>>) dst(%arg10 : memref<128x128xf32, #tpu.memory_space<vmem>>)
        tpu.yield
      }) : () -> ()
      %dma_start3A_26 = arith.constant 1 : i32
      %dma_start3A_27 = arith.constant 0 : i32
      %dma_start3A_28 = tpu.memref_slice %arg8[%dma_start3A_26, %dma_start3A_27] : memref<40x128xi32, #tpu.memory_space<vmem>> -> memref<1x128xi32, #tpu.memory_space<vmem>>
      %dma_start3A_29 = tpu.memref_squeeze %dma_start3A_28 : memref<1x128xi32, #tpu.memory_space<vmem>> -> memref<128xi32, #tpu.memory_space<vmem>>
      %dma_start3A_30 = arith.constant 0 : i32
      %dma_start3A_31 = arith.constant 0 : i32
      %dma_start3A_32 = tpu.memref_slice %arg11[%dma_start3A_30, %dma_start3A_31] : memref<10240x128xf32, #tpu.memory_space<vmem_shared>> -> memref<10240x128xf32, #tpu.memory_space<vmem_shared>>
      tpu.enqueue_indirect_dma source(%arg10 : memref<128x128xf32, #tpu.memory_space<vmem>>) target(%dma_start3A_32 : memref<10240x128xf32, #tpu.memory_space<vmem_shared>>) offsets(%dma_start3A_29 : memref<128xi32, #tpu.memory_space<vmem>>) semaphore(%arg13 : memref<!tpu.dma_semaphore, #tpu.memory_space<semaphore_mem>>) {add = true}
      %scan3A = arith.constant 0 : i32
      %scan3A_33 = arith.constant 19 : i32
      %scan3A_34 = arith.addi %scan3A, %scan3A_33 : i32
      %scan3A_35 = arith.constant 1 : i32
      scf.for %scan3A_124 = %scan3A to %scan3A_34 step %scan3A_35  : i32 {
        %mul3A_125 = arith.constant 2 : i32
        %mul3A_126 = arith.muli %scan3A_124, %mul3A_125 : i32
        %add3A_127 = arith.constant 2 : i32
        %add3A_128 = arith.addi %add3A_127, %mul3A_126 : i32
        %add3A_129 = arith.constant 0 : i32
        %add3A_130 = arith.addi %add3A_128, %add3A_129 : i32
        %dma_wait3A_131 = arith.constant 0 : i32
        %dma_wait3A_132 = tpu.memref_slice %arg7[%add3A_130, %dma_wait3A_131] : memref<40x128xi32, #tpu.memory_space<vmem>> -> memref<1x128xi32, #tpu.memory_space<vmem>>
        %dma_wait3A_133 = tpu.memref_squeeze %dma_wait3A_132 : memref<1x128xi32, #tpu.memory_space<vmem>> -> memref<128xi32, #tpu.memory_space<vmem>>
        %dma_wait3A_134 = arith.constant 0 : i32
        %dma_wait3A_135 = arith.constant 0 : i32
        %dma_wait3A_136 = tpu.memref_slice %arg2[%dma_wait3A_134, %dma_wait3A_135] : memref<10240x128xf32, #tpu.memory_space<hbm>> -> memref<10240x128xf32, #tpu.memory_space<hbm>>
        tpu.wait_indirect_dma semaphore(%arg12 : memref<!tpu.dma_semaphore, #tpu.memory_space<semaphore_mem>>) src(%dma_wait3A_136 : memref<10240x128xf32, #tpu.memory_space<hbm>>) dst(%arg9 : memref<128x128xf32, #tpu.memory_space<vmem>>)
        "tpu.region"() ({
          %run_scoped3A_157 = tpu.sem_alloc : memref<!tpu.dma_semaphore, #tpu.memory_space<semaphore_mem>>
          %dma_start3A_158 = arith.constant 0 : i32
          %dma_start3A_159 = tpu.memref_slice %arg7[%add3A_130, %dma_start3A_158] : memref<40x128xi32, #tpu.memory_space<vmem>> -> memref<1x128xi32, #tpu.memory_space<vmem>>
          %dma_start3A_160 = tpu.memref_squeeze %dma_start3A_159 : memref<1x128xi32, #tpu.memory_space<vmem>> -> memref<128xi32, #tpu.memory_space<vmem>>
          %dma_start3A_161 = arith.constant 0 : i32
          %dma_start3A_162 = arith.constant 0 : i32
          %dma_start3A_163 = tpu.memref_slice %arg2[%dma_start3A_161, %dma_start3A_162] : memref<10240x128xf32, #tpu.memory_space<hbm>> -> memref<10240x128xf32, #tpu.memory_space<hbm>>
          tpu.enqueue_indirect_dma source(%dma_start3A_163 : memref<10240x128xf32, #tpu.memory_space<hbm>>) target(%arg9 : memref<128x128xf32, #tpu.memory_space<vmem>>) offsets(%dma_start3A_160 : memref<128xi32, #tpu.memory_space<vmem>>) semaphore(%run_scoped3A_157 : memref<!tpu.dma_semaphore, #tpu.memory_space<semaphore_mem>>)
          %dma_wait3A_164 = arith.constant 0 : i32
          %dma_wait3A_165 = tpu.memref_slice %arg7[%add3A_130, %dma_wait3A_164] : memref<40x128xi32, #tpu.memory_space<vmem>> -> memref<1x128xi32, #tpu.memory_space<vmem>>
          %dma_wait3A_166 = tpu.memref_squeeze %dma_wait3A_165 : memref<1x128xi32, #tpu.memory_space<vmem>> -> memref<128xi32, #tpu.memory_space<vmem>>
          %dma_wait3A_167 = arith.constant 0 : i32
          %dma_wait3A_168 = arith.constant 0 : i32
          %dma_wait3A_169 = tpu.memref_slice %arg2[%dma_wait3A_167, %dma_wait3A_168] : memref<10240x128xf32, #tpu.memory_space<hbm>> -> memref<10240x128xf32, #tpu.memory_space<hbm>>
          tpu.wait_indirect_dma semaphore(%run_scoped3A_157 : memref<!tpu.dma_semaphore, #tpu.memory_space<semaphore_mem>>) src(%dma_wait3A_169 : memref<10240x128xf32, #tpu.memory_space<hbm>>) dst(%arg9 : memref<128x128xf32, #tpu.memory_space<vmem>>)
          tpu.yield
        }) : () -> ()
        %dma_start3A_137 = arith.constant 0 : i32
        %dma_start3A_138 = tpu.memref_slice %arg8[%add3A_130, %dma_start3A_137] : memref<40x128xi32, #tpu.memory_space<vmem>> -> memref<1x128xi32, #tpu.memory_space<vmem>>
        %dma_start3A_139 = tpu.memref_squeeze %dma_start3A_138 : memref<1x128xi32, #tpu.memory_space<vmem>> -> memref<128xi32, #tpu.memory_space<vmem>>
        %dma_start3A_140 = arith.constant 0 : i32
        %dma_start3A_141 = arith.constant 0 : i32
        %dma_start3A_142 = tpu.memref_slice %arg11[%dma_start3A_140, %dma_start3A_141] : memref<10240x128xf32, #tpu.memory_space<vmem_shared>> -> memref<10240x128xf32, #tpu.memory_space<vmem_shared>>
        tpu.enqueue_indirect_dma source(%arg9 : memref<128x128xf32, #tpu.memory_space<vmem>>) target(%dma_start3A_142 : memref<10240x128xf32, #tpu.memory_space<vmem_shared>>) offsets(%dma_start3A_139 : memref<128xi32, #tpu.memory_space<vmem>>) semaphore(%arg12 : memref<!tpu.dma_semaphore, #tpu.memory_space<semaphore_mem>>) {add = true}
        %add3A_143 = arith.constant 1 : i32
        %add3A_144 = arith.addi %add3A_128, %add3A_143 : i32
        %dma_wait3A_145 = arith.constant 0 : i32
        %dma_wait3A_146 = tpu.memref_slice %arg7[%add3A_144, %dma_wait3A_145] : memref<40x128xi32, #tpu.memory_space<vmem>> -> memref<1x128xi32, #tpu.memory_space<vmem>>
        %dma_wait3A_147 = tpu.memref_squeeze %dma_wait3A_146 : memref<1x128xi32, #tpu.memory_space<vmem>> -> memref<128xi32, #tpu.memory_space<vmem>>
        %dma_wait3A_148 = arith.constant 0 : i32
        %dma_wait3A_149 = arith.constant 0 : i32
        %dma_wait3A_150 = tpu.memref_slice %arg2[%dma_wait3A_148, %dma_wait3A_149] : memref<10240x128xf32, #tpu.memory_space<hbm>> -> memref<10240x128xf32, #tpu.memory_space<hbm>>
        tpu.wait_indirect_dma semaphore(%arg13 : memref<!tpu.dma_semaphore, #tpu.memory_space<semaphore_mem>>) src(%dma_wait3A_150 : memref<10240x128xf32, #tpu.memory_space<hbm>>) dst(%arg10 : memref<128x128xf32, #tpu.memory_space<vmem>>)
        "tpu.region"() ({
          %run_scoped3A_157 = tpu.sem_alloc : memref<!tpu.dma_semaphore, #tpu.memory_space<semaphore_mem>>
          %dma_start3A_158 = arith.constant 0 : i32
          %dma_start3A_159 = tpu.memref_slice %arg7[%add3A_144, %dma_start3A_158] : memref<40x128xi32, #tpu.memory_space<vmem>> -> memref<1x128xi32, #tpu.memory_space<vmem>>
          %dma_start3A_160 = tpu.memref_squeeze %dma_start3A_159 : memref<1x128xi32, #tpu.memory_space<vmem>> -> memref<128xi32, #tpu.memory_space<vmem>>
          %dma_start3A_161 = arith.constant 0 : i32
          %dma_start3A_162 = arith.constant 0 : i32
          %dma_start3A_163 = tpu.memref_slice %arg2[%dma_start3A_161, %dma_start3A_162] : memref<10240x128xf32, #tpu.memory_space<hbm>> -> memref<10240x128xf32, #tpu.memory_space<hbm>>
          tpu.enqueue_indirect_dma source(%dma_start3A_163 : memref<10240x128xf32, #tpu.memory_space<hbm>>) target(%arg10 : memref<128x128xf32, #tpu.memory_space<vmem>>) offsets(%dma_start3A_160 : memref<128xi32, #tpu.memory_space<vmem>>) semaphore(%run_scoped3A_157 : memref<!tpu.dma_semaphore, #tpu.memory_space<semaphore_mem>>)
          %dma_wait3A_164 = arith.constant 0 : i32
          %dma_wait3A_165 = tpu.memref_slice %arg7[%add3A_144, %dma_wait3A_164] : memref<40x128xi32, #tpu.memory_space<vmem>> -> memref<1x128xi32, #tpu.memory_space<vmem>>
          %dma_wait3A_166 = tpu.memref_squeeze %dma_wait3A_165 : memref<1x128xi32, #tpu.memory_space<vmem>> -> memref<128xi32, #tpu.memory_space<vmem>>
          %dma_wait3A_167 = arith.constant 0 : i32
          %dma_wait3A_168 = arith.constant 0 : i32
          %dma_wait3A_169 = tpu.memref_slice %arg2[%dma_wait3A_167, %dma_wait3A_168] : memref<10240x128xf32, #tpu.memory_space<hbm>> -> memref<10240x128xf32, #tpu.memory_space<hbm>>
          tpu.wait_indirect_dma semaphore(%run_scoped3A_157 : memref<!tpu.dma_semaphore, #tpu.memory_space<semaphore_mem>>) src(%dma_wait3A_169 : memref<10240x128xf32, #tpu.memory_space<hbm>>) dst(%arg10 : memref<128x128xf32, #tpu.memory_space<vmem>>)
          tpu.yield
        }) : () -> ()
        %dma_start3A_151 = arith.constant 0 : i32
        %dma_start3A_152 = tpu.memref_slice %arg8[%add3A_144, %dma_start3A_151] : memref<40x128xi32, #tpu.memory_space<vmem>> -> memref<1x128xi32, #tpu.memory_space<vmem>>
        %dma_start3A_153 = tpu.memref_squeeze %dma_start3A_152 : memref<1x128xi32, #tpu.memory_space<vmem>> -> memref<128xi32, #tpu.memory_space<vmem>>
        %dma_start3A_154 = arith.constant 0 : i32
        %dma_start3A_155 = arith.constant 0 : i32
        %dma_start3A_156 = tpu.memref_slice %arg11[%dma_start3A_154, %dma_start3A_155] : memref<10240x128xf32, #tpu.memory_space<vmem_shared>> -> memref<10240x128xf32, #tpu.memory_space<vmem_shared>>
        tpu.enqueue_indirect_dma source(%arg10 : memref<128x128xf32, #tpu.memory_space<vmem>>) target(%dma_start3A_156 : memref<10240x128xf32, #tpu.memory_space<vmem_shared>>) offsets(%dma_start3A_153 : memref<128xi32, #tpu.memory_space<vmem>>) semaphore(%arg13 : memref<!tpu.dma_semaphore, #tpu.memory_space<semaphore_mem>>) {add = true}
      }
      %scan3A_36 = arith.constant 19 : i32
      %dma_wait3A = arith.constant 0 : i32
      %dma_wait3A_37 = arith.constant 0 : i32
      %dma_wait3A_38 = tpu.memref_slice %arg7[%dma_wait3A, %dma_wait3A_37] : memref<40x128xi32, #tpu.memory_space<vmem>> -> memref<1x128xi32, #tpu.memory_space<vmem>>
      %dma_wait3A_39 = tpu.memref_squeeze %dma_wait3A_38 : memref<1x128xi32, #tpu.memory_space<vmem>> -> memref<128xi32, #tpu.memory_space<vmem>>
      %dma_wait3A_40 = arith.constant 0 : i32
      %dma_wait3A_41 = arith.constant 0 : i32
      %dma_wait3A_42 = tpu.memref_slice %arg2[%dma_wait3A_40, %dma_wait3A_41] : memref<10240x128xf32, #tpu.memory_space<hbm>> -> memref<10240x128xf32, #tpu.memory_space<hbm>>
      tpu.wait_indirect_dma semaphore(%arg12 : memref<!tpu.dma_semaphore, #tpu.memory_space<semaphore_mem>>) src(%dma_wait3A_42 : memref<10240x128xf32, #tpu.memory_space<hbm>>) dst(%arg9 : memref<128x128xf32, #tpu.memory_space<vmem>>)
      %dma_wait3A_43 = arith.constant 1 : i32
      %dma_wait3A_44 = arith.constant 0 : i32
      %dma_wait3A_45 = tpu.memref_slice %arg7[%dma_wait3A_43, %dma_wait3A_44] : memref<40x128xi32, #tpu.memory_space<vmem>> -> memref<1x128xi32, #tpu.memory_space<vmem>>
      %dma_wait3A_46 = tpu.memref_squeeze %dma_wait3A_45 : memref<1x128xi32, #tpu.memory_space<vmem>> -> memref<128xi32, #tpu.memory_space<vmem>>
      %dma_wait3A_47 = arith.constant 0 : i32
      %dma_wait3A_48 = arith.constant 0 : i32
      %dma_wait3A_49 = tpu.memref_slice %arg2[%dma_wait3A_47, %dma_wait3A_48] : memref<10240x128xf32, #tpu.memory_space<hbm>> -> memref<10240x128xf32, #tpu.memory_space<hbm>>
      tpu.wait_indirect_dma semaphore(%arg13 : memref<!tpu.dma_semaphore, #tpu.memory_space<semaphore_mem>>) src(%dma_wait3A_49 : memref<10240x128xf32, #tpu.memory_space<hbm>>) dst(%arg10 : memref<128x128xf32, #tpu.memory_space<vmem>>)
      %add3A_50 = arith.constant 40 : i32
      %add3A_51 = arith.addi %mul3A_16, %add3A_50 : i32
      "tpu.region"() ({
        %run_scoped3A_124 = tpu.sem_alloc : memref<!tpu.dma_semaphore, #tpu.memory_space<semaphore_mem>>
        %dma_start3A_125 = arith.constant 0 : i32
        %dma_start3A_126 = tpu.memref_slice %arg3[%add3A_51, %dma_start3A_125] : memref<2560x128xi32, #tpu.memory_space<hbm>> -> memref<40x128xi32, #tpu.memory_space<hbm>>
        %dma_start3A_127 = arith.constant 0 : i32
        %dma_start3A_128 = tpu.memref_slice %arg3[%add3A_51, %dma_start3A_127] : memref<2560x128xi32, #tpu.memory_space<hbm>> -> memref<40x128xi32, #tpu.memory_space<hbm>>
        tpu.enqueue_dma source(%dma_start3A_128 : memref<40x128xi32, #tpu.memory_space<hbm>>) target(%arg7 : memref<40x128xi32, #tpu.memory_space<vmem>>) target_semaphore(%run_scoped3A_124 : memref<!tpu.dma_semaphore, #tpu.memory_space<semaphore_mem>>)
        %dma_wait3A_129 = arith.constant 0 : i32
        %dma_wait3A_130 = tpu.memref_slice %arg3[%add3A_51, %dma_wait3A_129] : memref<2560x128xi32, #tpu.memory_space<hbm>> -> memref<40x128xi32, #tpu.memory_space<hbm>>
        %dma_wait3A_131 = arith.constant 0 : i32
        %dma_wait3A_132 = tpu.memref_slice %arg3[%add3A_51, %dma_wait3A_131] : memref<2560x128xi32, #tpu.memory_space<hbm>> -> memref<40x128xi32, #tpu.memory_space<hbm>>
        tpu.wait_dma2 semaphore(%run_scoped3A_124 : memref<!tpu.dma_semaphore, #tpu.memory_space<semaphore_mem>>) src(%dma_wait3A_132 : memref<40x128xi32, #tpu.memory_space<hbm>>) dst(%arg7 : memref<40x128xi32, #tpu.memory_space<vmem>>)
        tpu.yield
      }) : () -> ()
      "tpu.region"() ({
        %run_scoped3A_124 = tpu.sem_alloc : memref<!tpu.dma_semaphore, #tpu.memory_space<semaphore_mem>>
        %dma_start3A_125 = arith.constant 0 : i32
        %dma_start3A_126 = tpu.memref_slice %arg4[%add3A_51, %dma_start3A_125] : memref<2560x128xi32, #tpu.memory_space<hbm>> -> memref<40x128xi32, #tpu.memory_space<hbm>>
        %dma_start3A_127 = arith.constant 0 : i32
        %dma_start3A_128 = tpu.memref_slice %arg4[%add3A_51, %dma_start3A_127] : memref<2560x128xi32, #tpu.memory_space<hbm>> -> memref<40x128xi32, #tpu.memory_space<hbm>>
        tpu.enqueue_dma source(%dma_start3A_128 : memref<40x128xi32, #tpu.memory_space<hbm>>) target(%arg8 : memref<40x128xi32, #tpu.memory_space<vmem>>) target_semaphore(%run_scoped3A_124 : memref<!tpu.dma_semaphore, #tpu.memory_space<semaphore_mem>>)
        %dma_wait3A_129 = arith.constant 0 : i32
        %dma_wait3A_130 = tpu.memref_slice %arg4[%add3A_51, %dma_wait3A_129] : memref<2560x128xi32, #tpu.memory_space<hbm>> -> memref<40x128xi32, #tpu.memory_space<hbm>>
        %dma_wait3A_131 = arith.constant 0 : i32
        %dma_wait3A_132 = tpu.memref_slice %arg4[%add3A_51, %dma_wait3A_131] : memref<2560x128xi32, #tpu.memory_space<hbm>> -> memref<40x128xi32, #tpu.memory_space<hbm>>
        tpu.wait_dma2 semaphore(%run_scoped3A_124 : memref<!tpu.dma_semaphore, #tpu.memory_space<semaphore_mem>>) src(%dma_wait3A_132 : memref<40x128xi32, #tpu.memory_space<hbm>>) dst(%arg8 : memref<40x128xi32, #tpu.memory_space<vmem>>)
        tpu.yield
      }) : () -> ()
      %run_scoped3A_52 = arith.constant 0 : i32
      "tpu.region"() ({
        %run_scoped3A_124 = tpu.sem_alloc : memref<!tpu.dma_semaphore, #tpu.memory_space<semaphore_mem>>
        %dma_start3A_125 = arith.constant 0 : i32
        %dma_start3A_126 = tpu.memref_slice %arg7[%run_scoped3A_52, %dma_start3A_125] : memref<40x128xi32, #tpu.memory_space<vmem>> -> memref<1x128xi32, #tpu.memory_space<vmem>>
        %dma_start3A_127 = tpu.memref_squeeze %dma_start3A_126 : memref<1x128xi32, #tpu.memory_space<vmem>> -> memref<128xi32, #tpu.memory_space<vmem>>
        %dma_start3A_128 = arith.constant 0 : i32
        %dma_start3A_129 = arith.constant 0 : i32
        %dma_start3A_130 = tpu.memref_slice %arg2[%dma_start3A_128, %dma_start3A_129] : memref<10240x128xf32, #tpu.memory_space<hbm>> -> memref<10240x128xf32, #tpu.memory_space<hbm>>
        tpu.enqueue_indirect_dma source(%dma_start3A_130 : memref<10240x128xf32, #tpu.memory_space<hbm>>) target(%arg9 : memref<128x128xf32, #tpu.memory_space<vmem>>) offsets(%dma_start3A_127 : memref<128xi32, #tpu.memory_space<vmem>>) semaphore(%run_scoped3A_124 : memref<!tpu.dma_semaphore, #tpu.memory_space<semaphore_mem>>)
        %dma_wait3A_131 = arith.constant 0 : i32
        %dma_wait3A_132 = tpu.memref_slice %arg7[%run_scoped3A_52, %dma_wait3A_131] : memref<40x128xi32, #tpu.memory_space<vmem>> -> memref<1x128xi32, #tpu.memory_space<vmem>>
        %dma_wait3A_133 = tpu.memref_squeeze %dma_wait3A_132 : memref<1x128xi32, #tpu.memory_space<vmem>> -> memref<128xi32, #tpu.memory_space<vmem>>
        %dma_wait3A_134 = arith.constant 0 : i32
        %dma_wait3A_135 = arith.constant 0 : i32
        %dma_wait3A_136 = tpu.memref_slice %arg2[%dma_wait3A_134, %dma_wait3A_135] : memref<10240x128xf32, #tpu.memory_space<hbm>> -> memref<10240x128xf32, #tpu.memory_space<hbm>>
        tpu.wait_indirect_dma semaphore(%run_scoped3A_124 : memref<!tpu.dma_semaphore, #tpu.memory_space<semaphore_mem>>) src(%dma_wait3A_136 : memref<10240x128xf32, #tpu.memory_space<hbm>>) dst(%arg9 : memref<128x128xf32, #tpu.memory_space<vmem>>)
        tpu.yield
      }) : () -> ()
      %dma_start3A_53 = arith.constant 0 : i32
      %dma_start3A_54 = arith.constant 0 : i32
      %dma_start3A_55 = tpu.memref_slice %arg8[%dma_start3A_53, %dma_start3A_54] : memref<40x128xi32, #tpu.memory_space<vmem>> -> memref<1x128xi32, #tpu.memory_space<vmem>>
      %dma_start3A_56 = tpu.memref_squeeze %dma_start3A_55 : memref<1x128xi32, #tpu.memory_space<vmem>> -> memref<128xi32, #tpu.memory_space<vmem>>
      %dma_start3A_57 = arith.constant 0 : i32
      %dma_start3A_58 = arith.constant 0 : i32
      %dma_start3A_59 = tpu.memref_slice %arg11[%dma_start3A_57, %dma_start3A_58] : memref<10240x128xf32, #tpu.memory_space<vmem_shared>> -> memref<10240x128xf32, #tpu.memory_space<vmem_shared>>
      tpu.enqueue_indirect_dma source(%arg9 : memref<128x128xf32, #tpu.memory_space<vmem>>) target(%dma_start3A_59 : memref<10240x128xf32, #tpu.memory_space<vmem_shared>>) offsets(%dma_start3A_56 : memref<128xi32, #tpu.memory_space<vmem>>) semaphore(%arg12 : memref<!tpu.dma_semaphore, #tpu.memory_space<semaphore_mem>>) {add = true}
      %run_scoped3A_60 = arith.constant 1 : i32
      "tpu.region"() ({
        %run_scoped3A_124 = tpu.sem_alloc : memref<!tpu.dma_semaphore, #tpu.memory_space<semaphore_mem>>
        %dma_start3A_125 = arith.constant 0 : i32
        %dma_start3A_126 = tpu.memref_slice %arg7[%run_scoped3A_60, %dma_start3A_125] : memref<40x128xi32, #tpu.memory_space<vmem>> -> memref<1x128xi32, #tpu.memory_space<vmem>>
        %dma_start3A_127 = tpu.memref_squeeze %dma_start3A_126 : memref<1x128xi32, #tpu.memory_space<vmem>> -> memref<128xi32, #tpu.memory_space<vmem>>
        %dma_start3A_128 = arith.constant 0 : i32
        %dma_start3A_129 = arith.constant 0 : i32
        %dma_start3A_130 = tpu.memref_slice %arg2[%dma_start3A_128, %dma_start3A_129] : memref<10240x128xf32, #tpu.memory_space<hbm>> -> memref<10240x128xf32, #tpu.memory_space<hbm>>
        tpu.enqueue_indirect_dma source(%dma_start3A_130 : memref<10240x128xf32, #tpu.memory_space<hbm>>) target(%arg10 : memref<128x128xf32, #tpu.memory_space<vmem>>) offsets(%dma_start3A_127 : memref<128xi32, #tpu.memory_space<vmem>>) semaphore(%run_scoped3A_124 : memref<!tpu.dma_semaphore, #tpu.memory_space<semaphore_mem>>)
        %dma_wait3A_131 = arith.constant 0 : i32
        %dma_wait3A_132 = tpu.memref_slice %arg7[%run_scoped3A_60, %dma_wait3A_131] : memref<40x128xi32, #tpu.memory_space<vmem>> -> memref<1x128xi32, #tpu.memory_space<vmem>>
        %dma_wait3A_133 = tpu.memref_squeeze %dma_wait3A_132 : memref<1x128xi32, #tpu.memory_space<vmem>> -> memref<128xi32, #tpu.memory_space<vmem>>
        %dma_wait3A_134 = arith.constant 0 : i32
        %dma_wait3A_135 = arith.constant 0 : i32
        %dma_wait3A_136 = tpu.memref_slice %arg2[%dma_wait3A_134, %dma_wait3A_135] : memref<10240x128xf32, #tpu.memory_space<hbm>> -> memref<10240x128xf32, #tpu.memory_space<hbm>>
        tpu.wait_indirect_dma semaphore(%run_scoped3A_124 : memref<!tpu.dma_semaphore, #tpu.memory_space<semaphore_mem>>) src(%dma_wait3A_136 : memref<10240x128xf32, #tpu.memory_space<hbm>>) dst(%arg10 : memref<128x128xf32, #tpu.memory_space<vmem>>)
        tpu.yield
      }) : () -> ()
      %dma_start3A_61 = arith.constant 1 : i32
      %dma_start3A_62 = arith.constant 0 : i32
      %dma_start3A_63 = tpu.memref_slice %arg8[%dma_start3A_61, %dma_start3A_62] : memref<40x128xi32, #tpu.memory_space<vmem>> -> memref<1x128xi32, #tpu.memory_space<vmem>>
      %dma_start3A_64 = tpu.memref_squeeze %dma_start3A_63 : memref<1x128xi32, #tpu.memory_space<vmem>> -> memref<128xi32, #tpu.memory_space<vmem>>
      %dma_start3A_65 = arith.constant 0 : i32
      %dma_start3A_66 = arith.constant 0 : i32
      %dma_start3A_67 = tpu.memref_slice %arg11[%dma_start3A_65, %dma_start3A_66] : memref<10240x128xf32, #tpu.memory_space<vmem_shared>> -> memref<10240x128xf32, #tpu.memory_space<vmem_shared>>
      tpu.enqueue_indirect_dma source(%arg10 : memref<128x128xf32, #tpu.memory_space<vmem>>) target(%dma_start3A_67 : memref<10240x128xf32, #tpu.memory_space<vmem_shared>>) offsets(%dma_start3A_64 : memref<128xi32, #tpu.memory_space<vmem>>) semaphore(%arg13 : memref<!tpu.dma_semaphore, #tpu.memory_space<semaphore_mem>>) {add = true}
      %scan3A_68 = arith.constant 0 : i32
      %scan3A_69 = arith.constant 19 : i32
      %scan3A_70 = arith.addi %scan3A_68, %scan3A_69 : i32
      %scan3A_71 = arith.constant 1 : i32
      scf.for %scan3A_124 = %scan3A_68 to %scan3A_70 step %scan3A_71  : i32 {
        %mul3A_125 = arith.constant 2 : i32
        %mul3A_126 = arith.muli %scan3A_124, %mul3A_125 : i32
        %add3A_127 = arith.constant 2 : i32
        %add3A_128 = arith.addi %add3A_127, %mul3A_126 : i32
        %add3A_129 = arith.constant 0 : i32
        %add3A_130 = arith.addi %add3A_128, %add3A_129 : i32
        %dma_wait3A_131 = arith.constant 0 : i32
        %dma_wait3A_132 = tpu.memref_slice %arg7[%add3A_130, %dma_wait3A_131] : memref<40x128xi32, #tpu.memory_space<vmem>> -> memref<1x128xi32, #tpu.memory_space<vmem>>
        %dma_wait3A_133 = tpu.memref_squeeze %dma_wait3A_132 : memref<1x128xi32, #tpu.memory_space<vmem>> -> memref<128xi32, #tpu.memory_space<vmem>>
        %dma_wait3A_134 = arith.constant 0 : i32
        %dma_wait3A_135 = arith.constant 0 : i32
        %dma_wait3A_136 = tpu.memref_slice %arg2[%dma_wait3A_134, %dma_wait3A_135] : memref<10240x128xf32, #tpu.memory_space<hbm>> -> memref<10240x128xf32, #tpu.memory_space<hbm>>
        tpu.wait_indirect_dma semaphore(%arg12 : memref<!tpu.dma_semaphore, #tpu.memory_space<semaphore_mem>>) src(%dma_wait3A_136 : memref<10240x128xf32, #tpu.memory_space<hbm>>) dst(%arg9 : memref<128x128xf32, #tpu.memory_space<vmem>>)
        "tpu.region"() ({
          %run_scoped3A_157 = tpu.sem_alloc : memref<!tpu.dma_semaphore, #tpu.memory_space<semaphore_mem>>
          %dma_start3A_158 = arith.constant 0 : i32
          %dma_start3A_159 = tpu.memref_slice %arg7[%add3A_130, %dma_start3A_158] : memref<40x128xi32, #tpu.memory_space<vmem>> -> memref<1x128xi32, #tpu.memory_space<vmem>>
          %dma_start3A_160 = tpu.memref_squeeze %dma_start3A_159 : memref<1x128xi32, #tpu.memory_space<vmem>> -> memref<128xi32, #tpu.memory_space<vmem>>
          %dma_start3A_161 = arith.constant 0 : i32
          %dma_start3A_162 = arith.constant 0 : i32
          %dma_start3A_163 = tpu.memref_slice %arg2[%dma_start3A_161, %dma_start3A_162] : memref<10240x128xf32, #tpu.memory_space<hbm>> -> memref<10240x128xf32, #tpu.memory_space<hbm>>
          tpu.enqueue_indirect_dma source(%dma_start3A_163 : memref<10240x128xf32, #tpu.memory_space<hbm>>) target(%arg9 : memref<128x128xf32, #tpu.memory_space<vmem>>) offsets(%dma_start3A_160 : memref<128xi32, #tpu.memory_space<vmem>>) semaphore(%run_scoped3A_157 : memref<!tpu.dma_semaphore, #tpu.memory_space<semaphore_mem>>)
          %dma_wait3A_164 = arith.constant 0 : i32
          %dma_wait3A_165 = tpu.memref_slice %arg7[%add3A_130, %dma_wait3A_164] : memref<40x128xi32, #tpu.memory_space<vmem>> -> memref<1x128xi32, #tpu.memory_space<vmem>>
          %dma_wait3A_166 = tpu.memref_squeeze %dma_wait3A_165 : memref<1x128xi32, #tpu.memory_space<vmem>> -> memref<128xi32, #tpu.memory_space<vmem>>
          %dma_wait3A_167 = arith.constant 0 : i32
          %dma_wait3A_168 = arith.constant 0 : i32
          %dma_wait3A_169 = tpu.memref_slice %arg2[%dma_wait3A_167, %dma_wait3A_168] : memref<10240x128xf32, #tpu.memory_space<hbm>> -> memref<10240x128xf32, #tpu.memory_space<hbm>>
          tpu.wait_indirect_dma semaphore(%run_scoped3A_157 : memref<!tpu.dma_semaphore, #tpu.memory_space<semaphore_mem>>) src(%dma_wait3A_169 : memref<10240x128xf32, #tpu.memory_space<hbm>>) dst(%arg9 : memref<128x128xf32, #tpu.memory_space<vmem>>)
          tpu.yield
        }) : () -> ()
        %dma_start3A_137 = arith.constant 0 : i32
        %dma_start3A_138 = tpu.memref_slice %arg8[%add3A_130, %dma_start3A_137] : memref<40x128xi32, #tpu.memory_space<vmem>> -> memref<1x128xi32, #tpu.memory_space<vmem>>
        %dma_start3A_139 = tpu.memref_squeeze %dma_start3A_138 : memref<1x128xi32, #tpu.memory_space<vmem>> -> memref<128xi32, #tpu.memory_space<vmem>>
        %dma_start3A_140 = arith.constant 0 : i32
        %dma_start3A_141 = arith.constant 0 : i32
        %dma_start3A_142 = tpu.memref_slice %arg11[%dma_start3A_140, %dma_start3A_141] : memref<10240x128xf32, #tpu.memory_space<vmem_shared>> -> memref<10240x128xf32, #tpu.memory_space<vmem_shared>>
        tpu.enqueue_indirect_dma source(%arg9 : memref<128x128xf32, #tpu.memory_space<vmem>>) target(%dma_start3A_142 : memref<10240x128xf32, #tpu.memory_space<vmem_shared>>) offsets(%dma_start3A_139 : memref<128xi32, #tpu.memory_space<vmem>>) semaphore(%arg12 : memref<!tpu.dma_semaphore, #tpu.memory_space<semaphore_mem>>) {add = true}
        %add3A_143 = arith.constant 1 : i32
        %add3A_144 = arith.addi %add3A_128, %add3A_143 : i32
        %dma_wait3A_145 = arith.constant 0 : i32
        %dma_wait3A_146 = tpu.memref_slice %arg7[%add3A_144, %dma_wait3A_145] : memref<40x128xi32, #tpu.memory_space<vmem>> -> memref<1x128xi32, #tpu.memory_space<vmem>>
        %dma_wait3A_147 = tpu.memref_squeeze %dma_wait3A_146 : memref<1x128xi32, #tpu.memory_space<vmem>> -> memref<128xi32, #tpu.memory_space<vmem>>
        %dma_wait3A_148 = arith.constant 0 : i32
        %dma_wait3A_149 = arith.constant 0 : i32
        %dma_wait3A_150 = tpu.memref_slice %arg2[%dma_wait3A_148, %dma_wait3A_149] : memref<10240x128xf32, #tpu.memory_space<hbm>> -> memref<10240x128xf32, #tpu.memory_space<hbm>>
        tpu.wait_indirect_dma semaphore(%arg13 : memref<!tpu.dma_semaphore, #tpu.memory_space<semaphore_mem>>) src(%dma_wait3A_150 : memref<10240x128xf32, #tpu.memory_space<hbm>>) dst(%arg10 : memref<128x128xf32, #tpu.memory_space<vmem>>)
        "tpu.region"() ({
          %run_scoped3A_157 = tpu.sem_alloc : memref<!tpu.dma_semaphore, #tpu.memory_space<semaphore_mem>>
          %dma_start3A_158 = arith.constant 0 : i32
          %dma_start3A_159 = tpu.memref_slice %arg7[%add3A_144, %dma_start3A_158] : memref<40x128xi32, #tpu.memory_space<vmem>> -> memref<1x128xi32, #tpu.memory_space<vmem>>
          %dma_start3A_160 = tpu.memref_squeeze %dma_start3A_159 : memref<1x128xi32, #tpu.memory_space<vmem>> -> memref<128xi32, #tpu.memory_space<vmem>>
          %dma_start3A_161 = arith.constant 0 : i32
          %dma_start3A_162 = arith.constant 0 : i32
          %dma_start3A_163 = tpu.memref_slice %arg2[%dma_start3A_161, %dma_start3A_162] : memref<10240x128xf32, #tpu.memory_space<hbm>> -> memref<10240x128xf32, #tpu.memory_space<hbm>>
          tpu.enqueue_indirect_dma source(%dma_start3A_163 : memref<10240x128xf32, #tpu.memory_space<hbm>>) target(%arg10 : memref<128x128xf32, #tpu.memory_space<vmem>>) offsets(%dma_start3A_160 : memref<128xi32, #tpu.memory_space<vmem>>) semaphore(%run_scoped3A_157 : memref<!tpu.dma_semaphore, #tpu.memory_space<semaphore_mem>>)
          %dma_wait3A_164 = arith.constant 0 : i32
          %dma_wait3A_165 = tpu.memref_slice %arg7[%add3A_144, %dma_wait3A_164] : memref<40x128xi32, #tpu.memory_space<vmem>> -> memref<1x128xi32, #tpu.memory_space<vmem>>
          %dma_wait3A_166 = tpu.memref_squeeze %dma_wait3A_165 : memref<1x128xi32, #tpu.memory_space<vmem>> -> memref<128xi32, #tpu.memory_space<vmem>>
          %dma_wait3A_167 = arith.constant 0 : i32
          %dma_wait3A_168 = arith.constant 0 : i32
          %dma_wait3A_169 = tpu.memref_slice %arg2[%dma_wait3A_167, %dma_wait3A_168] : memref<10240x128xf32, #tpu.memory_space<hbm>> -> memref<10240x128xf32, #tpu.memory_space<hbm>>
          tpu.wait_indirect_dma semaphore(%run_scoped3A_157 : memref<!tpu.dma_semaphore, #tpu.memory_space<semaphore_mem>>) src(%dma_wait3A_169 : memref<10240x128xf32, #tpu.memory_space<hbm>>) dst(%arg10 : memref<128x128xf32, #tpu.memory_space<vmem>>)
          tpu.yield
        }) : () -> ()
        %dma_start3A_151 = arith.constant 0 : i32
        %dma_start3A_152 = tpu.memref_slice %arg8[%add3A_144, %dma_start3A_151] : memref<40x128xi32, #tpu.memory_space<vmem>> -> memref<1x128xi32, #tpu.memory_space<vmem>>
        %dma_start3A_153 = tpu.memref_squeeze %dma_start3A_152 : memref<1x128xi32, #tpu.memory_space<vmem>> -> memref<128xi32, #tpu.memory_space<vmem>>
        %dma_start3A_154 = arith.constant 0 : i32
        %dma_start3A_155 = arith.constant 0 : i32
        %dma_start3A_156 = tpu.memref_slice %arg11[%dma_start3A_154, %dma_start3A_155] : memref<10240x128xf32, #tpu.memory_space<vmem_shared>> -> memref<10240x128xf32, #tpu.memory_space<vmem_shared>>
        tpu.enqueue_indirect_dma source(%arg10 : memref<128x128xf32, #tpu.memory_space<vmem>>) target(%dma_start3A_156 : memref<10240x128xf32, #tpu.memory_space<vmem_shared>>) offsets(%dma_start3A_153 : memref<128xi32, #tpu.memory_space<vmem>>) semaphore(%arg13 : memref<!tpu.dma_semaphore, #tpu.memory_space<semaphore_mem>>) {add = true}
      }
      %scan3A_72 = arith.constant 19 : i32
      %dma_wait3A_73 = arith.constant 0 : i32
      %dma_wait3A_74 = arith.constant 0 : i32
      %dma_wait3A_75 = tpu.memref_slice %arg7[%dma_wait3A_73, %dma_wait3A_74] : memref<40x128xi32, #tpu.memory_space<vmem>> -> memref<1x128xi32, #tpu.memory_space<vmem>>
      %dma_wait3A_76 = tpu.memref_squeeze %dma_wait3A_75 : memref<1x128xi32, #tpu.memory_space<vmem>> -> memref<128xi32, #tpu.memory_space<vmem>>
      %dma_wait3A_77 = arith.constant 0 : i32
      %dma_wait3A_78 = arith.constant 0 : i32
      %dma_wait3A_79 = tpu.memref_slice %arg2[%dma_wait3A_77, %dma_wait3A_78] : memref<10240x128xf32, #tpu.memory_space<hbm>> -> memref<10240x128xf32, #tpu.memory_space<hbm>>
      tpu.wait_indirect_dma semaphore(%arg12 : memref<!tpu.dma_semaphore, #tpu.memory_space<semaphore_mem>>) src(%dma_wait3A_79 : memref<10240x128xf32, #tpu.memory_space<hbm>>) dst(%arg9 : memref<128x128xf32, #tpu.memory_space<vmem>>)
      %dma_wait3A_80 = arith.constant 1 : i32
      %dma_wait3A_81 = arith.constant 0 : i32
      %dma_wait3A_82 = tpu.memref_slice %arg7[%dma_wait3A_80, %dma_wait3A_81] : memref<40x128xi32, #tpu.memory_space<vmem>> -> memref<1x128xi32, #tpu.memory_space<vmem>>
      %dma_wait3A_83 = tpu.memref_squeeze %dma_wait3A_82 : memref<1x128xi32, #tpu.memory_space<vmem>> -> memref<128xi32, #tpu.memory_space<vmem>>
      %dma_wait3A_84 = arith.constant 0 : i32
      %dma_wait3A_85 = arith.constant 0 : i32
      %dma_wait3A_86 = tpu.memref_slice %arg2[%dma_wait3A_84, %dma_wait3A_85] : memref<10240x128xf32, #tpu.memory_space<hbm>> -> memref<10240x128xf32, #tpu.memory_space<hbm>>
      tpu.wait_indirect_dma semaphore(%arg13 : memref<!tpu.dma_semaphore, #tpu.memory_space<semaphore_mem>>) src(%dma_wait3A_86 : memref<10240x128xf32, #tpu.memory_space<hbm>>) dst(%arg10 : memref<128x128xf32, #tpu.memory_space<vmem>>)
      %add3A_87 = arith.constant 80 : i32
      %add3A_88 = arith.addi %mul3A_16, %add3A_87 : i32
      "tpu.region"() ({
        %run_scoped3A_124 = tpu.sem_alloc : memref<!tpu.dma_semaphore, #tpu.memory_space<semaphore_mem>>
        %dma_start3A_125 = arith.constant 0 : i32
        %dma_start3A_126 = tpu.memref_slice %arg3[%add3A_88, %dma_start3A_125] : memref<2560x128xi32, #tpu.memory_space<hbm>> -> memref<40x128xi32, #tpu.memory_space<hbm>>
        %dma_start3A_127 = arith.constant 0 : i32
        %dma_start3A_128 = tpu.memref_slice %arg3[%add3A_88, %dma_start3A_127] : memref<2560x128xi32, #tpu.memory_space<hbm>> -> memref<40x128xi32, #tpu.memory_space<hbm>>
        tpu.enqueue_dma source(%dma_start3A_128 : memref<40x128xi32, #tpu.memory_space<hbm>>) target(%arg7 : memref<40x128xi32, #tpu.memory_space<vmem>>) target_semaphore(%run_scoped3A_124 : memref<!tpu.dma_semaphore, #tpu.memory_space<semaphore_mem>>)
        %dma_wait3A_129 = arith.constant 0 : i32
        %dma_wait3A_130 = tpu.memref_slice %arg3[%add3A_88, %dma_wait3A_129] : memref<2560x128xi32, #tpu.memory_space<hbm>> -> memref<40x128xi32, #tpu.memory_space<hbm>>
        %dma_wait3A_131 = arith.constant 0 : i32
        %dma_wait3A_132 = tpu.memref_slice %arg3[%add3A_88, %dma_wait3A_131] : memref<2560x128xi32, #tpu.memory_space<hbm>> -> memref<40x128xi32, #tpu.memory_space<hbm>>
        tpu.wait_dma2 semaphore(%run_scoped3A_124 : memref<!tpu.dma_semaphore, #tpu.memory_space<semaphore_mem>>) src(%dma_wait3A_132 : memref<40x128xi32, #tpu.memory_space<hbm>>) dst(%arg7 : memref<40x128xi32, #tpu.memory_space<vmem>>)
        tpu.yield
      }) : () -> ()
      "tpu.region"() ({
        %run_scoped3A_124 = tpu.sem_alloc : memref<!tpu.dma_semaphore, #tpu.memory_space<semaphore_mem>>
        %dma_start3A_125 = arith.constant 0 : i32
        %dma_start3A_126 = tpu.memref_slice %arg4[%add3A_88, %dma_start3A_125] : memref<2560x128xi32, #tpu.memory_space<hbm>> -> memref<40x128xi32, #tpu.memory_space<hbm>>
        %dma_start3A_127 = arith.constant 0 : i32
        %dma_start3A_128 = tpu.memref_slice %arg4[%add3A_88, %dma_start3A_127] : memref<2560x128xi32, #tpu.memory_space<hbm>> -> memref<40x128xi32, #tpu.memory_space<hbm>>
        tpu.enqueue_dma source(%dma_start3A_128 : memref<40x128xi32, #tpu.memory_space<hbm>>) target(%arg8 : memref<40x128xi32, #tpu.memory_space<vmem>>) target_semaphore(%run_scoped3A_124 : memref<!tpu.dma_semaphore, #tpu.memory_space<semaphore_mem>>)
        %dma_wait3A_129 = arith.constant 0 : i32
        %dma_wait3A_130 = tpu.memref_slice %arg4[%add3A_88, %dma_wait3A_129] : memref<2560x128xi32, #tpu.memory_space<hbm>> -> memref<40x128xi32, #tpu.memory_space<hbm>>
        %dma_wait3A_131 = arith.constant 0 : i32
        %dma_wait3A_132 = tpu.memref_slice %arg4[%add3A_88, %dma_wait3A_131] : memref<2560x128xi32, #tpu.memory_space<hbm>> -> memref<40x128xi32, #tpu.memory_space<hbm>>
        tpu.wait_dma2 semaphore(%run_scoped3A_124 : memref<!tpu.dma_semaphore, #tpu.memory_space<semaphore_mem>>) src(%dma_wait3A_132 : memref<40x128xi32, #tpu.memory_space<hbm>>) dst(%arg8 : memref<40x128xi32, #tpu.memory_space<vmem>>)
        tpu.yield
      }) : () -> ()
      %run_scoped3A_89 = arith.constant 0 : i32
      "tpu.region"() ({
        %run_scoped3A_124 = tpu.sem_alloc : memref<!tpu.dma_semaphore, #tpu.memory_space<semaphore_mem>>
        %dma_start3A_125 = arith.constant 0 : i32
        %dma_start3A_126 = tpu.memref_slice %arg7[%run_scoped3A_89, %dma_start3A_125] : memref<40x128xi32, #tpu.memory_space<vmem>> -> memref<1x128xi32, #tpu.memory_space<vmem>>
        %dma_start3A_127 = tpu.memref_squeeze %dma_start3A_126 : memref<1x128xi32, #tpu.memory_space<vmem>> -> memref<128xi32, #tpu.memory_space<vmem>>
        %dma_start3A_128 = arith.constant 0 : i32
        %dma_start3A_129 = arith.constant 0 : i32
        %dma_start3A_130 = tpu.memref_slice %arg2[%dma_start3A_128, %dma_start3A_129] : memref<10240x128xf32, #tpu.memory_space<hbm>> -> memref<10240x128xf32, #tpu.memory_space<hbm>>
        tpu.enqueue_indirect_dma source(%dma_start3A_130 : memref<10240x128xf32, #tpu.memory_space<hbm>>) target(%arg9 : memref<128x128xf32, #tpu.memory_space<vmem>>) offsets(%dma_start3A_127 : memref<128xi32, #tpu.memory_space<vmem>>) semaphore(%run_scoped3A_124 : memref<!tpu.dma_semaphore, #tpu.memory_space<semaphore_mem>>)
        %dma_wait3A_131 = arith.constant 0 : i32
        %dma_wait3A_132 = tpu.memref_slice %arg7[%run_scoped3A_89, %dma_wait3A_131] : memref<40x128xi32, #tpu.memory_space<vmem>> -> memref<1x128xi32, #tpu.memory_space<vmem>>
        %dma_wait3A_133 = tpu.memref_squeeze %dma_wait3A_132 : memref<1x128xi32, #tpu.memory_space<vmem>> -> memref<128xi32, #tpu.memory_space<vmem>>
        %dma_wait3A_134 = arith.constant 0 : i32
        %dma_wait3A_135 = arith.constant 0 : i32
        %dma_wait3A_136 = tpu.memref_slice %arg2[%dma_wait3A_134, %dma_wait3A_135] : memref<10240x128xf32, #tpu.memory_space<hbm>> -> memref<10240x128xf32, #tpu.memory_space<hbm>>
        tpu.wait_indirect_dma semaphore(%run_scoped3A_124 : memref<!tpu.dma_semaphore, #tpu.memory_space<semaphore_mem>>) src(%dma_wait3A_136 : memref<10240x128xf32, #tpu.memory_space<hbm>>) dst(%arg9 : memref<128x128xf32, #tpu.memory_space<vmem>>)
        tpu.yield
      }) : () -> ()
      %dma_start3A_90 = arith.constant 0 : i32
      %dma_start3A_91 = arith.constant 0 : i32
      %dma_start3A_92 = tpu.memref_slice %arg8[%dma_start3A_90, %dma_start3A_91] : memref<40x128xi32, #tpu.memory_space<vmem>> -> memref<1x128xi32, #tpu.memory_space<vmem>>
      %dma_start3A_93 = tpu.memref_squeeze %dma_start3A_92 : memref<1x128xi32, #tpu.memory_space<vmem>> -> memref<128xi32, #tpu.memory_space<vmem>>
      %dma_start3A_94 = arith.constant 0 : i32
      %dma_start3A_95 = arith.constant 0 : i32
      %dma_start3A_96 = tpu.memref_slice %arg11[%dma_start3A_94, %dma_start3A_95] : memref<10240x128xf32, #tpu.memory_space<vmem_shared>> -> memref<10240x128xf32, #tpu.memory_space<vmem_shared>>
      tpu.enqueue_indirect_dma source(%arg9 : memref<128x128xf32, #tpu.memory_space<vmem>>) target(%dma_start3A_96 : memref<10240x128xf32, #tpu.memory_space<vmem_shared>>) offsets(%dma_start3A_93 : memref<128xi32, #tpu.memory_space<vmem>>) semaphore(%arg12 : memref<!tpu.dma_semaphore, #tpu.memory_space<semaphore_mem>>) {add = true}
      %run_scoped3A_97 = arith.constant 1 : i32
      "tpu.region"() ({
        %run_scoped3A_124 = tpu.sem_alloc : memref<!tpu.dma_semaphore, #tpu.memory_space<semaphore_mem>>
        %dma_start3A_125 = arith.constant 0 : i32
        %dma_start3A_126 = tpu.memref_slice %arg7[%run_scoped3A_97, %dma_start3A_125] : memref<40x128xi32, #tpu.memory_space<vmem>> -> memref<1x128xi32, #tpu.memory_space<vmem>>
        %dma_start3A_127 = tpu.memref_squeeze %dma_start3A_126 : memref<1x128xi32, #tpu.memory_space<vmem>> -> memref<128xi32, #tpu.memory_space<vmem>>
        %dma_start3A_128 = arith.constant 0 : i32
        %dma_start3A_129 = arith.constant 0 : i32
        %dma_start3A_130 = tpu.memref_slice %arg2[%dma_start3A_128, %dma_start3A_129] : memref<10240x128xf32, #tpu.memory_space<hbm>> -> memref<10240x128xf32, #tpu.memory_space<hbm>>
        tpu.enqueue_indirect_dma source(%dma_start3A_130 : memref<10240x128xf32, #tpu.memory_space<hbm>>) target(%arg10 : memref<128x128xf32, #tpu.memory_space<vmem>>) offsets(%dma_start3A_127 : memref<128xi32, #tpu.memory_space<vmem>>) semaphore(%run_scoped3A_124 : memref<!tpu.dma_semaphore, #tpu.memory_space<semaphore_mem>>)
        %dma_wait3A_131 = arith.constant 0 : i32
        %dma_wait3A_132 = tpu.memref_slice %arg7[%run_scoped3A_97, %dma_wait3A_131] : memref<40x128xi32, #tpu.memory_space<vmem>> -> memref<1x128xi32, #tpu.memory_space<vmem>>
        %dma_wait3A_133 = tpu.memref_squeeze %dma_wait3A_132 : memref<1x128xi32, #tpu.memory_space<vmem>> -> memref<128xi32, #tpu.memory_space<vmem>>
        %dma_wait3A_134 = arith.constant 0 : i32
        %dma_wait3A_135 = arith.constant 0 : i32
        %dma_wait3A_136 = tpu.memref_slice %arg2[%dma_wait3A_134, %dma_wait3A_135] : memref<10240x128xf32, #tpu.memory_space<hbm>> -> memref<10240x128xf32, #tpu.memory_space<hbm>>
        tpu.wait_indirect_dma semaphore(%run_scoped3A_124 : memref<!tpu.dma_semaphore, #tpu.memory_space<semaphore_mem>>) src(%dma_wait3A_136 : memref<10240x128xf32, #tpu.memory_space<hbm>>) dst(%arg10 : memref<128x128xf32, #tpu.memory_space<vmem>>)
        tpu.yield
      }) : () -> ()
      %dma_start3A_98 = arith.constant 1 : i32
      %dma_start3A_99 = arith.constant 0 : i32
      %dma_start3A_100 = tpu.memref_slice %arg8[%dma_start3A_98, %dma_start3A_99] : memref<40x128xi32, #tpu.memory_space<vmem>> -> memref<1x128xi32, #tpu.memory_space<vmem>>
      %dma_start3A_101 = tpu.memref_squeeze %dma_start3A_100 : memref<1x128xi32, #tpu.memory_space<vmem>> -> memref<128xi32, #tpu.memory_space<vmem>>
      %dma_start3A_102 = arith.constant 0 : i32
      %dma_start3A_103 = arith.constant 0 : i32
      %dma_start3A_104 = tpu.memref_slice %arg11[%dma_start3A_102, %dma_start3A_103] : memref<10240x128xf32, #tpu.memory_space<vmem_shared>> -> memref<10240x128xf32, #tpu.memory_space<vmem_shared>>
      tpu.enqueue_indirect_dma source(%arg10 : memref<128x128xf32, #tpu.memory_space<vmem>>) target(%dma_start3A_104 : memref<10240x128xf32, #tpu.memory_space<vmem_shared>>) offsets(%dma_start3A_101 : memref<128xi32, #tpu.memory_space<vmem>>) semaphore(%arg13 : memref<!tpu.dma_semaphore, #tpu.memory_space<semaphore_mem>>) {add = true}
      %scan3A_105 = arith.constant 0 : i32
      %scan3A_106 = arith.constant 19 : i32
      %scan3A_107 = arith.addi %scan3A_105, %scan3A_106 : i32
      %scan3A_108 = arith.constant 1 : i32
      scf.for %scan3A_124 = %scan3A_105 to %scan3A_107 step %scan3A_108  : i32 {
        %mul3A_125 = arith.constant 2 : i32
        %mul3A_126 = arith.muli %scan3A_124, %mul3A_125 : i32
        %add3A_127 = arith.constant 2 : i32
        %add3A_128 = arith.addi %add3A_127, %mul3A_126 : i32
        %add3A_129 = arith.constant 0 : i32
        %add3A_130 = arith.addi %add3A_128, %add3A_129 : i32
        %dma_wait3A_131 = arith.constant 0 : i32
        %dma_wait3A_132 = tpu.memref_slice %arg7[%add3A_130, %dma_wait3A_131] : memref<40x128xi32, #tpu.memory_space<vmem>> -> memref<1x128xi32, #tpu.memory_space<vmem>>
        %dma_wait3A_133 = tpu.memref_squeeze %dma_wait3A_132 : memref<1x128xi32, #tpu.memory_space<vmem>> -> memref<128xi32, #tpu.memory_space<vmem>>
        %dma_wait3A_134 = arith.constant 0 : i32
        %dma_wait3A_135 = arith.constant 0 : i32
        %dma_wait3A_136 = tpu.memref_slice %arg2[%dma_wait3A_134, %dma_wait3A_135] : memref<10240x128xf32, #tpu.memory_space<hbm>> -> memref<10240x128xf32, #tpu.memory_space<hbm>>
        tpu.wait_indirect_dma semaphore(%arg12 : memref<!tpu.dma_semaphore, #tpu.memory_space<semaphore_mem>>) src(%dma_wait3A_136 : memref<10240x128xf32, #tpu.memory_space<hbm>>) dst(%arg9 : memref<128x128xf32, #tpu.memory_space<vmem>>)
        "tpu.region"() ({
          %run_scoped3A_157 = tpu.sem_alloc : memref<!tpu.dma_semaphore, #tpu.memory_space<semaphore_mem>>
          %dma_start3A_158 = arith.constant 0 : i32
          %dma_start3A_159 = tpu.memref_slice %arg7[%add3A_130, %dma_start3A_158] : memref<40x128xi32, #tpu.memory_space<vmem>> -> memref<1x128xi32, #tpu.memory_space<vmem>>
          %dma_start3A_160 = tpu.memref_squeeze %dma_start3A_159 : memref<1x128xi32, #tpu.memory_space<vmem>> -> memref<128xi32, #tpu.memory_space<vmem>>
          %dma_start3A_161 = arith.constant 0 : i32
          %dma_start3A_162 = arith.constant 0 : i32
          %dma_start3A_163 = tpu.memref_slice %arg2[%dma_start3A_161, %dma_start3A_162] : memref<10240x128xf32, #tpu.memory_space<hbm>> -> memref<10240x128xf32, #tpu.memory_space<hbm>>
          tpu.enqueue_indirect_dma source(%dma_start3A_163 : memref<10240x128xf32, #tpu.memory_space<hbm>>) target(%arg9 : memref<128x128xf32, #tpu.memory_space<vmem>>) offsets(%dma_start3A_160 : memref<128xi32, #tpu.memory_space<vmem>>) semaphore(%run_scoped3A_157 : memref<!tpu.dma_semaphore, #tpu.memory_space<semaphore_mem>>)
          %dma_wait3A_164 = arith.constant 0 : i32
          %dma_wait3A_165 = tpu.memref_slice %arg7[%add3A_130, %dma_wait3A_164] : memref<40x128xi32, #tpu.memory_space<vmem>> -> memref<1x128xi32, #tpu.memory_space<vmem>>
          %dma_wait3A_166 = tpu.memref_squeeze %dma_wait3A_165 : memref<1x128xi32, #tpu.memory_space<vmem>> -> memref<128xi32, #tpu.memory_space<vmem>>
          %dma_wait3A_167 = arith.constant 0 : i32
          %dma_wait3A_168 = arith.constant 0 : i32
          %dma_wait3A_169 = tpu.memref_slice %arg2[%dma_wait3A_167, %dma_wait3A_168] : memref<10240x128xf32, #tpu.memory_space<hbm>> -> memref<10240x128xf32, #tpu.memory_space<hbm>>
          tpu.wait_indirect_dma semaphore(%run_scoped3A_157 : memref<!tpu.dma_semaphore, #tpu.memory_space<semaphore_mem>>) src(%dma_wait3A_169 : memref<10240x128xf32, #tpu.memory_space<hbm>>) dst(%arg9 : memref<128x128xf32, #tpu.memory_space<vmem>>)
          tpu.yield
        }) : () -> ()
        %dma_start3A_137 = arith.constant 0 : i32
        %dma_start3A_138 = tpu.memref_slice %arg8[%add3A_130, %dma_start3A_137] : memref<40x128xi32, #tpu.memory_space<vmem>> -> memref<1x128xi32, #tpu.memory_space<vmem>>
        %dma_start3A_139 = tpu.memref_squeeze %dma_start3A_138 : memref<1x128xi32, #tpu.memory_space<vmem>> -> memref<128xi32, #tpu.memory_space<vmem>>
        %dma_start3A_140 = arith.constant 0 : i32
        %dma_start3A_141 = arith.constant 0 : i32
        %dma_start3A_142 = tpu.memref_slice %arg11[%dma_start3A_140, %dma_start3A_141] : memref<10240x128xf32, #tpu.memory_space<vmem_shared>> -> memref<10240x128xf32, #tpu.memory_space<vmem_shared>>
        tpu.enqueue_indirect_dma source(%arg9 : memref<128x128xf32, #tpu.memory_space<vmem>>) target(%dma_start3A_142 : memref<10240x128xf32, #tpu.memory_space<vmem_shared>>) offsets(%dma_start3A_139 : memref<128xi32, #tpu.memory_space<vmem>>) semaphore(%arg12 : memref<!tpu.dma_semaphore, #tpu.memory_space<semaphore_mem>>) {add = true}
        %add3A_143 = arith.constant 1 : i32
        %add3A_144 = arith.addi %add3A_128, %add3A_143 : i32
        %dma_wait3A_145 = arith.constant 0 : i32
        %dma_wait3A_146 = tpu.memref_slice %arg7[%add3A_144, %dma_wait3A_145] : memref<40x128xi32, #tpu.memory_space<vmem>> -> memref<1x128xi32, #tpu.memory_space<vmem>>
        %dma_wait3A_147 = tpu.memref_squeeze %dma_wait3A_146 : memref<1x128xi32, #tpu.memory_space<vmem>> -> memref<128xi32, #tpu.memory_space<vmem>>
        %dma_wait3A_148 = arith.constant 0 : i32
        %dma_wait3A_149 = arith.constant 0 : i32
        %dma_wait3A_150 = tpu.memref_slice %arg2[%dma_wait3A_148, %dma_wait3A_149] : memref<10240x128xf32, #tpu.memory_space<hbm>> -> memref<10240x128xf32, #tpu.memory_space<hbm>>
        tpu.wait_indirect_dma semaphore(%arg13 : memref<!tpu.dma_semaphore, #tpu.memory_space<semaphore_mem>>) src(%dma_wait3A_150 : memref<10240x128xf32, #tpu.memory_space<hbm>>) dst(%arg10 : memref<128x128xf32, #tpu.memory_space<vmem>>)
        "tpu.region"() ({
          %run_scoped3A_157 = tpu.sem_alloc : memref<!tpu.dma_semaphore, #tpu.memory_space<semaphore_mem>>
          %dma_start3A_158 = arith.constant 0 : i32
          %dma_start3A_159 = tpu.memref_slice %arg7[%add3A_144, %dma_start3A_158] : memref<40x128xi32, #tpu.memory_space<vmem>> -> memref<1x128xi32, #tpu.memory_space<vmem>>
          %dma_start3A_160 = tpu.memref_squeeze %dma_start3A_159 : memref<1x128xi32, #tpu.memory_space<vmem>> -> memref<128xi32, #tpu.memory_space<vmem>>
          %dma_start3A_161 = arith.constant 0 : i32
          %dma_start3A_162 = arith.constant 0 : i32
          %dma_start3A_163 = tpu.memref_slice %arg2[%dma_start3A_161, %dma_start3A_162] : memref<10240x128xf32, #tpu.memory_space<hbm>> -> memref<10240x128xf32, #tpu.memory_space<hbm>>
          tpu.enqueue_indirect_dma source(%dma_start3A_163 : memref<10240x128xf32, #tpu.memory_space<hbm>>) target(%arg10 : memref<128x128xf32, #tpu.memory_space<vmem>>) offsets(%dma_start3A_160 : memref<128xi32, #tpu.memory_space<vmem>>) semaphore(%run_scoped3A_157 : memref<!tpu.dma_semaphore, #tpu.memory_space<semaphore_mem>>)
          %dma_wait3A_164 = arith.constant 0 : i32
          %dma_wait3A_165 = tpu.memref_slice %arg7[%add3A_144, %dma_wait3A_164] : memref<40x128xi32, #tpu.memory_space<vmem>> -> memref<1x128xi32, #tpu.memory_space<vmem>>
          %dma_wait3A_166 = tpu.memref_squeeze %dma_wait3A_165 : memref<1x128xi32, #tpu.memory_space<vmem>> -> memref<128xi32, #tpu.memory_space<vmem>>
          %dma_wait3A_167 = arith.constant 0 : i32
          %dma_wait3A_168 = arith.constant 0 : i32
          %dma_wait3A_169 = tpu.memref_slice %arg2[%dma_wait3A_167, %dma_wait3A_168] : memref<10240x128xf32, #tpu.memory_space<hbm>> -> memref<10240x128xf32, #tpu.memory_space<hbm>>
          tpu.wait_indirect_dma semaphore(%run_scoped3A_157 : memref<!tpu.dma_semaphore, #tpu.memory_space<semaphore_mem>>) src(%dma_wait3A_169 : memref<10240x128xf32, #tpu.memory_space<hbm>>) dst(%arg10 : memref<128x128xf32, #tpu.memory_space<vmem>>)
          tpu.yield
        }) : () -> ()
        %dma_start3A_151 = arith.constant 0 : i32
        %dma_start3A_152 = tpu.memref_slice %arg8[%add3A_144, %dma_start3A_151] : memref<40x128xi32, #tpu.memory_space<vmem>> -> memref<1x128xi32, #tpu.memory_space<vmem>>
        %dma_start3A_153 = tpu.memref_squeeze %dma_start3A_152 : memref<1x128xi32, #tpu.memory_space<vmem>> -> memref<128xi32, #tpu.memory_space<vmem>>
        %dma_start3A_154 = arith.constant 0 : i32
        %dma_start3A_155 = arith.constant 0 : i32
        %dma_start3A_156 = tpu.memref_slice %arg11[%dma_start3A_154, %dma_start3A_155] : memref<10240x128xf32, #tpu.memory_space<vmem_shared>> -> memref<10240x128xf32, #tpu.memory_space<vmem_shared>>
        tpu.enqueue_indirect_dma source(%arg10 : memref<128x128xf32, #tpu.memory_space<vmem>>) target(%dma_start3A_156 : memref<10240x128xf32, #tpu.memory_space<vmem_shared>>) offsets(%dma_start3A_153 : memref<128xi32, #tpu.memory_space<vmem>>) semaphore(%arg13 : memref<!tpu.dma_semaphore, #tpu.memory_space<semaphore_mem>>) {add = true}
      }
      %scan3A_109 = arith.constant 19 : i32
      %dma_wait3A_110 = arith.constant 0 : i32
      %dma_wait3A_111 = arith.constant 0 : i32
      %dma_wait3A_112 = tpu.memref_slice %arg7[%dma_wait3A_110, %dma_wait3A_111] : memref<40x128xi32, #tpu.memory_space<vmem>> -> memref<1x128xi32, #tpu.memory_space<vmem>>
      %dma_wait3A_113 = tpu.memref_squeeze %dma_wait3A_112 : memref<1x128xi32, #tpu.memory_space<vmem>> -> memref<128xi32, #tpu.memory_space<vmem>>
      %dma_wait3A_114 = arith.constant 0 : i32
      %dma_wait3A_115 = arith.constant 0 : i32
      %dma_wait3A_116 = tpu.memref_slice %arg2[%dma_wait3A_114, %dma_wait3A_115] : memref<10240x128xf32, #tpu.memory_space<hbm>> -> memref<10240x128xf32, #tpu.memory_space<hbm>>
      tpu.wait_indirect_dma semaphore(%arg12 : memref<!tpu.dma_semaphore, #tpu.memory_space<semaphore_mem>>) src(%dma_wait3A_116 : memref<10240x128xf32, #tpu.memory_space<hbm>>) dst(%arg9 : memref<128x128xf32, #tpu.memory_space<vmem>>)
      %dma_wait3A_117 = arith.constant 1 : i32
      %dma_wait3A_118 = arith.constant 0 : i32
      %dma_wait3A_119 = tpu.memref_slice %arg7[%dma_wait3A_117, %dma_wait3A_118] : memref<40x128xi32, #tpu.memory_space<vmem>> -> memref<1x128xi32, #tpu.memory_space<vmem>>
      %dma_wait3A_120 = tpu.memref_squeeze %dma_wait3A_119 : memref<1x128xi32, #tpu.memory_space<vmem>> -> memref<128xi32, #tpu.memory_space<vmem>>
      %dma_wait3A_121 = arith.constant 0 : i32
      %dma_wait3A_122 = arith.constant 0 : i32
      %dma_wait3A_123 = tpu.memref_slice %arg2[%dma_wait3A_121, %dma_wait3A_122] : memref<10240x128xf32, #tpu.memory_space<hbm>> -> memref<10240x128xf32, #tpu.memory_space<hbm>>
      tpu.wait_indirect_dma semaphore(%arg13 : memref<!tpu.dma_semaphore, #tpu.memory_space<semaphore_mem>>) src(%dma_wait3A_123 : memref<10240x128xf32, #tpu.memory_space<hbm>>) dst(%arg10 : memref<128x128xf32, #tpu.memory_space<vmem>>)
    } else {
    }
    %eq3A_3 = arith.constant 1 : i32
    %eq3A_4 = arith.cmpi eq, %arg0, %eq3A_3 : i32
    %convert_element_type3A_5 = arith.extui %eq3A_4 : i1 to i32
    %cond3A_6 = arith.constant 0 : i32
    %cond3A_7 = arith.cmpi ne, %convert_element_type3A_5, %cond3A_6 : i32
    scf.if %cond3A_7 {
      %mul3A_15 = arith.constant 40 : i32
      %mul3A_16 = arith.muli %arg1, %mul3A_15 : i32
      %add3A_17 = arith.constant 1920 : i32
      %add3A_18 = arith.addi %add3A_17, %mul3A_16 : i32
      %add3A_19 = arith.constant 0 : i32
      %add3A_20 = arith.addi %add3A_18, %add3A_19 : i32
      "tpu.region"() ({
        %run_scoped3A_52 = tpu.sem_alloc : memref<!tpu.dma_semaphore, #tpu.memory_space<semaphore_mem>>
        %dma_start3A_53 = arith.constant 0 : i32
        %dma_start3A_54 = tpu.memref_slice %arg3[%add3A_20, %dma_start3A_53] : memref<2560x128xi32, #tpu.memory_space<hbm>> -> memref<40x128xi32, #tpu.memory_space<hbm>>
        %dma_start3A_55 = arith.constant 0 : i32
        %dma_start3A_56 = tpu.memref_slice %arg3[%add3A_20, %dma_start3A_55] : memref<2560x128xi32, #tpu.memory_space<hbm>> -> memref<40x128xi32, #tpu.memory_space<hbm>>
        tpu.enqueue_dma source(%dma_start3A_56 : memref<40x128xi32, #tpu.memory_space<hbm>>) target(%arg7 : memref<40x128xi32, #tpu.memory_space<vmem>>) target_semaphore(%run_scoped3A_52 : memref<!tpu.dma_semaphore, #tpu.memory_space<semaphore_mem>>)
        %dma_wait3A_57 = arith.constant 0 : i32
        %dma_wait3A_58 = tpu.memref_slice %arg3[%add3A_20, %dma_wait3A_57] : memref<2560x128xi32, #tpu.memory_space<hbm>> -> memref<40x128xi32, #tpu.memory_space<hbm>>
        %dma_wait3A_59 = arith.constant 0 : i32
        %dma_wait3A_60 = tpu.memref_slice %arg3[%add3A_20, %dma_wait3A_59] : memref<2560x128xi32, #tpu.memory_space<hbm>> -> memref<40x128xi32, #tpu.memory_space<hbm>>
        tpu.wait_dma2 semaphore(%run_scoped3A_52 : memref<!tpu.dma_semaphore, #tpu.memory_space<semaphore_mem>>) src(%dma_wait3A_60 : memref<40x128xi32, #tpu.memory_space<hbm>>) dst(%arg7 : memref<40x128xi32, #tpu.memory_space<vmem>>)
        tpu.yield
      }) : () -> ()
      "tpu.region"() ({
        %run_scoped3A_52 = tpu.sem_alloc : memref<!tpu.dma_semaphore, #tpu.memory_space<semaphore_mem>>
        %dma_start3A_53 = arith.constant 0 : i32
        %dma_start3A_54 = tpu.memref_slice %arg4[%add3A_20, %dma_start3A_53] : memref<2560x128xi32, #tpu.memory_space<hbm>> -> memref<40x128xi32, #tpu.memory_space<hbm>>
        %dma_start3A_55 = arith.constant 0 : i32
        %dma_start3A_56 = tpu.memref_slice %arg4[%add3A_20, %dma_start3A_55] : memref<2560x128xi32, #tpu.memory_space<hbm>> -> memref<40x128xi32, #tpu.memory_space<hbm>>
        tpu.enqueue_dma source(%dma_start3A_56 : memref<40x128xi32, #tpu.memory_space<hbm>>) target(%arg8 : memref<40x128xi32, #tpu.memory_space<vmem>>) target_semaphore(%run_scoped3A_52 : memref<!tpu.dma_semaphore, #tpu.memory_space<semaphore_mem>>)
        %dma_wait3A_57 = arith.constant 0 : i32
        %dma_wait3A_58 = tpu.memref_slice %arg4[%add3A_20, %dma_wait3A_57] : memref<2560x128xi32, #tpu.memory_space<hbm>> -> memref<40x128xi32, #tpu.memory_space<hbm>>
        %dma_wait3A_59 = arith.constant 0 : i32
        %dma_wait3A_60 = tpu.memref_slice %arg4[%add3A_20, %dma_wait3A_59] : memref<2560x128xi32, #tpu.memory_space<hbm>> -> memref<40x128xi32, #tpu.memory_space<hbm>>
        tpu.wait_dma2 semaphore(%run_scoped3A_52 : memref<!tpu.dma_semaphore, #tpu.memory_space<semaphore_mem>>) src(%dma_wait3A_60 : memref<40x128xi32, #tpu.memory_space<hbm>>) dst(%arg8 : memref<40x128xi32, #tpu.memory_space<vmem>>)
        tpu.yield
      }) : () -> ()
      %run_scoped3A = arith.constant 0 : i32
      "tpu.region"() ({
        %run_scoped3A_52 = tpu.sem_alloc : memref<!tpu.dma_semaphore, #tpu.memory_space<semaphore_mem>>
        %dma_start3A_53 = arith.constant 0 : i32
        %dma_start3A_54 = tpu.memref_slice %arg7[%run_scoped3A, %dma_start3A_53] : memref<40x128xi32, #tpu.memory_space<vmem>> -> memref<1x128xi32, #tpu.memory_space<vmem>>
        %dma_start3A_55 = tpu.memref_squeeze %dma_start3A_54 : memref<1x128xi32, #tpu.memory_space<vmem>> -> memref<128xi32, #tpu.memory_space<vmem>>
        %dma_start3A_56 = arith.constant 0 : i32
        %dma_start3A_57 = arith.constant 0 : i32
        %dma_start3A_58 = tpu.memref_slice %arg2[%dma_start3A_56, %dma_start3A_57] : memref<10240x128xf32, #tpu.memory_space<hbm>> -> memref<10240x128xf32, #tpu.memory_space<hbm>>
        tpu.enqueue_indirect_dma source(%dma_start3A_58 : memref<10240x128xf32, #tpu.memory_space<hbm>>) target(%arg9 : memref<128x128xf32, #tpu.memory_space<vmem>>) offsets(%dma_start3A_55 : memref<128xi32, #tpu.memory_space<vmem>>) semaphore(%run_scoped3A_52 : memref<!tpu.dma_semaphore, #tpu.memory_space<semaphore_mem>>)
        %dma_wait3A_59 = arith.constant 0 : i32
        %dma_wait3A_60 = tpu.memref_slice %arg7[%run_scoped3A, %dma_wait3A_59] : memref<40x128xi32, #tpu.memory_space<vmem>> -> memref<1x128xi32, #tpu.memory_space<vmem>>
        %dma_wait3A_61 = tpu.memref_squeeze %dma_wait3A_60 : memref<1x128xi32, #tpu.memory_space<vmem>> -> memref<128xi32, #tpu.memory_space<vmem>>
        %dma_wait3A_62 = arith.constant 0 : i32
        %dma_wait3A_63 = arith.constant 0 : i32
        %dma_wait3A_64 = tpu.memref_slice %arg2[%dma_wait3A_62, %dma_wait3A_63] : memref<10240x128xf32, #tpu.memory_space<hbm>> -> memref<10240x128xf32, #tpu.memory_space<hbm>>
        tpu.wait_indirect_dma semaphore(%run_scoped3A_52 : memref<!tpu.dma_semaphore, #tpu.memory_space<semaphore_mem>>) src(%dma_wait3A_64 : memref<10240x128xf32, #tpu.memory_space<hbm>>) dst(%arg9 : memref<128x128xf32, #tpu.memory_space<vmem>>)
        tpu.yield
      }) : () -> ()
      %dma_start3A = arith.constant 0 : i32
      %dma_start3A_21 = arith.constant 0 : i32
      %dma_start3A_22 = tpu.memref_slice %arg8[%dma_start3A, %dma_start3A_21] : memref<40x128xi32, #tpu.memory_space<vmem>> -> memref<1x128xi32, #tpu.memory_space<vmem>>
      %dma_start3A_23 = tpu.memref_squeeze %dma_start3A_22 : memref<1x128xi32, #tpu.memory_space<vmem>> -> memref<128xi32, #tpu.memory_space<vmem>>
      %dma_start3A_24 = arith.constant 0 : i32
      %dma_start3A_25 = arith.constant 0 : i32
      %dma_start3A_26 = tpu.memref_slice %arg11[%dma_start3A_24, %dma_start3A_25] : memref<10240x128xf32, #tpu.memory_space<vmem_shared>> -> memref<10240x128xf32, #tpu.memory_space<vmem_shared>>
      tpu.enqueue_indirect_dma source(%arg9 : memref<128x128xf32, #tpu.memory_space<vmem>>) target(%dma_start3A_26 : memref<10240x128xf32, #tpu.memory_space<vmem_shared>>) offsets(%dma_start3A_23 : memref<128xi32, #tpu.memory_space<vmem>>) semaphore(%arg12 : memref<!tpu.dma_semaphore, #tpu.memory_space<semaphore_mem>>) {add = true}
      %run_scoped3A_27 = arith.constant 1 : i32
      "tpu.region"() ({
        %run_scoped3A_52 = tpu.sem_alloc : memref<!tpu.dma_semaphore, #tpu.memory_space<semaphore_mem>>
        %dma_start3A_53 = arith.constant 0 : i32
        %dma_start3A_54 = tpu.memref_slice %arg7[%run_scoped3A_27, %dma_start3A_53] : memref<40x128xi32, #tpu.memory_space<vmem>> -> memref<1x128xi32, #tpu.memory_space<vmem>>
        %dma_start3A_55 = tpu.memref_squeeze %dma_start3A_54 : memref<1x128xi32, #tpu.memory_space<vmem>> -> memref<128xi32, #tpu.memory_space<vmem>>
        %dma_start3A_56 = arith.constant 0 : i32
        %dma_start3A_57 = arith.constant 0 : i32
        %dma_start3A_58 = tpu.memref_slice %arg2[%dma_start3A_56, %dma_start3A_57] : memref<10240x128xf32, #tpu.memory_space<hbm>> -> memref<10240x128xf32, #tpu.memory_space<hbm>>
        tpu.enqueue_indirect_dma source(%dma_start3A_58 : memref<10240x128xf32, #tpu.memory_space<hbm>>) target(%arg10 : memref<128x128xf32, #tpu.memory_space<vmem>>) offsets(%dma_start3A_55 : memref<128xi32, #tpu.memory_space<vmem>>) semaphore(%run_scoped3A_52 : memref<!tpu.dma_semaphore, #tpu.memory_space<semaphore_mem>>)
        %dma_wait3A_59 = arith.constant 0 : i32
        %dma_wait3A_60 = tpu.memref_slice %arg7[%run_scoped3A_27, %dma_wait3A_59] : memref<40x128xi32, #tpu.memory_space<vmem>> -> memref<1x128xi32, #tpu.memory_space<vmem>>
        %dma_wait3A_61 = tpu.memref_squeeze %dma_wait3A_60 : memref<1x128xi32, #tpu.memory_space<vmem>> -> memref<128xi32, #tpu.memory_space<vmem>>
        %dma_wait3A_62 = arith.constant 0 : i32
        %dma_wait3A_63 = arith.constant 0 : i32
        %dma_wait3A_64 = tpu.memref_slice %arg2[%dma_wait3A_62, %dma_wait3A_63] : memref<10240x128xf32, #tpu.memory_space<hbm>> -> memref<10240x128xf32, #tpu.memory_space<hbm>>
        tpu.wait_indirect_dma semaphore(%run_scoped3A_52 : memref<!tpu.dma_semaphore, #tpu.memory_space<semaphore_mem>>) src(%dma_wait3A_64 : memref<10240x128xf32, #tpu.memory_space<hbm>>) dst(%arg10 : memref<128x128xf32, #tpu.memory_space<vmem>>)
        tpu.yield
      }) : () -> ()
      %dma_start3A_28 = arith.constant 1 : i32
      %dma_start3A_29 = arith.constant 0 : i32
      %dma_start3A_30 = tpu.memref_slice %arg8[%dma_start3A_28, %dma_start3A_29] : memref<40x128xi32, #tpu.memory_space<vmem>> -> memref<1x128xi32, #tpu.memory_space<vmem>>
      %dma_start3A_31 = tpu.memref_squeeze %dma_start3A_30 : memref<1x128xi32, #tpu.memory_space<vmem>> -> memref<128xi32, #tpu.memory_space<vmem>>
      %dma_start3A_32 = arith.constant 0 : i32
      %dma_start3A_33 = arith.constant 0 : i32
      %dma_start3A_34 = tpu.memref_slice %arg11[%dma_start3A_32, %dma_start3A_33] : memref<10240x128xf32, #tpu.memory_space<vmem_shared>> -> memref<10240x128xf32, #tpu.memory_space<vmem_shared>>
      tpu.enqueue_indirect_dma source(%arg10 : memref<128x128xf32, #tpu.memory_space<vmem>>) target(%dma_start3A_34 : memref<10240x128xf32, #tpu.memory_space<vmem_shared>>) offsets(%dma_start3A_31 : memref<128xi32, #tpu.memory_space<vmem>>) semaphore(%arg13 : memref<!tpu.dma_semaphore, #tpu.memory_space<semaphore_mem>>) {add = true}
      %scan3A = arith.constant 0 : i32
      %scan3A_35 = arith.constant 19 : i32
      %scan3A_36 = arith.addi %scan3A, %scan3A_35 : i32
      %scan3A_37 = arith.constant 1 : i32
      scf.for %scan3A_52 = %scan3A to %scan3A_36 step %scan3A_37  : i32 {
        %mul3A_53 = arith.constant 2 : i32
        %mul3A_54 = arith.muli %scan3A_52, %mul3A_53 : i32
        %add3A_55 = arith.constant 2 : i32
        %add3A_56 = arith.addi %add3A_55, %mul3A_54 : i32
        %add3A_57 = arith.constant 0 : i32
        %add3A_58 = arith.addi %add3A_56, %add3A_57 : i32
        %dma_wait3A_59 = arith.constant 0 : i32
        %dma_wait3A_60 = tpu.memref_slice %arg7[%add3A_58, %dma_wait3A_59] : memref<40x128xi32, #tpu.memory_space<vmem>> -> memref<1x128xi32, #tpu.memory_space<vmem>>
        %dma_wait3A_61 = tpu.memref_squeeze %dma_wait3A_60 : memref<1x128xi32, #tpu.memory_space<vmem>> -> memref<128xi32, #tpu.memory_space<vmem>>
        %dma_wait3A_62 = arith.constant 0 : i32
        %dma_wait3A_63 = arith.constant 0 : i32
        %dma_wait3A_64 = tpu.memref_slice %arg2[%dma_wait3A_62, %dma_wait3A_63] : memref<10240x128xf32, #tpu.memory_space<hbm>> -> memref<10240x128xf32, #tpu.memory_space<hbm>>
        tpu.wait_indirect_dma semaphore(%arg12 : memref<!tpu.dma_semaphore, #tpu.memory_space<semaphore_mem>>) src(%dma_wait3A_64 : memref<10240x128xf32, #tpu.memory_space<hbm>>) dst(%arg9 : memref<128x128xf32, #tpu.memory_space<vmem>>)
        "tpu.region"() ({
          %run_scoped3A_85 = tpu.sem_alloc : memref<!tpu.dma_semaphore, #tpu.memory_space<semaphore_mem>>
          %dma_start3A_86 = arith.constant 0 : i32
          %dma_start3A_87 = tpu.memref_slice %arg7[%add3A_58, %dma_start3A_86] : memref<40x128xi32, #tpu.memory_space<vmem>> -> memref<1x128xi32, #tpu.memory_space<vmem>>
          %dma_start3A_88 = tpu.memref_squeeze %dma_start3A_87 : memref<1x128xi32, #tpu.memory_space<vmem>> -> memref<128xi32, #tpu.memory_space<vmem>>
          %dma_start3A_89 = arith.constant 0 : i32
          %dma_start3A_90 = arith.constant 0 : i32
          %dma_start3A_91 = tpu.memref_slice %arg2[%dma_start3A_89, %dma_start3A_90] : memref<10240x128xf32, #tpu.memory_space<hbm>> -> memref<10240x128xf32, #tpu.memory_space<hbm>>
          tpu.enqueue_indirect_dma source(%dma_start3A_91 : memref<10240x128xf32, #tpu.memory_space<hbm>>) target(%arg9 : memref<128x128xf32, #tpu.memory_space<vmem>>) offsets(%dma_start3A_88 : memref<128xi32, #tpu.memory_space<vmem>>) semaphore(%run_scoped3A_85 : memref<!tpu.dma_semaphore, #tpu.memory_space<semaphore_mem>>)
          %dma_wait3A_92 = arith.constant 0 : i32
          %dma_wait3A_93 = tpu.memref_slice %arg7[%add3A_58, %dma_wait3A_92] : memref<40x128xi32, #tpu.memory_space<vmem>> -> memref<1x128xi32, #tpu.memory_space<vmem>>
          %dma_wait3A_94 = tpu.memref_squeeze %dma_wait3A_93 : memref<1x128xi32, #tpu.memory_space<vmem>> -> memref<128xi32, #tpu.memory_space<vmem>>
          %dma_wait3A_95 = arith.constant 0 : i32
          %dma_wait3A_96 = arith.constant 0 : i32
          %dma_wait3A_97 = tpu.memref_slice %arg2[%dma_wait3A_95, %dma_wait3A_96] : memref<10240x128xf32, #tpu.memory_space<hbm>> -> memref<10240x128xf32, #tpu.memory_space<hbm>>
          tpu.wait_indirect_dma semaphore(%run_scoped3A_85 : memref<!tpu.dma_semaphore, #tpu.memory_space<semaphore_mem>>) src(%dma_wait3A_97 : memref<10240x128xf32, #tpu.memory_space<hbm>>) dst(%arg9 : memref<128x128xf32, #tpu.memory_space<vmem>>)
          tpu.yield
        }) : () -> ()
        %dma_start3A_65 = arith.constant 0 : i32
        %dma_start3A_66 = tpu.memref_slice %arg8[%add3A_58, %dma_start3A_65] : memref<40x128xi32, #tpu.memory_space<vmem>> -> memref<1x128xi32, #tpu.memory_space<vmem>>
        %dma_start3A_67 = tpu.memref_squeeze %dma_start3A_66 : memref<1x128xi32, #tpu.memory_space<vmem>> -> memref<128xi32, #tpu.memory_space<vmem>>
        %dma_start3A_68 = arith.constant 0 : i32
        %dma_start3A_69 = arith.constant 0 : i32
        %dma_start3A_70 = tpu.memref_slice %arg11[%dma_start3A_68, %dma_start3A_69] : memref<10240x128xf32, #tpu.memory_space<vmem_shared>> -> memref<10240x128xf32, #tpu.memory_space<vmem_shared>>
        tpu.enqueue_indirect_dma source(%arg9 : memref<128x128xf32, #tpu.memory_space<vmem>>) target(%dma_start3A_70 : memref<10240x128xf32, #tpu.memory_space<vmem_shared>>) offsets(%dma_start3A_67 : memref<128xi32, #tpu.memory_space<vmem>>) semaphore(%arg12 : memref<!tpu.dma_semaphore, #tpu.memory_space<semaphore_mem>>) {add = true}
        %add3A_71 = arith.constant 1 : i32
        %add3A_72 = arith.addi %add3A_56, %add3A_71 : i32
        %dma_wait3A_73 = arith.constant 0 : i32
        %dma_wait3A_74 = tpu.memref_slice %arg7[%add3A_72, %dma_wait3A_73] : memref<40x128xi32, #tpu.memory_space<vmem>> -> memref<1x128xi32, #tpu.memory_space<vmem>>
        %dma_wait3A_75 = tpu.memref_squeeze %dma_wait3A_74 : memref<1x128xi32, #tpu.memory_space<vmem>> -> memref<128xi32, #tpu.memory_space<vmem>>
        %dma_wait3A_76 = arith.constant 0 : i32
        %dma_wait3A_77 = arith.constant 0 : i32
        %dma_wait3A_78 = tpu.memref_slice %arg2[%dma_wait3A_76, %dma_wait3A_77] : memref<10240x128xf32, #tpu.memory_space<hbm>> -> memref<10240x128xf32, #tpu.memory_space<hbm>>
        tpu.wait_indirect_dma semaphore(%arg13 : memref<!tpu.dma_semaphore, #tpu.memory_space<semaphore_mem>>) src(%dma_wait3A_78 : memref<10240x128xf32, #tpu.memory_space<hbm>>) dst(%arg10 : memref<128x128xf32, #tpu.memory_space<vmem>>)
        "tpu.region"() ({
          %run_scoped3A_85 = tpu.sem_alloc : memref<!tpu.dma_semaphore, #tpu.memory_space<semaphore_mem>>
          %dma_start3A_86 = arith.constant 0 : i32
          %dma_start3A_87 = tpu.memref_slice %arg7[%add3A_72, %dma_start3A_86] : memref<40x128xi32, #tpu.memory_space<vmem>> -> memref<1x128xi32, #tpu.memory_space<vmem>>
          %dma_start3A_88 = tpu.memref_squeeze %dma_start3A_87 : memref<1x128xi32, #tpu.memory_space<vmem>> -> memref<128xi32, #tpu.memory_space<vmem>>
          %dma_start3A_89 = arith.constant 0 : i32
          %dma_start3A_90 = arith.constant 0 : i32
          %dma_start3A_91 = tpu.memref_slice %arg2[%dma_start3A_89, %dma_start3A_90] : memref<10240x128xf32, #tpu.memory_space<hbm>> -> memref<10240x128xf32, #tpu.memory_space<hbm>>
          tpu.enqueue_indirect_dma source(%dma_start3A_91 : memref<10240x128xf32, #tpu.memory_space<hbm>>) target(%arg10 : memref<128x128xf32, #tpu.memory_space<vmem>>) offsets(%dma_start3A_88 : memref<128xi32, #tpu.memory_space<vmem>>) semaphore(%run_scoped3A_85 : memref<!tpu.dma_semaphore, #tpu.memory_space<semaphore_mem>>)
          %dma_wait3A_92 = arith.constant 0 : i32
          %dma_wait3A_93 = tpu.memref_slice %arg7[%add3A_72, %dma_wait3A_92] : memref<40x128xi32, #tpu.memory_space<vmem>> -> memref<1x128xi32, #tpu.memory_space<vmem>>
          %dma_wait3A_94 = tpu.memref_squeeze %dma_wait3A_93 : memref<1x128xi32, #tpu.memory_space<vmem>> -> memref<128xi32, #tpu.memory_space<vmem>>
          %dma_wait3A_95 = arith.constant 0 : i32
          %dma_wait3A_96 = arith.constant 0 : i32
          %dma_wait3A_97 = tpu.memref_slice %arg2[%dma_wait3A_95, %dma_wait3A_96] : memref<10240x128xf32, #tpu.memory_space<hbm>> -> memref<10240x128xf32, #tpu.memory_space<hbm>>
          tpu.wait_indirect_dma semaphore(%run_scoped3A_85 : memref<!tpu.dma_semaphore, #tpu.memory_space<semaphore_mem>>) src(%dma_wait3A_97 : memref<10240x128xf32, #tpu.memory_space<hbm>>) dst(%arg10 : memref<128x128xf32, #tpu.memory_space<vmem>>)
          tpu.yield
        }) : () -> ()
        %dma_start3A_79 = arith.constant 0 : i32
        %dma_start3A_80 = tpu.memref_slice %arg8[%add3A_72, %dma_start3A_79] : memref<40x128xi32, #tpu.memory_space<vmem>> -> memref<1x128xi32, #tpu.memory_space<vmem>>
        %dma_start3A_81 = tpu.memref_squeeze %dma_start3A_80 : memref<1x128xi32, #tpu.memory_space<vmem>> -> memref<128xi32, #tpu.memory_space<vmem>>
        %dma_start3A_82 = arith.constant 0 : i32
        %dma_start3A_83 = arith.constant 0 : i32
        %dma_start3A_84 = tpu.memref_slice %arg11[%dma_start3A_82, %dma_start3A_83] : memref<10240x128xf32, #tpu.memory_space<vmem_shared>> -> memref<10240x128xf32, #tpu.memory_space<vmem_shared>>
        tpu.enqueue_indirect_dma source(%arg10 : memref<128x128xf32, #tpu.memory_space<vmem>>) target(%dma_start3A_84 : memref<10240x128xf32, #tpu.memory_space<vmem_shared>>) offsets(%dma_start3A_81 : memref<128xi32, #tpu.memory_space<vmem>>) semaphore(%arg13 : memref<!tpu.dma_semaphore, #tpu.memory_space<semaphore_mem>>) {add = true}
      }
      %scan3A_38 = arith.constant 19 : i32
      %dma_wait3A = arith.constant 0 : i32
      %dma_wait3A_39 = arith.constant 0 : i32
      %dma_wait3A_40 = tpu.memref_slice %arg7[%dma_wait3A, %dma_wait3A_39] : memref<40x128xi32, #tpu.memory_space<vmem>> -> memref<1x128xi32, #tpu.memory_space<vmem>>
      %dma_wait3A_41 = tpu.memref_squeeze %dma_wait3A_40 : memref<1x128xi32, #tpu.memory_space<vmem>> -> memref<128xi32, #tpu.memory_space<vmem>>
      %dma_wait3A_42 = arith.constant 0 : i32
      %dma_wait3A_43 = arith.constant 0 : i32
      %dma_wait3A_44 = tpu.memref_slice %arg2[%dma_wait3A_42, %dma_wait3A_43] : memref<10240x128xf32, #tpu.memory_space<hbm>> -> memref<10240x128xf32, #tpu.memory_space<hbm>>
      tpu.wait_indirect_dma semaphore(%arg12 : memref<!tpu.dma_semaphore, #tpu.memory_space<semaphore_mem>>) src(%dma_wait3A_44 : memref<10240x128xf32, #tpu.memory_space<hbm>>) dst(%arg9 : memref<128x128xf32, #tpu.memory_space<vmem>>)
      %dma_wait3A_45 = arith.constant 1 : i32
      %dma_wait3A_46 = arith.constant 0 : i32
      %dma_wait3A_47 = tpu.memref_slice %arg7[%dma_wait3A_45, %dma_wait3A_46] : memref<40x128xi32, #tpu.memory_space<vmem>> -> memref<1x128xi32, #tpu.memory_space<vmem>>
      %dma_wait3A_48 = tpu.memref_squeeze %dma_wait3A_47 : memref<1x128xi32, #tpu.memory_space<vmem>> -> memref<128xi32, #tpu.memory_space<vmem>>
      %dma_wait3A_49 = arith.constant 0 : i32
      %dma_wait3A_50 = arith.constant 0 : i32
      %dma_wait3A_51 = tpu.memref_slice %arg2[%dma_wait3A_49, %dma_wait3A_50] : memref<10240x128xf32, #tpu.memory_space<hbm>> -> memref<10240x128xf32, #tpu.memory_space<hbm>>
      tpu.wait_indirect_dma semaphore(%arg13 : memref<!tpu.dma_semaphore, #tpu.memory_space<semaphore_mem>>) src(%dma_wait3A_51 : memref<10240x128xf32, #tpu.memory_space<hbm>>) dst(%arg10 : memref<128x128xf32, #tpu.memory_space<vmem>>)
    } else {
    }
    %barrier3A_8 = arith.constant 0 : index
    tpu.barrier barrier_id(%barrier3A_8)
    %mul3A_9 = arith.constant 640 : i32
    %mul3A_10 = arith.muli %arg1, %mul3A_9 : i32
    %mul3A_11 = arith.constant 10240 : i32
    %mul3A_12 = arith.muli %arg0, %mul3A_11 : i32
    %mul3A_13 = arith.constant 640 : i32
    %mul3A_14 = arith.muli %arg1, %mul3A_13 : i32
    %add3A = arith.addi %mul3A_12, %mul3A_14 : i32
    "tpu.region"() ({
      %run_scoped3A = tpu.sem_alloc : memref<!tpu.dma_semaphore, #tpu.memory_space<semaphore_mem>>
      %dma_start3A = arith.constant 0 : i32
      %dma_start3A_15 = tpu.memref_slice %arg6[%add3A, %dma_start3A] : memref<20480x128xf32, #tpu.memory_space<hbm>> -> memref<640x128xf32, #tpu.memory_space<hbm>>
      %dma_start3A_16 = arith.constant 0 : i32
      %dma_start3A_17 = tpu.memref_slice %arg11[%mul3A_10, %dma_start3A_16] : memref<10240x128xf32, #tpu.memory_space<vmem_shared>> -> memref<640x128xf32, #tpu.memory_space<vmem_shared>>
      tpu.enqueue_dma source(%dma_start3A_17 : memref<640x128xf32, #tpu.memory_space<vmem_shared>>) target(%dma_start3A_15 : memref<640x128xf32, #tpu.memory_space<hbm>>) target_semaphore(%run_scoped3A : memref<!tpu.dma_semaphore, #tpu.memory_space<semaphore_mem>>)
      %dma_wait3A = arith.constant 0 : i32
      %dma_wait3A_18 = tpu.memref_slice %arg6[%add3A, %dma_wait3A] : memref<20480x128xf32, #tpu.memory_space<hbm>> -> memref<640x128xf32, #tpu.memory_space<hbm>>
      %dma_wait3A_19 = arith.constant 0 : i32
      %dma_wait3A_20 = tpu.memref_slice %arg11[%mul3A_10, %dma_wait3A_19] : memref<10240x128xf32, #tpu.memory_space<vmem_shared>> -> memref<640x128xf32, #tpu.memory_space<vmem_shared>>
      tpu.wait_dma2 semaphore(%run_scoped3A : memref<!tpu.dma_semaphore, #tpu.memory_space<semaphore_mem>>) src(%dma_wait3A_20 : memref<640x128xf32, #tpu.memory_space<vmem_shared>>) dst(%dma_wait3A_18 : memref<640x128xf32, #tpu.memory_space<hbm>>)
      tpu.yield
    }) : () -> ()
    return
  }
}

#map = affine_map<(d0, d1) -> (0, 0)>
module attributes {stable_mosaic.version = 14 : i64} {
  func.func @_deg(%arg0: i32, %arg1: i32, %arg2: memref<2560x128xi32, #tpu.memory_space<hbm>>, %arg3: memref<128x128xf32, #tpu.memory_space<hbm>>, %arg4: memref<640x128xf32, #tpu.memory_space<hbm>>, %arg5: memref<20480x128xf32, #tpu.memory_space<hbm>>, %arg6: memref<80x128xi32, #tpu.memory_space<vmem>>, %arg7: memref<128x128xf32, #tpu.memory_space<vmem>>, %arg8: memref<10240x128xf32, #tpu.memory_space<vmem_shared>>) attributes {dimension_semantics = [#tpu.dimension_semantics<core_parallel>, #tpu.dimension_semantics<subcore_parallel>], iteration_bounds = array<i64: 2, 16>, scalar_prefetch = 0 : i64, scratch_operands = 3 : i64, tpu.core_type = #tpu.core_type<sc_vector_subcore>, window_params = [{transform_indices = #map}, {transform_indices = #map}, {transform_indices = #map}, {transform_indices = #map}]} {
    %mul3A = arith.constant 2 : i32
    %mul3A_0 = arith.muli %arg1, %mul3A : i32
    %add3A = arith.addi %mul3A_0, %arg0 : i32
    %mul3A_1 = arith.constant 640 : i32
    %mul3A_2 = arith.muli %arg1, %mul3A_1 : i32
    "tpu.region"() ({
      %run_scoped3A = tpu.sem_alloc : memref<!tpu.dma_semaphore, #tpu.memory_space<semaphore_mem>>
      %dma_start3A = arith.constant 0 : i32
      %dma_start3A_17 = tpu.memref_slice %arg8[%mul3A_2, %dma_start3A] : memref<10240x128xf32, #tpu.memory_space<vmem_shared>> -> memref<640x128xf32, #tpu.memory_space<vmem_shared>>
      tpu.enqueue_dma source(%arg4 : memref<640x128xf32, #tpu.memory_space<hbm>>) target(%dma_start3A_17 : memref<640x128xf32, #tpu.memory_space<vmem_shared>>) target_semaphore(%run_scoped3A : memref<!tpu.dma_semaphore, #tpu.memory_space<semaphore_mem>>)
      %dma_wait3A = arith.constant 0 : i32
      %dma_wait3A_18 = tpu.memref_slice %arg8[%mul3A_2, %dma_wait3A] : memref<10240x128xf32, #tpu.memory_space<vmem_shared>> -> memref<640x128xf32, #tpu.memory_space<vmem_shared>>
      tpu.wait_dma2 semaphore(%run_scoped3A : memref<!tpu.dma_semaphore, #tpu.memory_space<semaphore_mem>>) src(%arg4 : memref<640x128xf32, #tpu.memory_space<hbm>>) dst(%dma_wait3A_18 : memref<640x128xf32, #tpu.memory_space<vmem_shared>>)
      tpu.yield
    }) : () -> ()
    "tpu.region"() ({
      %run_scoped3A = tpu.sem_alloc : memref<!tpu.dma_semaphore, #tpu.memory_space<semaphore_mem>>
      tpu.enqueue_dma source(%arg3 : memref<128x128xf32, #tpu.memory_space<hbm>>) target(%arg7 : memref<128x128xf32, #tpu.memory_space<vmem>>) target_semaphore(%run_scoped3A : memref<!tpu.dma_semaphore, #tpu.memory_space<semaphore_mem>>)
      tpu.wait_dma2 semaphore(%run_scoped3A : memref<!tpu.dma_semaphore, #tpu.memory_space<semaphore_mem>>) src(%arg3 : memref<128x128xf32, #tpu.memory_space<hbm>>) dst(%arg7 : memref<128x128xf32, #tpu.memory_space<vmem>>)
      tpu.yield
    }) : () -> ()
    %mul3A_3 = arith.constant 80 : i32
    %mul3A_4 = arith.muli %add3A, %mul3A_3 : i32
    "tpu.region"() ({
      %run_scoped3A = tpu.sem_alloc : memref<!tpu.dma_semaphore, #tpu.memory_space<semaphore_mem>>
      %dma_start3A = arith.constant 0 : i32
      %dma_start3A_17 = tpu.memref_slice %arg2[%mul3A_4, %dma_start3A] : memref<2560x128xi32, #tpu.memory_space<hbm>> -> memref<80x128xi32, #tpu.memory_space<hbm>>
      %dma_start3A_18 = arith.constant 0 : i32
      %dma_start3A_19 = tpu.memref_slice %arg2[%mul3A_4, %dma_start3A_18] : memref<2560x128xi32, #tpu.memory_space<hbm>> -> memref<80x128xi32, #tpu.memory_space<hbm>>
      tpu.enqueue_dma source(%dma_start3A_19 : memref<80x128xi32, #tpu.memory_space<hbm>>) target(%arg6 : memref<80x128xi32, #tpu.memory_space<vmem>>) target_semaphore(%run_scoped3A : memref<!tpu.dma_semaphore, #tpu.memory_space<semaphore_mem>>)
      %dma_wait3A = arith.constant 0 : i32
      %dma_wait3A_20 = tpu.memref_slice %arg2[%mul3A_4, %dma_wait3A] : memref<2560x128xi32, #tpu.memory_space<hbm>> -> memref<80x128xi32, #tpu.memory_space<hbm>>
      %dma_wait3A_21 = arith.constant 0 : i32
      %dma_wait3A_22 = tpu.memref_slice %arg2[%mul3A_4, %dma_wait3A_21] : memref<2560x128xi32, #tpu.memory_space<hbm>> -> memref<80x128xi32, #tpu.memory_space<hbm>>
      tpu.wait_dma2 semaphore(%run_scoped3A : memref<!tpu.dma_semaphore, #tpu.memory_space<semaphore_mem>>) src(%dma_wait3A_22 : memref<80x128xi32, #tpu.memory_space<hbm>>) dst(%arg6 : memref<80x128xi32, #tpu.memory_space<vmem>>)
      tpu.yield
    }) : () -> ()
    %barrier3A = arith.constant 0 : index
    tpu.barrier barrier_id(%barrier3A)
    %scan3A = arith.constant 0 : i32
    %scan3A_5 = arith.constant 80 : i32
    %scan3A_6 = arith.addi %scan3A, %scan3A_5 : i32
    %scan3A_7 = arith.constant 1 : i32
    scf.for %scan3A_17 = %scan3A to %scan3A_6 step %scan3A_7  : i32 {
      %mul3A_18 = arith.constant 1 : i32
      %mul3A_19 = arith.muli %scan3A_17, %mul3A_18 : i32
      %add3A_20 = arith.constant 0 : i32
      %add3A_21 = arith.addi %add3A_20, %mul3A_19 : i32
      "tpu.region"() ({
        %run_scoped3A = tpu.sem_alloc : memref<!tpu.dma_semaphore, #tpu.memory_space<semaphore_mem>>
        %dma_start3A = arith.constant 0 : i32
        %dma_start3A_22 = tpu.memref_slice %arg6[%add3A_21, %dma_start3A] : memref<80x128xi32, #tpu.memory_space<vmem>> -> memref<1x128xi32, #tpu.memory_space<vmem>>
        %dma_start3A_23 = tpu.memref_squeeze %dma_start3A_22 : memref<1x128xi32, #tpu.memory_space<vmem>> -> memref<128xi32, #tpu.memory_space<vmem>>
        %dma_start3A_24 = arith.constant 0 : i32
        %dma_start3A_25 = arith.constant 0 : i32
        %dma_start3A_26 = tpu.memref_slice %arg8[%dma_start3A_24, %dma_start3A_25] : memref<10240x128xf32, #tpu.memory_space<vmem_shared>> -> memref<10240x128xf32, #tpu.memory_space<vmem_shared>>
        tpu.enqueue_indirect_dma source(%arg7 : memref<128x128xf32, #tpu.memory_space<vmem>>) target(%dma_start3A_26 : memref<10240x128xf32, #tpu.memory_space<vmem_shared>>) offsets(%dma_start3A_23 : memref<128xi32, #tpu.memory_space<vmem>>) semaphore(%run_scoped3A : memref<!tpu.dma_semaphore, #tpu.memory_space<semaphore_mem>>) {add = true}
        %dma_wait3A = arith.constant 0 : i32
        %dma_wait3A_27 = tpu.memref_slice %arg6[%add3A_21, %dma_wait3A] : memref<80x128xi32, #tpu.memory_space<vmem>> -> memref<1x128xi32, #tpu.memory_space<vmem>>
        %dma_wait3A_28 = tpu.memref_squeeze %dma_wait3A_27 : memref<1x128xi32, #tpu.memory_space<vmem>> -> memref<128xi32, #tpu.memory_space<vmem>>
        %dma_wait3A_29 = arith.constant 0 : i32
        %dma_wait3A_30 = arith.constant 0 : i32
        %dma_wait3A_31 = tpu.memref_slice %arg8[%dma_wait3A_29, %dma_wait3A_30] : memref<10240x128xf32, #tpu.memory_space<vmem_shared>> -> memref<10240x128xf32, #tpu.memory_space<vmem_shared>>
        tpu.wait_indirect_dma semaphore(%run_scoped3A : memref<!tpu.dma_semaphore, #tpu.memory_space<semaphore_mem>>) src(%arg7 : memref<128x128xf32, #tpu.memory_space<vmem>>) dst(%dma_wait3A_31 : memref<10240x128xf32, #tpu.memory_space<vmem_shared>>)
        tpu.yield
      }) : () -> ()
    }
    %scan3A_8 = arith.constant 80 : i32
    %barrier3A_9 = arith.constant 0 : index
    tpu.barrier barrier_id(%barrier3A_9)
    %mul3A_10 = arith.constant 640 : i32
    %mul3A_11 = arith.muli %arg1, %mul3A_10 : i32
    %mul3A_12 = arith.constant 10240 : i32
    %mul3A_13 = arith.muli %arg0, %mul3A_12 : i32
    %mul3A_14 = arith.constant 640 : i32
    %mul3A_15 = arith.muli %arg1, %mul3A_14 : i32
    %add3A_16 = arith.addi %mul3A_13, %mul3A_15 : i32
    "tpu.region"() ({
      %run_scoped3A = tpu.sem_alloc : memref<!tpu.dma_semaphore, #tpu.memory_space<semaphore_mem>>
      %dma_start3A = arith.constant 0 : i32
      %dma_start3A_17 = tpu.memref_slice %arg5[%add3A_16, %dma_start3A] : memref<20480x128xf32, #tpu.memory_space<hbm>> -> memref<640x128xf32, #tpu.memory_space<hbm>>
      %dma_start3A_18 = arith.constant 0 : i32
      %dma_start3A_19 = tpu.memref_slice %arg8[%mul3A_11, %dma_start3A_18] : memref<10240x128xf32, #tpu.memory_space<vmem_shared>> -> memref<640x128xf32, #tpu.memory_space<vmem_shared>>
      tpu.enqueue_dma source(%dma_start3A_19 : memref<640x128xf32, #tpu.memory_space<vmem_shared>>) target(%dma_start3A_17 : memref<640x128xf32, #tpu.memory_space<hbm>>) target_semaphore(%run_scoped3A : memref<!tpu.dma_semaphore, #tpu.memory_space<semaphore_mem>>)
      %dma_wait3A = arith.constant 0 : i32
      %dma_wait3A_20 = tpu.memref_slice %arg5[%add3A_16, %dma_wait3A] : memref<20480x128xf32, #tpu.memory_space<hbm>> -> memref<640x128xf32, #tpu.memory_space<hbm>>
      %dma_wait3A_21 = arith.constant 0 : i32
      %dma_wait3A_22 = tpu.memref_slice %arg8[%mul3A_11, %dma_wait3A_21] : memref<10240x128xf32, #tpu.memory_space<vmem_shared>> -> memref<640x128xf32, #tpu.memory_space<vmem_shared>>
      tpu.wait_dma2 semaphore(%run_scoped3A : memref<!tpu.dma_semaphore, #tpu.memory_space<semaphore_mem>>) src(%dma_wait3A_22 : memref<640x128xf32, #tpu.memory_space<vmem_shared>>) dst(%dma_wait3A_20 : memref<640x128xf32, #tpu.memory_space<hbm>>)
      tpu.yield
    }) : () -> ()
    return
  }
}

#map = affine_map<(d0, d1) -> (0, 0)>
module attributes {stable_mosaic.version = 14 : i64} {
  func.func @seg(%arg0: i32, %arg1: i32, %arg2: memref<10240x128xf32, #tpu.memory_space<hbm>>, %arg3: memref<2560x128xi32, #tpu.memory_space<hbm>>, %arg4: memref<2560x128xi32, #tpu.memory_space<hbm>>, %arg5: memref<640x128xf32, #tpu.memory_space<hbm>>, %arg6: memref<20480x128xf32, #tpu.memory_space<hbm>>, %arg7: memref<40x128xi32, #tpu.memory_space<vmem>>, %arg8: memref<40x128xi32, #tpu.memory_space<vmem>>, %arg9: memref<128x128xf32, #tpu.memory_space<vmem>>, %arg10: memref<128x128xf32, #tpu.memory_space<vmem>>, %arg11: memref<10240x128xf32, #tpu.memory_space<vmem_shared>>, %arg12: memref<!tpu.dma_semaphore, #tpu.memory_space<semaphore_mem>>, %arg13: memref<!tpu.dma_semaphore, #tpu.memory_space<semaphore_mem>>) attributes {dimension_semantics = [#tpu.dimension_semantics<core_parallel>, #tpu.dimension_semantics<subcore_parallel>], iteration_bounds = array<i64: 2, 16>, scalar_prefetch = 0 : i64, scratch_operands = 7 : i64, tpu.core_type = #tpu.core_type<sc_vector_subcore>, window_params = [{transform_indices = #map}, {transform_indices = #map}, {transform_indices = #map}, {transform_indices = #map}, {transform_indices = #map}]} {
    %mul3A = arith.constant 640 : i32
    %mul3A_0 = arith.muli %arg1, %mul3A : i32
    "tpu.region"() ({
      %run_scoped3A = tpu.sem_alloc : memref<!tpu.dma_semaphore, #tpu.memory_space<semaphore_mem>>
      %dma_start3A = arith.constant 0 : i32
      %dma_start3A_15 = tpu.memref_slice %arg11[%mul3A_0, %dma_start3A] : memref<10240x128xf32, #tpu.memory_space<vmem_shared>> -> memref<640x128xf32, #tpu.memory_space<vmem_shared>>
      tpu.enqueue_dma source(%arg5 : memref<640x128xf32, #tpu.memory_space<hbm>>) target(%dma_start3A_15 : memref<640x128xf32, #tpu.memory_space<vmem_shared>>) target_semaphore(%run_scoped3A : memref<!tpu.dma_semaphore, #tpu.memory_space<semaphore_mem>>)
      %dma_wait3A = arith.constant 0 : i32
      %dma_wait3A_16 = tpu.memref_slice %arg11[%mul3A_0, %dma_wait3A] : memref<10240x128xf32, #tpu.memory_space<vmem_shared>> -> memref<640x128xf32, #tpu.memory_space<vmem_shared>>
      tpu.wait_dma2 semaphore(%run_scoped3A : memref<!tpu.dma_semaphore, #tpu.memory_space<semaphore_mem>>) src(%arg5 : memref<640x128xf32, #tpu.memory_space<hbm>>) dst(%dma_wait3A_16 : memref<640x128xf32, #tpu.memory_space<vmem_shared>>)
      tpu.yield
    }) : () -> ()
    %barrier3A = arith.constant 0 : index
    tpu.barrier barrier_id(%barrier3A)
    %eq3A = arith.constant 0 : i32
    %eq3A_1 = arith.cmpi eq, %arg0, %eq3A : i32
    %convert_element_type3A = arith.extui %eq3A_1 : i1 to i32
    %cond3A = arith.constant 0 : i32
    %cond3A_2 = arith.cmpi ne, %convert_element_type3A, %cond3A : i32
    scf.if %cond3A_2 {
      %mul3A_15 = arith.constant 120 : i32
      %mul3A_16 = arith.muli %arg1, %mul3A_15 : i32
      %add3A_17 = arith.constant 0 : i32
      %add3A_18 = arith.addi %mul3A_16, %add3A_17 : i32
      "tpu.region"() ({
        %run_scoped3A_124 = tpu.sem_alloc : memref<!tpu.dma_semaphore, #tpu.memory_space<semaphore_mem>>
        %dma_start3A_125 = arith.constant 0 : i32
        %dma_start3A_126 = tpu.memref_slice %arg3[%add3A_18, %dma_start3A_125] : memref<2560x128xi32, #tpu.memory_space<hbm>> -> memref<40x128xi32, #tpu.memory_space<hbm>>
        %dma_start3A_127 = arith.constant 0 : i32
        %dma_start3A_128 = tpu.memref_slice %arg3[%add3A_18, %dma_start3A_127] : memref<2560x128xi32, #tpu.memory_space<hbm>> -> memref<40x128xi32, #tpu.memory_space<hbm>>
        tpu.enqueue_dma source(%dma_start3A_128 : memref<40x128xi32, #tpu.memory_space<hbm>>) target(%arg7 : memref<40x128xi32, #tpu.memory_space<vmem>>) target_semaphore(%run_scoped3A_124 : memref<!tpu.dma_semaphore, #tpu.memory_space<semaphore_mem>>)
        %dma_wait3A_129 = arith.constant 0 : i32
        %dma_wait3A_130 = tpu.memref_slice %arg3[%add3A_18, %dma_wait3A_129] : memref<2560x128xi32, #tpu.memory_space<hbm>> -> memref<40x128xi32, #tpu.memory_space<hbm>>
        %dma_wait3A_131 = arith.constant 0 : i32
        %dma_wait3A_132 = tpu.memref_slice %arg3[%add3A_18, %dma_wait3A_131] : memref<2560x128xi32, #tpu.memory_space<hbm>> -> memref<40x128xi32, #tpu.memory_space<hbm>>
        tpu.wait_dma2 semaphore(%run_scoped3A_124 : memref<!tpu.dma_semaphore, #tpu.memory_space<semaphore_mem>>) src(%dma_wait3A_132 : memref<40x128xi32, #tpu.memory_space<hbm>>) dst(%arg7 : memref<40x128xi32, #tpu.memory_space<vmem>>)
        tpu.yield
      }) : () -> ()
      "tpu.region"() ({
        %run_scoped3A_124 = tpu.sem_alloc : memref<!tpu.dma_semaphore, #tpu.memory_space<semaphore_mem>>
        %dma_start3A_125 = arith.constant 0 : i32
        %dma_start3A_126 = tpu.memref_slice %arg4[%add3A_18, %dma_start3A_125] : memref<2560x128xi32, #tpu.memory_space<hbm>> -> memref<40x128xi32, #tpu.memory_space<hbm>>
        %dma_start3A_127 = arith.constant 0 : i32
        %dma_start3A_128 = tpu.memref_slice %arg4[%add3A_18, %dma_start3A_127] : memref<2560x128xi32, #tpu.memory_space<hbm>> -> memref<40x128xi32, #tpu.memory_space<hbm>>
        tpu.enqueue_dma source(%dma_start3A_128 : memref<40x128xi32, #tpu.memory_space<hbm>>) target(%arg8 : memref<40x128xi32, #tpu.memory_space<vmem>>) target_semaphore(%run_scoped3A_124 : memref<!tpu.dma_semaphore, #tpu.memory_space<semaphore_mem>>)
        %dma_wait3A_129 = arith.constant 0 : i32
        %dma_wait3A_130 = tpu.memref_slice %arg4[%add3A_18, %dma_wait3A_129] : memref<2560x128xi32, #tpu.memory_space<hbm>> -> memref<40x128xi32, #tpu.memory_space<hbm>>
        %dma_wait3A_131 = arith.constant 0 : i32
        %dma_wait3A_132 = tpu.memref_slice %arg4[%add3A_18, %dma_wait3A_131] : memref<2560x128xi32, #tpu.memory_space<hbm>> -> memref<40x128xi32, #tpu.memory_space<hbm>>
        tpu.wait_dma2 semaphore(%run_scoped3A_124 : memref<!tpu.dma_semaphore, #tpu.memory_space<semaphore_mem>>) src(%dma_wait3A_132 : memref<40x128xi32, #tpu.memory_space<hbm>>) dst(%arg8 : memref<40x128xi32, #tpu.memory_space<vmem>>)
        tpu.yield
      }) : () -> ()
      %run_scoped3A = arith.constant 0 : i32
      "tpu.region"() ({
        %run_scoped3A_124 = tpu.sem_alloc : memref<!tpu.dma_semaphore, #tpu.memory_space<semaphore_mem>>
        %dma_start3A_125 = arith.constant 0 : i32
        %dma_start3A_126 = tpu.memref_slice %arg7[%run_scoped3A, %dma_start3A_125] : memref<40x128xi32, #tpu.memory_space<vmem>> -> memref<1x128xi32, #tpu.memory_space<vmem>>
        %dma_start3A_127 = tpu.memref_squeeze %dma_start3A_126 : memref<1x128xi32, #tpu.memory_space<vmem>> -> memref<128xi32, #tpu.memory_space<vmem>>
        %dma_start3A_128 = arith.constant 0 : i32
        %dma_start3A_129 = arith.constant 0 : i32
        %dma_start3A_130 = tpu.memref_slice %arg2[%dma_start3A_128, %dma_start3A_129] : memref<10240x128xf32, #tpu.memory_space<hbm>> -> memref<10240x128xf32, #tpu.memory_space<hbm>>
        tpu.enqueue_indirect_dma source(%dma_start3A_130 : memref<10240x128xf32, #tpu.memory_space<hbm>>) target(%arg9 : memref<128x128xf32, #tpu.memory_space<vmem>>) offsets(%dma_start3A_127 : memref<128xi32, #tpu.memory_space<vmem>>) semaphore(%run_scoped3A_124 : memref<!tpu.dma_semaphore, #tpu.memory_space<semaphore_mem>>)
        %dma_wait3A_131 = arith.constant 0 : i32
        %dma_wait3A_132 = tpu.memref_slice %arg7[%run_scoped3A, %dma_wait3A_131] : memref<40x128xi32, #tpu.memory_space<vmem>> -> memref<1x128xi32, #tpu.memory_space<vmem>>
        %dma_wait3A_133 = tpu.memref_squeeze %dma_wait3A_132 : memref<1x128xi32, #tpu.memory_space<vmem>> -> memref<128xi32, #tpu.memory_space<vmem>>
        %dma_wait3A_134 = arith.constant 0 : i32
        %dma_wait3A_135 = arith.constant 0 : i32
        %dma_wait3A_136 = tpu.memref_slice %arg2[%dma_wait3A_134, %dma_wait3A_135] : memref<10240x128xf32, #tpu.memory_space<hbm>> -> memref<10240x128xf32, #tpu.memory_space<hbm>>
        tpu.wait_indirect_dma semaphore(%run_scoped3A_124 : memref<!tpu.dma_semaphore, #tpu.memory_space<semaphore_mem>>) src(%dma_wait3A_136 : memref<10240x128xf32, #tpu.memory_space<hbm>>) dst(%arg9 : memref<128x128xf32, #tpu.memory_space<vmem>>)
        tpu.yield
      }) : () -> ()
      %dma_start3A = arith.constant 0 : i32
      %dma_start3A_19 = arith.constant 0 : i32
      %dma_start3A_20 = tpu.memref_slice %arg8[%dma_start3A, %dma_start3A_19] : memref<40x128xi32, #tpu.memory_space<vmem>> -> memref<1x128xi32, #tpu.memory_space<vmem>>
      %dma_start3A_21 = tpu.memref_squeeze %dma_start3A_20 : memref<1x128xi32, #tpu.memory_space<vmem>> -> memref<128xi32, #tpu.memory_space<vmem>>
      %dma_start3A_22 = arith.constant 0 : i32
      %dma_start3A_23 = arith.constant 0 : i32
      %dma_start3A_24 = tpu.memref_slice %arg11[%dma_start3A_22, %dma_start3A_23] : memref<10240x128xf32, #tpu.memory_space<vmem_shared>> -> memref<10240x128xf32, #tpu.memory_space<vmem_shared>>
      tpu.enqueue_indirect_dma source(%arg9 : memref<128x128xf32, #tpu.memory_space<vmem>>) target(%dma_start3A_24 : memref<10240x128xf32, #tpu.memory_space<vmem_shared>>) offsets(%dma_start3A_21 : memref<128xi32, #tpu.memory_space<vmem>>) semaphore(%arg12 : memref<!tpu.dma_semaphore, #tpu.memory_space<semaphore_mem>>) {add = true}
      %run_scoped3A_25 = arith.constant 1 : i32
      "tpu.region"() ({
        %run_scoped3A_124 = tpu.sem_alloc : memref<!tpu.dma_semaphore, #tpu.memory_space<semaphore_mem>>
        %dma_start3A_125 = arith.constant 0 : i32
        %dma_start3A_126 = tpu.memref_slice %arg7[%run_scoped3A_25, %dma_start3A_125] : memref<40x128xi32, #tpu.memory_space<vmem>> -> memref<1x128xi32, #tpu.memory_space<vmem>>
        %dma_start3A_127 = tpu.memref_squeeze %dma_start3A_126 : memref<1x128xi32, #tpu.memory_space<vmem>> -> memref<128xi32, #tpu.memory_space<vmem>>
        %dma_start3A_128 = arith.constant 0 : i32
        %dma_start3A_129 = arith.constant 0 : i32
        %dma_start3A_130 = tpu.memref_slice %arg2[%dma_start3A_128, %dma_start3A_129] : memref<10240x128xf32, #tpu.memory_space<hbm>> -> memref<10240x128xf32, #tpu.memory_space<hbm>>
        tpu.enqueue_indirect_dma source(%dma_start3A_130 : memref<10240x128xf32, #tpu.memory_space<hbm>>) target(%arg10 : memref<128x128xf32, #tpu.memory_space<vmem>>) offsets(%dma_start3A_127 : memref<128xi32, #tpu.memory_space<vmem>>) semaphore(%run_scoped3A_124 : memref<!tpu.dma_semaphore, #tpu.memory_space<semaphore_mem>>)
        %dma_wait3A_131 = arith.constant 0 : i32
        %dma_wait3A_132 = tpu.memref_slice %arg7[%run_scoped3A_25, %dma_wait3A_131] : memref<40x128xi32, #tpu.memory_space<vmem>> -> memref<1x128xi32, #tpu.memory_space<vmem>>
        %dma_wait3A_133 = tpu.memref_squeeze %dma_wait3A_132 : memref<1x128xi32, #tpu.memory_space<vmem>> -> memref<128xi32, #tpu.memory_space<vmem>>
        %dma_wait3A_134 = arith.constant 0 : i32
        %dma_wait3A_135 = arith.constant 0 : i32
        %dma_wait3A_136 = tpu.memref_slice %arg2[%dma_wait3A_134, %dma_wait3A_135] : memref<10240x128xf32, #tpu.memory_space<hbm>> -> memref<10240x128xf32, #tpu.memory_space<hbm>>
        tpu.wait_indirect_dma semaphore(%run_scoped3A_124 : memref<!tpu.dma_semaphore, #tpu.memory_space<semaphore_mem>>) src(%dma_wait3A_136 : memref<10240x128xf32, #tpu.memory_space<hbm>>) dst(%arg10 : memref<128x128xf32, #tpu.memory_space<vmem>>)
        tpu.yield
      }) : () -> ()
      %dma_start3A_26 = arith.constant 1 : i32
      %dma_start3A_27 = arith.constant 0 : i32
      %dma_start3A_28 = tpu.memref_slice %arg8[%dma_start3A_26, %dma_start3A_27] : memref<40x128xi32, #tpu.memory_space<vmem>> -> memref<1x128xi32, #tpu.memory_space<vmem>>
      %dma_start3A_29 = tpu.memref_squeeze %dma_start3A_28 : memref<1x128xi32, #tpu.memory_space<vmem>> -> memref<128xi32, #tpu.memory_space<vmem>>
      %dma_start3A_30 = arith.constant 0 : i32
      %dma_start3A_31 = arith.constant 0 : i32
      %dma_start3A_32 = tpu.memref_slice %arg11[%dma_start3A_30, %dma_start3A_31] : memref<10240x128xf32, #tpu.memory_space<vmem_shared>> -> memref<10240x128xf32, #tpu.memory_space<vmem_shared>>
      tpu.enqueue_indirect_dma source(%arg10 : memref<128x128xf32, #tpu.memory_space<vmem>>) target(%dma_start3A_32 : memref<10240x128xf32, #tpu.memory_space<vmem_shared>>) offsets(%dma_start3A_29 : memref<128xi32, #tpu.memory_space<vmem>>) semaphore(%arg13 : memref<!tpu.dma_semaphore, #tpu.memory_space<semaphore_mem>>) {add = true}
      %scan3A = arith.constant 0 : i32
      %scan3A_33 = arith.constant 19 : i32
      %scan3A_34 = arith.addi %scan3A, %scan3A_33 : i32
      %scan3A_35 = arith.constant 1 : i32
      scf.for %scan3A_124 = %scan3A to %scan3A_34 step %scan3A_35  : i32 {
        %mul3A_125 = arith.constant 2 : i32
        %mul3A_126 = arith.muli %scan3A_124, %mul3A_125 : i32
        %add3A_127 = arith.constant 2 : i32
        %add3A_128 = arith.addi %add3A_127, %mul3A_126 : i32
        %add3A_129 = arith.constant 0 : i32
        %add3A_130 = arith.addi %add3A_128, %add3A_129 : i32
        %dma_wait3A_131 = arith.constant 0 : i32
        %dma_wait3A_132 = tpu.memref_slice %arg7[%add3A_130, %dma_wait3A_131] : memref<40x128xi32, #tpu.memory_space<vmem>> -> memref<1x128xi32, #tpu.memory_space<vmem>>
        %dma_wait3A_133 = tpu.memref_squeeze %dma_wait3A_132 : memref<1x128xi32, #tpu.memory_space<vmem>> -> memref<128xi32, #tpu.memory_space<vmem>>
        %dma_wait3A_134 = arith.constant 0 : i32
        %dma_wait3A_135 = arith.constant 0 : i32
        %dma_wait3A_136 = tpu.memref_slice %arg2[%dma_wait3A_134, %dma_wait3A_135] : memref<10240x128xf32, #tpu.memory_space<hbm>> -> memref<10240x128xf32, #tpu.memory_space<hbm>>
        tpu.wait_indirect_dma semaphore(%arg12 : memref<!tpu.dma_semaphore, #tpu.memory_space<semaphore_mem>>) src(%dma_wait3A_136 : memref<10240x128xf32, #tpu.memory_space<hbm>>) dst(%arg9 : memref<128x128xf32, #tpu.memory_space<vmem>>)
        "tpu.region"() ({
          %run_scoped3A_157 = tpu.sem_alloc : memref<!tpu.dma_semaphore, #tpu.memory_space<semaphore_mem>>
          %dma_start3A_158 = arith.constant 0 : i32
          %dma_start3A_159 = tpu.memref_slice %arg7[%add3A_130, %dma_start3A_158] : memref<40x128xi32, #tpu.memory_space<vmem>> -> memref<1x128xi32, #tpu.memory_space<vmem>>
          %dma_start3A_160 = tpu.memref_squeeze %dma_start3A_159 : memref<1x128xi32, #tpu.memory_space<vmem>> -> memref<128xi32, #tpu.memory_space<vmem>>
          %dma_start3A_161 = arith.constant 0 : i32
          %dma_start3A_162 = arith.constant 0 : i32
          %dma_start3A_163 = tpu.memref_slice %arg2[%dma_start3A_161, %dma_start3A_162] : memref<10240x128xf32, #tpu.memory_space<hbm>> -> memref<10240x128xf32, #tpu.memory_space<hbm>>
          tpu.enqueue_indirect_dma source(%dma_start3A_163 : memref<10240x128xf32, #tpu.memory_space<hbm>>) target(%arg9 : memref<128x128xf32, #tpu.memory_space<vmem>>) offsets(%dma_start3A_160 : memref<128xi32, #tpu.memory_space<vmem>>) semaphore(%run_scoped3A_157 : memref<!tpu.dma_semaphore, #tpu.memory_space<semaphore_mem>>)
          %dma_wait3A_164 = arith.constant 0 : i32
          %dma_wait3A_165 = tpu.memref_slice %arg7[%add3A_130, %dma_wait3A_164] : memref<40x128xi32, #tpu.memory_space<vmem>> -> memref<1x128xi32, #tpu.memory_space<vmem>>
          %dma_wait3A_166 = tpu.memref_squeeze %dma_wait3A_165 : memref<1x128xi32, #tpu.memory_space<vmem>> -> memref<128xi32, #tpu.memory_space<vmem>>
          %dma_wait3A_167 = arith.constant 0 : i32
          %dma_wait3A_168 = arith.constant 0 : i32
          %dma_wait3A_169 = tpu.memref_slice %arg2[%dma_wait3A_167, %dma_wait3A_168] : memref<10240x128xf32, #tpu.memory_space<hbm>> -> memref<10240x128xf32, #tpu.memory_space<hbm>>
          tpu.wait_indirect_dma semaphore(%run_scoped3A_157 : memref<!tpu.dma_semaphore, #tpu.memory_space<semaphore_mem>>) src(%dma_wait3A_169 : memref<10240x128xf32, #tpu.memory_space<hbm>>) dst(%arg9 : memref<128x128xf32, #tpu.memory_space<vmem>>)
          tpu.yield
        }) : () -> ()
        %dma_start3A_137 = arith.constant 0 : i32
        %dma_start3A_138 = tpu.memref_slice %arg8[%add3A_130, %dma_start3A_137] : memref<40x128xi32, #tpu.memory_space<vmem>> -> memref<1x128xi32, #tpu.memory_space<vmem>>
        %dma_start3A_139 = tpu.memref_squeeze %dma_start3A_138 : memref<1x128xi32, #tpu.memory_space<vmem>> -> memref<128xi32, #tpu.memory_space<vmem>>
        %dma_start3A_140 = arith.constant 0 : i32
        %dma_start3A_141 = arith.constant 0 : i32
        %dma_start3A_142 = tpu.memref_slice %arg11[%dma_start3A_140, %dma_start3A_141] : memref<10240x128xf32, #tpu.memory_space<vmem_shared>> -> memref<10240x128xf32, #tpu.memory_space<vmem_shared>>
        tpu.enqueue_indirect_dma source(%arg9 : memref<128x128xf32, #tpu.memory_space<vmem>>) target(%dma_start3A_142 : memref<10240x128xf32, #tpu.memory_space<vmem_shared>>) offsets(%dma_start3A_139 : memref<128xi32, #tpu.memory_space<vmem>>) semaphore(%arg12 : memref<!tpu.dma_semaphore, #tpu.memory_space<semaphore_mem>>) {add = true}
        %add3A_143 = arith.constant 1 : i32
        %add3A_144 = arith.addi %add3A_128, %add3A_143 : i32
        %dma_wait3A_145 = arith.constant 0 : i32
        %dma_wait3A_146 = tpu.memref_slice %arg7[%add3A_144, %dma_wait3A_145] : memref<40x128xi32, #tpu.memory_space<vmem>> -> memref<1x128xi32, #tpu.memory_space<vmem>>
        %dma_wait3A_147 = tpu.memref_squeeze %dma_wait3A_146 : memref<1x128xi32, #tpu.memory_space<vmem>> -> memref<128xi32, #tpu.memory_space<vmem>>
        %dma_wait3A_148 = arith.constant 0 : i32
        %dma_wait3A_149 = arith.constant 0 : i32
        %dma_wait3A_150 = tpu.memref_slice %arg2[%dma_wait3A_148, %dma_wait3A_149] : memref<10240x128xf32, #tpu.memory_space<hbm>> -> memref<10240x128xf32, #tpu.memory_space<hbm>>
        tpu.wait_indirect_dma semaphore(%arg13 : memref<!tpu.dma_semaphore, #tpu.memory_space<semaphore_mem>>) src(%dma_wait3A_150 : memref<10240x128xf32, #tpu.memory_space<hbm>>) dst(%arg10 : memref<128x128xf32, #tpu.memory_space<vmem>>)
        "tpu.region"() ({
          %run_scoped3A_157 = tpu.sem_alloc : memref<!tpu.dma_semaphore, #tpu.memory_space<semaphore_mem>>
          %dma_start3A_158 = arith.constant 0 : i32
          %dma_start3A_159 = tpu.memref_slice %arg7[%add3A_144, %dma_start3A_158] : memref<40x128xi32, #tpu.memory_space<vmem>> -> memref<1x128xi32, #tpu.memory_space<vmem>>
          %dma_start3A_160 = tpu.memref_squeeze %dma_start3A_159 : memref<1x128xi32, #tpu.memory_space<vmem>> -> memref<128xi32, #tpu.memory_space<vmem>>
          %dma_start3A_161 = arith.constant 0 : i32
          %dma_start3A_162 = arith.constant 0 : i32
          %dma_start3A_163 = tpu.memref_slice %arg2[%dma_start3A_161, %dma_start3A_162] : memref<10240x128xf32, #tpu.memory_space<hbm>> -> memref<10240x128xf32, #tpu.memory_space<hbm>>
          tpu.enqueue_indirect_dma source(%dma_start3A_163 : memref<10240x128xf32, #tpu.memory_space<hbm>>) target(%arg10 : memref<128x128xf32, #tpu.memory_space<vmem>>) offsets(%dma_start3A_160 : memref<128xi32, #tpu.memory_space<vmem>>) semaphore(%run_scoped3A_157 : memref<!tpu.dma_semaphore, #tpu.memory_space<semaphore_mem>>)
          %dma_wait3A_164 = arith.constant 0 : i32
          %dma_wait3A_165 = tpu.memref_slice %arg7[%add3A_144, %dma_wait3A_164] : memref<40x128xi32, #tpu.memory_space<vmem>> -> memref<1x128xi32, #tpu.memory_space<vmem>>
          %dma_wait3A_166 = tpu.memref_squeeze %dma_wait3A_165 : memref<1x128xi32, #tpu.memory_space<vmem>> -> memref<128xi32, #tpu.memory_space<vmem>>
          %dma_wait3A_167 = arith.constant 0 : i32
          %dma_wait3A_168 = arith.constant 0 : i32
          %dma_wait3A_169 = tpu.memref_slice %arg2[%dma_wait3A_167, %dma_wait3A_168] : memref<10240x128xf32, #tpu.memory_space<hbm>> -> memref<10240x128xf32, #tpu.memory_space<hbm>>
          tpu.wait_indirect_dma semaphore(%run_scoped3A_157 : memref<!tpu.dma_semaphore, #tpu.memory_space<semaphore_mem>>) src(%dma_wait3A_169 : memref<10240x128xf32, #tpu.memory_space<hbm>>) dst(%arg10 : memref<128x128xf32, #tpu.memory_space<vmem>>)
          tpu.yield
        }) : () -> ()
        %dma_start3A_151 = arith.constant 0 : i32
        %dma_start3A_152 = tpu.memref_slice %arg8[%add3A_144, %dma_start3A_151] : memref<40x128xi32, #tpu.memory_space<vmem>> -> memref<1x128xi32, #tpu.memory_space<vmem>>
        %dma_start3A_153 = tpu.memref_squeeze %dma_start3A_152 : memref<1x128xi32, #tpu.memory_space<vmem>> -> memref<128xi32, #tpu.memory_space<vmem>>
        %dma_start3A_154 = arith.constant 0 : i32
        %dma_start3A_155 = arith.constant 0 : i32
        %dma_start3A_156 = tpu.memref_slice %arg11[%dma_start3A_154, %dma_start3A_155] : memref<10240x128xf32, #tpu.memory_space<vmem_shared>> -> memref<10240x128xf32, #tpu.memory_space<vmem_shared>>
        tpu.enqueue_indirect_dma source(%arg10 : memref<128x128xf32, #tpu.memory_space<vmem>>) target(%dma_start3A_156 : memref<10240x128xf32, #tpu.memory_space<vmem_shared>>) offsets(%dma_start3A_153 : memref<128xi32, #tpu.memory_space<vmem>>) semaphore(%arg13 : memref<!tpu.dma_semaphore, #tpu.memory_space<semaphore_mem>>) {add = true}
      }
      %scan3A_36 = arith.constant 19 : i32
      %dma_wait3A = arith.constant 0 : i32
      %dma_wait3A_37 = arith.constant 0 : i32
      %dma_wait3A_38 = tpu.memref_slice %arg7[%dma_wait3A, %dma_wait3A_37] : memref<40x128xi32, #tpu.memory_space<vmem>> -> memref<1x128xi32, #tpu.memory_space<vmem>>
      %dma_wait3A_39 = tpu.memref_squeeze %dma_wait3A_38 : memref<1x128xi32, #tpu.memory_space<vmem>> -> memref<128xi32, #tpu.memory_space<vmem>>
      %dma_wait3A_40 = arith.constant 0 : i32
      %dma_wait3A_41 = arith.constant 0 : i32
      %dma_wait3A_42 = tpu.memref_slice %arg2[%dma_wait3A_40, %dma_wait3A_41] : memref<10240x128xf32, #tpu.memory_space<hbm>> -> memref<10240x128xf32, #tpu.memory_space<hbm>>
      tpu.wait_indirect_dma semaphore(%arg12 : memref<!tpu.dma_semaphore, #tpu.memory_space<semaphore_mem>>) src(%dma_wait3A_42 : memref<10240x128xf32, #tpu.memory_space<hbm>>) dst(%arg9 : memref<128x128xf32, #tpu.memory_space<vmem>>)
      %dma_wait3A_43 = arith.constant 1 : i32
      %dma_wait3A_44 = arith.constant 0 : i32
      %dma_wait3A_45 = tpu.memref_slice %arg7[%dma_wait3A_43, %dma_wait3A_44] : memref<40x128xi32, #tpu.memory_space<vmem>> -> memref<1x128xi32, #tpu.memory_space<vmem>>
      %dma_wait3A_46 = tpu.memref_squeeze %dma_wait3A_45 : memref<1x128xi32, #tpu.memory_space<vmem>> -> memref<128xi32, #tpu.memory_space<vmem>>
      %dma_wait3A_47 = arith.constant 0 : i32
      %dma_wait3A_48 = arith.constant 0 : i32
      %dma_wait3A_49 = tpu.memref_slice %arg2[%dma_wait3A_47, %dma_wait3A_48] : memref<10240x128xf32, #tpu.memory_space<hbm>> -> memref<10240x128xf32, #tpu.memory_space<hbm>>
      tpu.wait_indirect_dma semaphore(%arg13 : memref<!tpu.dma_semaphore, #tpu.memory_space<semaphore_mem>>) src(%dma_wait3A_49 : memref<10240x128xf32, #tpu.memory_space<hbm>>) dst(%arg10 : memref<128x128xf32, #tpu.memory_space<vmem>>)
      %add3A_50 = arith.constant 40 : i32
      %add3A_51 = arith.addi %mul3A_16, %add3A_50 : i32
      "tpu.region"() ({
        %run_scoped3A_124 = tpu.sem_alloc : memref<!tpu.dma_semaphore, #tpu.memory_space<semaphore_mem>>
        %dma_start3A_125 = arith.constant 0 : i32
        %dma_start3A_126 = tpu.memref_slice %arg3[%add3A_51, %dma_start3A_125] : memref<2560x128xi32, #tpu.memory_space<hbm>> -> memref<40x128xi32, #tpu.memory_space<hbm>>
        %dma_start3A_127 = arith.constant 0 : i32
        %dma_start3A_128 = tpu.memref_slice %arg3[%add3A_51, %dma_start3A_127] : memref<2560x128xi32, #tpu.memory_space<hbm>> -> memref<40x128xi32, #tpu.memory_space<hbm>>
        tpu.enqueue_dma source(%dma_start3A_128 : memref<40x128xi32, #tpu.memory_space<hbm>>) target(%arg7 : memref<40x128xi32, #tpu.memory_space<vmem>>) target_semaphore(%run_scoped3A_124 : memref<!tpu.dma_semaphore, #tpu.memory_space<semaphore_mem>>)
        %dma_wait3A_129 = arith.constant 0 : i32
        %dma_wait3A_130 = tpu.memref_slice %arg3[%add3A_51, %dma_wait3A_129] : memref<2560x128xi32, #tpu.memory_space<hbm>> -> memref<40x128xi32, #tpu.memory_space<hbm>>
        %dma_wait3A_131 = arith.constant 0 : i32
        %dma_wait3A_132 = tpu.memref_slice %arg3[%add3A_51, %dma_wait3A_131] : memref<2560x128xi32, #tpu.memory_space<hbm>> -> memref<40x128xi32, #tpu.memory_space<hbm>>
        tpu.wait_dma2 semaphore(%run_scoped3A_124 : memref<!tpu.dma_semaphore, #tpu.memory_space<semaphore_mem>>) src(%dma_wait3A_132 : memref<40x128xi32, #tpu.memory_space<hbm>>) dst(%arg7 : memref<40x128xi32, #tpu.memory_space<vmem>>)
        tpu.yield
      }) : () -> ()
      "tpu.region"() ({
        %run_scoped3A_124 = tpu.sem_alloc : memref<!tpu.dma_semaphore, #tpu.memory_space<semaphore_mem>>
        %dma_start3A_125 = arith.constant 0 : i32
        %dma_start3A_126 = tpu.memref_slice %arg4[%add3A_51, %dma_start3A_125] : memref<2560x128xi32, #tpu.memory_space<hbm>> -> memref<40x128xi32, #tpu.memory_space<hbm>>
        %dma_start3A_127 = arith.constant 0 : i32
        %dma_start3A_128 = tpu.memref_slice %arg4[%add3A_51, %dma_start3A_127] : memref<2560x128xi32, #tpu.memory_space<hbm>> -> memref<40x128xi32, #tpu.memory_space<hbm>>
        tpu.enqueue_dma source(%dma_start3A_128 : memref<40x128xi32, #tpu.memory_space<hbm>>) target(%arg8 : memref<40x128xi32, #tpu.memory_space<vmem>>) target_semaphore(%run_scoped3A_124 : memref<!tpu.dma_semaphore, #tpu.memory_space<semaphore_mem>>)
        %dma_wait3A_129 = arith.constant 0 : i32
        %dma_wait3A_130 = tpu.memref_slice %arg4[%add3A_51, %dma_wait3A_129] : memref<2560x128xi32, #tpu.memory_space<hbm>> -> memref<40x128xi32, #tpu.memory_space<hbm>>
        %dma_wait3A_131 = arith.constant 0 : i32
        %dma_wait3A_132 = tpu.memref_slice %arg4[%add3A_51, %dma_wait3A_131] : memref<2560x128xi32, #tpu.memory_space<hbm>> -> memref<40x128xi32, #tpu.memory_space<hbm>>
        tpu.wait_dma2 semaphore(%run_scoped3A_124 : memref<!tpu.dma_semaphore, #tpu.memory_space<semaphore_mem>>) src(%dma_wait3A_132 : memref<40x128xi32, #tpu.memory_space<hbm>>) dst(%arg8 : memref<40x128xi32, #tpu.memory_space<vmem>>)
        tpu.yield
      }) : () -> ()
      %run_scoped3A_52 = arith.constant 0 : i32
      "tpu.region"() ({
        %run_scoped3A_124 = tpu.sem_alloc : memref<!tpu.dma_semaphore, #tpu.memory_space<semaphore_mem>>
        %dma_start3A_125 = arith.constant 0 : i32
        %dma_start3A_126 = tpu.memref_slice %arg7[%run_scoped3A_52, %dma_start3A_125] : memref<40x128xi32, #tpu.memory_space<vmem>> -> memref<1x128xi32, #tpu.memory_space<vmem>>
        %dma_start3A_127 = tpu.memref_squeeze %dma_start3A_126 : memref<1x128xi32, #tpu.memory_space<vmem>> -> memref<128xi32, #tpu.memory_space<vmem>>
        %dma_start3A_128 = arith.constant 0 : i32
        %dma_start3A_129 = arith.constant 0 : i32
        %dma_start3A_130 = tpu.memref_slice %arg2[%dma_start3A_128, %dma_start3A_129] : memref<10240x128xf32, #tpu.memory_space<hbm>> -> memref<10240x128xf32, #tpu.memory_space<hbm>>
        tpu.enqueue_indirect_dma source(%dma_start3A_130 : memref<10240x128xf32, #tpu.memory_space<hbm>>) target(%arg9 : memref<128x128xf32, #tpu.memory_space<vmem>>) offsets(%dma_start3A_127 : memref<128xi32, #tpu.memory_space<vmem>>) semaphore(%run_scoped3A_124 : memref<!tpu.dma_semaphore, #tpu.memory_space<semaphore_mem>>)
        %dma_wait3A_131 = arith.constant 0 : i32
        %dma_wait3A_132 = tpu.memref_slice %arg7[%run_scoped3A_52, %dma_wait3A_131] : memref<40x128xi32, #tpu.memory_space<vmem>> -> memref<1x128xi32, #tpu.memory_space<vmem>>
        %dma_wait3A_133 = tpu.memref_squeeze %dma_wait3A_132 : memref<1x128xi32, #tpu.memory_space<vmem>> -> memref<128xi32, #tpu.memory_space<vmem>>
        %dma_wait3A_134 = arith.constant 0 : i32
        %dma_wait3A_135 = arith.constant 0 : i32
        %dma_wait3A_136 = tpu.memref_slice %arg2[%dma_wait3A_134, %dma_wait3A_135] : memref<10240x128xf32, #tpu.memory_space<hbm>> -> memref<10240x128xf32, #tpu.memory_space<hbm>>
        tpu.wait_indirect_dma semaphore(%run_scoped3A_124 : memref<!tpu.dma_semaphore, #tpu.memory_space<semaphore_mem>>) src(%dma_wait3A_136 : memref<10240x128xf32, #tpu.memory_space<hbm>>) dst(%arg9 : memref<128x128xf32, #tpu.memory_space<vmem>>)
        tpu.yield
      }) : () -> ()
      %dma_start3A_53 = arith.constant 0 : i32
      %dma_start3A_54 = arith.constant 0 : i32
      %dma_start3A_55 = tpu.memref_slice %arg8[%dma_start3A_53, %dma_start3A_54] : memref<40x128xi32, #tpu.memory_space<vmem>> -> memref<1x128xi32, #tpu.memory_space<vmem>>
      %dma_start3A_56 = tpu.memref_squeeze %dma_start3A_55 : memref<1x128xi32, #tpu.memory_space<vmem>> -> memref<128xi32, #tpu.memory_space<vmem>>
      %dma_start3A_57 = arith.constant 0 : i32
      %dma_start3A_58 = arith.constant 0 : i32
      %dma_start3A_59 = tpu.memref_slice %arg11[%dma_start3A_57, %dma_start3A_58] : memref<10240x128xf32, #tpu.memory_space<vmem_shared>> -> memref<10240x128xf32, #tpu.memory_space<vmem_shared>>
      tpu.enqueue_indirect_dma source(%arg9 : memref<128x128xf32, #tpu.memory_space<vmem>>) target(%dma_start3A_59 : memref<10240x128xf32, #tpu.memory_space<vmem_shared>>) offsets(%dma_start3A_56 : memref<128xi32, #tpu.memory_space<vmem>>) semaphore(%arg12 : memref<!tpu.dma_semaphore, #tpu.memory_space<semaphore_mem>>) {add = true}
      %run_scoped3A_60 = arith.constant 1 : i32
      "tpu.region"() ({
        %run_scoped3A_124 = tpu.sem_alloc : memref<!tpu.dma_semaphore, #tpu.memory_space<semaphore_mem>>
        %dma_start3A_125 = arith.constant 0 : i32
        %dma_start3A_126 = tpu.memref_slice %arg7[%run_scoped3A_60, %dma_start3A_125] : memref<40x128xi32, #tpu.memory_space<vmem>> -> memref<1x128xi32, #tpu.memory_space<vmem>>
        %dma_start3A_127 = tpu.memref_squeeze %dma_start3A_126 : memref<1x128xi32, #tpu.memory_space<vmem>> -> memref<128xi32, #tpu.memory_space<vmem>>
        %dma_start3A_128 = arith.constant 0 : i32
        %dma_start3A_129 = arith.constant 0 : i32
        %dma_start3A_130 = tpu.memref_slice %arg2[%dma_start3A_128, %dma_start3A_129] : memref<10240x128xf32, #tpu.memory_space<hbm>> -> memref<10240x128xf32, #tpu.memory_space<hbm>>
        tpu.enqueue_indirect_dma source(%dma_start3A_130 : memref<10240x128xf32, #tpu.memory_space<hbm>>) target(%arg10 : memref<128x128xf32, #tpu.memory_space<vmem>>) offsets(%dma_start3A_127 : memref<128xi32, #tpu.memory_space<vmem>>) semaphore(%run_scoped3A_124 : memref<!tpu.dma_semaphore, #tpu.memory_space<semaphore_mem>>)
        %dma_wait3A_131 = arith.constant 0 : i32
        %dma_wait3A_132 = tpu.memref_slice %arg7[%run_scoped3A_60, %dma_wait3A_131] : memref<40x128xi32, #tpu.memory_space<vmem>> -> memref<1x128xi32, #tpu.memory_space<vmem>>
        %dma_wait3A_133 = tpu.memref_squeeze %dma_wait3A_132 : memref<1x128xi32, #tpu.memory_space<vmem>> -> memref<128xi32, #tpu.memory_space<vmem>>
        %dma_wait3A_134 = arith.constant 0 : i32
        %dma_wait3A_135 = arith.constant 0 : i32
        %dma_wait3A_136 = tpu.memref_slice %arg2[%dma_wait3A_134, %dma_wait3A_135] : memref<10240x128xf32, #tpu.memory_space<hbm>> -> memref<10240x128xf32, #tpu.memory_space<hbm>>
        tpu.wait_indirect_dma semaphore(%run_scoped3A_124 : memref<!tpu.dma_semaphore, #tpu.memory_space<semaphore_mem>>) src(%dma_wait3A_136 : memref<10240x128xf32, #tpu.memory_space<hbm>>) dst(%arg10 : memref<128x128xf32, #tpu.memory_space<vmem>>)
        tpu.yield
      }) : () -> ()
      %dma_start3A_61 = arith.constant 1 : i32
      %dma_start3A_62 = arith.constant 0 : i32
      %dma_start3A_63 = tpu.memref_slice %arg8[%dma_start3A_61, %dma_start3A_62] : memref<40x128xi32, #tpu.memory_space<vmem>> -> memref<1x128xi32, #tpu.memory_space<vmem>>
      %dma_start3A_64 = tpu.memref_squeeze %dma_start3A_63 : memref<1x128xi32, #tpu.memory_space<vmem>> -> memref<128xi32, #tpu.memory_space<vmem>>
      %dma_start3A_65 = arith.constant 0 : i32
      %dma_start3A_66 = arith.constant 0 : i32
      %dma_start3A_67 = tpu.memref_slice %arg11[%dma_start3A_65, %dma_start3A_66] : memref<10240x128xf32, #tpu.memory_space<vmem_shared>> -> memref<10240x128xf32, #tpu.memory_space<vmem_shared>>
      tpu.enqueue_indirect_dma source(%arg10 : memref<128x128xf32, #tpu.memory_space<vmem>>) target(%dma_start3A_67 : memref<10240x128xf32, #tpu.memory_space<vmem_shared>>) offsets(%dma_start3A_64 : memref<128xi32, #tpu.memory_space<vmem>>) semaphore(%arg13 : memref<!tpu.dma_semaphore, #tpu.memory_space<semaphore_mem>>) {add = true}
      %scan3A_68 = arith.constant 0 : i32
      %scan3A_69 = arith.constant 19 : i32
      %scan3A_70 = arith.addi %scan3A_68, %scan3A_69 : i32
      %scan3A_71 = arith.constant 1 : i32
      scf.for %scan3A_124 = %scan3A_68 to %scan3A_70 step %scan3A_71  : i32 {
        %mul3A_125 = arith.constant 2 : i32
        %mul3A_126 = arith.muli %scan3A_124, %mul3A_125 : i32
        %add3A_127 = arith.constant 2 : i32
        %add3A_128 = arith.addi %add3A_127, %mul3A_126 : i32
        %add3A_129 = arith.constant 0 : i32
        %add3A_130 = arith.addi %add3A_128, %add3A_129 : i32
        %dma_wait3A_131 = arith.constant 0 : i32
        %dma_wait3A_132 = tpu.memref_slice %arg7[%add3A_130, %dma_wait3A_131] : memref<40x128xi32, #tpu.memory_space<vmem>> -> memref<1x128xi32, #tpu.memory_space<vmem>>
        %dma_wait3A_133 = tpu.memref_squeeze %dma_wait3A_132 : memref<1x128xi32, #tpu.memory_space<vmem>> -> memref<128xi32, #tpu.memory_space<vmem>>
        %dma_wait3A_134 = arith.constant 0 : i32
        %dma_wait3A_135 = arith.constant 0 : i32
        %dma_wait3A_136 = tpu.memref_slice %arg2[%dma_wait3A_134, %dma_wait3A_135] : memref<10240x128xf32, #tpu.memory_space<hbm>> -> memref<10240x128xf32, #tpu.memory_space<hbm>>
        tpu.wait_indirect_dma semaphore(%arg12 : memref<!tpu.dma_semaphore, #tpu.memory_space<semaphore_mem>>) src(%dma_wait3A_136 : memref<10240x128xf32, #tpu.memory_space<hbm>>) dst(%arg9 : memref<128x128xf32, #tpu.memory_space<vmem>>)
        "tpu.region"() ({
          %run_scoped3A_157 = tpu.sem_alloc : memref<!tpu.dma_semaphore, #tpu.memory_space<semaphore_mem>>
          %dma_start3A_158 = arith.constant 0 : i32
          %dma_start3A_159 = tpu.memref_slice %arg7[%add3A_130, %dma_start3A_158] : memref<40x128xi32, #tpu.memory_space<vmem>> -> memref<1x128xi32, #tpu.memory_space<vmem>>
          %dma_start3A_160 = tpu.memref_squeeze %dma_start3A_159 : memref<1x128xi32, #tpu.memory_space<vmem>> -> memref<128xi32, #tpu.memory_space<vmem>>
          %dma_start3A_161 = arith.constant 0 : i32
          %dma_start3A_162 = arith.constant 0 : i32
          %dma_start3A_163 = tpu.memref_slice %arg2[%dma_start3A_161, %dma_start3A_162] : memref<10240x128xf32, #tpu.memory_space<hbm>> -> memref<10240x128xf32, #tpu.memory_space<hbm>>
          tpu.enqueue_indirect_dma source(%dma_start3A_163 : memref<10240x128xf32, #tpu.memory_space<hbm>>) target(%arg9 : memref<128x128xf32, #tpu.memory_space<vmem>>) offsets(%dma_start3A_160 : memref<128xi32, #tpu.memory_space<vmem>>) semaphore(%run_scoped3A_157 : memref<!tpu.dma_semaphore, #tpu.memory_space<semaphore_mem>>)
          %dma_wait3A_164 = arith.constant 0 : i32
          %dma_wait3A_165 = tpu.memref_slice %arg7[%add3A_130, %dma_wait3A_164] : memref<40x128xi32, #tpu.memory_space<vmem>> -> memref<1x128xi32, #tpu.memory_space<vmem>>
          %dma_wait3A_166 = tpu.memref_squeeze %dma_wait3A_165 : memref<1x128xi32, #tpu.memory_space<vmem>> -> memref<128xi32, #tpu.memory_space<vmem>>
          %dma_wait3A_167 = arith.constant 0 : i32
          %dma_wait3A_168 = arith.constant 0 : i32
          %dma_wait3A_169 = tpu.memref_slice %arg2[%dma_wait3A_167, %dma_wait3A_168] : memref<10240x128xf32, #tpu.memory_space<hbm>> -> memref<10240x128xf32, #tpu.memory_space<hbm>>
          tpu.wait_indirect_dma semaphore(%run_scoped3A_157 : memref<!tpu.dma_semaphore, #tpu.memory_space<semaphore_mem>>) src(%dma_wait3A_169 : memref<10240x128xf32, #tpu.memory_space<hbm>>) dst(%arg9 : memref<128x128xf32, #tpu.memory_space<vmem>>)
          tpu.yield
        }) : () -> ()
        %dma_start3A_137 = arith.constant 0 : i32
        %dma_start3A_138 = tpu.memref_slice %arg8[%add3A_130, %dma_start3A_137] : memref<40x128xi32, #tpu.memory_space<vmem>> -> memref<1x128xi32, #tpu.memory_space<vmem>>
        %dma_start3A_139 = tpu.memref_squeeze %dma_start3A_138 : memref<1x128xi32, #tpu.memory_space<vmem>> -> memref<128xi32, #tpu.memory_space<vmem>>
        %dma_start3A_140 = arith.constant 0 : i32
        %dma_start3A_141 = arith.constant 0 : i32
        %dma_start3A_142 = tpu.memref_slice %arg11[%dma_start3A_140, %dma_start3A_141] : memref<10240x128xf32, #tpu.memory_space<vmem_shared>> -> memref<10240x128xf32, #tpu.memory_space<vmem_shared>>
        tpu.enqueue_indirect_dma source(%arg9 : memref<128x128xf32, #tpu.memory_space<vmem>>) target(%dma_start3A_142 : memref<10240x128xf32, #tpu.memory_space<vmem_shared>>) offsets(%dma_start3A_139 : memref<128xi32, #tpu.memory_space<vmem>>) semaphore(%arg12 : memref<!tpu.dma_semaphore, #tpu.memory_space<semaphore_mem>>) {add = true}
        %add3A_143 = arith.constant 1 : i32
        %add3A_144 = arith.addi %add3A_128, %add3A_143 : i32
        %dma_wait3A_145 = arith.constant 0 : i32
        %dma_wait3A_146 = tpu.memref_slice %arg7[%add3A_144, %dma_wait3A_145] : memref<40x128xi32, #tpu.memory_space<vmem>> -> memref<1x128xi32, #tpu.memory_space<vmem>>
        %dma_wait3A_147 = tpu.memref_squeeze %dma_wait3A_146 : memref<1x128xi32, #tpu.memory_space<vmem>> -> memref<128xi32, #tpu.memory_space<vmem>>
        %dma_wait3A_148 = arith.constant 0 : i32
        %dma_wait3A_149 = arith.constant 0 : i32
        %dma_wait3A_150 = tpu.memref_slice %arg2[%dma_wait3A_148, %dma_wait3A_149] : memref<10240x128xf32, #tpu.memory_space<hbm>> -> memref<10240x128xf32, #tpu.memory_space<hbm>>
        tpu.wait_indirect_dma semaphore(%arg13 : memref<!tpu.dma_semaphore, #tpu.memory_space<semaphore_mem>>) src(%dma_wait3A_150 : memref<10240x128xf32, #tpu.memory_space<hbm>>) dst(%arg10 : memref<128x128xf32, #tpu.memory_space<vmem>>)
        "tpu.region"() ({
          %run_scoped3A_157 = tpu.sem_alloc : memref<!tpu.dma_semaphore, #tpu.memory_space<semaphore_mem>>
          %dma_start3A_158 = arith.constant 0 : i32
          %dma_start3A_159 = tpu.memref_slice %arg7[%add3A_144, %dma_start3A_158] : memref<40x128xi32, #tpu.memory_space<vmem>> -> memref<1x128xi32, #tpu.memory_space<vmem>>
          %dma_start3A_160 = tpu.memref_squeeze %dma_start3A_159 : memref<1x128xi32, #tpu.memory_space<vmem>> -> memref<128xi32, #tpu.memory_space<vmem>>
          %dma_start3A_161 = arith.constant 0 : i32
          %dma_start3A_162 = arith.constant 0 : i32
          %dma_start3A_163 = tpu.memref_slice %arg2[%dma_start3A_161, %dma_start3A_162] : memref<10240x128xf32, #tpu.memory_space<hbm>> -> memref<10240x128xf32, #tpu.memory_space<hbm>>
          tpu.enqueue_indirect_dma source(%dma_start3A_163 : memref<10240x128xf32, #tpu.memory_space<hbm>>) target(%arg10 : memref<128x128xf32, #tpu.memory_space<vmem>>) offsets(%dma_start3A_160 : memref<128xi32, #tpu.memory_space<vmem>>) semaphore(%run_scoped3A_157 : memref<!tpu.dma_semaphore, #tpu.memory_space<semaphore_mem>>)
          %dma_wait3A_164 = arith.constant 0 : i32
          %dma_wait3A_165 = tpu.memref_slice %arg7[%add3A_144, %dma_wait3A_164] : memref<40x128xi32, #tpu.memory_space<vmem>> -> memref<1x128xi32, #tpu.memory_space<vmem>>
          %dma_wait3A_166 = tpu.memref_squeeze %dma_wait3A_165 : memref<1x128xi32, #tpu.memory_space<vmem>> -> memref<128xi32, #tpu.memory_space<vmem>>
          %dma_wait3A_167 = arith.constant 0 : i32
          %dma_wait3A_168 = arith.constant 0 : i32
          %dma_wait3A_169 = tpu.memref_slice %arg2[%dma_wait3A_167, %dma_wait3A_168] : memref<10240x128xf32, #tpu.memory_space<hbm>> -> memref<10240x128xf32, #tpu.memory_space<hbm>>
          tpu.wait_indirect_dma semaphore(%run_scoped3A_157 : memref<!tpu.dma_semaphore, #tpu.memory_space<semaphore_mem>>) src(%dma_wait3A_169 : memref<10240x128xf32, #tpu.memory_space<hbm>>) dst(%arg10 : memref<128x128xf32, #tpu.memory_space<vmem>>)
          tpu.yield
        }) : () -> ()
        %dma_start3A_151 = arith.constant 0 : i32
        %dma_start3A_152 = tpu.memref_slice %arg8[%add3A_144, %dma_start3A_151] : memref<40x128xi32, #tpu.memory_space<vmem>> -> memref<1x128xi32, #tpu.memory_space<vmem>>
        %dma_start3A_153 = tpu.memref_squeeze %dma_start3A_152 : memref<1x128xi32, #tpu.memory_space<vmem>> -> memref<128xi32, #tpu.memory_space<vmem>>
        %dma_start3A_154 = arith.constant 0 : i32
        %dma_start3A_155 = arith.constant 0 : i32
        %dma_start3A_156 = tpu.memref_slice %arg11[%dma_start3A_154, %dma_start3A_155] : memref<10240x128xf32, #tpu.memory_space<vmem_shared>> -> memref<10240x128xf32, #tpu.memory_space<vmem_shared>>
        tpu.enqueue_indirect_dma source(%arg10 : memref<128x128xf32, #tpu.memory_space<vmem>>) target(%dma_start3A_156 : memref<10240x128xf32, #tpu.memory_space<vmem_shared>>) offsets(%dma_start3A_153 : memref<128xi32, #tpu.memory_space<vmem>>) semaphore(%arg13 : memref<!tpu.dma_semaphore, #tpu.memory_space<semaphore_mem>>) {add = true}
      }
      %scan3A_72 = arith.constant 19 : i32
      %dma_wait3A_73 = arith.constant 0 : i32
      %dma_wait3A_74 = arith.constant 0 : i32
      %dma_wait3A_75 = tpu.memref_slice %arg7[%dma_wait3A_73, %dma_wait3A_74] : memref<40x128xi32, #tpu.memory_space<vmem>> -> memref<1x128xi32, #tpu.memory_space<vmem>>
      %dma_wait3A_76 = tpu.memref_squeeze %dma_wait3A_75 : memref<1x128xi32, #tpu.memory_space<vmem>> -> memref<128xi32, #tpu.memory_space<vmem>>
      %dma_wait3A_77 = arith.constant 0 : i32
      %dma_wait3A_78 = arith.constant 0 : i32
      %dma_wait3A_79 = tpu.memref_slice %arg2[%dma_wait3A_77, %dma_wait3A_78] : memref<10240x128xf32, #tpu.memory_space<hbm>> -> memref<10240x128xf32, #tpu.memory_space<hbm>>
      tpu.wait_indirect_dma semaphore(%arg12 : memref<!tpu.dma_semaphore, #tpu.memory_space<semaphore_mem>>) src(%dma_wait3A_79 : memref<10240x128xf32, #tpu.memory_space<hbm>>) dst(%arg9 : memref<128x128xf32, #tpu.memory_space<vmem>>)
      %dma_wait3A_80 = arith.constant 1 : i32
      %dma_wait3A_81 = arith.constant 0 : i32
      %dma_wait3A_82 = tpu.memref_slice %arg7[%dma_wait3A_80, %dma_wait3A_81] : memref<40x128xi32, #tpu.memory_space<vmem>> -> memref<1x128xi32, #tpu.memory_space<vmem>>
      %dma_wait3A_83 = tpu.memref_squeeze %dma_wait3A_82 : memref<1x128xi32, #tpu.memory_space<vmem>> -> memref<128xi32, #tpu.memory_space<vmem>>
      %dma_wait3A_84 = arith.constant 0 : i32
      %dma_wait3A_85 = arith.constant 0 : i32
      %dma_wait3A_86 = tpu.memref_slice %arg2[%dma_wait3A_84, %dma_wait3A_85] : memref<10240x128xf32, #tpu.memory_space<hbm>> -> memref<10240x128xf32, #tpu.memory_space<hbm>>
      tpu.wait_indirect_dma semaphore(%arg13 : memref<!tpu.dma_semaphore, #tpu.memory_space<semaphore_mem>>) src(%dma_wait3A_86 : memref<10240x128xf32, #tpu.memory_space<hbm>>) dst(%arg10 : memref<128x128xf32, #tpu.memory_space<vmem>>)
      %add3A_87 = arith.constant 80 : i32
      %add3A_88 = arith.addi %mul3A_16, %add3A_87 : i32
      "tpu.region"() ({
        %run_scoped3A_124 = tpu.sem_alloc : memref<!tpu.dma_semaphore, #tpu.memory_space<semaphore_mem>>
        %dma_start3A_125 = arith.constant 0 : i32
        %dma_start3A_126 = tpu.memref_slice %arg3[%add3A_88, %dma_start3A_125] : memref<2560x128xi32, #tpu.memory_space<hbm>> -> memref<40x128xi32, #tpu.memory_space<hbm>>
        %dma_start3A_127 = arith.constant 0 : i32
        %dma_start3A_128 = tpu.memref_slice %arg3[%add3A_88, %dma_start3A_127] : memref<2560x128xi32, #tpu.memory_space<hbm>> -> memref<40x128xi32, #tpu.memory_space<hbm>>
        tpu.enqueue_dma source(%dma_start3A_128 : memref<40x128xi32, #tpu.memory_space<hbm>>) target(%arg7 : memref<40x128xi32, #tpu.memory_space<vmem>>) target_semaphore(%run_scoped3A_124 : memref<!tpu.dma_semaphore, #tpu.memory_space<semaphore_mem>>)
        %dma_wait3A_129 = arith.constant 0 : i32
        %dma_wait3A_130 = tpu.memref_slice %arg3[%add3A_88, %dma_wait3A_129] : memref<2560x128xi32, #tpu.memory_space<hbm>> -> memref<40x128xi32, #tpu.memory_space<hbm>>
        %dma_wait3A_131 = arith.constant 0 : i32
        %dma_wait3A_132 = tpu.memref_slice %arg3[%add3A_88, %dma_wait3A_131] : memref<2560x128xi32, #tpu.memory_space<hbm>> -> memref<40x128xi32, #tpu.memory_space<hbm>>
        tpu.wait_dma2 semaphore(%run_scoped3A_124 : memref<!tpu.dma_semaphore, #tpu.memory_space<semaphore_mem>>) src(%dma_wait3A_132 : memref<40x128xi32, #tpu.memory_space<hbm>>) dst(%arg7 : memref<40x128xi32, #tpu.memory_space<vmem>>)
        tpu.yield
      }) : () -> ()
      "tpu.region"() ({
        %run_scoped3A_124 = tpu.sem_alloc : memref<!tpu.dma_semaphore, #tpu.memory_space<semaphore_mem>>
        %dma_start3A_125 = arith.constant 0 : i32
        %dma_start3A_126 = tpu.memref_slice %arg4[%add3A_88, %dma_start3A_125] : memref<2560x128xi32, #tpu.memory_space<hbm>> -> memref<40x128xi32, #tpu.memory_space<hbm>>
        %dma_start3A_127 = arith.constant 0 : i32
        %dma_start3A_128 = tpu.memref_slice %arg4[%add3A_88, %dma_start3A_127] : memref<2560x128xi32, #tpu.memory_space<hbm>> -> memref<40x128xi32, #tpu.memory_space<hbm>>
        tpu.enqueue_dma source(%dma_start3A_128 : memref<40x128xi32, #tpu.memory_space<hbm>>) target(%arg8 : memref<40x128xi32, #tpu.memory_space<vmem>>) target_semaphore(%run_scoped3A_124 : memref<!tpu.dma_semaphore, #tpu.memory_space<semaphore_mem>>)
        %dma_wait3A_129 = arith.constant 0 : i32
        %dma_wait3A_130 = tpu.memref_slice %arg4[%add3A_88, %dma_wait3A_129] : memref<2560x128xi32, #tpu.memory_space<hbm>> -> memref<40x128xi32, #tpu.memory_space<hbm>>
        %dma_wait3A_131 = arith.constant 0 : i32
        %dma_wait3A_132 = tpu.memref_slice %arg4[%add3A_88, %dma_wait3A_131] : memref<2560x128xi32, #tpu.memory_space<hbm>> -> memref<40x128xi32, #tpu.memory_space<hbm>>
        tpu.wait_dma2 semaphore(%run_scoped3A_124 : memref<!tpu.dma_semaphore, #tpu.memory_space<semaphore_mem>>) src(%dma_wait3A_132 : memref<40x128xi32, #tpu.memory_space<hbm>>) dst(%arg8 : memref<40x128xi32, #tpu.memory_space<vmem>>)
        tpu.yield
      }) : () -> ()
      %run_scoped3A_89 = arith.constant 0 : i32
      "tpu.region"() ({
        %run_scoped3A_124 = tpu.sem_alloc : memref<!tpu.dma_semaphore, #tpu.memory_space<semaphore_mem>>
        %dma_start3A_125 = arith.constant 0 : i32
        %dma_start3A_126 = tpu.memref_slice %arg7[%run_scoped3A_89, %dma_start3A_125] : memref<40x128xi32, #tpu.memory_space<vmem>> -> memref<1x128xi32, #tpu.memory_space<vmem>>
        %dma_start3A_127 = tpu.memref_squeeze %dma_start3A_126 : memref<1x128xi32, #tpu.memory_space<vmem>> -> memref<128xi32, #tpu.memory_space<vmem>>
        %dma_start3A_128 = arith.constant 0 : i32
        %dma_start3A_129 = arith.constant 0 : i32
        %dma_start3A_130 = tpu.memref_slice %arg2[%dma_start3A_128, %dma_start3A_129] : memref<10240x128xf32, #tpu.memory_space<hbm>> -> memref<10240x128xf32, #tpu.memory_space<hbm>>
        tpu.enqueue_indirect_dma source(%dma_start3A_130 : memref<10240x128xf32, #tpu.memory_space<hbm>>) target(%arg9 : memref<128x128xf32, #tpu.memory_space<vmem>>) offsets(%dma_start3A_127 : memref<128xi32, #tpu.memory_space<vmem>>) semaphore(%run_scoped3A_124 : memref<!tpu.dma_semaphore, #tpu.memory_space<semaphore_mem>>)
        %dma_wait3A_131 = arith.constant 0 : i32
        %dma_wait3A_132 = tpu.memref_slice %arg7[%run_scoped3A_89, %dma_wait3A_131] : memref<40x128xi32, #tpu.memory_space<vmem>> -> memref<1x128xi32, #tpu.memory_space<vmem>>
        %dma_wait3A_133 = tpu.memref_squeeze %dma_wait3A_132 : memref<1x128xi32, #tpu.memory_space<vmem>> -> memref<128xi32, #tpu.memory_space<vmem>>
        %dma_wait3A_134 = arith.constant 0 : i32
        %dma_wait3A_135 = arith.constant 0 : i32
        %dma_wait3A_136 = tpu.memref_slice %arg2[%dma_wait3A_134, %dma_wait3A_135] : memref<10240x128xf32, #tpu.memory_space<hbm>> -> memref<10240x128xf32, #tpu.memory_space<hbm>>
        tpu.wait_indirect_dma semaphore(%run_scoped3A_124 : memref<!tpu.dma_semaphore, #tpu.memory_space<semaphore_mem>>) src(%dma_wait3A_136 : memref<10240x128xf32, #tpu.memory_space<hbm>>) dst(%arg9 : memref<128x128xf32, #tpu.memory_space<vmem>>)
        tpu.yield
      }) : () -> ()
      %dma_start3A_90 = arith.constant 0 : i32
      %dma_start3A_91 = arith.constant 0 : i32
      %dma_start3A_92 = tpu.memref_slice %arg8[%dma_start3A_90, %dma_start3A_91] : memref<40x128xi32, #tpu.memory_space<vmem>> -> memref<1x128xi32, #tpu.memory_space<vmem>>
      %dma_start3A_93 = tpu.memref_squeeze %dma_start3A_92 : memref<1x128xi32, #tpu.memory_space<vmem>> -> memref<128xi32, #tpu.memory_space<vmem>>
      %dma_start3A_94 = arith.constant 0 : i32
      %dma_start3A_95 = arith.constant 0 : i32
      %dma_start3A_96 = tpu.memref_slice %arg11[%dma_start3A_94, %dma_start3A_95] : memref<10240x128xf32, #tpu.memory_space<vmem_shared>> -> memref<10240x128xf32, #tpu.memory_space<vmem_shared>>
      tpu.enqueue_indirect_dma source(%arg9 : memref<128x128xf32, #tpu.memory_space<vmem>>) target(%dma_start3A_96 : memref<10240x128xf32, #tpu.memory_space<vmem_shared>>) offsets(%dma_start3A_93 : memref<128xi32, #tpu.memory_space<vmem>>) semaphore(%arg12 : memref<!tpu.dma_semaphore, #tpu.memory_space<semaphore_mem>>) {add = true}
      %run_scoped3A_97 = arith.constant 1 : i32
      "tpu.region"() ({
        %run_scoped3A_124 = tpu.sem_alloc : memref<!tpu.dma_semaphore, #tpu.memory_space<semaphore_mem>>
        %dma_start3A_125 = arith.constant 0 : i32
        %dma_start3A_126 = tpu.memref_slice %arg7[%run_scoped3A_97, %dma_start3A_125] : memref<40x128xi32, #tpu.memory_space<vmem>> -> memref<1x128xi32, #tpu.memory_space<vmem>>
        %dma_start3A_127 = tpu.memref_squeeze %dma_start3A_126 : memref<1x128xi32, #tpu.memory_space<vmem>> -> memref<128xi32, #tpu.memory_space<vmem>>
        %dma_start3A_128 = arith.constant 0 : i32
        %dma_start3A_129 = arith.constant 0 : i32
        %dma_start3A_130 = tpu.memref_slice %arg2[%dma_start3A_128, %dma_start3A_129] : memref<10240x128xf32, #tpu.memory_space<hbm>> -> memref<10240x128xf32, #tpu.memory_space<hbm>>
        tpu.enqueue_indirect_dma source(%dma_start3A_130 : memref<10240x128xf32, #tpu.memory_space<hbm>>) target(%arg10 : memref<128x128xf32, #tpu.memory_space<vmem>>) offsets(%dma_start3A_127 : memref<128xi32, #tpu.memory_space<vmem>>) semaphore(%run_scoped3A_124 : memref<!tpu.dma_semaphore, #tpu.memory_space<semaphore_mem>>)
        %dma_wait3A_131 = arith.constant 0 : i32
        %dma_wait3A_132 = tpu.memref_slice %arg7[%run_scoped3A_97, %dma_wait3A_131] : memref<40x128xi32, #tpu.memory_space<vmem>> -> memref<1x128xi32, #tpu.memory_space<vmem>>
        %dma_wait3A_133 = tpu.memref_squeeze %dma_wait3A_132 : memref<1x128xi32, #tpu.memory_space<vmem>> -> memref<128xi32, #tpu.memory_space<vmem>>
        %dma_wait3A_134 = arith.constant 0 : i32
        %dma_wait3A_135 = arith.constant 0 : i32
        %dma_wait3A_136 = tpu.memref_slice %arg2[%dma_wait3A_134, %dma_wait3A_135] : memref<10240x128xf32, #tpu.memory_space<hbm>> -> memref<10240x128xf32, #tpu.memory_space<hbm>>
        tpu.wait_indirect_dma semaphore(%run_scoped3A_124 : memref<!tpu.dma_semaphore, #tpu.memory_space<semaphore_mem>>) src(%dma_wait3A_136 : memref<10240x128xf32, #tpu.memory_space<hbm>>) dst(%arg10 : memref<128x128xf32, #tpu.memory_space<vmem>>)
        tpu.yield
      }) : () -> ()
      %dma_start3A_98 = arith.constant 1 : i32
      %dma_start3A_99 = arith.constant 0 : i32
      %dma_start3A_100 = tpu.memref_slice %arg8[%dma_start3A_98, %dma_start3A_99] : memref<40x128xi32, #tpu.memory_space<vmem>> -> memref<1x128xi32, #tpu.memory_space<vmem>>
      %dma_start3A_101 = tpu.memref_squeeze %dma_start3A_100 : memref<1x128xi32, #tpu.memory_space<vmem>> -> memref<128xi32, #tpu.memory_space<vmem>>
      %dma_start3A_102 = arith.constant 0 : i32
      %dma_start3A_103 = arith.constant 0 : i32
      %dma_start3A_104 = tpu.memref_slice %arg11[%dma_start3A_102, %dma_start3A_103] : memref<10240x128xf32, #tpu.memory_space<vmem_shared>> -> memref<10240x128xf32, #tpu.memory_space<vmem_shared>>
      tpu.enqueue_indirect_dma source(%arg10 : memref<128x128xf32, #tpu.memory_space<vmem>>) target(%dma_start3A_104 : memref<10240x128xf32, #tpu.memory_space<vmem_shared>>) offsets(%dma_start3A_101 : memref<128xi32, #tpu.memory_space<vmem>>) semaphore(%arg13 : memref<!tpu.dma_semaphore, #tpu.memory_space<semaphore_mem>>) {add = true}
      %scan3A_105 = arith.constant 0 : i32
      %scan3A_106 = arith.constant 19 : i32
      %scan3A_107 = arith.addi %scan3A_105, %scan3A_106 : i32
      %scan3A_108 = arith.constant 1 : i32
      scf.for %scan3A_124 = %scan3A_105 to %scan3A_107 step %scan3A_108  : i32 {
        %mul3A_125 = arith.constant 2 : i32
        %mul3A_126 = arith.muli %scan3A_124, %mul3A_125 : i32
        %add3A_127 = arith.constant 2 : i32
        %add3A_128 = arith.addi %add3A_127, %mul3A_126 : i32
        %add3A_129 = arith.constant 0 : i32
        %add3A_130 = arith.addi %add3A_128, %add3A_129 : i32
        %dma_wait3A_131 = arith.constant 0 : i32
        %dma_wait3A_132 = tpu.memref_slice %arg7[%add3A_130, %dma_wait3A_131] : memref<40x128xi32, #tpu.memory_space<vmem>> -> memref<1x128xi32, #tpu.memory_space<vmem>>
        %dma_wait3A_133 = tpu.memref_squeeze %dma_wait3A_132 : memref<1x128xi32, #tpu.memory_space<vmem>> -> memref<128xi32, #tpu.memory_space<vmem>>
        %dma_wait3A_134 = arith.constant 0 : i32
        %dma_wait3A_135 = arith.constant 0 : i32
        %dma_wait3A_136 = tpu.memref_slice %arg2[%dma_wait3A_134, %dma_wait3A_135] : memref<10240x128xf32, #tpu.memory_space<hbm>> -> memref<10240x128xf32, #tpu.memory_space<hbm>>
        tpu.wait_indirect_dma semaphore(%arg12 : memref<!tpu.dma_semaphore, #tpu.memory_space<semaphore_mem>>) src(%dma_wait3A_136 : memref<10240x128xf32, #tpu.memory_space<hbm>>) dst(%arg9 : memref<128x128xf32, #tpu.memory_space<vmem>>)
        "tpu.region"() ({
          %run_scoped3A_157 = tpu.sem_alloc : memref<!tpu.dma_semaphore, #tpu.memory_space<semaphore_mem>>
          %dma_start3A_158 = arith.constant 0 : i32
          %dma_start3A_159 = tpu.memref_slice %arg7[%add3A_130, %dma_start3A_158] : memref<40x128xi32, #tpu.memory_space<vmem>> -> memref<1x128xi32, #tpu.memory_space<vmem>>
          %dma_start3A_160 = tpu.memref_squeeze %dma_start3A_159 : memref<1x128xi32, #tpu.memory_space<vmem>> -> memref<128xi32, #tpu.memory_space<vmem>>
          %dma_start3A_161 = arith.constant 0 : i32
          %dma_start3A_162 = arith.constant 0 : i32
          %dma_start3A_163 = tpu.memref_slice %arg2[%dma_start3A_161, %dma_start3A_162] : memref<10240x128xf32, #tpu.memory_space<hbm>> -> memref<10240x128xf32, #tpu.memory_space<hbm>>
          tpu.enqueue_indirect_dma source(%dma_start3A_163 : memref<10240x128xf32, #tpu.memory_space<hbm>>) target(%arg9 : memref<128x128xf32, #tpu.memory_space<vmem>>) offsets(%dma_start3A_160 : memref<128xi32, #tpu.memory_space<vmem>>) semaphore(%run_scoped3A_157 : memref<!tpu.dma_semaphore, #tpu.memory_space<semaphore_mem>>)
          %dma_wait3A_164 = arith.constant 0 : i32
          %dma_wait3A_165 = tpu.memref_slice %arg7[%add3A_130, %dma_wait3A_164] : memref<40x128xi32, #tpu.memory_space<vmem>> -> memref<1x128xi32, #tpu.memory_space<vmem>>
          %dma_wait3A_166 = tpu.memref_squeeze %dma_wait3A_165 : memref<1x128xi32, #tpu.memory_space<vmem>> -> memref<128xi32, #tpu.memory_space<vmem>>
          %dma_wait3A_167 = arith.constant 0 : i32
          %dma_wait3A_168 = arith.constant 0 : i32
          %dma_wait3A_169 = tpu.memref_slice %arg2[%dma_wait3A_167, %dma_wait3A_168] : memref<10240x128xf32, #tpu.memory_space<hbm>> -> memref<10240x128xf32, #tpu.memory_space<hbm>>
          tpu.wait_indirect_dma semaphore(%run_scoped3A_157 : memref<!tpu.dma_semaphore, #tpu.memory_space<semaphore_mem>>) src(%dma_wait3A_169 : memref<10240x128xf32, #tpu.memory_space<hbm>>) dst(%arg9 : memref<128x128xf32, #tpu.memory_space<vmem>>)
          tpu.yield
        }) : () -> ()
        %dma_start3A_137 = arith.constant 0 : i32
        %dma_start3A_138 = tpu.memref_slice %arg8[%add3A_130, %dma_start3A_137] : memref<40x128xi32, #tpu.memory_space<vmem>> -> memref<1x128xi32, #tpu.memory_space<vmem>>
        %dma_start3A_139 = tpu.memref_squeeze %dma_start3A_138 : memref<1x128xi32, #tpu.memory_space<vmem>> -> memref<128xi32, #tpu.memory_space<vmem>>
        %dma_start3A_140 = arith.constant 0 : i32
        %dma_start3A_141 = arith.constant 0 : i32
        %dma_start3A_142 = tpu.memref_slice %arg11[%dma_start3A_140, %dma_start3A_141] : memref<10240x128xf32, #tpu.memory_space<vmem_shared>> -> memref<10240x128xf32, #tpu.memory_space<vmem_shared>>
        tpu.enqueue_indirect_dma source(%arg9 : memref<128x128xf32, #tpu.memory_space<vmem>>) target(%dma_start3A_142 : memref<10240x128xf32, #tpu.memory_space<vmem_shared>>) offsets(%dma_start3A_139 : memref<128xi32, #tpu.memory_space<vmem>>) semaphore(%arg12 : memref<!tpu.dma_semaphore, #tpu.memory_space<semaphore_mem>>) {add = true}
        %add3A_143 = arith.constant 1 : i32
        %add3A_144 = arith.addi %add3A_128, %add3A_143 : i32
        %dma_wait3A_145 = arith.constant 0 : i32
        %dma_wait3A_146 = tpu.memref_slice %arg7[%add3A_144, %dma_wait3A_145] : memref<40x128xi32, #tpu.memory_space<vmem>> -> memref<1x128xi32, #tpu.memory_space<vmem>>
        %dma_wait3A_147 = tpu.memref_squeeze %dma_wait3A_146 : memref<1x128xi32, #tpu.memory_space<vmem>> -> memref<128xi32, #tpu.memory_space<vmem>>
        %dma_wait3A_148 = arith.constant 0 : i32
        %dma_wait3A_149 = arith.constant 0 : i32
        %dma_wait3A_150 = tpu.memref_slice %arg2[%dma_wait3A_148, %dma_wait3A_149] : memref<10240x128xf32, #tpu.memory_space<hbm>> -> memref<10240x128xf32, #tpu.memory_space<hbm>>
        tpu.wait_indirect_dma semaphore(%arg13 : memref<!tpu.dma_semaphore, #tpu.memory_space<semaphore_mem>>) src(%dma_wait3A_150 : memref<10240x128xf32, #tpu.memory_space<hbm>>) dst(%arg10 : memref<128x128xf32, #tpu.memory_space<vmem>>)
        "tpu.region"() ({
          %run_scoped3A_157 = tpu.sem_alloc : memref<!tpu.dma_semaphore, #tpu.memory_space<semaphore_mem>>
          %dma_start3A_158 = arith.constant 0 : i32
          %dma_start3A_159 = tpu.memref_slice %arg7[%add3A_144, %dma_start3A_158] : memref<40x128xi32, #tpu.memory_space<vmem>> -> memref<1x128xi32, #tpu.memory_space<vmem>>
          %dma_start3A_160 = tpu.memref_squeeze %dma_start3A_159 : memref<1x128xi32, #tpu.memory_space<vmem>> -> memref<128xi32, #tpu.memory_space<vmem>>
          %dma_start3A_161 = arith.constant 0 : i32
          %dma_start3A_162 = arith.constant 0 : i32
          %dma_start3A_163 = tpu.memref_slice %arg2[%dma_start3A_161, %dma_start3A_162] : memref<10240x128xf32, #tpu.memory_space<hbm>> -> memref<10240x128xf32, #tpu.memory_space<hbm>>
          tpu.enqueue_indirect_dma source(%dma_start3A_163 : memref<10240x128xf32, #tpu.memory_space<hbm>>) target(%arg10 : memref<128x128xf32, #tpu.memory_space<vmem>>) offsets(%dma_start3A_160 : memref<128xi32, #tpu.memory_space<vmem>>) semaphore(%run_scoped3A_157 : memref<!tpu.dma_semaphore, #tpu.memory_space<semaphore_mem>>)
          %dma_wait3A_164 = arith.constant 0 : i32
          %dma_wait3A_165 = tpu.memref_slice %arg7[%add3A_144, %dma_wait3A_164] : memref<40x128xi32, #tpu.memory_space<vmem>> -> memref<1x128xi32, #tpu.memory_space<vmem>>
          %dma_wait3A_166 = tpu.memref_squeeze %dma_wait3A_165 : memref<1x128xi32, #tpu.memory_space<vmem>> -> memref<128xi32, #tpu.memory_space<vmem>>
          %dma_wait3A_167 = arith.constant 0 : i32
          %dma_wait3A_168 = arith.constant 0 : i32
          %dma_wait3A_169 = tpu.memref_slice %arg2[%dma_wait3A_167, %dma_wait3A_168] : memref<10240x128xf32, #tpu.memory_space<hbm>> -> memref<10240x128xf32, #tpu.memory_space<hbm>>
          tpu.wait_indirect_dma semaphore(%run_scoped3A_157 : memref<!tpu.dma_semaphore, #tpu.memory_space<semaphore_mem>>) src(%dma_wait3A_169 : memref<10240x128xf32, #tpu.memory_space<hbm>>) dst(%arg10 : memref<128x128xf32, #tpu.memory_space<vmem>>)
          tpu.yield
        }) : () -> ()
        %dma_start3A_151 = arith.constant 0 : i32
        %dma_start3A_152 = tpu.memref_slice %arg8[%add3A_144, %dma_start3A_151] : memref<40x128xi32, #tpu.memory_space<vmem>> -> memref<1x128xi32, #tpu.memory_space<vmem>>
        %dma_start3A_153 = tpu.memref_squeeze %dma_start3A_152 : memref<1x128xi32, #tpu.memory_space<vmem>> -> memref<128xi32, #tpu.memory_space<vmem>>
        %dma_start3A_154 = arith.constant 0 : i32
        %dma_start3A_155 = arith.constant 0 : i32
        %dma_start3A_156 = tpu.memref_slice %arg11[%dma_start3A_154, %dma_start3A_155] : memref<10240x128xf32, #tpu.memory_space<vmem_shared>> -> memref<10240x128xf32, #tpu.memory_space<vmem_shared>>
        tpu.enqueue_indirect_dma source(%arg10 : memref<128x128xf32, #tpu.memory_space<vmem>>) target(%dma_start3A_156 : memref<10240x128xf32, #tpu.memory_space<vmem_shared>>) offsets(%dma_start3A_153 : memref<128xi32, #tpu.memory_space<vmem>>) semaphore(%arg13 : memref<!tpu.dma_semaphore, #tpu.memory_space<semaphore_mem>>) {add = true}
      }
      %scan3A_109 = arith.constant 19 : i32
      %dma_wait3A_110 = arith.constant 0 : i32
      %dma_wait3A_111 = arith.constant 0 : i32
      %dma_wait3A_112 = tpu.memref_slice %arg7[%dma_wait3A_110, %dma_wait3A_111] : memref<40x128xi32, #tpu.memory_space<vmem>> -> memref<1x128xi32, #tpu.memory_space<vmem>>
      %dma_wait3A_113 = tpu.memref_squeeze %dma_wait3A_112 : memref<1x128xi32, #tpu.memory_space<vmem>> -> memref<128xi32, #tpu.memory_space<vmem>>
      %dma_wait3A_114 = arith.constant 0 : i32
      %dma_wait3A_115 = arith.constant 0 : i32
      %dma_wait3A_116 = tpu.memref_slice %arg2[%dma_wait3A_114, %dma_wait3A_115] : memref<10240x128xf32, #tpu.memory_space<hbm>> -> memref<10240x128xf32, #tpu.memory_space<hbm>>
      tpu.wait_indirect_dma semaphore(%arg12 : memref<!tpu.dma_semaphore, #tpu.memory_space<semaphore_mem>>) src(%dma_wait3A_116 : memref<10240x128xf32, #tpu.memory_space<hbm>>) dst(%arg9 : memref<128x128xf32, #tpu.memory_space<vmem>>)
      %dma_wait3A_117 = arith.constant 1 : i32
      %dma_wait3A_118 = arith.constant 0 : i32
      %dma_wait3A_119 = tpu.memref_slice %arg7[%dma_wait3A_117, %dma_wait3A_118] : memref<40x128xi32, #tpu.memory_space<vmem>> -> memref<1x128xi32, #tpu.memory_space<vmem>>
      %dma_wait3A_120 = tpu.memref_squeeze %dma_wait3A_119 : memref<1x128xi32, #tpu.memory_space<vmem>> -> memref<128xi32, #tpu.memory_space<vmem>>
      %dma_wait3A_121 = arith.constant 0 : i32
      %dma_wait3A_122 = arith.constant 0 : i32
      %dma_wait3A_123 = tpu.memref_slice %arg2[%dma_wait3A_121, %dma_wait3A_122] : memref<10240x128xf32, #tpu.memory_space<hbm>> -> memref<10240x128xf32, #tpu.memory_space<hbm>>
      tpu.wait_indirect_dma semaphore(%arg13 : memref<!tpu.dma_semaphore, #tpu.memory_space<semaphore_mem>>) src(%dma_wait3A_123 : memref<10240x128xf32, #tpu.memory_space<hbm>>) dst(%arg10 : memref<128x128xf32, #tpu.memory_space<vmem>>)
    } else {
    }
    %eq3A_3 = arith.constant 1 : i32
    %eq3A_4 = arith.cmpi eq, %arg0, %eq3A_3 : i32
    %convert_element_type3A_5 = arith.extui %eq3A_4 : i1 to i32
    %cond3A_6 = arith.constant 0 : i32
    %cond3A_7 = arith.cmpi ne, %convert_element_type3A_5, %cond3A_6 : i32
    scf.if %cond3A_7 {
      %mul3A_15 = arith.constant 40 : i32
      %mul3A_16 = arith.muli %arg1, %mul3A_15 : i32
      %add3A_17 = arith.constant 1920 : i32
      %add3A_18 = arith.addi %add3A_17, %mul3A_16 : i32
      %add3A_19 = arith.constant 0 : i32
      %add3A_20 = arith.addi %add3A_18, %add3A_19 : i32
      "tpu.region"() ({
        %run_scoped3A_52 = tpu.sem_alloc : memref<!tpu.dma_semaphore, #tpu.memory_space<semaphore_mem>>
        %dma_start3A_53 = arith.constant 0 : i32
        %dma_start3A_54 = tpu.memref_slice %arg3[%add3A_20, %dma_start3A_53] : memref<2560x128xi32, #tpu.memory_space<hbm>> -> memref<40x128xi32, #tpu.memory_space<hbm>>
        %dma_start3A_55 = arith.constant 0 : i32
        %dma_start3A_56 = tpu.memref_slice %arg3[%add3A_20, %dma_start3A_55] : memref<2560x128xi32, #tpu.memory_space<hbm>> -> memref<40x128xi32, #tpu.memory_space<hbm>>
        tpu.enqueue_dma source(%dma_start3A_56 : memref<40x128xi32, #tpu.memory_space<hbm>>) target(%arg7 : memref<40x128xi32, #tpu.memory_space<vmem>>) target_semaphore(%run_scoped3A_52 : memref<!tpu.dma_semaphore, #tpu.memory_space<semaphore_mem>>)
        %dma_wait3A_57 = arith.constant 0 : i32
        %dma_wait3A_58 = tpu.memref_slice %arg3[%add3A_20, %dma_wait3A_57] : memref<2560x128xi32, #tpu.memory_space<hbm>> -> memref<40x128xi32, #tpu.memory_space<hbm>>
        %dma_wait3A_59 = arith.constant 0 : i32
        %dma_wait3A_60 = tpu.memref_slice %arg3[%add3A_20, %dma_wait3A_59] : memref<2560x128xi32, #tpu.memory_space<hbm>> -> memref<40x128xi32, #tpu.memory_space<hbm>>
        tpu.wait_dma2 semaphore(%run_scoped3A_52 : memref<!tpu.dma_semaphore, #tpu.memory_space<semaphore_mem>>) src(%dma_wait3A_60 : memref<40x128xi32, #tpu.memory_space<hbm>>) dst(%arg7 : memref<40x128xi32, #tpu.memory_space<vmem>>)
        tpu.yield
      }) : () -> ()
      "tpu.region"() ({
        %run_scoped3A_52 = tpu.sem_alloc : memref<!tpu.dma_semaphore, #tpu.memory_space<semaphore_mem>>
        %dma_start3A_53 = arith.constant 0 : i32
        %dma_start3A_54 = tpu.memref_slice %arg4[%add3A_20, %dma_start3A_53] : memref<2560x128xi32, #tpu.memory_space<hbm>> -> memref<40x128xi32, #tpu.memory_space<hbm>>
        %dma_start3A_55 = arith.constant 0 : i32
        %dma_start3A_56 = tpu.memref_slice %arg4[%add3A_20, %dma_start3A_55] : memref<2560x128xi32, #tpu.memory_space<hbm>> -> memref<40x128xi32, #tpu.memory_space<hbm>>
        tpu.enqueue_dma source(%dma_start3A_56 : memref<40x128xi32, #tpu.memory_space<hbm>>) target(%arg8 : memref<40x128xi32, #tpu.memory_space<vmem>>) target_semaphore(%run_scoped3A_52 : memref<!tpu.dma_semaphore, #tpu.memory_space<semaphore_mem>>)
        %dma_wait3A_57 = arith.constant 0 : i32
        %dma_wait3A_58 = tpu.memref_slice %arg4[%add3A_20, %dma_wait3A_57] : memref<2560x128xi32, #tpu.memory_space<hbm>> -> memref<40x128xi32, #tpu.memory_space<hbm>>
        %dma_wait3A_59 = arith.constant 0 : i32
        %dma_wait3A_60 = tpu.memref_slice %arg4[%add3A_20, %dma_wait3A_59] : memref<2560x128xi32, #tpu.memory_space<hbm>> -> memref<40x128xi32, #tpu.memory_space<hbm>>
        tpu.wait_dma2 semaphore(%run_scoped3A_52 : memref<!tpu.dma_semaphore, #tpu.memory_space<semaphore_mem>>) src(%dma_wait3A_60 : memref<40x128xi32, #tpu.memory_space<hbm>>) dst(%arg8 : memref<40x128xi32, #tpu.memory_space<vmem>>)
        tpu.yield
      }) : () -> ()
      %run_scoped3A = arith.constant 0 : i32
      "tpu.region"() ({
        %run_scoped3A_52 = tpu.sem_alloc : memref<!tpu.dma_semaphore, #tpu.memory_space<semaphore_mem>>
        %dma_start3A_53 = arith.constant 0 : i32
        %dma_start3A_54 = tpu.memref_slice %arg7[%run_scoped3A, %dma_start3A_53] : memref<40x128xi32, #tpu.memory_space<vmem>> -> memref<1x128xi32, #tpu.memory_space<vmem>>
        %dma_start3A_55 = tpu.memref_squeeze %dma_start3A_54 : memref<1x128xi32, #tpu.memory_space<vmem>> -> memref<128xi32, #tpu.memory_space<vmem>>
        %dma_start3A_56 = arith.constant 0 : i32
        %dma_start3A_57 = arith.constant 0 : i32
        %dma_start3A_58 = tpu.memref_slice %arg2[%dma_start3A_56, %dma_start3A_57] : memref<10240x128xf32, #tpu.memory_space<hbm>> -> memref<10240x128xf32, #tpu.memory_space<hbm>>
        tpu.enqueue_indirect_dma source(%dma_start3A_58 : memref<10240x128xf32, #tpu.memory_space<hbm>>) target(%arg9 : memref<128x128xf32, #tpu.memory_space<vmem>>) offsets(%dma_start3A_55 : memref<128xi32, #tpu.memory_space<vmem>>) semaphore(%run_scoped3A_52 : memref<!tpu.dma_semaphore, #tpu.memory_space<semaphore_mem>>)
        %dma_wait3A_59 = arith.constant 0 : i32
        %dma_wait3A_60 = tpu.memref_slice %arg7[%run_scoped3A, %dma_wait3A_59] : memref<40x128xi32, #tpu.memory_space<vmem>> -> memref<1x128xi32, #tpu.memory_space<vmem>>
        %dma_wait3A_61 = tpu.memref_squeeze %dma_wait3A_60 : memref<1x128xi32, #tpu.memory_space<vmem>> -> memref<128xi32, #tpu.memory_space<vmem>>
        %dma_wait3A_62 = arith.constant 0 : i32
        %dma_wait3A_63 = arith.constant 0 : i32
        %dma_wait3A_64 = tpu.memref_slice %arg2[%dma_wait3A_62, %dma_wait3A_63] : memref<10240x128xf32, #tpu.memory_space<hbm>> -> memref<10240x128xf32, #tpu.memory_space<hbm>>
        tpu.wait_indirect_dma semaphore(%run_scoped3A_52 : memref<!tpu.dma_semaphore, #tpu.memory_space<semaphore_mem>>) src(%dma_wait3A_64 : memref<10240x128xf32, #tpu.memory_space<hbm>>) dst(%arg9 : memref<128x128xf32, #tpu.memory_space<vmem>>)
        tpu.yield
      }) : () -> ()
      %dma_start3A = arith.constant 0 : i32
      %dma_start3A_21 = arith.constant 0 : i32
      %dma_start3A_22 = tpu.memref_slice %arg8[%dma_start3A, %dma_start3A_21] : memref<40x128xi32, #tpu.memory_space<vmem>> -> memref<1x128xi32, #tpu.memory_space<vmem>>
      %dma_start3A_23 = tpu.memref_squeeze %dma_start3A_22 : memref<1x128xi32, #tpu.memory_space<vmem>> -> memref<128xi32, #tpu.memory_space<vmem>>
      %dma_start3A_24 = arith.constant 0 : i32
      %dma_start3A_25 = arith.constant 0 : i32
      %dma_start3A_26 = tpu.memref_slice %arg11[%dma_start3A_24, %dma_start3A_25] : memref<10240x128xf32, #tpu.memory_space<vmem_shared>> -> memref<10240x128xf32, #tpu.memory_space<vmem_shared>>
      tpu.enqueue_indirect_dma source(%arg9 : memref<128x128xf32, #tpu.memory_space<vmem>>) target(%dma_start3A_26 : memref<10240x128xf32, #tpu.memory_space<vmem_shared>>) offsets(%dma_start3A_23 : memref<128xi32, #tpu.memory_space<vmem>>) semaphore(%arg12 : memref<!tpu.dma_semaphore, #tpu.memory_space<semaphore_mem>>) {add = true}
      %run_scoped3A_27 = arith.constant 1 : i32
      "tpu.region"() ({
        %run_scoped3A_52 = tpu.sem_alloc : memref<!tpu.dma_semaphore, #tpu.memory_space<semaphore_mem>>
        %dma_start3A_53 = arith.constant 0 : i32
        %dma_start3A_54 = tpu.memref_slice %arg7[%run_scoped3A_27, %dma_start3A_53] : memref<40x128xi32, #tpu.memory_space<vmem>> -> memref<1x128xi32, #tpu.memory_space<vmem>>
        %dma_start3A_55 = tpu.memref_squeeze %dma_start3A_54 : memref<1x128xi32, #tpu.memory_space<vmem>> -> memref<128xi32, #tpu.memory_space<vmem>>
        %dma_start3A_56 = arith.constant 0 : i32
        %dma_start3A_57 = arith.constant 0 : i32
        %dma_start3A_58 = tpu.memref_slice %arg2[%dma_start3A_56, %dma_start3A_57] : memref<10240x128xf32, #tpu.memory_space<hbm>> -> memref<10240x128xf32, #tpu.memory_space<hbm>>
        tpu.enqueue_indirect_dma source(%dma_start3A_58 : memref<10240x128xf32, #tpu.memory_space<hbm>>) target(%arg10 : memref<128x128xf32, #tpu.memory_space<vmem>>) offsets(%dma_start3A_55 : memref<128xi32, #tpu.memory_space<vmem>>) semaphore(%run_scoped3A_52 : memref<!tpu.dma_semaphore, #tpu.memory_space<semaphore_mem>>)
        %dma_wait3A_59 = arith.constant 0 : i32
        %dma_wait3A_60 = tpu.memref_slice %arg7[%run_scoped3A_27, %dma_wait3A_59] : memref<40x128xi32, #tpu.memory_space<vmem>> -> memref<1x128xi32, #tpu.memory_space<vmem>>
        %dma_wait3A_61 = tpu.memref_squeeze %dma_wait3A_60 : memref<1x128xi32, #tpu.memory_space<vmem>> -> memref<128xi32, #tpu.memory_space<vmem>>
        %dma_wait3A_62 = arith.constant 0 : i32
        %dma_wait3A_63 = arith.constant 0 : i32
        %dma_wait3A_64 = tpu.memref_slice %arg2[%dma_wait3A_62, %dma_wait3A_63] : memref<10240x128xf32, #tpu.memory_space<hbm>> -> memref<10240x128xf32, #tpu.memory_space<hbm>>
        tpu.wait_indirect_dma semaphore(%run_scoped3A_52 : memref<!tpu.dma_semaphore, #tpu.memory_space<semaphore_mem>>) src(%dma_wait3A_64 : memref<10240x128xf32, #tpu.memory_space<hbm>>) dst(%arg10 : memref<128x128xf32, #tpu.memory_space<vmem>>)
        tpu.yield
      }) : () -> ()
      %dma_start3A_28 = arith.constant 1 : i32
      %dma_start3A_29 = arith.constant 0 : i32
      %dma_start3A_30 = tpu.memref_slice %arg8[%dma_start3A_28, %dma_start3A_29] : memref<40x128xi32, #tpu.memory_space<vmem>> -> memref<1x128xi32, #tpu.memory_space<vmem>>
      %dma_start3A_31 = tpu.memref_squeeze %dma_start3A_30 : memref<1x128xi32, #tpu.memory_space<vmem>> -> memref<128xi32, #tpu.memory_space<vmem>>
      %dma_start3A_32 = arith.constant 0 : i32
      %dma_start3A_33 = arith.constant 0 : i32
      %dma_start3A_34 = tpu.memref_slice %arg11[%dma_start3A_32, %dma_start3A_33] : memref<10240x128xf32, #tpu.memory_space<vmem_shared>> -> memref<10240x128xf32, #tpu.memory_space<vmem_shared>>
      tpu.enqueue_indirect_dma source(%arg10 : memref<128x128xf32, #tpu.memory_space<vmem>>) target(%dma_start3A_34 : memref<10240x128xf32, #tpu.memory_space<vmem_shared>>) offsets(%dma_start3A_31 : memref<128xi32, #tpu.memory_space<vmem>>) semaphore(%arg13 : memref<!tpu.dma_semaphore, #tpu.memory_space<semaphore_mem>>) {add = true}
      %scan3A = arith.constant 0 : i32
      %scan3A_35 = arith.constant 19 : i32
      %scan3A_36 = arith.addi %scan3A, %scan3A_35 : i32
      %scan3A_37 = arith.constant 1 : i32
      scf.for %scan3A_52 = %scan3A to %scan3A_36 step %scan3A_37  : i32 {
        %mul3A_53 = arith.constant 2 : i32
        %mul3A_54 = arith.muli %scan3A_52, %mul3A_53 : i32
        %add3A_55 = arith.constant 2 : i32
        %add3A_56 = arith.addi %add3A_55, %mul3A_54 : i32
        %add3A_57 = arith.constant 0 : i32
        %add3A_58 = arith.addi %add3A_56, %add3A_57 : i32
        %dma_wait3A_59 = arith.constant 0 : i32
        %dma_wait3A_60 = tpu.memref_slice %arg7[%add3A_58, %dma_wait3A_59] : memref<40x128xi32, #tpu.memory_space<vmem>> -> memref<1x128xi32, #tpu.memory_space<vmem>>
        %dma_wait3A_61 = tpu.memref_squeeze %dma_wait3A_60 : memref<1x128xi32, #tpu.memory_space<vmem>> -> memref<128xi32, #tpu.memory_space<vmem>>
        %dma_wait3A_62 = arith.constant 0 : i32
        %dma_wait3A_63 = arith.constant 0 : i32
        %dma_wait3A_64 = tpu.memref_slice %arg2[%dma_wait3A_62, %dma_wait3A_63] : memref<10240x128xf32, #tpu.memory_space<hbm>> -> memref<10240x128xf32, #tpu.memory_space<hbm>>
        tpu.wait_indirect_dma semaphore(%arg12 : memref<!tpu.dma_semaphore, #tpu.memory_space<semaphore_mem>>) src(%dma_wait3A_64 : memref<10240x128xf32, #tpu.memory_space<hbm>>) dst(%arg9 : memref<128x128xf32, #tpu.memory_space<vmem>>)
        "tpu.region"() ({
          %run_scoped3A_85 = tpu.sem_alloc : memref<!tpu.dma_semaphore, #tpu.memory_space<semaphore_mem>>
          %dma_start3A_86 = arith.constant 0 : i32
          %dma_start3A_87 = tpu.memref_slice %arg7[%add3A_58, %dma_start3A_86] : memref<40x128xi32, #tpu.memory_space<vmem>> -> memref<1x128xi32, #tpu.memory_space<vmem>>
          %dma_start3A_88 = tpu.memref_squeeze %dma_start3A_87 : memref<1x128xi32, #tpu.memory_space<vmem>> -> memref<128xi32, #tpu.memory_space<vmem>>
          %dma_start3A_89 = arith.constant 0 : i32
          %dma_start3A_90 = arith.constant 0 : i32
          %dma_start3A_91 = tpu.memref_slice %arg2[%dma_start3A_89, %dma_start3A_90] : memref<10240x128xf32, #tpu.memory_space<hbm>> -> memref<10240x128xf32, #tpu.memory_space<hbm>>
          tpu.enqueue_indirect_dma source(%dma_start3A_91 : memref<10240x128xf32, #tpu.memory_space<hbm>>) target(%arg9 : memref<128x128xf32, #tpu.memory_space<vmem>>) offsets(%dma_start3A_88 : memref<128xi32, #tpu.memory_space<vmem>>) semaphore(%run_scoped3A_85 : memref<!tpu.dma_semaphore, #tpu.memory_space<semaphore_mem>>)
          %dma_wait3A_92 = arith.constant 0 : i32
          %dma_wait3A_93 = tpu.memref_slice %arg7[%add3A_58, %dma_wait3A_92] : memref<40x128xi32, #tpu.memory_space<vmem>> -> memref<1x128xi32, #tpu.memory_space<vmem>>
          %dma_wait3A_94 = tpu.memref_squeeze %dma_wait3A_93 : memref<1x128xi32, #tpu.memory_space<vmem>> -> memref<128xi32, #tpu.memory_space<vmem>>
          %dma_wait3A_95 = arith.constant 0 : i32
          %dma_wait3A_96 = arith.constant 0 : i32
          %dma_wait3A_97 = tpu.memref_slice %arg2[%dma_wait3A_95, %dma_wait3A_96] : memref<10240x128xf32, #tpu.memory_space<hbm>> -> memref<10240x128xf32, #tpu.memory_space<hbm>>
          tpu.wait_indirect_dma semaphore(%run_scoped3A_85 : memref<!tpu.dma_semaphore, #tpu.memory_space<semaphore_mem>>) src(%dma_wait3A_97 : memref<10240x128xf32, #tpu.memory_space<hbm>>) dst(%arg9 : memref<128x128xf32, #tpu.memory_space<vmem>>)
          tpu.yield
        }) : () -> ()
        %dma_start3A_65 = arith.constant 0 : i32
        %dma_start3A_66 = tpu.memref_slice %arg8[%add3A_58, %dma_start3A_65] : memref<40x128xi32, #tpu.memory_space<vmem>> -> memref<1x128xi32, #tpu.memory_space<vmem>>
        %dma_start3A_67 = tpu.memref_squeeze %dma_start3A_66 : memref<1x128xi32, #tpu.memory_space<vmem>> -> memref<128xi32, #tpu.memory_space<vmem>>
        %dma_start3A_68 = arith.constant 0 : i32
        %dma_start3A_69 = arith.constant 0 : i32
        %dma_start3A_70 = tpu.memref_slice %arg11[%dma_start3A_68, %dma_start3A_69] : memref<10240x128xf32, #tpu.memory_space<vmem_shared>> -> memref<10240x128xf32, #tpu.memory_space<vmem_shared>>
        tpu.enqueue_indirect_dma source(%arg9 : memref<128x128xf32, #tpu.memory_space<vmem>>) target(%dma_start3A_70 : memref<10240x128xf32, #tpu.memory_space<vmem_shared>>) offsets(%dma_start3A_67 : memref<128xi32, #tpu.memory_space<vmem>>) semaphore(%arg12 : memref<!tpu.dma_semaphore, #tpu.memory_space<semaphore_mem>>) {add = true}
        %add3A_71 = arith.constant 1 : i32
        %add3A_72 = arith.addi %add3A_56, %add3A_71 : i32
        %dma_wait3A_73 = arith.constant 0 : i32
        %dma_wait3A_74 = tpu.memref_slice %arg7[%add3A_72, %dma_wait3A_73] : memref<40x128xi32, #tpu.memory_space<vmem>> -> memref<1x128xi32, #tpu.memory_space<vmem>>
        %dma_wait3A_75 = tpu.memref_squeeze %dma_wait3A_74 : memref<1x128xi32, #tpu.memory_space<vmem>> -> memref<128xi32, #tpu.memory_space<vmem>>
        %dma_wait3A_76 = arith.constant 0 : i32
        %dma_wait3A_77 = arith.constant 0 : i32
        %dma_wait3A_78 = tpu.memref_slice %arg2[%dma_wait3A_76, %dma_wait3A_77] : memref<10240x128xf32, #tpu.memory_space<hbm>> -> memref<10240x128xf32, #tpu.memory_space<hbm>>
        tpu.wait_indirect_dma semaphore(%arg13 : memref<!tpu.dma_semaphore, #tpu.memory_space<semaphore_mem>>) src(%dma_wait3A_78 : memref<10240x128xf32, #tpu.memory_space<hbm>>) dst(%arg10 : memref<128x128xf32, #tpu.memory_space<vmem>>)
        "tpu.region"() ({
          %run_scoped3A_85 = tpu.sem_alloc : memref<!tpu.dma_semaphore, #tpu.memory_space<semaphore_mem>>
          %dma_start3A_86 = arith.constant 0 : i32
          %dma_start3A_87 = tpu.memref_slice %arg7[%add3A_72, %dma_start3A_86] : memref<40x128xi32, #tpu.memory_space<vmem>> -> memref<1x128xi32, #tpu.memory_space<vmem>>
          %dma_start3A_88 = tpu.memref_squeeze %dma_start3A_87 : memref<1x128xi32, #tpu.memory_space<vmem>> -> memref<128xi32, #tpu.memory_space<vmem>>
          %dma_start3A_89 = arith.constant 0 : i32
          %dma_start3A_90 = arith.constant 0 : i32
          %dma_start3A_91 = tpu.memref_slice %arg2[%dma_start3A_89, %dma_start3A_90] : memref<10240x128xf32, #tpu.memory_space<hbm>> -> memref<10240x128xf32, #tpu.memory_space<hbm>>
          tpu.enqueue_indirect_dma source(%dma_start3A_91 : memref<10240x128xf32, #tpu.memory_space<hbm>>) target(%arg10 : memref<128x128xf32, #tpu.memory_space<vmem>>) offsets(%dma_start3A_88 : memref<128xi32, #tpu.memory_space<vmem>>) semaphore(%run_scoped3A_85 : memref<!tpu.dma_semaphore, #tpu.memory_space<semaphore_mem>>)
          %dma_wait3A_92 = arith.constant 0 : i32
          %dma_wait3A_93 = tpu.memref_slice %arg7[%add3A_72, %dma_wait3A_92] : memref<40x128xi32, #tpu.memory_space<vmem>> -> memref<1x128xi32, #tpu.memory_space<vmem>>
          %dma_wait3A_94 = tpu.memref_squeeze %dma_wait3A_93 : memref<1x128xi32, #tpu.memory_space<vmem>> -> memref<128xi32, #tpu.memory_space<vmem>>
          %dma_wait3A_95 = arith.constant 0 : i32
          %dma_wait3A_96 = arith.constant 0 : i32
          %dma_wait3A_97 = tpu.memref_slice %arg2[%dma_wait3A_95, %dma_wait3A_96] : memref<10240x128xf32, #tpu.memory_space<hbm>> -> memref<10240x128xf32, #tpu.memory_space<hbm>>
          tpu.wait_indirect_dma semaphore(%run_scoped3A_85 : memref<!tpu.dma_semaphore, #tpu.memory_space<semaphore_mem>>) src(%dma_wait3A_97 : memref<10240x128xf32, #tpu.memory_space<hbm>>) dst(%arg10 : memref<128x128xf32, #tpu.memory_space<vmem>>)
          tpu.yield
        }) : () -> ()
        %dma_start3A_79 = arith.constant 0 : i32
        %dma_start3A_80 = tpu.memref_slice %arg8[%add3A_72, %dma_start3A_79] : memref<40x128xi32, #tpu.memory_space<vmem>> -> memref<1x128xi32, #tpu.memory_space<vmem>>
        %dma_start3A_81 = tpu.memref_squeeze %dma_start3A_80 : memref<1x128xi32, #tpu.memory_space<vmem>> -> memref<128xi32, #tpu.memory_space<vmem>>
        %dma_start3A_82 = arith.constant 0 : i32
        %dma_start3A_83 = arith.constant 0 : i32
        %dma_start3A_84 = tpu.memref_slice %arg11[%dma_start3A_82, %dma_start3A_83] : memref<10240x128xf32, #tpu.memory_space<vmem_shared>> -> memref<10240x128xf32, #tpu.memory_space<vmem_shared>>
        tpu.enqueue_indirect_dma source(%arg10 : memref<128x128xf32, #tpu.memory_space<vmem>>) target(%dma_start3A_84 : memref<10240x128xf32, #tpu.memory_space<vmem_shared>>) offsets(%dma_start3A_81 : memref<128xi32, #tpu.memory_space<vmem>>) semaphore(%arg13 : memref<!tpu.dma_semaphore, #tpu.memory_space<semaphore_mem>>) {add = true}
      }
      %scan3A_38 = arith.constant 19 : i32
      %dma_wait3A = arith.constant 0 : i32
      %dma_wait3A_39 = arith.constant 0 : i32
      %dma_wait3A_40 = tpu.memref_slice %arg7[%dma_wait3A, %dma_wait3A_39] : memref<40x128xi32, #tpu.memory_space<vmem>> -> memref<1x128xi32, #tpu.memory_space<vmem>>
      %dma_wait3A_41 = tpu.memref_squeeze %dma_wait3A_40 : memref<1x128xi32, #tpu.memory_space<vmem>> -> memref<128xi32, #tpu.memory_space<vmem>>
      %dma_wait3A_42 = arith.constant 0 : i32
      %dma_wait3A_43 = arith.constant 0 : i32
      %dma_wait3A_44 = tpu.memref_slice %arg2[%dma_wait3A_42, %dma_wait3A_43] : memref<10240x128xf32, #tpu.memory_space<hbm>> -> memref<10240x128xf32, #tpu.memory_space<hbm>>
      tpu.wait_indirect_dma semaphore(%arg12 : memref<!tpu.dma_semaphore, #tpu.memory_space<semaphore_mem>>) src(%dma_wait3A_44 : memref<10240x128xf32, #tpu.memory_space<hbm>>) dst(%arg9 : memref<128x128xf32, #tpu.memory_space<vmem>>)
      %dma_wait3A_45 = arith.constant 1 : i32
      %dma_wait3A_46 = arith.constant 0 : i32
      %dma_wait3A_47 = tpu.memref_slice %arg7[%dma_wait3A_45, %dma_wait3A_46] : memref<40x128xi32, #tpu.memory_space<vmem>> -> memref<1x128xi32, #tpu.memory_space<vmem>>
      %dma_wait3A_48 = tpu.memref_squeeze %dma_wait3A_47 : memref<1x128xi32, #tpu.memory_space<vmem>> -> memref<128xi32, #tpu.memory_space<vmem>>
      %dma_wait3A_49 = arith.constant 0 : i32
      %dma_wait3A_50 = arith.constant 0 : i32
      %dma_wait3A_51 = tpu.memref_slice %arg2[%dma_wait3A_49, %dma_wait3A_50] : memref<10240x128xf32, #tpu.memory_space<hbm>> -> memref<10240x128xf32, #tpu.memory_space<hbm>>
      tpu.wait_indirect_dma semaphore(%arg13 : memref<!tpu.dma_semaphore, #tpu.memory_space<semaphore_mem>>) src(%dma_wait3A_51 : memref<10240x128xf32, #tpu.memory_space<hbm>>) dst(%arg10 : memref<128x128xf32, #tpu.memory_space<vmem>>)
    } else {
    }
    %barrier3A_8 = arith.constant 0 : index
    tpu.barrier barrier_id(%barrier3A_8)
    %mul3A_9 = arith.constant 640 : i32
    %mul3A_10 = arith.muli %arg1, %mul3A_9 : i32
    %mul3A_11 = arith.constant 10240 : i32
    %mul3A_12 = arith.muli %arg0, %mul3A_11 : i32
    %mul3A_13 = arith.constant 640 : i32
    %mul3A_14 = arith.muli %arg1, %mul3A_13 : i32
    %add3A = arith.addi %mul3A_12, %mul3A_14 : i32
    "tpu.region"() ({
      %run_scoped3A = tpu.sem_alloc : memref<!tpu.dma_semaphore, #tpu.memory_space<semaphore_mem>>
      %dma_start3A = arith.constant 0 : i32
      %dma_start3A_15 = tpu.memref_slice %arg6[%add3A, %dma_start3A] : memref<20480x128xf32, #tpu.memory_space<hbm>> -> memref<640x128xf32, #tpu.memory_space<hbm>>
      %dma_start3A_16 = arith.constant 0 : i32
      %dma_start3A_17 = tpu.memref_slice %arg11[%mul3A_10, %dma_start3A_16] : memref<10240x128xf32, #tpu.memory_space<vmem_shared>> -> memref<640x128xf32, #tpu.memory_space<vmem_shared>>
      tpu.enqueue_dma source(%dma_start3A_17 : memref<640x128xf32, #tpu.memory_space<vmem_shared>>) target(%dma_start3A_15 : memref<640x128xf32, #tpu.memory_space<hbm>>) target_semaphore(%run_scoped3A : memref<!tpu.dma_semaphore, #tpu.memory_space<semaphore_mem>>)
      %dma_wait3A = arith.constant 0 : i32
      %dma_wait3A_18 = tpu.memref_slice %arg6[%add3A, %dma_wait3A] : memref<20480x128xf32, #tpu.memory_space<hbm>> -> memref<640x128xf32, #tpu.memory_space<hbm>>
      %dma_wait3A_19 = arith.constant 0 : i32
      %dma_wait3A_20 = tpu.memref_slice %arg11[%mul3A_10, %dma_wait3A_19] : memref<10240x128xf32, #tpu.memory_space<vmem_shared>> -> memref<640x128xf32, #tpu.memory_space<vmem_shared>>
      tpu.wait_dma2 semaphore(%run_scoped3A : memref<!tpu.dma_semaphore, #tpu.memory_space<semaphore_mem>>) src(%dma_wait3A_20 : memref<640x128xf32, #tpu.memory_space<vmem_shared>>) dst(%dma_wait3A_18 : memref<640x128xf32, #tpu.memory_space<hbm>>)
      tpu.yield
    }) : () -> ()
    return
  }
}

#map = affine_map<(d0, d1) -> (0, 0)>
module attributes {stable_mosaic.version = 14 : i64} {
  func.func @seg(%arg0: i32, %arg1: i32, %arg2: memref<10240x128xf32, #tpu.memory_space<hbm>>, %arg3: memref<2560x128xi32, #tpu.memory_space<hbm>>, %arg4: memref<2560x128xi32, #tpu.memory_space<hbm>>, %arg5: memref<640x128xf32, #tpu.memory_space<hbm>>, %arg6: memref<20480x128xf32, #tpu.memory_space<hbm>>, %arg7: memref<40x128xi32, #tpu.memory_space<vmem>>, %arg8: memref<40x128xi32, #tpu.memory_space<vmem>>, %arg9: memref<128x128xf32, #tpu.memory_space<vmem>>, %arg10: memref<128x128xf32, #tpu.memory_space<vmem>>, %arg11: memref<10240x128xf32, #tpu.memory_space<vmem_shared>>, %arg12: memref<!tpu.dma_semaphore, #tpu.memory_space<semaphore_mem>>, %arg13: memref<!tpu.dma_semaphore, #tpu.memory_space<semaphore_mem>>) attributes {dimension_semantics = [#tpu.dimension_semantics<core_parallel>, #tpu.dimension_semantics<subcore_parallel>], iteration_bounds = array<i64: 2, 16>, scalar_prefetch = 0 : i64, scratch_operands = 7 : i64, tpu.core_type = #tpu.core_type<sc_vector_subcore>, window_params = [{transform_indices = #map}, {transform_indices = #map}, {transform_indices = #map}, {transform_indices = #map}, {transform_indices = #map}]} {
    %mul3A = arith.constant 640 : i32
    %mul3A_0 = arith.muli %arg1, %mul3A : i32
    "tpu.region"() ({
      %run_scoped3A = tpu.sem_alloc : memref<!tpu.dma_semaphore, #tpu.memory_space<semaphore_mem>>
      %dma_start3A = arith.constant 0 : i32
      %dma_start3A_15 = tpu.memref_slice %arg11[%mul3A_0, %dma_start3A] : memref<10240x128xf32, #tpu.memory_space<vmem_shared>> -> memref<640x128xf32, #tpu.memory_space<vmem_shared>>
      tpu.enqueue_dma source(%arg5 : memref<640x128xf32, #tpu.memory_space<hbm>>) target(%dma_start3A_15 : memref<640x128xf32, #tpu.memory_space<vmem_shared>>) target_semaphore(%run_scoped3A : memref<!tpu.dma_semaphore, #tpu.memory_space<semaphore_mem>>)
      %dma_wait3A = arith.constant 0 : i32
      %dma_wait3A_16 = tpu.memref_slice %arg11[%mul3A_0, %dma_wait3A] : memref<10240x128xf32, #tpu.memory_space<vmem_shared>> -> memref<640x128xf32, #tpu.memory_space<vmem_shared>>
      tpu.wait_dma2 semaphore(%run_scoped3A : memref<!tpu.dma_semaphore, #tpu.memory_space<semaphore_mem>>) src(%arg5 : memref<640x128xf32, #tpu.memory_space<hbm>>) dst(%dma_wait3A_16 : memref<640x128xf32, #tpu.memory_space<vmem_shared>>)
      tpu.yield
    }) : () -> ()
    %barrier3A = arith.constant 0 : index
    tpu.barrier barrier_id(%barrier3A)
    %eq3A = arith.constant 0 : i32
    %eq3A_1 = arith.cmpi eq, %arg0, %eq3A : i32
    %convert_element_type3A = arith.extui %eq3A_1 : i1 to i32
    %cond3A = arith.constant 0 : i32
    %cond3A_2 = arith.cmpi ne, %convert_element_type3A, %cond3A : i32
    scf.if %cond3A_2 {
      %mul3A_15 = arith.constant 120 : i32
      %mul3A_16 = arith.muli %arg1, %mul3A_15 : i32
      %add3A_17 = arith.constant 0 : i32
      %add3A_18 = arith.addi %mul3A_16, %add3A_17 : i32
      "tpu.region"() ({
        %run_scoped3A_124 = tpu.sem_alloc : memref<!tpu.dma_semaphore, #tpu.memory_space<semaphore_mem>>
        %dma_start3A_125 = arith.constant 0 : i32
        %dma_start3A_126 = tpu.memref_slice %arg3[%add3A_18, %dma_start3A_125] : memref<2560x128xi32, #tpu.memory_space<hbm>> -> memref<40x128xi32, #tpu.memory_space<hbm>>
        %dma_start3A_127 = arith.constant 0 : i32
        %dma_start3A_128 = tpu.memref_slice %arg3[%add3A_18, %dma_start3A_127] : memref<2560x128xi32, #tpu.memory_space<hbm>> -> memref<40x128xi32, #tpu.memory_space<hbm>>
        tpu.enqueue_dma source(%dma_start3A_128 : memref<40x128xi32, #tpu.memory_space<hbm>>) target(%arg7 : memref<40x128xi32, #tpu.memory_space<vmem>>) target_semaphore(%run_scoped3A_124 : memref<!tpu.dma_semaphore, #tpu.memory_space<semaphore_mem>>)
        %dma_wait3A_129 = arith.constant 0 : i32
        %dma_wait3A_130 = tpu.memref_slice %arg3[%add3A_18, %dma_wait3A_129] : memref<2560x128xi32, #tpu.memory_space<hbm>> -> memref<40x128xi32, #tpu.memory_space<hbm>>
        %dma_wait3A_131 = arith.constant 0 : i32
        %dma_wait3A_132 = tpu.memref_slice %arg3[%add3A_18, %dma_wait3A_131] : memref<2560x128xi32, #tpu.memory_space<hbm>> -> memref<40x128xi32, #tpu.memory_space<hbm>>
        tpu.wait_dma2 semaphore(%run_scoped3A_124 : memref<!tpu.dma_semaphore, #tpu.memory_space<semaphore_mem>>) src(%dma_wait3A_132 : memref<40x128xi32, #tpu.memory_space<hbm>>) dst(%arg7 : memref<40x128xi32, #tpu.memory_space<vmem>>)
        tpu.yield
      }) : () -> ()
      "tpu.region"() ({
        %run_scoped3A_124 = tpu.sem_alloc : memref<!tpu.dma_semaphore, #tpu.memory_space<semaphore_mem>>
        %dma_start3A_125 = arith.constant 0 : i32
        %dma_start3A_126 = tpu.memref_slice %arg4[%add3A_18, %dma_start3A_125] : memref<2560x128xi32, #tpu.memory_space<hbm>> -> memref<40x128xi32, #tpu.memory_space<hbm>>
        %dma_start3A_127 = arith.constant 0 : i32
        %dma_start3A_128 = tpu.memref_slice %arg4[%add3A_18, %dma_start3A_127] : memref<2560x128xi32, #tpu.memory_space<hbm>> -> memref<40x128xi32, #tpu.memory_space<hbm>>
        tpu.enqueue_dma source(%dma_start3A_128 : memref<40x128xi32, #tpu.memory_space<hbm>>) target(%arg8 : memref<40x128xi32, #tpu.memory_space<vmem>>) target_semaphore(%run_scoped3A_124 : memref<!tpu.dma_semaphore, #tpu.memory_space<semaphore_mem>>)
        %dma_wait3A_129 = arith.constant 0 : i32
        %dma_wait3A_130 = tpu.memref_slice %arg4[%add3A_18, %dma_wait3A_129] : memref<2560x128xi32, #tpu.memory_space<hbm>> -> memref<40x128xi32, #tpu.memory_space<hbm>>
        %dma_wait3A_131 = arith.constant 0 : i32
        %dma_wait3A_132 = tpu.memref_slice %arg4[%add3A_18, %dma_wait3A_131] : memref<2560x128xi32, #tpu.memory_space<hbm>> -> memref<40x128xi32, #tpu.memory_space<hbm>>
        tpu.wait_dma2 semaphore(%run_scoped3A_124 : memref<!tpu.dma_semaphore, #tpu.memory_space<semaphore_mem>>) src(%dma_wait3A_132 : memref<40x128xi32, #tpu.memory_space<hbm>>) dst(%arg8 : memref<40x128xi32, #tpu.memory_space<vmem>>)
        tpu.yield
      }) : () -> ()
      %run_scoped3A = arith.constant 0 : i32
      "tpu.region"() ({
        %run_scoped3A_124 = tpu.sem_alloc : memref<!tpu.dma_semaphore, #tpu.memory_space<semaphore_mem>>
        %dma_start3A_125 = arith.constant 0 : i32
        %dma_start3A_126 = tpu.memref_slice %arg7[%run_scoped3A, %dma_start3A_125] : memref<40x128xi32, #tpu.memory_space<vmem>> -> memref<1x128xi32, #tpu.memory_space<vmem>>
        %dma_start3A_127 = tpu.memref_squeeze %dma_start3A_126 : memref<1x128xi32, #tpu.memory_space<vmem>> -> memref<128xi32, #tpu.memory_space<vmem>>
        %dma_start3A_128 = arith.constant 0 : i32
        %dma_start3A_129 = arith.constant 0 : i32
        %dma_start3A_130 = tpu.memref_slice %arg2[%dma_start3A_128, %dma_start3A_129] : memref<10240x128xf32, #tpu.memory_space<hbm>> -> memref<10240x128xf32, #tpu.memory_space<hbm>>
        tpu.enqueue_indirect_dma source(%dma_start3A_130 : memref<10240x128xf32, #tpu.memory_space<hbm>>) target(%arg9 : memref<128x128xf32, #tpu.memory_space<vmem>>) offsets(%dma_start3A_127 : memref<128xi32, #tpu.memory_space<vmem>>) semaphore(%run_scoped3A_124 : memref<!tpu.dma_semaphore, #tpu.memory_space<semaphore_mem>>)
        %dma_wait3A_131 = arith.constant 0 : i32
        %dma_wait3A_132 = tpu.memref_slice %arg7[%run_scoped3A, %dma_wait3A_131] : memref<40x128xi32, #tpu.memory_space<vmem>> -> memref<1x128xi32, #tpu.memory_space<vmem>>
        %dma_wait3A_133 = tpu.memref_squeeze %dma_wait3A_132 : memref<1x128xi32, #tpu.memory_space<vmem>> -> memref<128xi32, #tpu.memory_space<vmem>>
        %dma_wait3A_134 = arith.constant 0 : i32
        %dma_wait3A_135 = arith.constant 0 : i32
        %dma_wait3A_136 = tpu.memref_slice %arg2[%dma_wait3A_134, %dma_wait3A_135] : memref<10240x128xf32, #tpu.memory_space<hbm>> -> memref<10240x128xf32, #tpu.memory_space<hbm>>
        tpu.wait_indirect_dma semaphore(%run_scoped3A_124 : memref<!tpu.dma_semaphore, #tpu.memory_space<semaphore_mem>>) src(%dma_wait3A_136 : memref<10240x128xf32, #tpu.memory_space<hbm>>) dst(%arg9 : memref<128x128xf32, #tpu.memory_space<vmem>>)
        tpu.yield
      }) : () -> ()
      %dma_start3A = arith.constant 0 : i32
      %dma_start3A_19 = arith.constant 0 : i32
      %dma_start3A_20 = tpu.memref_slice %arg8[%dma_start3A, %dma_start3A_19] : memref<40x128xi32, #tpu.memory_space<vmem>> -> memref<1x128xi32, #tpu.memory_space<vmem>>
      %dma_start3A_21 = tpu.memref_squeeze %dma_start3A_20 : memref<1x128xi32, #tpu.memory_space<vmem>> -> memref<128xi32, #tpu.memory_space<vmem>>
      %dma_start3A_22 = arith.constant 0 : i32
      %dma_start3A_23 = arith.constant 0 : i32
      %dma_start3A_24 = tpu.memref_slice %arg11[%dma_start3A_22, %dma_start3A_23] : memref<10240x128xf32, #tpu.memory_space<vmem_shared>> -> memref<10240x128xf32, #tpu.memory_space<vmem_shared>>
      tpu.enqueue_indirect_dma source(%arg9 : memref<128x128xf32, #tpu.memory_space<vmem>>) target(%dma_start3A_24 : memref<10240x128xf32, #tpu.memory_space<vmem_shared>>) offsets(%dma_start3A_21 : memref<128xi32, #tpu.memory_space<vmem>>) semaphore(%arg12 : memref<!tpu.dma_semaphore, #tpu.memory_space<semaphore_mem>>) {add = true}
      %run_scoped3A_25 = arith.constant 1 : i32
      "tpu.region"() ({
        %run_scoped3A_124 = tpu.sem_alloc : memref<!tpu.dma_semaphore, #tpu.memory_space<semaphore_mem>>
        %dma_start3A_125 = arith.constant 0 : i32
        %dma_start3A_126 = tpu.memref_slice %arg7[%run_scoped3A_25, %dma_start3A_125] : memref<40x128xi32, #tpu.memory_space<vmem>> -> memref<1x128xi32, #tpu.memory_space<vmem>>
        %dma_start3A_127 = tpu.memref_squeeze %dma_start3A_126 : memref<1x128xi32, #tpu.memory_space<vmem>> -> memref<128xi32, #tpu.memory_space<vmem>>
        %dma_start3A_128 = arith.constant 0 : i32
        %dma_start3A_129 = arith.constant 0 : i32
        %dma_start3A_130 = tpu.memref_slice %arg2[%dma_start3A_128, %dma_start3A_129] : memref<10240x128xf32, #tpu.memory_space<hbm>> -> memref<10240x128xf32, #tpu.memory_space<hbm>>
        tpu.enqueue_indirect_dma source(%dma_start3A_130 : memref<10240x128xf32, #tpu.memory_space<hbm>>) target(%arg10 : memref<128x128xf32, #tpu.memory_space<vmem>>) offsets(%dma_start3A_127 : memref<128xi32, #tpu.memory_space<vmem>>) semaphore(%run_scoped3A_124 : memref<!tpu.dma_semaphore, #tpu.memory_space<semaphore_mem>>)
        %dma_wait3A_131 = arith.constant 0 : i32
        %dma_wait3A_132 = tpu.memref_slice %arg7[%run_scoped3A_25, %dma_wait3A_131] : memref<40x128xi32, #tpu.memory_space<vmem>> -> memref<1x128xi32, #tpu.memory_space<vmem>>
        %dma_wait3A_133 = tpu.memref_squeeze %dma_wait3A_132 : memref<1x128xi32, #tpu.memory_space<vmem>> -> memref<128xi32, #tpu.memory_space<vmem>>
        %dma_wait3A_134 = arith.constant 0 : i32
        %dma_wait3A_135 = arith.constant 0 : i32
        %dma_wait3A_136 = tpu.memref_slice %arg2[%dma_wait3A_134, %dma_wait3A_135] : memref<10240x128xf32, #tpu.memory_space<hbm>> -> memref<10240x128xf32, #tpu.memory_space<hbm>>
        tpu.wait_indirect_dma semaphore(%run_scoped3A_124 : memref<!tpu.dma_semaphore, #tpu.memory_space<semaphore_mem>>) src(%dma_wait3A_136 : memref<10240x128xf32, #tpu.memory_space<hbm>>) dst(%arg10 : memref<128x128xf32, #tpu.memory_space<vmem>>)
        tpu.yield
      }) : () -> ()
      %dma_start3A_26 = arith.constant 1 : i32
      %dma_start3A_27 = arith.constant 0 : i32
      %dma_start3A_28 = tpu.memref_slice %arg8[%dma_start3A_26, %dma_start3A_27] : memref<40x128xi32, #tpu.memory_space<vmem>> -> memref<1x128xi32, #tpu.memory_space<vmem>>
      %dma_start3A_29 = tpu.memref_squeeze %dma_start3A_28 : memref<1x128xi32, #tpu.memory_space<vmem>> -> memref<128xi32, #tpu.memory_space<vmem>>
      %dma_start3A_30 = arith.constant 0 : i32
      %dma_start3A_31 = arith.constant 0 : i32
      %dma_start3A_32 = tpu.memref_slice %arg11[%dma_start3A_30, %dma_start3A_31] : memref<10240x128xf32, #tpu.memory_space<vmem_shared>> -> memref<10240x128xf32, #tpu.memory_space<vmem_shared>>
      tpu.enqueue_indirect_dma source(%arg10 : memref<128x128xf32, #tpu.memory_space<vmem>>) target(%dma_start3A_32 : memref<10240x128xf32, #tpu.memory_space<vmem_shared>>) offsets(%dma_start3A_29 : memref<128xi32, #tpu.memory_space<vmem>>) semaphore(%arg13 : memref<!tpu.dma_semaphore, #tpu.memory_space<semaphore_mem>>) {add = true}
      %scan3A = arith.constant 0 : i32
      %scan3A_33 = arith.constant 19 : i32
      %scan3A_34 = arith.addi %scan3A, %scan3A_33 : i32
      %scan3A_35 = arith.constant 1 : i32
      scf.for %scan3A_124 = %scan3A to %scan3A_34 step %scan3A_35  : i32 {
        %mul3A_125 = arith.constant 2 : i32
        %mul3A_126 = arith.muli %scan3A_124, %mul3A_125 : i32
        %add3A_127 = arith.constant 2 : i32
        %add3A_128 = arith.addi %add3A_127, %mul3A_126 : i32
        %add3A_129 = arith.constant 0 : i32
        %add3A_130 = arith.addi %add3A_128, %add3A_129 : i32
        %dma_wait3A_131 = arith.constant 0 : i32
        %dma_wait3A_132 = tpu.memref_slice %arg7[%add3A_130, %dma_wait3A_131] : memref<40x128xi32, #tpu.memory_space<vmem>> -> memref<1x128xi32, #tpu.memory_space<vmem>>
        %dma_wait3A_133 = tpu.memref_squeeze %dma_wait3A_132 : memref<1x128xi32, #tpu.memory_space<vmem>> -> memref<128xi32, #tpu.memory_space<vmem>>
        %dma_wait3A_134 = arith.constant 0 : i32
        %dma_wait3A_135 = arith.constant 0 : i32
        %dma_wait3A_136 = tpu.memref_slice %arg2[%dma_wait3A_134, %dma_wait3A_135] : memref<10240x128xf32, #tpu.memory_space<hbm>> -> memref<10240x128xf32, #tpu.memory_space<hbm>>
        tpu.wait_indirect_dma semaphore(%arg12 : memref<!tpu.dma_semaphore, #tpu.memory_space<semaphore_mem>>) src(%dma_wait3A_136 : memref<10240x128xf32, #tpu.memory_space<hbm>>) dst(%arg9 : memref<128x128xf32, #tpu.memory_space<vmem>>)
        "tpu.region"() ({
          %run_scoped3A_157 = tpu.sem_alloc : memref<!tpu.dma_semaphore, #tpu.memory_space<semaphore_mem>>
          %dma_start3A_158 = arith.constant 0 : i32
          %dma_start3A_159 = tpu.memref_slice %arg7[%add3A_130, %dma_start3A_158] : memref<40x128xi32, #tpu.memory_space<vmem>> -> memref<1x128xi32, #tpu.memory_space<vmem>>
          %dma_start3A_160 = tpu.memref_squeeze %dma_start3A_159 : memref<1x128xi32, #tpu.memory_space<vmem>> -> memref<128xi32, #tpu.memory_space<vmem>>
          %dma_start3A_161 = arith.constant 0 : i32
          %dma_start3A_162 = arith.constant 0 : i32
          %dma_start3A_163 = tpu.memref_slice %arg2[%dma_start3A_161, %dma_start3A_162] : memref<10240x128xf32, #tpu.memory_space<hbm>> -> memref<10240x128xf32, #tpu.memory_space<hbm>>
          tpu.enqueue_indirect_dma source(%dma_start3A_163 : memref<10240x128xf32, #tpu.memory_space<hbm>>) target(%arg9 : memref<128x128xf32, #tpu.memory_space<vmem>>) offsets(%dma_start3A_160 : memref<128xi32, #tpu.memory_space<vmem>>) semaphore(%run_scoped3A_157 : memref<!tpu.dma_semaphore, #tpu.memory_space<semaphore_mem>>)
          %dma_wait3A_164 = arith.constant 0 : i32
          %dma_wait3A_165 = tpu.memref_slice %arg7[%add3A_130, %dma_wait3A_164] : memref<40x128xi32, #tpu.memory_space<vmem>> -> memref<1x128xi32, #tpu.memory_space<vmem>>
          %dma_wait3A_166 = tpu.memref_squeeze %dma_wait3A_165 : memref<1x128xi32, #tpu.memory_space<vmem>> -> memref<128xi32, #tpu.memory_space<vmem>>
          %dma_wait3A_167 = arith.constant 0 : i32
          %dma_wait3A_168 = arith.constant 0 : i32
          %dma_wait3A_169 = tpu.memref_slice %arg2[%dma_wait3A_167, %dma_wait3A_168] : memref<10240x128xf32, #tpu.memory_space<hbm>> -> memref<10240x128xf32, #tpu.memory_space<hbm>>
          tpu.wait_indirect_dma semaphore(%run_scoped3A_157 : memref<!tpu.dma_semaphore, #tpu.memory_space<semaphore_mem>>) src(%dma_wait3A_169 : memref<10240x128xf32, #tpu.memory_space<hbm>>) dst(%arg9 : memref<128x128xf32, #tpu.memory_space<vmem>>)
          tpu.yield
        }) : () -> ()
        %dma_start3A_137 = arith.constant 0 : i32
        %dma_start3A_138 = tpu.memref_slice %arg8[%add3A_130, %dma_start3A_137] : memref<40x128xi32, #tpu.memory_space<vmem>> -> memref<1x128xi32, #tpu.memory_space<vmem>>
        %dma_start3A_139 = tpu.memref_squeeze %dma_start3A_138 : memref<1x128xi32, #tpu.memory_space<vmem>> -> memref<128xi32, #tpu.memory_space<vmem>>
        %dma_start3A_140 = arith.constant 0 : i32
        %dma_start3A_141 = arith.constant 0 : i32
        %dma_start3A_142 = tpu.memref_slice %arg11[%dma_start3A_140, %dma_start3A_141] : memref<10240x128xf32, #tpu.memory_space<vmem_shared>> -> memref<10240x128xf32, #tpu.memory_space<vmem_shared>>
        tpu.enqueue_indirect_dma source(%arg9 : memref<128x128xf32, #tpu.memory_space<vmem>>) target(%dma_start3A_142 : memref<10240x128xf32, #tpu.memory_space<vmem_shared>>) offsets(%dma_start3A_139 : memref<128xi32, #tpu.memory_space<vmem>>) semaphore(%arg12 : memref<!tpu.dma_semaphore, #tpu.memory_space<semaphore_mem>>) {add = true}
        %add3A_143 = arith.constant 1 : i32
        %add3A_144 = arith.addi %add3A_128, %add3A_143 : i32
        %dma_wait3A_145 = arith.constant 0 : i32
        %dma_wait3A_146 = tpu.memref_slice %arg7[%add3A_144, %dma_wait3A_145] : memref<40x128xi32, #tpu.memory_space<vmem>> -> memref<1x128xi32, #tpu.memory_space<vmem>>
        %dma_wait3A_147 = tpu.memref_squeeze %dma_wait3A_146 : memref<1x128xi32, #tpu.memory_space<vmem>> -> memref<128xi32, #tpu.memory_space<vmem>>
        %dma_wait3A_148 = arith.constant 0 : i32
        %dma_wait3A_149 = arith.constant 0 : i32
        %dma_wait3A_150 = tpu.memref_slice %arg2[%dma_wait3A_148, %dma_wait3A_149] : memref<10240x128xf32, #tpu.memory_space<hbm>> -> memref<10240x128xf32, #tpu.memory_space<hbm>>
        tpu.wait_indirect_dma semaphore(%arg13 : memref<!tpu.dma_semaphore, #tpu.memory_space<semaphore_mem>>) src(%dma_wait3A_150 : memref<10240x128xf32, #tpu.memory_space<hbm>>) dst(%arg10 : memref<128x128xf32, #tpu.memory_space<vmem>>)
        "tpu.region"() ({
          %run_scoped3A_157 = tpu.sem_alloc : memref<!tpu.dma_semaphore, #tpu.memory_space<semaphore_mem>>
          %dma_start3A_158 = arith.constant 0 : i32
          %dma_start3A_159 = tpu.memref_slice %arg7[%add3A_144, %dma_start3A_158] : memref<40x128xi32, #tpu.memory_space<vmem>> -> memref<1x128xi32, #tpu.memory_space<vmem>>
          %dma_start3A_160 = tpu.memref_squeeze %dma_start3A_159 : memref<1x128xi32, #tpu.memory_space<vmem>> -> memref<128xi32, #tpu.memory_space<vmem>>
          %dma_start3A_161 = arith.constant 0 : i32
          %dma_start3A_162 = arith.constant 0 : i32
          %dma_start3A_163 = tpu.memref_slice %arg2[%dma_start3A_161, %dma_start3A_162] : memref<10240x128xf32, #tpu.memory_space<hbm>> -> memref<10240x128xf32, #tpu.memory_space<hbm>>
          tpu.enqueue_indirect_dma source(%dma_start3A_163 : memref<10240x128xf32, #tpu.memory_space<hbm>>) target(%arg10 : memref<128x128xf32, #tpu.memory_space<vmem>>) offsets(%dma_start3A_160 : memref<128xi32, #tpu.memory_space<vmem>>) semaphore(%run_scoped3A_157 : memref<!tpu.dma_semaphore, #tpu.memory_space<semaphore_mem>>)
          %dma_wait3A_164 = arith.constant 0 : i32
          %dma_wait3A_165 = tpu.memref_slice %arg7[%add3A_144, %dma_wait3A_164] : memref<40x128xi32, #tpu.memory_space<vmem>> -> memref<1x128xi32, #tpu.memory_space<vmem>>
          %dma_wait3A_166 = tpu.memref_squeeze %dma_wait3A_165 : memref<1x128xi32, #tpu.memory_space<vmem>> -> memref<128xi32, #tpu.memory_space<vmem>>
          %dma_wait3A_167 = arith.constant 0 : i32
          %dma_wait3A_168 = arith.constant 0 : i32
          %dma_wait3A_169 = tpu.memref_slice %arg2[%dma_wait3A_167, %dma_wait3A_168] : memref<10240x128xf32, #tpu.memory_space<hbm>> -> memref<10240x128xf32, #tpu.memory_space<hbm>>
          tpu.wait_indirect_dma semaphore(%run_scoped3A_157 : memref<!tpu.dma_semaphore, #tpu.memory_space<semaphore_mem>>) src(%dma_wait3A_169 : memref<10240x128xf32, #tpu.memory_space<hbm>>) dst(%arg10 : memref<128x128xf32, #tpu.memory_space<vmem>>)
          tpu.yield
        }) : () -> ()
        %dma_start3A_151 = arith.constant 0 : i32
        %dma_start3A_152 = tpu.memref_slice %arg8[%add3A_144, %dma_start3A_151] : memref<40x128xi32, #tpu.memory_space<vmem>> -> memref<1x128xi32, #tpu.memory_space<vmem>>
        %dma_start3A_153 = tpu.memref_squeeze %dma_start3A_152 : memref<1x128xi32, #tpu.memory_space<vmem>> -> memref<128xi32, #tpu.memory_space<vmem>>
        %dma_start3A_154 = arith.constant 0 : i32
        %dma_start3A_155 = arith.constant 0 : i32
        %dma_start3A_156 = tpu.memref_slice %arg11[%dma_start3A_154, %dma_start3A_155] : memref<10240x128xf32, #tpu.memory_space<vmem_shared>> -> memref<10240x128xf32, #tpu.memory_space<vmem_shared>>
        tpu.enqueue_indirect_dma source(%arg10 : memref<128x128xf32, #tpu.memory_space<vmem>>) target(%dma_start3A_156 : memref<10240x128xf32, #tpu.memory_space<vmem_shared>>) offsets(%dma_start3A_153 : memref<128xi32, #tpu.memory_space<vmem>>) semaphore(%arg13 : memref<!tpu.dma_semaphore, #tpu.memory_space<semaphore_mem>>) {add = true}
      }
      %scan3A_36 = arith.constant 19 : i32
      %dma_wait3A = arith.constant 0 : i32
      %dma_wait3A_37 = arith.constant 0 : i32
      %dma_wait3A_38 = tpu.memref_slice %arg7[%dma_wait3A, %dma_wait3A_37] : memref<40x128xi32, #tpu.memory_space<vmem>> -> memref<1x128xi32, #tpu.memory_space<vmem>>
      %dma_wait3A_39 = tpu.memref_squeeze %dma_wait3A_38 : memref<1x128xi32, #tpu.memory_space<vmem>> -> memref<128xi32, #tpu.memory_space<vmem>>
      %dma_wait3A_40 = arith.constant 0 : i32
      %dma_wait3A_41 = arith.constant 0 : i32
      %dma_wait3A_42 = tpu.memref_slice %arg2[%dma_wait3A_40, %dma_wait3A_41] : memref<10240x128xf32, #tpu.memory_space<hbm>> -> memref<10240x128xf32, #tpu.memory_space<hbm>>
      tpu.wait_indirect_dma semaphore(%arg12 : memref<!tpu.dma_semaphore, #tpu.memory_space<semaphore_mem>>) src(%dma_wait3A_42 : memref<10240x128xf32, #tpu.memory_space<hbm>>) dst(%arg9 : memref<128x128xf32, #tpu.memory_space<vmem>>)
      %dma_wait3A_43 = arith.constant 1 : i32
      %dma_wait3A_44 = arith.constant 0 : i32
      %dma_wait3A_45 = tpu.memref_slice %arg7[%dma_wait3A_43, %dma_wait3A_44] : memref<40x128xi32, #tpu.memory_space<vmem>> -> memref<1x128xi32, #tpu.memory_space<vmem>>
      %dma_wait3A_46 = tpu.memref_squeeze %dma_wait3A_45 : memref<1x128xi32, #tpu.memory_space<vmem>> -> memref<128xi32, #tpu.memory_space<vmem>>
      %dma_wait3A_47 = arith.constant 0 : i32
      %dma_wait3A_48 = arith.constant 0 : i32
      %dma_wait3A_49 = tpu.memref_slice %arg2[%dma_wait3A_47, %dma_wait3A_48] : memref<10240x128xf32, #tpu.memory_space<hbm>> -> memref<10240x128xf32, #tpu.memory_space<hbm>>
      tpu.wait_indirect_dma semaphore(%arg13 : memref<!tpu.dma_semaphore, #tpu.memory_space<semaphore_mem>>) src(%dma_wait3A_49 : memref<10240x128xf32, #tpu.memory_space<hbm>>) dst(%arg10 : memref<128x128xf32, #tpu.memory_space<vmem>>)
      %add3A_50 = arith.constant 40 : i32
      %add3A_51 = arith.addi %mul3A_16, %add3A_50 : i32
      "tpu.region"() ({
        %run_scoped3A_124 = tpu.sem_alloc : memref<!tpu.dma_semaphore, #tpu.memory_space<semaphore_mem>>
        %dma_start3A_125 = arith.constant 0 : i32
        %dma_start3A_126 = tpu.memref_slice %arg3[%add3A_51, %dma_start3A_125] : memref<2560x128xi32, #tpu.memory_space<hbm>> -> memref<40x128xi32, #tpu.memory_space<hbm>>
        %dma_start3A_127 = arith.constant 0 : i32
        %dma_start3A_128 = tpu.memref_slice %arg3[%add3A_51, %dma_start3A_127] : memref<2560x128xi32, #tpu.memory_space<hbm>> -> memref<40x128xi32, #tpu.memory_space<hbm>>
        tpu.enqueue_dma source(%dma_start3A_128 : memref<40x128xi32, #tpu.memory_space<hbm>>) target(%arg7 : memref<40x128xi32, #tpu.memory_space<vmem>>) target_semaphore(%run_scoped3A_124 : memref<!tpu.dma_semaphore, #tpu.memory_space<semaphore_mem>>)
        %dma_wait3A_129 = arith.constant 0 : i32
        %dma_wait3A_130 = tpu.memref_slice %arg3[%add3A_51, %dma_wait3A_129] : memref<2560x128xi32, #tpu.memory_space<hbm>> -> memref<40x128xi32, #tpu.memory_space<hbm>>
        %dma_wait3A_131 = arith.constant 0 : i32
        %dma_wait3A_132 = tpu.memref_slice %arg3[%add3A_51, %dma_wait3A_131] : memref<2560x128xi32, #tpu.memory_space<hbm>> -> memref<40x128xi32, #tpu.memory_space<hbm>>
        tpu.wait_dma2 semaphore(%run_scoped3A_124 : memref<!tpu.dma_semaphore, #tpu.memory_space<semaphore_mem>>) src(%dma_wait3A_132 : memref<40x128xi32, #tpu.memory_space<hbm>>) dst(%arg7 : memref<40x128xi32, #tpu.memory_space<vmem>>)
        tpu.yield
      }) : () -> ()
      "tpu.region"() ({
        %run_scoped3A_124 = tpu.sem_alloc : memref<!tpu.dma_semaphore, #tpu.memory_space<semaphore_mem>>
        %dma_start3A_125 = arith.constant 0 : i32
        %dma_start3A_126 = tpu.memref_slice %arg4[%add3A_51, %dma_start3A_125] : memref<2560x128xi32, #tpu.memory_space<hbm>> -> memref<40x128xi32, #tpu.memory_space<hbm>>
        %dma_start3A_127 = arith.constant 0 : i32
        %dma_start3A_128 = tpu.memref_slice %arg4[%add3A_51, %dma_start3A_127] : memref<2560x128xi32, #tpu.memory_space<hbm>> -> memref<40x128xi32, #tpu.memory_space<hbm>>
        tpu.enqueue_dma source(%dma_start3A_128 : memref<40x128xi32, #tpu.memory_space<hbm>>) target(%arg8 : memref<40x128xi32, #tpu.memory_space<vmem>>) target_semaphore(%run_scoped3A_124 : memref<!tpu.dma_semaphore, #tpu.memory_space<semaphore_mem>>)
        %dma_wait3A_129 = arith.constant 0 : i32
        %dma_wait3A_130 = tpu.memref_slice %arg4[%add3A_51, %dma_wait3A_129] : memref<2560x128xi32, #tpu.memory_space<hbm>> -> memref<40x128xi32, #tpu.memory_space<hbm>>
        %dma_wait3A_131 = arith.constant 0 : i32
        %dma_wait3A_132 = tpu.memref_slice %arg4[%add3A_51, %dma_wait3A_131] : memref<2560x128xi32, #tpu.memory_space<hbm>> -> memref<40x128xi32, #tpu.memory_space<hbm>>
        tpu.wait_dma2 semaphore(%run_scoped3A_124 : memref<!tpu.dma_semaphore, #tpu.memory_space<semaphore_mem>>) src(%dma_wait3A_132 : memref<40x128xi32, #tpu.memory_space<hbm>>) dst(%arg8 : memref<40x128xi32, #tpu.memory_space<vmem>>)
        tpu.yield
      }) : () -> ()
      %run_scoped3A_52 = arith.constant 0 : i32
      "tpu.region"() ({
        %run_scoped3A_124 = tpu.sem_alloc : memref<!tpu.dma_semaphore, #tpu.memory_space<semaphore_mem>>
        %dma_start3A_125 = arith.constant 0 : i32
        %dma_start3A_126 = tpu.memref_slice %arg7[%run_scoped3A_52, %dma_start3A_125] : memref<40x128xi32, #tpu.memory_space<vmem>> -> memref<1x128xi32, #tpu.memory_space<vmem>>
        %dma_start3A_127 = tpu.memref_squeeze %dma_start3A_126 : memref<1x128xi32, #tpu.memory_space<vmem>> -> memref<128xi32, #tpu.memory_space<vmem>>
        %dma_start3A_128 = arith.constant 0 : i32
        %dma_start3A_129 = arith.constant 0 : i32
        %dma_start3A_130 = tpu.memref_slice %arg2[%dma_start3A_128, %dma_start3A_129] : memref<10240x128xf32, #tpu.memory_space<hbm>> -> memref<10240x128xf32, #tpu.memory_space<hbm>>
        tpu.enqueue_indirect_dma source(%dma_start3A_130 : memref<10240x128xf32, #tpu.memory_space<hbm>>) target(%arg9 : memref<128x128xf32, #tpu.memory_space<vmem>>) offsets(%dma_start3A_127 : memref<128xi32, #tpu.memory_space<vmem>>) semaphore(%run_scoped3A_124 : memref<!tpu.dma_semaphore, #tpu.memory_space<semaphore_mem>>)
        %dma_wait3A_131 = arith.constant 0 : i32
        %dma_wait3A_132 = tpu.memref_slice %arg7[%run_scoped3A_52, %dma_wait3A_131] : memref<40x128xi32, #tpu.memory_space<vmem>> -> memref<1x128xi32, #tpu.memory_space<vmem>>
        %dma_wait3A_133 = tpu.memref_squeeze %dma_wait3A_132 : memref<1x128xi32, #tpu.memory_space<vmem>> -> memref<128xi32, #tpu.memory_space<vmem>>
        %dma_wait3A_134 = arith.constant 0 : i32
        %dma_wait3A_135 = arith.constant 0 : i32
        %dma_wait3A_136 = tpu.memref_slice %arg2[%dma_wait3A_134, %dma_wait3A_135] : memref<10240x128xf32, #tpu.memory_space<hbm>> -> memref<10240x128xf32, #tpu.memory_space<hbm>>
        tpu.wait_indirect_dma semaphore(%run_scoped3A_124 : memref<!tpu.dma_semaphore, #tpu.memory_space<semaphore_mem>>) src(%dma_wait3A_136 : memref<10240x128xf32, #tpu.memory_space<hbm>>) dst(%arg9 : memref<128x128xf32, #tpu.memory_space<vmem>>)
        tpu.yield
      }) : () -> ()
      %dma_start3A_53 = arith.constant 0 : i32
      %dma_start3A_54 = arith.constant 0 : i32
      %dma_start3A_55 = tpu.memref_slice %arg8[%dma_start3A_53, %dma_start3A_54] : memref<40x128xi32, #tpu.memory_space<vmem>> -> memref<1x128xi32, #tpu.memory_space<vmem>>
      %dma_start3A_56 = tpu.memref_squeeze %dma_start3A_55 : memref<1x128xi32, #tpu.memory_space<vmem>> -> memref<128xi32, #tpu.memory_space<vmem>>
      %dma_start3A_57 = arith.constant 0 : i32
      %dma_start3A_58 = arith.constant 0 : i32
      %dma_start3A_59 = tpu.memref_slice %arg11[%dma_start3A_57, %dma_start3A_58] : memref<10240x128xf32, #tpu.memory_space<vmem_shared>> -> memref<10240x128xf32, #tpu.memory_space<vmem_shared>>
      tpu.enqueue_indirect_dma source(%arg9 : memref<128x128xf32, #tpu.memory_space<vmem>>) target(%dma_start3A_59 : memref<10240x128xf32, #tpu.memory_space<vmem_shared>>) offsets(%dma_start3A_56 : memref<128xi32, #tpu.memory_space<vmem>>) semaphore(%arg12 : memref<!tpu.dma_semaphore, #tpu.memory_space<semaphore_mem>>) {add = true}
      %run_scoped3A_60 = arith.constant 1 : i32
      "tpu.region"() ({
        %run_scoped3A_124 = tpu.sem_alloc : memref<!tpu.dma_semaphore, #tpu.memory_space<semaphore_mem>>
        %dma_start3A_125 = arith.constant 0 : i32
        %dma_start3A_126 = tpu.memref_slice %arg7[%run_scoped3A_60, %dma_start3A_125] : memref<40x128xi32, #tpu.memory_space<vmem>> -> memref<1x128xi32, #tpu.memory_space<vmem>>
        %dma_start3A_127 = tpu.memref_squeeze %dma_start3A_126 : memref<1x128xi32, #tpu.memory_space<vmem>> -> memref<128xi32, #tpu.memory_space<vmem>>
        %dma_start3A_128 = arith.constant 0 : i32
        %dma_start3A_129 = arith.constant 0 : i32
        %dma_start3A_130 = tpu.memref_slice %arg2[%dma_start3A_128, %dma_start3A_129] : memref<10240x128xf32, #tpu.memory_space<hbm>> -> memref<10240x128xf32, #tpu.memory_space<hbm>>
        tpu.enqueue_indirect_dma source(%dma_start3A_130 : memref<10240x128xf32, #tpu.memory_space<hbm>>) target(%arg10 : memref<128x128xf32, #tpu.memory_space<vmem>>) offsets(%dma_start3A_127 : memref<128xi32, #tpu.memory_space<vmem>>) semaphore(%run_scoped3A_124 : memref<!tpu.dma_semaphore, #tpu.memory_space<semaphore_mem>>)
        %dma_wait3A_131 = arith.constant 0 : i32
        %dma_wait3A_132 = tpu.memref_slice %arg7[%run_scoped3A_60, %dma_wait3A_131] : memref<40x128xi32, #tpu.memory_space<vmem>> -> memref<1x128xi32, #tpu.memory_space<vmem>>
        %dma_wait3A_133 = tpu.memref_squeeze %dma_wait3A_132 : memref<1x128xi32, #tpu.memory_space<vmem>> -> memref<128xi32, #tpu.memory_space<vmem>>
        %dma_wait3A_134 = arith.constant 0 : i32
        %dma_wait3A_135 = arith.constant 0 : i32
        %dma_wait3A_136 = tpu.memref_slice %arg2[%dma_wait3A_134, %dma_wait3A_135] : memref<10240x128xf32, #tpu.memory_space<hbm>> -> memref<10240x128xf32, #tpu.memory_space<hbm>>
        tpu.wait_indirect_dma semaphore(%run_scoped3A_124 : memref<!tpu.dma_semaphore, #tpu.memory_space<semaphore_mem>>) src(%dma_wait3A_136 : memref<10240x128xf32, #tpu.memory_space<hbm>>) dst(%arg10 : memref<128x128xf32, #tpu.memory_space<vmem>>)
        tpu.yield
      }) : () -> ()
      %dma_start3A_61 = arith.constant 1 : i32
      %dma_start3A_62 = arith.constant 0 : i32
      %dma_start3A_63 = tpu.memref_slice %arg8[%dma_start3A_61, %dma_start3A_62] : memref<40x128xi32, #tpu.memory_space<vmem>> -> memref<1x128xi32, #tpu.memory_space<vmem>>
      %dma_start3A_64 = tpu.memref_squeeze %dma_start3A_63 : memref<1x128xi32, #tpu.memory_space<vmem>> -> memref<128xi32, #tpu.memory_space<vmem>>
      %dma_start3A_65 = arith.constant 0 : i32
      %dma_start3A_66 = arith.constant 0 : i32
      %dma_start3A_67 = tpu.memref_slice %arg11[%dma_start3A_65, %dma_start3A_66] : memref<10240x128xf32, #tpu.memory_space<vmem_shared>> -> memref<10240x128xf32, #tpu.memory_space<vmem_shared>>
      tpu.enqueue_indirect_dma source(%arg10 : memref<128x128xf32, #tpu.memory_space<vmem>>) target(%dma_start3A_67 : memref<10240x128xf32, #tpu.memory_space<vmem_shared>>) offsets(%dma_start3A_64 : memref<128xi32, #tpu.memory_space<vmem>>) semaphore(%arg13 : memref<!tpu.dma_semaphore, #tpu.memory_space<semaphore_mem>>) {add = true}
      %scan3A_68 = arith.constant 0 : i32
      %scan3A_69 = arith.constant 19 : i32
      %scan3A_70 = arith.addi %scan3A_68, %scan3A_69 : i32
      %scan3A_71 = arith.constant 1 : i32
      scf.for %scan3A_124 = %scan3A_68 to %scan3A_70 step %scan3A_71  : i32 {
        %mul3A_125 = arith.constant 2 : i32
        %mul3A_126 = arith.muli %scan3A_124, %mul3A_125 : i32
        %add3A_127 = arith.constant 2 : i32
        %add3A_128 = arith.addi %add3A_127, %mul3A_126 : i32
        %add3A_129 = arith.constant 0 : i32
        %add3A_130 = arith.addi %add3A_128, %add3A_129 : i32
        %dma_wait3A_131 = arith.constant 0 : i32
        %dma_wait3A_132 = tpu.memref_slice %arg7[%add3A_130, %dma_wait3A_131] : memref<40x128xi32, #tpu.memory_space<vmem>> -> memref<1x128xi32, #tpu.memory_space<vmem>>
        %dma_wait3A_133 = tpu.memref_squeeze %dma_wait3A_132 : memref<1x128xi32, #tpu.memory_space<vmem>> -> memref<128xi32, #tpu.memory_space<vmem>>
        %dma_wait3A_134 = arith.constant 0 : i32
        %dma_wait3A_135 = arith.constant 0 : i32
        %dma_wait3A_136 = tpu.memref_slice %arg2[%dma_wait3A_134, %dma_wait3A_135] : memref<10240x128xf32, #tpu.memory_space<hbm>> -> memref<10240x128xf32, #tpu.memory_space<hbm>>
        tpu.wait_indirect_dma semaphore(%arg12 : memref<!tpu.dma_semaphore, #tpu.memory_space<semaphore_mem>>) src(%dma_wait3A_136 : memref<10240x128xf32, #tpu.memory_space<hbm>>) dst(%arg9 : memref<128x128xf32, #tpu.memory_space<vmem>>)
        "tpu.region"() ({
          %run_scoped3A_157 = tpu.sem_alloc : memref<!tpu.dma_semaphore, #tpu.memory_space<semaphore_mem>>
          %dma_start3A_158 = arith.constant 0 : i32
          %dma_start3A_159 = tpu.memref_slice %arg7[%add3A_130, %dma_start3A_158] : memref<40x128xi32, #tpu.memory_space<vmem>> -> memref<1x128xi32, #tpu.memory_space<vmem>>
          %dma_start3A_160 = tpu.memref_squeeze %dma_start3A_159 : memref<1x128xi32, #tpu.memory_space<vmem>> -> memref<128xi32, #tpu.memory_space<vmem>>
          %dma_start3A_161 = arith.constant 0 : i32
          %dma_start3A_162 = arith.constant 0 : i32
          %dma_start3A_163 = tpu.memref_slice %arg2[%dma_start3A_161, %dma_start3A_162] : memref<10240x128xf32, #tpu.memory_space<hbm>> -> memref<10240x128xf32, #tpu.memory_space<hbm>>
          tpu.enqueue_indirect_dma source(%dma_start3A_163 : memref<10240x128xf32, #tpu.memory_space<hbm>>) target(%arg9 : memref<128x128xf32, #tpu.memory_space<vmem>>) offsets(%dma_start3A_160 : memref<128xi32, #tpu.memory_space<vmem>>) semaphore(%run_scoped3A_157 : memref<!tpu.dma_semaphore, #tpu.memory_space<semaphore_mem>>)
          %dma_wait3A_164 = arith.constant 0 : i32
          %dma_wait3A_165 = tpu.memref_slice %arg7[%add3A_130, %dma_wait3A_164] : memref<40x128xi32, #tpu.memory_space<vmem>> -> memref<1x128xi32, #tpu.memory_space<vmem>>
          %dma_wait3A_166 = tpu.memref_squeeze %dma_wait3A_165 : memref<1x128xi32, #tpu.memory_space<vmem>> -> memref<128xi32, #tpu.memory_space<vmem>>
          %dma_wait3A_167 = arith.constant 0 : i32
          %dma_wait3A_168 = arith.constant 0 : i32
          %dma_wait3A_169 = tpu.memref_slice %arg2[%dma_wait3A_167, %dma_wait3A_168] : memref<10240x128xf32, #tpu.memory_space<hbm>> -> memref<10240x128xf32, #tpu.memory_space<hbm>>
          tpu.wait_indirect_dma semaphore(%run_scoped3A_157 : memref<!tpu.dma_semaphore, #tpu.memory_space<semaphore_mem>>) src(%dma_wait3A_169 : memref<10240x128xf32, #tpu.memory_space<hbm>>) dst(%arg9 : memref<128x128xf32, #tpu.memory_space<vmem>>)
          tpu.yield
        }) : () -> ()
        %dma_start3A_137 = arith.constant 0 : i32
        %dma_start3A_138 = tpu.memref_slice %arg8[%add3A_130, %dma_start3A_137] : memref<40x128xi32, #tpu.memory_space<vmem>> -> memref<1x128xi32, #tpu.memory_space<vmem>>
        %dma_start3A_139 = tpu.memref_squeeze %dma_start3A_138 : memref<1x128xi32, #tpu.memory_space<vmem>> -> memref<128xi32, #tpu.memory_space<vmem>>
        %dma_start3A_140 = arith.constant 0 : i32
        %dma_start3A_141 = arith.constant 0 : i32
        %dma_start3A_142 = tpu.memref_slice %arg11[%dma_start3A_140, %dma_start3A_141] : memref<10240x128xf32, #tpu.memory_space<vmem_shared>> -> memref<10240x128xf32, #tpu.memory_space<vmem_shared>>
        tpu.enqueue_indirect_dma source(%arg9 : memref<128x128xf32, #tpu.memory_space<vmem>>) target(%dma_start3A_142 : memref<10240x128xf32, #tpu.memory_space<vmem_shared>>) offsets(%dma_start3A_139 : memref<128xi32, #tpu.memory_space<vmem>>) semaphore(%arg12 : memref<!tpu.dma_semaphore, #tpu.memory_space<semaphore_mem>>) {add = true}
        %add3A_143 = arith.constant 1 : i32
        %add3A_144 = arith.addi %add3A_128, %add3A_143 : i32
        %dma_wait3A_145 = arith.constant 0 : i32
        %dma_wait3A_146 = tpu.memref_slice %arg7[%add3A_144, %dma_wait3A_145] : memref<40x128xi32, #tpu.memory_space<vmem>> -> memref<1x128xi32, #tpu.memory_space<vmem>>
        %dma_wait3A_147 = tpu.memref_squeeze %dma_wait3A_146 : memref<1x128xi32, #tpu.memory_space<vmem>> -> memref<128xi32, #tpu.memory_space<vmem>>
        %dma_wait3A_148 = arith.constant 0 : i32
        %dma_wait3A_149 = arith.constant 0 : i32
        %dma_wait3A_150 = tpu.memref_slice %arg2[%dma_wait3A_148, %dma_wait3A_149] : memref<10240x128xf32, #tpu.memory_space<hbm>> -> memref<10240x128xf32, #tpu.memory_space<hbm>>
        tpu.wait_indirect_dma semaphore(%arg13 : memref<!tpu.dma_semaphore, #tpu.memory_space<semaphore_mem>>) src(%dma_wait3A_150 : memref<10240x128xf32, #tpu.memory_space<hbm>>) dst(%arg10 : memref<128x128xf32, #tpu.memory_space<vmem>>)
        "tpu.region"() ({
          %run_scoped3A_157 = tpu.sem_alloc : memref<!tpu.dma_semaphore, #tpu.memory_space<semaphore_mem>>
          %dma_start3A_158 = arith.constant 0 : i32
          %dma_start3A_159 = tpu.memref_slice %arg7[%add3A_144, %dma_start3A_158] : memref<40x128xi32, #tpu.memory_space<vmem>> -> memref<1x128xi32, #tpu.memory_space<vmem>>
          %dma_start3A_160 = tpu.memref_squeeze %dma_start3A_159 : memref<1x128xi32, #tpu.memory_space<vmem>> -> memref<128xi32, #tpu.memory_space<vmem>>
          %dma_start3A_161 = arith.constant 0 : i32
          %dma_start3A_162 = arith.constant 0 : i32
          %dma_start3A_163 = tpu.memref_slice %arg2[%dma_start3A_161, %dma_start3A_162] : memref<10240x128xf32, #tpu.memory_space<hbm>> -> memref<10240x128xf32, #tpu.memory_space<hbm>>
          tpu.enqueue_indirect_dma source(%dma_start3A_163 : memref<10240x128xf32, #tpu.memory_space<hbm>>) target(%arg10 : memref<128x128xf32, #tpu.memory_space<vmem>>) offsets(%dma_start3A_160 : memref<128xi32, #tpu.memory_space<vmem>>) semaphore(%run_scoped3A_157 : memref<!tpu.dma_semaphore, #tpu.memory_space<semaphore_mem>>)
          %dma_wait3A_164 = arith.constant 0 : i32
          %dma_wait3A_165 = tpu.memref_slice %arg7[%add3A_144, %dma_wait3A_164] : memref<40x128xi32, #tpu.memory_space<vmem>> -> memref<1x128xi32, #tpu.memory_space<vmem>>
          %dma_wait3A_166 = tpu.memref_squeeze %dma_wait3A_165 : memref<1x128xi32, #tpu.memory_space<vmem>> -> memref<128xi32, #tpu.memory_space<vmem>>
          %dma_wait3A_167 = arith.constant 0 : i32
          %dma_wait3A_168 = arith.constant 0 : i32
          %dma_wait3A_169 = tpu.memref_slice %arg2[%dma_wait3A_167, %dma_wait3A_168] : memref<10240x128xf32, #tpu.memory_space<hbm>> -> memref<10240x128xf32, #tpu.memory_space<hbm>>
          tpu.wait_indirect_dma semaphore(%run_scoped3A_157 : memref<!tpu.dma_semaphore, #tpu.memory_space<semaphore_mem>>) src(%dma_wait3A_169 : memref<10240x128xf32, #tpu.memory_space<hbm>>) dst(%arg10 : memref<128x128xf32, #tpu.memory_space<vmem>>)
          tpu.yield
        }) : () -> ()
        %dma_start3A_151 = arith.constant 0 : i32
        %dma_start3A_152 = tpu.memref_slice %arg8[%add3A_144, %dma_start3A_151] : memref<40x128xi32, #tpu.memory_space<vmem>> -> memref<1x128xi32, #tpu.memory_space<vmem>>
        %dma_start3A_153 = tpu.memref_squeeze %dma_start3A_152 : memref<1x128xi32, #tpu.memory_space<vmem>> -> memref<128xi32, #tpu.memory_space<vmem>>
        %dma_start3A_154 = arith.constant 0 : i32
        %dma_start3A_155 = arith.constant 0 : i32
        %dma_start3A_156 = tpu.memref_slice %arg11[%dma_start3A_154, %dma_start3A_155] : memref<10240x128xf32, #tpu.memory_space<vmem_shared>> -> memref<10240x128xf32, #tpu.memory_space<vmem_shared>>
        tpu.enqueue_indirect_dma source(%arg10 : memref<128x128xf32, #tpu.memory_space<vmem>>) target(%dma_start3A_156 : memref<10240x128xf32, #tpu.memory_space<vmem_shared>>) offsets(%dma_start3A_153 : memref<128xi32, #tpu.memory_space<vmem>>) semaphore(%arg13 : memref<!tpu.dma_semaphore, #tpu.memory_space<semaphore_mem>>) {add = true}
      }
      %scan3A_72 = arith.constant 19 : i32
      %dma_wait3A_73 = arith.constant 0 : i32
      %dma_wait3A_74 = arith.constant 0 : i32
      %dma_wait3A_75 = tpu.memref_slice %arg7[%dma_wait3A_73, %dma_wait3A_74] : memref<40x128xi32, #tpu.memory_space<vmem>> -> memref<1x128xi32, #tpu.memory_space<vmem>>
      %dma_wait3A_76 = tpu.memref_squeeze %dma_wait3A_75 : memref<1x128xi32, #tpu.memory_space<vmem>> -> memref<128xi32, #tpu.memory_space<vmem>>
      %dma_wait3A_77 = arith.constant 0 : i32
      %dma_wait3A_78 = arith.constant 0 : i32
      %dma_wait3A_79 = tpu.memref_slice %arg2[%dma_wait3A_77, %dma_wait3A_78] : memref<10240x128xf32, #tpu.memory_space<hbm>> -> memref<10240x128xf32, #tpu.memory_space<hbm>>
      tpu.wait_indirect_dma semaphore(%arg12 : memref<!tpu.dma_semaphore, #tpu.memory_space<semaphore_mem>>) src(%dma_wait3A_79 : memref<10240x128xf32, #tpu.memory_space<hbm>>) dst(%arg9 : memref<128x128xf32, #tpu.memory_space<vmem>>)
      %dma_wait3A_80 = arith.constant 1 : i32
      %dma_wait3A_81 = arith.constant 0 : i32
      %dma_wait3A_82 = tpu.memref_slice %arg7[%dma_wait3A_80, %dma_wait3A_81] : memref<40x128xi32, #tpu.memory_space<vmem>> -> memref<1x128xi32, #tpu.memory_space<vmem>>
      %dma_wait3A_83 = tpu.memref_squeeze %dma_wait3A_82 : memref<1x128xi32, #tpu.memory_space<vmem>> -> memref<128xi32, #tpu.memory_space<vmem>>
      %dma_wait3A_84 = arith.constant 0 : i32
      %dma_wait3A_85 = arith.constant 0 : i32
      %dma_wait3A_86 = tpu.memref_slice %arg2[%dma_wait3A_84, %dma_wait3A_85] : memref<10240x128xf32, #tpu.memory_space<hbm>> -> memref<10240x128xf32, #tpu.memory_space<hbm>>
      tpu.wait_indirect_dma semaphore(%arg13 : memref<!tpu.dma_semaphore, #tpu.memory_space<semaphore_mem>>) src(%dma_wait3A_86 : memref<10240x128xf32, #tpu.memory_space<hbm>>) dst(%arg10 : memref<128x128xf32, #tpu.memory_space<vmem>>)
      %add3A_87 = arith.constant 80 : i32
      %add3A_88 = arith.addi %mul3A_16, %add3A_87 : i32
      "tpu.region"() ({
        %run_scoped3A_124 = tpu.sem_alloc : memref<!tpu.dma_semaphore, #tpu.memory_space<semaphore_mem>>
        %dma_start3A_125 = arith.constant 0 : i32
        %dma_start3A_126 = tpu.memref_slice %arg3[%add3A_88, %dma_start3A_125] : memref<2560x128xi32, #tpu.memory_space<hbm>> -> memref<40x128xi32, #tpu.memory_space<hbm>>
        %dma_start3A_127 = arith.constant 0 : i32
        %dma_start3A_128 = tpu.memref_slice %arg3[%add3A_88, %dma_start3A_127] : memref<2560x128xi32, #tpu.memory_space<hbm>> -> memref<40x128xi32, #tpu.memory_space<hbm>>
        tpu.enqueue_dma source(%dma_start3A_128 : memref<40x128xi32, #tpu.memory_space<hbm>>) target(%arg7 : memref<40x128xi32, #tpu.memory_space<vmem>>) target_semaphore(%run_scoped3A_124 : memref<!tpu.dma_semaphore, #tpu.memory_space<semaphore_mem>>)
        %dma_wait3A_129 = arith.constant 0 : i32
        %dma_wait3A_130 = tpu.memref_slice %arg3[%add3A_88, %dma_wait3A_129] : memref<2560x128xi32, #tpu.memory_space<hbm>> -> memref<40x128xi32, #tpu.memory_space<hbm>>
        %dma_wait3A_131 = arith.constant 0 : i32
        %dma_wait3A_132 = tpu.memref_slice %arg3[%add3A_88, %dma_wait3A_131] : memref<2560x128xi32, #tpu.memory_space<hbm>> -> memref<40x128xi32, #tpu.memory_space<hbm>>
        tpu.wait_dma2 semaphore(%run_scoped3A_124 : memref<!tpu.dma_semaphore, #tpu.memory_space<semaphore_mem>>) src(%dma_wait3A_132 : memref<40x128xi32, #tpu.memory_space<hbm>>) dst(%arg7 : memref<40x128xi32, #tpu.memory_space<vmem>>)
        tpu.yield
      }) : () -> ()
      "tpu.region"() ({
        %run_scoped3A_124 = tpu.sem_alloc : memref<!tpu.dma_semaphore, #tpu.memory_space<semaphore_mem>>
        %dma_start3A_125 = arith.constant 0 : i32
        %dma_start3A_126 = tpu.memref_slice %arg4[%add3A_88, %dma_start3A_125] : memref<2560x128xi32, #tpu.memory_space<hbm>> -> memref<40x128xi32, #tpu.memory_space<hbm>>
        %dma_start3A_127 = arith.constant 0 : i32
        %dma_start3A_128 = tpu.memref_slice %arg4[%add3A_88, %dma_start3A_127] : memref<2560x128xi32, #tpu.memory_space<hbm>> -> memref<40x128xi32, #tpu.memory_space<hbm>>
        tpu.enqueue_dma source(%dma_start3A_128 : memref<40x128xi32, #tpu.memory_space<hbm>>) target(%arg8 : memref<40x128xi32, #tpu.memory_space<vmem>>) target_semaphore(%run_scoped3A_124 : memref<!tpu.dma_semaphore, #tpu.memory_space<semaphore_mem>>)
        %dma_wait3A_129 = arith.constant 0 : i32
        %dma_wait3A_130 = tpu.memref_slice %arg4[%add3A_88, %dma_wait3A_129] : memref<2560x128xi32, #tpu.memory_space<hbm>> -> memref<40x128xi32, #tpu.memory_space<hbm>>
        %dma_wait3A_131 = arith.constant 0 : i32
        %dma_wait3A_132 = tpu.memref_slice %arg4[%add3A_88, %dma_wait3A_131] : memref<2560x128xi32, #tpu.memory_space<hbm>> -> memref<40x128xi32, #tpu.memory_space<hbm>>
        tpu.wait_dma2 semaphore(%run_scoped3A_124 : memref<!tpu.dma_semaphore, #tpu.memory_space<semaphore_mem>>) src(%dma_wait3A_132 : memref<40x128xi32, #tpu.memory_space<hbm>>) dst(%arg8 : memref<40x128xi32, #tpu.memory_space<vmem>>)
        tpu.yield
      }) : () -> ()
      %run_scoped3A_89 = arith.constant 0 : i32
      "tpu.region"() ({
        %run_scoped3A_124 = tpu.sem_alloc : memref<!tpu.dma_semaphore, #tpu.memory_space<semaphore_mem>>
        %dma_start3A_125 = arith.constant 0 : i32
        %dma_start3A_126 = tpu.memref_slice %arg7[%run_scoped3A_89, %dma_start3A_125] : memref<40x128xi32, #tpu.memory_space<vmem>> -> memref<1x128xi32, #tpu.memory_space<vmem>>
        %dma_start3A_127 = tpu.memref_squeeze %dma_start3A_126 : memref<1x128xi32, #tpu.memory_space<vmem>> -> memref<128xi32, #tpu.memory_space<vmem>>
        %dma_start3A_128 = arith.constant 0 : i32
        %dma_start3A_129 = arith.constant 0 : i32
        %dma_start3A_130 = tpu.memref_slice %arg2[%dma_start3A_128, %dma_start3A_129] : memref<10240x128xf32, #tpu.memory_space<hbm>> -> memref<10240x128xf32, #tpu.memory_space<hbm>>
        tpu.enqueue_indirect_dma source(%dma_start3A_130 : memref<10240x128xf32, #tpu.memory_space<hbm>>) target(%arg9 : memref<128x128xf32, #tpu.memory_space<vmem>>) offsets(%dma_start3A_127 : memref<128xi32, #tpu.memory_space<vmem>>) semaphore(%run_scoped3A_124 : memref<!tpu.dma_semaphore, #tpu.memory_space<semaphore_mem>>)
        %dma_wait3A_131 = arith.constant 0 : i32
        %dma_wait3A_132 = tpu.memref_slice %arg7[%run_scoped3A_89, %dma_wait3A_131] : memref<40x128xi32, #tpu.memory_space<vmem>> -> memref<1x128xi32, #tpu.memory_space<vmem>>
        %dma_wait3A_133 = tpu.memref_squeeze %dma_wait3A_132 : memref<1x128xi32, #tpu.memory_space<vmem>> -> memref<128xi32, #tpu.memory_space<vmem>>
        %dma_wait3A_134 = arith.constant 0 : i32
        %dma_wait3A_135 = arith.constant 0 : i32
        %dma_wait3A_136 = tpu.memref_slice %arg2[%dma_wait3A_134, %dma_wait3A_135] : memref<10240x128xf32, #tpu.memory_space<hbm>> -> memref<10240x128xf32, #tpu.memory_space<hbm>>
        tpu.wait_indirect_dma semaphore(%run_scoped3A_124 : memref<!tpu.dma_semaphore, #tpu.memory_space<semaphore_mem>>) src(%dma_wait3A_136 : memref<10240x128xf32, #tpu.memory_space<hbm>>) dst(%arg9 : memref<128x128xf32, #tpu.memory_space<vmem>>)
        tpu.yield
      }) : () -> ()
      %dma_start3A_90 = arith.constant 0 : i32
      %dma_start3A_91 = arith.constant 0 : i32
      %dma_start3A_92 = tpu.memref_slice %arg8[%dma_start3A_90, %dma_start3A_91] : memref<40x128xi32, #tpu.memory_space<vmem>> -> memref<1x128xi32, #tpu.memory_space<vmem>>
      %dma_start3A_93 = tpu.memref_squeeze %dma_start3A_92 : memref<1x128xi32, #tpu.memory_space<vmem>> -> memref<128xi32, #tpu.memory_space<vmem>>
      %dma_start3A_94 = arith.constant 0 : i32
      %dma_start3A_95 = arith.constant 0 : i32
      %dma_start3A_96 = tpu.memref_slice %arg11[%dma_start3A_94, %dma_start3A_95] : memref<10240x128xf32, #tpu.memory_space<vmem_shared>> -> memref<10240x128xf32, #tpu.memory_space<vmem_shared>>
      tpu.enqueue_indirect_dma source(%arg9 : memref<128x128xf32, #tpu.memory_space<vmem>>) target(%dma_start3A_96 : memref<10240x128xf32, #tpu.memory_space<vmem_shared>>) offsets(%dma_start3A_93 : memref<128xi32, #tpu.memory_space<vmem>>) semaphore(%arg12 : memref<!tpu.dma_semaphore, #tpu.memory_space<semaphore_mem>>) {add = true}
      %run_scoped3A_97 = arith.constant 1 : i32
      "tpu.region"() ({
        %run_scoped3A_124 = tpu.sem_alloc : memref<!tpu.dma_semaphore, #tpu.memory_space<semaphore_mem>>
        %dma_start3A_125 = arith.constant 0 : i32
        %dma_start3A_126 = tpu.memref_slice %arg7[%run_scoped3A_97, %dma_start3A_125] : memref<40x128xi32, #tpu.memory_space<vmem>> -> memref<1x128xi32, #tpu.memory_space<vmem>>
        %dma_start3A_127 = tpu.memref_squeeze %dma_start3A_126 : memref<1x128xi32, #tpu.memory_space<vmem>> -> memref<128xi32, #tpu.memory_space<vmem>>
        %dma_start3A_128 = arith.constant 0 : i32
        %dma_start3A_129 = arith.constant 0 : i32
        %dma_start3A_130 = tpu.memref_slice %arg2[%dma_start3A_128, %dma_start3A_129] : memref<10240x128xf32, #tpu.memory_space<hbm>> -> memref<10240x128xf32, #tpu.memory_space<hbm>>
        tpu.enqueue_indirect_dma source(%dma_start3A_130 : memref<10240x128xf32, #tpu.memory_space<hbm>>) target(%arg10 : memref<128x128xf32, #tpu.memory_space<vmem>>) offsets(%dma_start3A_127 : memref<128xi32, #tpu.memory_space<vmem>>) semaphore(%run_scoped3A_124 : memref<!tpu.dma_semaphore, #tpu.memory_space<semaphore_mem>>)
        %dma_wait3A_131 = arith.constant 0 : i32
        %dma_wait3A_132 = tpu.memref_slice %arg7[%run_scoped3A_97, %dma_wait3A_131] : memref<40x128xi32, #tpu.memory_space<vmem>> -> memref<1x128xi32, #tpu.memory_space<vmem>>
        %dma_wait3A_133 = tpu.memref_squeeze %dma_wait3A_132 : memref<1x128xi32, #tpu.memory_space<vmem>> -> memref<128xi32, #tpu.memory_space<vmem>>
        %dma_wait3A_134 = arith.constant 0 : i32
        %dma_wait3A_135 = arith.constant 0 : i32
        %dma_wait3A_136 = tpu.memref_slice %arg2[%dma_wait3A_134, %dma_wait3A_135] : memref<10240x128xf32, #tpu.memory_space<hbm>> -> memref<10240x128xf32, #tpu.memory_space<hbm>>
        tpu.wait_indirect_dma semaphore(%run_scoped3A_124 : memref<!tpu.dma_semaphore, #tpu.memory_space<semaphore_mem>>) src(%dma_wait3A_136 : memref<10240x128xf32, #tpu.memory_space<hbm>>) dst(%arg10 : memref<128x128xf32, #tpu.memory_space<vmem>>)
        tpu.yield
      }) : () -> ()
      %dma_start3A_98 = arith.constant 1 : i32
      %dma_start3A_99 = arith.constant 0 : i32
      %dma_start3A_100 = tpu.memref_slice %arg8[%dma_start3A_98, %dma_start3A_99] : memref<40x128xi32, #tpu.memory_space<vmem>> -> memref<1x128xi32, #tpu.memory_space<vmem>>
      %dma_start3A_101 = tpu.memref_squeeze %dma_start3A_100 : memref<1x128xi32, #tpu.memory_space<vmem>> -> memref<128xi32, #tpu.memory_space<vmem>>
      %dma_start3A_102 = arith.constant 0 : i32
      %dma_start3A_103 = arith.constant 0 : i32
      %dma_start3A_104 = tpu.memref_slice %arg11[%dma_start3A_102, %dma_start3A_103] : memref<10240x128xf32, #tpu.memory_space<vmem_shared>> -> memref<10240x128xf32, #tpu.memory_space<vmem_shared>>
      tpu.enqueue_indirect_dma source(%arg10 : memref<128x128xf32, #tpu.memory_space<vmem>>) target(%dma_start3A_104 : memref<10240x128xf32, #tpu.memory_space<vmem_shared>>) offsets(%dma_start3A_101 : memref<128xi32, #tpu.memory_space<vmem>>) semaphore(%arg13 : memref<!tpu.dma_semaphore, #tpu.memory_space<semaphore_mem>>) {add = true}
      %scan3A_105 = arith.constant 0 : i32
      %scan3A_106 = arith.constant 19 : i32
      %scan3A_107 = arith.addi %scan3A_105, %scan3A_106 : i32
      %scan3A_108 = arith.constant 1 : i32
      scf.for %scan3A_124 = %scan3A_105 to %scan3A_107 step %scan3A_108  : i32 {
        %mul3A_125 = arith.constant 2 : i32
        %mul3A_126 = arith.muli %scan3A_124, %mul3A_125 : i32
        %add3A_127 = arith.constant 2 : i32
        %add3A_128 = arith.addi %add3A_127, %mul3A_126 : i32
        %add3A_129 = arith.constant 0 : i32
        %add3A_130 = arith.addi %add3A_128, %add3A_129 : i32
        %dma_wait3A_131 = arith.constant 0 : i32
        %dma_wait3A_132 = tpu.memref_slice %arg7[%add3A_130, %dma_wait3A_131] : memref<40x128xi32, #tpu.memory_space<vmem>> -> memref<1x128xi32, #tpu.memory_space<vmem>>
        %dma_wait3A_133 = tpu.memref_squeeze %dma_wait3A_132 : memref<1x128xi32, #tpu.memory_space<vmem>> -> memref<128xi32, #tpu.memory_space<vmem>>
        %dma_wait3A_134 = arith.constant 0 : i32
        %dma_wait3A_135 = arith.constant 0 : i32
        %dma_wait3A_136 = tpu.memref_slice %arg2[%dma_wait3A_134, %dma_wait3A_135] : memref<10240x128xf32, #tpu.memory_space<hbm>> -> memref<10240x128xf32, #tpu.memory_space<hbm>>
        tpu.wait_indirect_dma semaphore(%arg12 : memref<!tpu.dma_semaphore, #tpu.memory_space<semaphore_mem>>) src(%dma_wait3A_136 : memref<10240x128xf32, #tpu.memory_space<hbm>>) dst(%arg9 : memref<128x128xf32, #tpu.memory_space<vmem>>)
        "tpu.region"() ({
          %run_scoped3A_157 = tpu.sem_alloc : memref<!tpu.dma_semaphore, #tpu.memory_space<semaphore_mem>>
          %dma_start3A_158 = arith.constant 0 : i32
          %dma_start3A_159 = tpu.memref_slice %arg7[%add3A_130, %dma_start3A_158] : memref<40x128xi32, #tpu.memory_space<vmem>> -> memref<1x128xi32, #tpu.memory_space<vmem>>
          %dma_start3A_160 = tpu.memref_squeeze %dma_start3A_159 : memref<1x128xi32, #tpu.memory_space<vmem>> -> memref<128xi32, #tpu.memory_space<vmem>>
          %dma_start3A_161 = arith.constant 0 : i32
          %dma_start3A_162 = arith.constant 0 : i32
          %dma_start3A_163 = tpu.memref_slice %arg2[%dma_start3A_161, %dma_start3A_162] : memref<10240x128xf32, #tpu.memory_space<hbm>> -> memref<10240x128xf32, #tpu.memory_space<hbm>>
          tpu.enqueue_indirect_dma source(%dma_start3A_163 : memref<10240x128xf32, #tpu.memory_space<hbm>>) target(%arg9 : memref<128x128xf32, #tpu.memory_space<vmem>>) offsets(%dma_start3A_160 : memref<128xi32, #tpu.memory_space<vmem>>) semaphore(%run_scoped3A_157 : memref<!tpu.dma_semaphore, #tpu.memory_space<semaphore_mem>>)
          %dma_wait3A_164 = arith.constant 0 : i32
          %dma_wait3A_165 = tpu.memref_slice %arg7[%add3A_130, %dma_wait3A_164] : memref<40x128xi32, #tpu.memory_space<vmem>> -> memref<1x128xi32, #tpu.memory_space<vmem>>
          %dma_wait3A_166 = tpu.memref_squeeze %dma_wait3A_165 : memref<1x128xi32, #tpu.memory_space<vmem>> -> memref<128xi32, #tpu.memory_space<vmem>>
          %dma_wait3A_167 = arith.constant 0 : i32
          %dma_wait3A_168 = arith.constant 0 : i32
          %dma_wait3A_169 = tpu.memref_slice %arg2[%dma_wait3A_167, %dma_wait3A_168] : memref<10240x128xf32, #tpu.memory_space<hbm>> -> memref<10240x128xf32, #tpu.memory_space<hbm>>
          tpu.wait_indirect_dma semaphore(%run_scoped3A_157 : memref<!tpu.dma_semaphore, #tpu.memory_space<semaphore_mem>>) src(%dma_wait3A_169 : memref<10240x128xf32, #tpu.memory_space<hbm>>) dst(%arg9 : memref<128x128xf32, #tpu.memory_space<vmem>>)
          tpu.yield
        }) : () -> ()
        %dma_start3A_137 = arith.constant 0 : i32
        %dma_start3A_138 = tpu.memref_slice %arg8[%add3A_130, %dma_start3A_137] : memref<40x128xi32, #tpu.memory_space<vmem>> -> memref<1x128xi32, #tpu.memory_space<vmem>>
        %dma_start3A_139 = tpu.memref_squeeze %dma_start3A_138 : memref<1x128xi32, #tpu.memory_space<vmem>> -> memref<128xi32, #tpu.memory_space<vmem>>
        %dma_start3A_140 = arith.constant 0 : i32
        %dma_start3A_141 = arith.constant 0 : i32
        %dma_start3A_142 = tpu.memref_slice %arg11[%dma_start3A_140, %dma_start3A_141] : memref<10240x128xf32, #tpu.memory_space<vmem_shared>> -> memref<10240x128xf32, #tpu.memory_space<vmem_shared>>
        tpu.enqueue_indirect_dma source(%arg9 : memref<128x128xf32, #tpu.memory_space<vmem>>) target(%dma_start3A_142 : memref<10240x128xf32, #tpu.memory_space<vmem_shared>>) offsets(%dma_start3A_139 : memref<128xi32, #tpu.memory_space<vmem>>) semaphore(%arg12 : memref<!tpu.dma_semaphore, #tpu.memory_space<semaphore_mem>>) {add = true}
        %add3A_143 = arith.constant 1 : i32
        %add3A_144 = arith.addi %add3A_128, %add3A_143 : i32
        %dma_wait3A_145 = arith.constant 0 : i32
        %dma_wait3A_146 = tpu.memref_slice %arg7[%add3A_144, %dma_wait3A_145] : memref<40x128xi32, #tpu.memory_space<vmem>> -> memref<1x128xi32, #tpu.memory_space<vmem>>
        %dma_wait3A_147 = tpu.memref_squeeze %dma_wait3A_146 : memref<1x128xi32, #tpu.memory_space<vmem>> -> memref<128xi32, #tpu.memory_space<vmem>>
        %dma_wait3A_148 = arith.constant 0 : i32
        %dma_wait3A_149 = arith.constant 0 : i32
        %dma_wait3A_150 = tpu.memref_slice %arg2[%dma_wait3A_148, %dma_wait3A_149] : memref<10240x128xf32, #tpu.memory_space<hbm>> -> memref<10240x128xf32, #tpu.memory_space<hbm>>
        tpu.wait_indirect_dma semaphore(%arg13 : memref<!tpu.dma_semaphore, #tpu.memory_space<semaphore_mem>>) src(%dma_wait3A_150 : memref<10240x128xf32, #tpu.memory_space<hbm>>) dst(%arg10 : memref<128x128xf32, #tpu.memory_space<vmem>>)
        "tpu.region"() ({
          %run_scoped3A_157 = tpu.sem_alloc : memref<!tpu.dma_semaphore, #tpu.memory_space<semaphore_mem>>
          %dma_start3A_158 = arith.constant 0 : i32
          %dma_start3A_159 = tpu.memref_slice %arg7[%add3A_144, %dma_start3A_158] : memref<40x128xi32, #tpu.memory_space<vmem>> -> memref<1x128xi32, #tpu.memory_space<vmem>>
          %dma_start3A_160 = tpu.memref_squeeze %dma_start3A_159 : memref<1x128xi32, #tpu.memory_space<vmem>> -> memref<128xi32, #tpu.memory_space<vmem>>
          %dma_start3A_161 = arith.constant 0 : i32
          %dma_start3A_162 = arith.constant 0 : i32
          %dma_start3A_163 = tpu.memref_slice %arg2[%dma_start3A_161, %dma_start3A_162] : memref<10240x128xf32, #tpu.memory_space<hbm>> -> memref<10240x128xf32, #tpu.memory_space<hbm>>
          tpu.enqueue_indirect_dma source(%dma_start3A_163 : memref<10240x128xf32, #tpu.memory_space<hbm>>) target(%arg10 : memref<128x128xf32, #tpu.memory_space<vmem>>) offsets(%dma_start3A_160 : memref<128xi32, #tpu.memory_space<vmem>>) semaphore(%run_scoped3A_157 : memref<!tpu.dma_semaphore, #tpu.memory_space<semaphore_mem>>)
          %dma_wait3A_164 = arith.constant 0 : i32
          %dma_wait3A_165 = tpu.memref_slice %arg7[%add3A_144, %dma_wait3A_164] : memref<40x128xi32, #tpu.memory_space<vmem>> -> memref<1x128xi32, #tpu.memory_space<vmem>>
          %dma_wait3A_166 = tpu.memref_squeeze %dma_wait3A_165 : memref<1x128xi32, #tpu.memory_space<vmem>> -> memref<128xi32, #tpu.memory_space<vmem>>
          %dma_wait3A_167 = arith.constant 0 : i32
          %dma_wait3A_168 = arith.constant 0 : i32
          %dma_wait3A_169 = tpu.memref_slice %arg2[%dma_wait3A_167, %dma_wait3A_168] : memref<10240x128xf32, #tpu.memory_space<hbm>> -> memref<10240x128xf32, #tpu.memory_space<hbm>>
          tpu.wait_indirect_dma semaphore(%run_scoped3A_157 : memref<!tpu.dma_semaphore, #tpu.memory_space<semaphore_mem>>) src(%dma_wait3A_169 : memref<10240x128xf32, #tpu.memory_space<hbm>>) dst(%arg10 : memref<128x128xf32, #tpu.memory_space<vmem>>)
          tpu.yield
        }) : () -> ()
        %dma_start3A_151 = arith.constant 0 : i32
        %dma_start3A_152 = tpu.memref_slice %arg8[%add3A_144, %dma_start3A_151] : memref<40x128xi32, #tpu.memory_space<vmem>> -> memref<1x128xi32, #tpu.memory_space<vmem>>
        %dma_start3A_153 = tpu.memref_squeeze %dma_start3A_152 : memref<1x128xi32, #tpu.memory_space<vmem>> -> memref<128xi32, #tpu.memory_space<vmem>>
        %dma_start3A_154 = arith.constant 0 : i32
        %dma_start3A_155 = arith.constant 0 : i32
        %dma_start3A_156 = tpu.memref_slice %arg11[%dma_start3A_154, %dma_start3A_155] : memref<10240x128xf32, #tpu.memory_space<vmem_shared>> -> memref<10240x128xf32, #tpu.memory_space<vmem_shared>>
        tpu.enqueue_indirect_dma source(%arg10 : memref<128x128xf32, #tpu.memory_space<vmem>>) target(%dma_start3A_156 : memref<10240x128xf32, #tpu.memory_space<vmem_shared>>) offsets(%dma_start3A_153 : memref<128xi32, #tpu.memory_space<vmem>>) semaphore(%arg13 : memref<!tpu.dma_semaphore, #tpu.memory_space<semaphore_mem>>) {add = true}
      }
      %scan3A_109 = arith.constant 19 : i32
      %dma_wait3A_110 = arith.constant 0 : i32
      %dma_wait3A_111 = arith.constant 0 : i32
      %dma_wait3A_112 = tpu.memref_slice %arg7[%dma_wait3A_110, %dma_wait3A_111] : memref<40x128xi32, #tpu.memory_space<vmem>> -> memref<1x128xi32, #tpu.memory_space<vmem>>
      %dma_wait3A_113 = tpu.memref_squeeze %dma_wait3A_112 : memref<1x128xi32, #tpu.memory_space<vmem>> -> memref<128xi32, #tpu.memory_space<vmem>>
      %dma_wait3A_114 = arith.constant 0 : i32
      %dma_wait3A_115 = arith.constant 0 : i32
      %dma_wait3A_116 = tpu.memref_slice %arg2[%dma_wait3A_114, %dma_wait3A_115] : memref<10240x128xf32, #tpu.memory_space<hbm>> -> memref<10240x128xf32, #tpu.memory_space<hbm>>
      tpu.wait_indirect_dma semaphore(%arg12 : memref<!tpu.dma_semaphore, #tpu.memory_space<semaphore_mem>>) src(%dma_wait3A_116 : memref<10240x128xf32, #tpu.memory_space<hbm>>) dst(%arg9 : memref<128x128xf32, #tpu.memory_space<vmem>>)
      %dma_wait3A_117 = arith.constant 1 : i32
      %dma_wait3A_118 = arith.constant 0 : i32
      %dma_wait3A_119 = tpu.memref_slice %arg7[%dma_wait3A_117, %dma_wait3A_118] : memref<40x128xi32, #tpu.memory_space<vmem>> -> memref<1x128xi32, #tpu.memory_space<vmem>>
      %dma_wait3A_120 = tpu.memref_squeeze %dma_wait3A_119 : memref<1x128xi32, #tpu.memory_space<vmem>> -> memref<128xi32, #tpu.memory_space<vmem>>
      %dma_wait3A_121 = arith.constant 0 : i32
      %dma_wait3A_122 = arith.constant 0 : i32
      %dma_wait3A_123 = tpu.memref_slice %arg2[%dma_wait3A_121, %dma_wait3A_122] : memref<10240x128xf32, #tpu.memory_space<hbm>> -> memref<10240x128xf32, #tpu.memory_space<hbm>>
      tpu.wait_indirect_dma semaphore(%arg13 : memref<!tpu.dma_semaphore, #tpu.memory_space<semaphore_mem>>) src(%dma_wait3A_123 : memref<10240x128xf32, #tpu.memory_space<hbm>>) dst(%arg10 : memref<128x128xf32, #tpu.memory_space<vmem>>)
    } else {
    }
    %eq3A_3 = arith.constant 1 : i32
    %eq3A_4 = arith.cmpi eq, %arg0, %eq3A_3 : i32
    %convert_element_type3A_5 = arith.extui %eq3A_4 : i1 to i32
    %cond3A_6 = arith.constant 0 : i32
    %cond3A_7 = arith.cmpi ne, %convert_element_type3A_5, %cond3A_6 : i32
    scf.if %cond3A_7 {
      %mul3A_15 = arith.constant 40 : i32
      %mul3A_16 = arith.muli %arg1, %mul3A_15 : i32
      %add3A_17 = arith.constant 1920 : i32
      %add3A_18 = arith.addi %add3A_17, %mul3A_16 : i32
      %add3A_19 = arith.constant 0 : i32
      %add3A_20 = arith.addi %add3A_18, %add3A_19 : i32
      "tpu.region"() ({
        %run_scoped3A_52 = tpu.sem_alloc : memref<!tpu.dma_semaphore, #tpu.memory_space<semaphore_mem>>
        %dma_start3A_53 = arith.constant 0 : i32
        %dma_start3A_54 = tpu.memref_slice %arg3[%add3A_20, %dma_start3A_53] : memref<2560x128xi32, #tpu.memory_space<hbm>> -> memref<40x128xi32, #tpu.memory_space<hbm>>
        %dma_start3A_55 = arith.constant 0 : i32
        %dma_start3A_56 = tpu.memref_slice %arg3[%add3A_20, %dma_start3A_55] : memref<2560x128xi32, #tpu.memory_space<hbm>> -> memref<40x128xi32, #tpu.memory_space<hbm>>
        tpu.enqueue_dma source(%dma_start3A_56 : memref<40x128xi32, #tpu.memory_space<hbm>>) target(%arg7 : memref<40x128xi32, #tpu.memory_space<vmem>>) target_semaphore(%run_scoped3A_52 : memref<!tpu.dma_semaphore, #tpu.memory_space<semaphore_mem>>)
        %dma_wait3A_57 = arith.constant 0 : i32
        %dma_wait3A_58 = tpu.memref_slice %arg3[%add3A_20, %dma_wait3A_57] : memref<2560x128xi32, #tpu.memory_space<hbm>> -> memref<40x128xi32, #tpu.memory_space<hbm>>
        %dma_wait3A_59 = arith.constant 0 : i32
        %dma_wait3A_60 = tpu.memref_slice %arg3[%add3A_20, %dma_wait3A_59] : memref<2560x128xi32, #tpu.memory_space<hbm>> -> memref<40x128xi32, #tpu.memory_space<hbm>>
        tpu.wait_dma2 semaphore(%run_scoped3A_52 : memref<!tpu.dma_semaphore, #tpu.memory_space<semaphore_mem>>) src(%dma_wait3A_60 : memref<40x128xi32, #tpu.memory_space<hbm>>) dst(%arg7 : memref<40x128xi32, #tpu.memory_space<vmem>>)
        tpu.yield
      }) : () -> ()
      "tpu.region"() ({
        %run_scoped3A_52 = tpu.sem_alloc : memref<!tpu.dma_semaphore, #tpu.memory_space<semaphore_mem>>
        %dma_start3A_53 = arith.constant 0 : i32
        %dma_start3A_54 = tpu.memref_slice %arg4[%add3A_20, %dma_start3A_53] : memref<2560x128xi32, #tpu.memory_space<hbm>> -> memref<40x128xi32, #tpu.memory_space<hbm>>
        %dma_start3A_55 = arith.constant 0 : i32
        %dma_start3A_56 = tpu.memref_slice %arg4[%add3A_20, %dma_start3A_55] : memref<2560x128xi32, #tpu.memory_space<hbm>> -> memref<40x128xi32, #tpu.memory_space<hbm>>
        tpu.enqueue_dma source(%dma_start3A_56 : memref<40x128xi32, #tpu.memory_space<hbm>>) target(%arg8 : memref<40x128xi32, #tpu.memory_space<vmem>>) target_semaphore(%run_scoped3A_52 : memref<!tpu.dma_semaphore, #tpu.memory_space<semaphore_mem>>)
        %dma_wait3A_57 = arith.constant 0 : i32
        %dma_wait3A_58 = tpu.memref_slice %arg4[%add3A_20, %dma_wait3A_57] : memref<2560x128xi32, #tpu.memory_space<hbm>> -> memref<40x128xi32, #tpu.memory_space<hbm>>
        %dma_wait3A_59 = arith.constant 0 : i32
        %dma_wait3A_60 = tpu.memref_slice %arg4[%add3A_20, %dma_wait3A_59] : memref<2560x128xi32, #tpu.memory_space<hbm>> -> memref<40x128xi32, #tpu.memory_space<hbm>>
        tpu.wait_dma2 semaphore(%run_scoped3A_52 : memref<!tpu.dma_semaphore, #tpu.memory_space<semaphore_mem>>) src(%dma_wait3A_60 : memref<40x128xi32, #tpu.memory_space<hbm>>) dst(%arg8 : memref<40x128xi32, #tpu.memory_space<vmem>>)
        tpu.yield
      }) : () -> ()
      %run_scoped3A = arith.constant 0 : i32
      "tpu.region"() ({
        %run_scoped3A_52 = tpu.sem_alloc : memref<!tpu.dma_semaphore, #tpu.memory_space<semaphore_mem>>
        %dma_start3A_53 = arith.constant 0 : i32
        %dma_start3A_54 = tpu.memref_slice %arg7[%run_scoped3A, %dma_start3A_53] : memref<40x128xi32, #tpu.memory_space<vmem>> -> memref<1x128xi32, #tpu.memory_space<vmem>>
        %dma_start3A_55 = tpu.memref_squeeze %dma_start3A_54 : memref<1x128xi32, #tpu.memory_space<vmem>> -> memref<128xi32, #tpu.memory_space<vmem>>
        %dma_start3A_56 = arith.constant 0 : i32
        %dma_start3A_57 = arith.constant 0 : i32
        %dma_start3A_58 = tpu.memref_slice %arg2[%dma_start3A_56, %dma_start3A_57] : memref<10240x128xf32, #tpu.memory_space<hbm>> -> memref<10240x128xf32, #tpu.memory_space<hbm>>
        tpu.enqueue_indirect_dma source(%dma_start3A_58 : memref<10240x128xf32, #tpu.memory_space<hbm>>) target(%arg9 : memref<128x128xf32, #tpu.memory_space<vmem>>) offsets(%dma_start3A_55 : memref<128xi32, #tpu.memory_space<vmem>>) semaphore(%run_scoped3A_52 : memref<!tpu.dma_semaphore, #tpu.memory_space<semaphore_mem>>)
        %dma_wait3A_59 = arith.constant 0 : i32
        %dma_wait3A_60 = tpu.memref_slice %arg7[%run_scoped3A, %dma_wait3A_59] : memref<40x128xi32, #tpu.memory_space<vmem>> -> memref<1x128xi32, #tpu.memory_space<vmem>>
        %dma_wait3A_61 = tpu.memref_squeeze %dma_wait3A_60 : memref<1x128xi32, #tpu.memory_space<vmem>> -> memref<128xi32, #tpu.memory_space<vmem>>
        %dma_wait3A_62 = arith.constant 0 : i32
        %dma_wait3A_63 = arith.constant 0 : i32
        %dma_wait3A_64 = tpu.memref_slice %arg2[%dma_wait3A_62, %dma_wait3A_63] : memref<10240x128xf32, #tpu.memory_space<hbm>> -> memref<10240x128xf32, #tpu.memory_space<hbm>>
        tpu.wait_indirect_dma semaphore(%run_scoped3A_52 : memref<!tpu.dma_semaphore, #tpu.memory_space<semaphore_mem>>) src(%dma_wait3A_64 : memref<10240x128xf32, #tpu.memory_space<hbm>>) dst(%arg9 : memref<128x128xf32, #tpu.memory_space<vmem>>)
        tpu.yield
      }) : () -> ()
      %dma_start3A = arith.constant 0 : i32
      %dma_start3A_21 = arith.constant 0 : i32
      %dma_start3A_22 = tpu.memref_slice %arg8[%dma_start3A, %dma_start3A_21] : memref<40x128xi32, #tpu.memory_space<vmem>> -> memref<1x128xi32, #tpu.memory_space<vmem>>
      %dma_start3A_23 = tpu.memref_squeeze %dma_start3A_22 : memref<1x128xi32, #tpu.memory_space<vmem>> -> memref<128xi32, #tpu.memory_space<vmem>>
      %dma_start3A_24 = arith.constant 0 : i32
      %dma_start3A_25 = arith.constant 0 : i32
      %dma_start3A_26 = tpu.memref_slice %arg11[%dma_start3A_24, %dma_start3A_25] : memref<10240x128xf32, #tpu.memory_space<vmem_shared>> -> memref<10240x128xf32, #tpu.memory_space<vmem_shared>>
      tpu.enqueue_indirect_dma source(%arg9 : memref<128x128xf32, #tpu.memory_space<vmem>>) target(%dma_start3A_26 : memref<10240x128xf32, #tpu.memory_space<vmem_shared>>) offsets(%dma_start3A_23 : memref<128xi32, #tpu.memory_space<vmem>>) semaphore(%arg12 : memref<!tpu.dma_semaphore, #tpu.memory_space<semaphore_mem>>) {add = true}
      %run_scoped3A_27 = arith.constant 1 : i32
      "tpu.region"() ({
        %run_scoped3A_52 = tpu.sem_alloc : memref<!tpu.dma_semaphore, #tpu.memory_space<semaphore_mem>>
        %dma_start3A_53 = arith.constant 0 : i32
        %dma_start3A_54 = tpu.memref_slice %arg7[%run_scoped3A_27, %dma_start3A_53] : memref<40x128xi32, #tpu.memory_space<vmem>> -> memref<1x128xi32, #tpu.memory_space<vmem>>
        %dma_start3A_55 = tpu.memref_squeeze %dma_start3A_54 : memref<1x128xi32, #tpu.memory_space<vmem>> -> memref<128xi32, #tpu.memory_space<vmem>>
        %dma_start3A_56 = arith.constant 0 : i32
        %dma_start3A_57 = arith.constant 0 : i32
        %dma_start3A_58 = tpu.memref_slice %arg2[%dma_start3A_56, %dma_start3A_57] : memref<10240x128xf32, #tpu.memory_space<hbm>> -> memref<10240x128xf32, #tpu.memory_space<hbm>>
        tpu.enqueue_indirect_dma source(%dma_start3A_58 : memref<10240x128xf32, #tpu.memory_space<hbm>>) target(%arg10 : memref<128x128xf32, #tpu.memory_space<vmem>>) offsets(%dma_start3A_55 : memref<128xi32, #tpu.memory_space<vmem>>) semaphore(%run_scoped3A_52 : memref<!tpu.dma_semaphore, #tpu.memory_space<semaphore_mem>>)
        %dma_wait3A_59 = arith.constant 0 : i32
        %dma_wait3A_60 = tpu.memref_slice %arg7[%run_scoped3A_27, %dma_wait3A_59] : memref<40x128xi32, #tpu.memory_space<vmem>> -> memref<1x128xi32, #tpu.memory_space<vmem>>
        %dma_wait3A_61 = tpu.memref_squeeze %dma_wait3A_60 : memref<1x128xi32, #tpu.memory_space<vmem>> -> memref<128xi32, #tpu.memory_space<vmem>>
        %dma_wait3A_62 = arith.constant 0 : i32
        %dma_wait3A_63 = arith.constant 0 : i32
        %dma_wait3A_64 = tpu.memref_slice %arg2[%dma_wait3A_62, %dma_wait3A_63] : memref<10240x128xf32, #tpu.memory_space<hbm>> -> memref<10240x128xf32, #tpu.memory_space<hbm>>
        tpu.wait_indirect_dma semaphore(%run_scoped3A_52 : memref<!tpu.dma_semaphore, #tpu.memory_space<semaphore_mem>>) src(%dma_wait3A_64 : memref<10240x128xf32, #tpu.memory_space<hbm>>) dst(%arg10 : memref<128x128xf32, #tpu.memory_space<vmem>>)
        tpu.yield
      }) : () -> ()
      %dma_start3A_28 = arith.constant 1 : i32
      %dma_start3A_29 = arith.constant 0 : i32
      %dma_start3A_30 = tpu.memref_slice %arg8[%dma_start3A_28, %dma_start3A_29] : memref<40x128xi32, #tpu.memory_space<vmem>> -> memref<1x128xi32, #tpu.memory_space<vmem>>
      %dma_start3A_31 = tpu.memref_squeeze %dma_start3A_30 : memref<1x128xi32, #tpu.memory_space<vmem>> -> memref<128xi32, #tpu.memory_space<vmem>>
      %dma_start3A_32 = arith.constant 0 : i32
      %dma_start3A_33 = arith.constant 0 : i32
      %dma_start3A_34 = tpu.memref_slice %arg11[%dma_start3A_32, %dma_start3A_33] : memref<10240x128xf32, #tpu.memory_space<vmem_shared>> -> memref<10240x128xf32, #tpu.memory_space<vmem_shared>>
      tpu.enqueue_indirect_dma source(%arg10 : memref<128x128xf32, #tpu.memory_space<vmem>>) target(%dma_start3A_34 : memref<10240x128xf32, #tpu.memory_space<vmem_shared>>) offsets(%dma_start3A_31 : memref<128xi32, #tpu.memory_space<vmem>>) semaphore(%arg13 : memref<!tpu.dma_semaphore, #tpu.memory_space<semaphore_mem>>) {add = true}
      %scan3A = arith.constant 0 : i32
      %scan3A_35 = arith.constant 19 : i32
      %scan3A_36 = arith.addi %scan3A, %scan3A_35 : i32
      %scan3A_37 = arith.constant 1 : i32
      scf.for %scan3A_52 = %scan3A to %scan3A_36 step %scan3A_37  : i32 {
        %mul3A_53 = arith.constant 2 : i32
        %mul3A_54 = arith.muli %scan3A_52, %mul3A_53 : i32
        %add3A_55 = arith.constant 2 : i32
        %add3A_56 = arith.addi %add3A_55, %mul3A_54 : i32
        %add3A_57 = arith.constant 0 : i32
        %add3A_58 = arith.addi %add3A_56, %add3A_57 : i32
        %dma_wait3A_59 = arith.constant 0 : i32
        %dma_wait3A_60 = tpu.memref_slice %arg7[%add3A_58, %dma_wait3A_59] : memref<40x128xi32, #tpu.memory_space<vmem>> -> memref<1x128xi32, #tpu.memory_space<vmem>>
        %dma_wait3A_61 = tpu.memref_squeeze %dma_wait3A_60 : memref<1x128xi32, #tpu.memory_space<vmem>> -> memref<128xi32, #tpu.memory_space<vmem>>
        %dma_wait3A_62 = arith.constant 0 : i32
        %dma_wait3A_63 = arith.constant 0 : i32
        %dma_wait3A_64 = tpu.memref_slice %arg2[%dma_wait3A_62, %dma_wait3A_63] : memref<10240x128xf32, #tpu.memory_space<hbm>> -> memref<10240x128xf32, #tpu.memory_space<hbm>>
        tpu.wait_indirect_dma semaphore(%arg12 : memref<!tpu.dma_semaphore, #tpu.memory_space<semaphore_mem>>) src(%dma_wait3A_64 : memref<10240x128xf32, #tpu.memory_space<hbm>>) dst(%arg9 : memref<128x128xf32, #tpu.memory_space<vmem>>)
        "tpu.region"() ({
          %run_scoped3A_85 = tpu.sem_alloc : memref<!tpu.dma_semaphore, #tpu.memory_space<semaphore_mem>>
          %dma_start3A_86 = arith.constant 0 : i32
          %dma_start3A_87 = tpu.memref_slice %arg7[%add3A_58, %dma_start3A_86] : memref<40x128xi32, #tpu.memory_space<vmem>> -> memref<1x128xi32, #tpu.memory_space<vmem>>
          %dma_start3A_88 = tpu.memref_squeeze %dma_start3A_87 : memref<1x128xi32, #tpu.memory_space<vmem>> -> memref<128xi32, #tpu.memory_space<vmem>>
          %dma_start3A_89 = arith.constant 0 : i32
          %dma_start3A_90 = arith.constant 0 : i32
          %dma_start3A_91 = tpu.memref_slice %arg2[%dma_start3A_89, %dma_start3A_90] : memref<10240x128xf32, #tpu.memory_space<hbm>> -> memref<10240x128xf32, #tpu.memory_space<hbm>>
          tpu.enqueue_indirect_dma source(%dma_start3A_91 : memref<10240x128xf32, #tpu.memory_space<hbm>>) target(%arg9 : memref<128x128xf32, #tpu.memory_space<vmem>>) offsets(%dma_start3A_88 : memref<128xi32, #tpu.memory_space<vmem>>) semaphore(%run_scoped3A_85 : memref<!tpu.dma_semaphore, #tpu.memory_space<semaphore_mem>>)
          %dma_wait3A_92 = arith.constant 0 : i32
          %dma_wait3A_93 = tpu.memref_slice %arg7[%add3A_58, %dma_wait3A_92] : memref<40x128xi32, #tpu.memory_space<vmem>> -> memref<1x128xi32, #tpu.memory_space<vmem>>
          %dma_wait3A_94 = tpu.memref_squeeze %dma_wait3A_93 : memref<1x128xi32, #tpu.memory_space<vmem>> -> memref<128xi32, #tpu.memory_space<vmem>>
          %dma_wait3A_95 = arith.constant 0 : i32
          %dma_wait3A_96 = arith.constant 0 : i32
          %dma_wait3A_97 = tpu.memref_slice %arg2[%dma_wait3A_95, %dma_wait3A_96] : memref<10240x128xf32, #tpu.memory_space<hbm>> -> memref<10240x128xf32, #tpu.memory_space<hbm>>
          tpu.wait_indirect_dma semaphore(%run_scoped3A_85 : memref<!tpu.dma_semaphore, #tpu.memory_space<semaphore_mem>>) src(%dma_wait3A_97 : memref<10240x128xf32, #tpu.memory_space<hbm>>) dst(%arg9 : memref<128x128xf32, #tpu.memory_space<vmem>>)
          tpu.yield
        }) : () -> ()
        %dma_start3A_65 = arith.constant 0 : i32
        %dma_start3A_66 = tpu.memref_slice %arg8[%add3A_58, %dma_start3A_65] : memref<40x128xi32, #tpu.memory_space<vmem>> -> memref<1x128xi32, #tpu.memory_space<vmem>>
        %dma_start3A_67 = tpu.memref_squeeze %dma_start3A_66 : memref<1x128xi32, #tpu.memory_space<vmem>> -> memref<128xi32, #tpu.memory_space<vmem>>
        %dma_start3A_68 = arith.constant 0 : i32
        %dma_start3A_69 = arith.constant 0 : i32
        %dma_start3A_70 = tpu.memref_slice %arg11[%dma_start3A_68, %dma_start3A_69] : memref<10240x128xf32, #tpu.memory_space<vmem_shared>> -> memref<10240x128xf32, #tpu.memory_space<vmem_shared>>
        tpu.enqueue_indirect_dma source(%arg9 : memref<128x128xf32, #tpu.memory_space<vmem>>) target(%dma_start3A_70 : memref<10240x128xf32, #tpu.memory_space<vmem_shared>>) offsets(%dma_start3A_67 : memref<128xi32, #tpu.memory_space<vmem>>) semaphore(%arg12 : memref<!tpu.dma_semaphore, #tpu.memory_space<semaphore_mem>>) {add = true}
        %add3A_71 = arith.constant 1 : i32
        %add3A_72 = arith.addi %add3A_56, %add3A_71 : i32
        %dma_wait3A_73 = arith.constant 0 : i32
        %dma_wait3A_74 = tpu.memref_slice %arg7[%add3A_72, %dma_wait3A_73] : memref<40x128xi32, #tpu.memory_space<vmem>> -> memref<1x128xi32, #tpu.memory_space<vmem>>
        %dma_wait3A_75 = tpu.memref_squeeze %dma_wait3A_74 : memref<1x128xi32, #tpu.memory_space<vmem>> -> memref<128xi32, #tpu.memory_space<vmem>>
        %dma_wait3A_76 = arith.constant 0 : i32
        %dma_wait3A_77 = arith.constant 0 : i32
        %dma_wait3A_78 = tpu.memref_slice %arg2[%dma_wait3A_76, %dma_wait3A_77] : memref<10240x128xf32, #tpu.memory_space<hbm>> -> memref<10240x128xf32, #tpu.memory_space<hbm>>
        tpu.wait_indirect_dma semaphore(%arg13 : memref<!tpu.dma_semaphore, #tpu.memory_space<semaphore_mem>>) src(%dma_wait3A_78 : memref<10240x128xf32, #tpu.memory_space<hbm>>) dst(%arg10 : memref<128x128xf32, #tpu.memory_space<vmem>>)
        "tpu.region"() ({
          %run_scoped3A_85 = tpu.sem_alloc : memref<!tpu.dma_semaphore, #tpu.memory_space<semaphore_mem>>
          %dma_start3A_86 = arith.constant 0 : i32
          %dma_start3A_87 = tpu.memref_slice %arg7[%add3A_72, %dma_start3A_86] : memref<40x128xi32, #tpu.memory_space<vmem>> -> memref<1x128xi32, #tpu.memory_space<vmem>>
          %dma_start3A_88 = tpu.memref_squeeze %dma_start3A_87 : memref<1x128xi32, #tpu.memory_space<vmem>> -> memref<128xi32, #tpu.memory_space<vmem>>
          %dma_start3A_89 = arith.constant 0 : i32
          %dma_start3A_90 = arith.constant 0 : i32
          %dma_start3A_91 = tpu.memref_slice %arg2[%dma_start3A_89, %dma_start3A_90] : memref<10240x128xf32, #tpu.memory_space<hbm>> -> memref<10240x128xf32, #tpu.memory_space<hbm>>
          tpu.enqueue_indirect_dma source(%dma_start3A_91 : memref<10240x128xf32, #tpu.memory_space<hbm>>) target(%arg10 : memref<128x128xf32, #tpu.memory_space<vmem>>) offsets(%dma_start3A_88 : memref<128xi32, #tpu.memory_space<vmem>>) semaphore(%run_scoped3A_85 : memref<!tpu.dma_semaphore, #tpu.memory_space<semaphore_mem>>)
          %dma_wait3A_92 = arith.constant 0 : i32
          %dma_wait3A_93 = tpu.memref_slice %arg7[%add3A_72, %dma_wait3A_92] : memref<40x128xi32, #tpu.memory_space<vmem>> -> memref<1x128xi32, #tpu.memory_space<vmem>>
          %dma_wait3A_94 = tpu.memref_squeeze %dma_wait3A_93 : memref<1x128xi32, #tpu.memory_space<vmem>> -> memref<128xi32, #tpu.memory_space<vmem>>
          %dma_wait3A_95 = arith.constant 0 : i32
          %dma_wait3A_96 = arith.constant 0 : i32
          %dma_wait3A_97 = tpu.memref_slice %arg2[%dma_wait3A_95, %dma_wait3A_96] : memref<10240x128xf32, #tpu.memory_space<hbm>> -> memref<10240x128xf32, #tpu.memory_space<hbm>>
          tpu.wait_indirect_dma semaphore(%run_scoped3A_85 : memref<!tpu.dma_semaphore, #tpu.memory_space<semaphore_mem>>) src(%dma_wait3A_97 : memref<10240x128xf32, #tpu.memory_space<hbm>>) dst(%arg10 : memref<128x128xf32, #tpu.memory_space<vmem>>)
          tpu.yield
        }) : () -> ()
        %dma_start3A_79 = arith.constant 0 : i32
        %dma_start3A_80 = tpu.memref_slice %arg8[%add3A_72, %dma_start3A_79] : memref<40x128xi32, #tpu.memory_space<vmem>> -> memref<1x128xi32, #tpu.memory_space<vmem>>
        %dma_start3A_81 = tpu.memref_squeeze %dma_start3A_80 : memref<1x128xi32, #tpu.memory_space<vmem>> -> memref<128xi32, #tpu.memory_space<vmem>>
        %dma_start3A_82 = arith.constant 0 : i32
        %dma_start3A_83 = arith.constant 0 : i32
        %dma_start3A_84 = tpu.memref_slice %arg11[%dma_start3A_82, %dma_start3A_83] : memref<10240x128xf32, #tpu.memory_space<vmem_shared>> -> memref<10240x128xf32, #tpu.memory_space<vmem_shared>>
        tpu.enqueue_indirect_dma source(%arg10 : memref<128x128xf32, #tpu.memory_space<vmem>>) target(%dma_start3A_84 : memref<10240x128xf32, #tpu.memory_space<vmem_shared>>) offsets(%dma_start3A_81 : memref<128xi32, #tpu.memory_space<vmem>>) semaphore(%arg13 : memref<!tpu.dma_semaphore, #tpu.memory_space<semaphore_mem>>) {add = true}
      }
      %scan3A_38 = arith.constant 19 : i32
      %dma_wait3A = arith.constant 0 : i32
      %dma_wait3A_39 = arith.constant 0 : i32
      %dma_wait3A_40 = tpu.memref_slice %arg7[%dma_wait3A, %dma_wait3A_39] : memref<40x128xi32, #tpu.memory_space<vmem>> -> memref<1x128xi32, #tpu.memory_space<vmem>>
      %dma_wait3A_41 = tpu.memref_squeeze %dma_wait3A_40 : memref<1x128xi32, #tpu.memory_space<vmem>> -> memref<128xi32, #tpu.memory_space<vmem>>
      %dma_wait3A_42 = arith.constant 0 : i32
      %dma_wait3A_43 = arith.constant 0 : i32
      %dma_wait3A_44 = tpu.memref_slice %arg2[%dma_wait3A_42, %dma_wait3A_43] : memref<10240x128xf32, #tpu.memory_space<hbm>> -> memref<10240x128xf32, #tpu.memory_space<hbm>>
      tpu.wait_indirect_dma semaphore(%arg12 : memref<!tpu.dma_semaphore, #tpu.memory_space<semaphore_mem>>) src(%dma_wait3A_44 : memref<10240x128xf32, #tpu.memory_space<hbm>>) dst(%arg9 : memref<128x128xf32, #tpu.memory_space<vmem>>)
      %dma_wait3A_45 = arith.constant 1 : i32
      %dma_wait3A_46 = arith.constant 0 : i32
      %dma_wait3A_47 = tpu.memref_slice %arg7[%dma_wait3A_45, %dma_wait3A_46] : memref<40x128xi32, #tpu.memory_space<vmem>> -> memref<1x128xi32, #tpu.memory_space<vmem>>
      %dma_wait3A_48 = tpu.memref_squeeze %dma_wait3A_47 : memref<1x128xi32, #tpu.memory_space<vmem>> -> memref<128xi32, #tpu.memory_space<vmem>>
      %dma_wait3A_49 = arith.constant 0 : i32
      %dma_wait3A_50 = arith.constant 0 : i32
      %dma_wait3A_51 = tpu.memref_slice %arg2[%dma_wait3A_49, %dma_wait3A_50] : memref<10240x128xf32, #tpu.memory_space<hbm>> -> memref<10240x128xf32, #tpu.memory_space<hbm>>
      tpu.wait_indirect_dma semaphore(%arg13 : memref<!tpu.dma_semaphore, #tpu.memory_space<semaphore_mem>>) src(%dma_wait3A_51 : memref<10240x128xf32, #tpu.memory_space<hbm>>) dst(%arg10 : memref<128x128xf32, #tpu.memory_space<vmem>>)
    } else {
    }
    %barrier3A_8 = arith.constant 0 : index
    tpu.barrier barrier_id(%barrier3A_8)
    %mul3A_9 = arith.constant 640 : i32
    %mul3A_10 = arith.muli %arg1, %mul3A_9 : i32
    %mul3A_11 = arith.constant 10240 : i32
    %mul3A_12 = arith.muli %arg0, %mul3A_11 : i32
    %mul3A_13 = arith.constant 640 : i32
    %mul3A_14 = arith.muli %arg1, %mul3A_13 : i32
    %add3A = arith.addi %mul3A_12, %mul3A_14 : i32
    "tpu.region"() ({
      %run_scoped3A = tpu.sem_alloc : memref<!tpu.dma_semaphore, #tpu.memory_space<semaphore_mem>>
      %dma_start3A = arith.constant 0 : i32
      %dma_start3A_15 = tpu.memref_slice %arg6[%add3A, %dma_start3A] : memref<20480x128xf32, #tpu.memory_space<hbm>> -> memref<640x128xf32, #tpu.memory_space<hbm>>
      %dma_start3A_16 = arith.constant 0 : i32
      %dma_start3A_17 = tpu.memref_slice %arg11[%mul3A_10, %dma_start3A_16] : memref<10240x128xf32, #tpu.memory_space<vmem_shared>> -> memref<640x128xf32, #tpu.memory_space<vmem_shared>>
      tpu.enqueue_dma source(%dma_start3A_17 : memref<640x128xf32, #tpu.memory_space<vmem_shared>>) target(%dma_start3A_15 : memref<640x128xf32, #tpu.memory_space<hbm>>) target_semaphore(%run_scoped3A : memref<!tpu.dma_semaphore, #tpu.memory_space<semaphore_mem>>)
      %dma_wait3A = arith.constant 0 : i32
      %dma_wait3A_18 = tpu.memref_slice %arg6[%add3A, %dma_wait3A] : memref<20480x128xf32, #tpu.memory_space<hbm>> -> memref<640x128xf32, #tpu.memory_space<hbm>>
      %dma_wait3A_19 = arith.constant 0 : i32
      %dma_wait3A_20 = tpu.memref_slice %arg11[%mul3A_10, %dma_wait3A_19] : memref<10240x128xf32, #tpu.memory_space<vmem_shared>> -> memref<640x128xf32, #tpu.memory_space<vmem_shared>>
      tpu.wait_dma2 semaphore(%run_scoped3A : memref<!tpu.dma_semaphore, #tpu.memory_space<semaphore_mem>>) src(%dma_wait3A_20 : memref<640x128xf32, #tpu.memory_space<vmem_shared>>) dst(%dma_wait3A_18 : memref<640x128xf32, #tpu.memory_space<hbm>>)
      tpu.yield
    }) : () -> ()
    return
  }
}

module attributes {stable_mosaic.version = 14 : i64} {
  func.func @body(%arg0: i32, %arg1: memref<256x128xf32, #tpu.memory_space<vmem>>, %arg2: memref<128x128xf32, #tpu.memory_space<vmem>>, %arg3: memref<256x128xf32, #tpu.memory_space<vmem>>) attributes {dimension_semantics = [#tpu.dimension_semantics<arbitrary>], iteration_bounds = array<i64: 40>, scalar_prefetch = 0 : i64, scratch_operands = 0 : i64, tpu.core_type = #tpu.core_type<tc>, window_params = [{transform_indices = @transform_0, window_bounds = array<i64: 256, 128>}, {pipeline_mode = #tpu.pipeline_mode<synchronous>, transform_indices = @transform_1, window_bounds = array<i64: 128, 128>}, {transform_indices = @transform_2, window_bounds = array<i64: 256, 128>}]} {
    %get3A = arith.constant 0 : index
    %get3A_0 = arith.constant 0 : index
    %get3A_1 = vector.load %arg1[%get3A, %get3A_0] : memref<256x128xf32, #tpu.memory_space<vmem>>, vector<256x128xf32>
    %get3A_2 = arith.constant 0 : index
    %get3A_3 = arith.constant 0 : index
    %get3A_4 = vector.load %arg2[%get3A_2, %get3A_3] : memref<128x128xf32, #tpu.memory_space<vmem>>, vector<128x128xf32>
    %dot_general3A = arith.constant dense<0.000000e+00> : vector<256x128xf32>
    %dot_general3A_5 = tpu.matmul %get3A_1, %get3A_4, %dot_general3A {dimension_numbers = #tpu.dot_dimension_numbers<[1], [0], [0], [1], [0, 0, 1, 1], [], []>, transpose_lhs_hint = false} : vector<256x128xf32>, vector<128x128xf32>, vector<256x128xf32> -> vector<256x128xf32>
    %swap3A = arith.constant 0 : index
    %swap3A_6 = arith.constant 0 : index
    %swap3A_7 = vector.load %arg3[%swap3A, %swap3A_6] : memref<256x128xf32, #tpu.memory_space<vmem>>, vector<256x128xf32>
    tpu.vector_store %arg3[%swap3A, %swap3A_6], %dot_general3A_5 {strides = array<i32>} : memref<256x128xf32, #tpu.memory_space<vmem>>, vector<256x128xf32>,
    return
  }
  func.func @transform_0(%arg0: i32) -> (i32, i32) {
    %c0_i32 = arith.constant 0 : i32
    %c0_i32_0 = arith.constant 0 : i32
    return %arg0, %c0_i32 : i32, i32
  }
  func.func @transform_1(%arg0: i32) -> (i32, i32) {
    %c0_i32 = arith.constant 0 : i32
    %c0_i32_0 = arith.constant 0 : i32
    %c0_i32_1 = arith.constant 0 : i32
    return %c0_i32, %c0_i32_0 : i32, i32
  }
  func.func @transform_2(%arg0: i32) -> (i32, i32) {
    %c0_i32 = arith.constant 0 : i32
    %c0_i32_0 = arith.constant 0 : i32
    return %arg0, %c0_i32 : i32, i32
  }
}

module attributes {stable_mosaic.version = 14 : i64} {
  func.func @body(%arg0: i32, %arg1: memref<256x128xf32, #tpu.memory_space<vmem>>, %arg2: memref<256x128xf32, #tpu.memory_space<vmem>>, %arg3: memref<256x128xf32, #tpu.memory_space<vmem>>, %arg4: memref<256x128xf32, #tpu.memory_space<vmem>>, %arg5: memref<256xf32, #tpu.memory_space<vmem>>) attributes {dimension_semantics = [#tpu.dimension_semantics<arbitrary>], iteration_bounds = array<i64: 40>, scalar_prefetch = 0 : i64, scratch_operands = 0 : i64, tpu.core_type = #tpu.core_type<tc>, window_params = [{transform_indices = @transform_0, window_bounds = array<i64: 256, 128>}, {transform_indices = @transform_1, window_bounds = array<i64: 256, 128>}, {transform_indices = @transform_2, window_bounds = array<i64: 256, 128>}, {transform_indices = @transform_3, window_bounds = array<i64: 256, 128>}, {transform_indices = @transform_4, window_bounds = array<i64: 256>}]} {
    %get3A = arith.constant 0 : index
    %get3A_0 = arith.constant 0 : index
    %get3A_1 = vector.load %arg1[%get3A, %get3A_0] : memref<256x128xf32, #tpu.memory_space<vmem>>, vector<256x1xf32>
    %get3A_2 = vector.shape_cast %get3A_1 : vector<256x1xf32> to vector<256xf32>
    %get3A_3 = arith.constant 0 : index
    %get3A_4 = arith.constant 0 : index
    %get3A_5 = vector.load %arg2[%get3A_3, %get3A_4] : memref<256x128xf32, #tpu.memory_space<vmem>>, vector<256x1xf32>
    %get3A_6 = vector.shape_cast %get3A_5 : vector<256x1xf32> to vector<256xf32>
    %add3A = arith.addf %get3A_2, %get3A_6 : vector<256xf32>
    %gt3A = arith.constant 0.000000e+00 : f32
    %gt3A_7 = vector.broadcast %gt3A : f32 to vector<256xf32>
    %gt3A_8 = arith.cmpf ogt, %add3A, %gt3A_7 : vector<256xf32>
    %max3A = arith.constant 1.000000e+00 : f32
    %max3A_9 = vector.broadcast %max3A : f32 to vector<256xf32>
    %max3A_10 = arith.maximumf %add3A, %max3A_9 : vector<256xf32>
    %rsqrt3A = math.rsqrt %max3A_10 : vector<256xf32>
    %jit3A = arith.constant 0.000000e+00 : f32
    %broadcast_in_dim3A = vector.broadcast %jit3A : f32 to vector<256xf32>
    %select_n3A = arith.select %gt3A_8, %rsqrt3A, %broadcast_in_dim3A : vector<256xi1>, vector<256xf32>
    %get3A_11 = arith.constant 0 : index
    %get3A_12 = arith.constant 0 : index
    %get3A_13 = vector.load %arg3[%get3A_11, %get3A_12] : memref<256x128xf32, #tpu.memory_space<vmem>>, vector<256x128xf32>
    %broadcast_in_dim3A_14 = vector.shape_cast %select_n3A : vector<256xf32> to vector<256x1xf32>
    %mul3A = vector.broadcast %broadcast_in_dim3A_14 : vector<256x1xf32> to vector<256x128xf32>
    %mul3A_15 = arith.mulf %get3A_13, %mul3A : vector<256x128xf32>
    %swap3A = arith.constant 0 : index
    %swap3A_16 = arith.constant 0 : index
    %swap3A_17 = vector.load %arg4[%swap3A, %swap3A_16] : memref<256x128xf32, #tpu.memory_space<vmem>>, vector<256x128xf32>
    tpu.vector_store %arg4[%swap3A, %swap3A_16], %mul3A_15 {strides = array<i32>} : memref<256x128xf32, #tpu.memory_space<vmem>>, vector<256x128xf32>,
    %swap3A_18 = arith.constant 0 : index
    %swap3A_19 = vector.load %arg5[%swap3A_18] : memref<256xf32, #tpu.memory_space<vmem>>, vector<256xf32>
    tpu.vector_store %arg5[%swap3A_18], %select_n3A {strides = array<i32>} : memref<256xf32, #tpu.memory_space<vmem>>, vector<256xf32>,
    return
  }
  func.func @transform_0(%arg0: i32) -> (i32, i32) {
    %c0_i32 = arith.constant 0 : i32
    %c0_i32_0 = arith.constant 0 : i32
    return %arg0, %c0_i32 : i32, i32
  }
  func.func @transform_1(%arg0: i32) -> (i32, i32) {
    %add3A = arith.constant 40 : i32
    %add3A_0 = arith.addi %arg0, %add3A : i32
    %c0_i32 = arith.constant 0 : i32
    %c0_i32_1 = arith.constant 0 : i32
    return %add3A_0, %c0_i32 : i32, i32
  }
  func.func @transform_2(%arg0: i32) -> (i32, i32) {
    %c0_i32 = arith.constant 0 : i32
    %c0_i32_0 = arith.constant 0 : i32
    return %arg0, %c0_i32 : i32, i32
  }
  func.func @transform_3(%arg0: i32) -> (i32, i32) {
    %c0_i32 = arith.constant 0 : i32
    %c0_i32_0 = arith.constant 0 : i32
    return %arg0, %c0_i32 : i32, i32
  }
  func.func @transform_4(%arg0: i32) -> i32 {
    %c0_i32 = arith.constant 0 : i32
    return %arg0 : i32
  }
}

module attributes {stable_mosaic.version = 14 : i64} {
  func.func @body(%arg0: i32, %arg1: memref<256x128xf32, #tpu.memory_space<vmem>>, %arg2: memref<256x128xf32, #tpu.memory_space<vmem>>, %arg3: memref<256xf32, #tpu.memory_space<vmem>>, %arg4: memref<128xf32, #tpu.memory_space<vmem>>, %arg5: memref<128x128xf32, #tpu.memory_space<vmem>>, %arg6: memref<256x128xf32, #tpu.memory_space<vmem>>) attributes {dimension_semantics = [#tpu.dimension_semantics<arbitrary>], iteration_bounds = array<i64: 40>, scalar_prefetch = 0 : i64, scratch_operands = 0 : i64, tpu.core_type = #tpu.core_type<tc>, window_params = [{transform_indices = @transform_0, window_bounds = array<i64: 256, 128>}, {transform_indices = @transform_1, window_bounds = array<i64: 256, 128>}, {transform_indices = @transform_2, window_bounds = array<i64: 256>}, {pipeline_mode = #tpu.pipeline_mode<synchronous>, transform_indices = @transform_3, window_bounds = array<i64: 128>}, {pipeline_mode = #tpu.pipeline_mode<synchronous>, transform_indices = @transform_4, window_bounds = array<i64: 128, 128>}, {transform_indices = @transform_5, window_bounds = array<i64: 256, 128>}]} {
    %get3A = arith.constant 0 : index
    %get3A_0 = vector.load %arg3[%get3A] : memref<256xf32, #tpu.memory_space<vmem>>, vector<256xf32>
    %broadcast_in_dim3A = vector.shape_cast %get3A_0 : vector<256xf32> to vector<256x1xf32>
    %get3A_1 = arith.constant 0 : index
    %get3A_2 = arith.constant 0 : index
    %get3A_3 = vector.load %arg1[%get3A_1, %get3A_2] : memref<256x128xf32, #tpu.memory_space<vmem>>, vector<256x128xf32>
    %get3A_4 = arith.constant 0 : index
    %get3A_5 = arith.constant 0 : index
    %get3A_6 = vector.load %arg2[%get3A_4, %get3A_5] : memref<256x128xf32, #tpu.memory_space<vmem>>, vector<256x128xf32>
    %add3A = arith.addf %get3A_3, %get3A_6 : vector<256x128xf32>
    %mul3A = vector.broadcast %broadcast_in_dim3A : vector<256x1xf32> to vector<256x128xf32>
    %mul3A_7 = arith.mulf %add3A, %mul3A : vector<256x128xf32>
    %get3A_8 = arith.constant 0 : index
    %get3A_9 = vector.load %arg4[%get3A_8] : memref<128xf32, #tpu.memory_space<vmem>>, vector<128xf32>
    %broadcast_in_dim3A_10 = vector.shape_cast %get3A_9 : vector<128xf32> to vector<1x128xf32>
    %add3A_11 = vector.broadcast %broadcast_in_dim3A_10 : vector<1x128xf32> to vector<256x128xf32>
    %add3A_12 = arith.addf %mul3A_7, %add3A_11 : vector<256x128xf32>
    %max3A = arith.constant 0.000000e+00 : f32
    %max3A_13 = vector.broadcast %max3A : f32 to vector<256x128xf32>
    %max3A_14 = arith.maximumf %add3A_12, %max3A_13 : vector<256x128xf32>
    %mul3A_15 = vector.broadcast %broadcast_in_dim3A : vector<256x1xf32> to vector<256x128xf32>
    %mul3A_16 = arith.mulf %max3A_14, %mul3A_15 : vector<256x128xf32>
    %get3A_17 = arith.constant 0 : index
    %get3A_18 = arith.constant 0 : index
    %get3A_19 = vector.load %arg5[%get3A_17, %get3A_18] : memref<128x128xf32, #tpu.memory_space<vmem>>, vector<128x128xf32>
    %dot_general3A = arith.constant dense<0.000000e+00> : vector<256x128xf32>
    %dot_general3A_20 = tpu.matmul %mul3A_16, %get3A_19, %dot_general3A {dimension_numbers = #tpu.dot_dimension_numbers<[1], [0], [0], [1], [0, 0, 1, 1], [], []>, transpose_lhs_hint = false} : vector<256x128xf32>, vector<128x128xf32>, vector<256x128xf32> -> vector<256x128xf32>
    %swap3A = arith.constant 0 : index
    %swap3A_21 = arith.constant 0 : index
    %swap3A_22 = vector.load %arg6[%swap3A, %swap3A_21] : memref<256x128xf32, #tpu.memory_space<vmem>>, vector<256x128xf32>
    tpu.vector_store %arg6[%swap3A, %swap3A_21], %dot_general3A_20 {strides = array<i32>} : memref<256x128xf32, #tpu.memory_space<vmem>>, vector<256x128xf32>,
    return
  }
  func.func @transform_0(%arg0: i32) -> (i32, i32) {
    %c0_i32 = arith.constant 0 : i32
    %c0_i32_0 = arith.constant 0 : i32
    return %arg0, %c0_i32 : i32, i32
  }
  func.func @transform_1(%arg0: i32) -> (i32, i32) {
    %add3A = arith.constant 40 : i32
    %add3A_0 = arith.addi %arg0, %add3A : i32
    %c0_i32 = arith.constant 0 : i32
    %c0_i32_1 = arith.constant 0 : i32
    return %add3A_0, %c0_i32 : i32, i32
  }
  func.func @transform_2(%arg0: i32) -> i32 {
    %c0_i32 = arith.constant 0 : i32
    return %arg0 : i32
  }
  func.func @transform_3(%arg0: i32) -> i32 {
    %c0_i32 = arith.constant 0 : i32
    %c0_i32_0 = arith.constant 0 : i32
    return %c0_i32 : i32
  }
  func.func @transform_4(%arg0: i32) -> (i32, i32) {
    %c0_i32 = arith.constant 0 : i32
    %c0_i32_0 = arith.constant 0 : i32
    %c0_i32_1 = arith.constant 0 : i32
    return %c0_i32, %c0_i32_0 : i32, i32
  }
  func.func @transform_5(%arg0: i32) -> (i32, i32) {
    %c0_i32 = arith.constant 0 : i32
    %c0_i32_0 = arith.constant 0 : i32
    return %arg0, %c0_i32 : i32, i32
  }
}

module attributes {stable_mosaic.version = 14 : i64} {
  func.func @body(%arg0: i32, %arg1: memref<256x128xf32, #tpu.memory_space<vmem>>, %arg2: memref<256x128xf32, #tpu.memory_space<vmem>>, %arg3: memref<256xf32, #tpu.memory_space<vmem>>, %arg4: memref<128xf32, #tpu.memory_space<vmem>>, %arg5: memref<256x128xf32, #tpu.memory_space<vmem>>) attributes {dimension_semantics = [#tpu.dimension_semantics<arbitrary>], iteration_bounds = array<i64: 40>, scalar_prefetch = 0 : i64, scratch_operands = 0 : i64, tpu.core_type = #tpu.core_type<tc>, window_params = [{transform_indices = @transform_0, window_bounds = array<i64: 256, 128>}, {transform_indices = @transform_1, window_bounds = array<i64: 256, 128>}, {transform_indices = @transform_2, window_bounds = array<i64: 256>}, {pipeline_mode = #tpu.pipeline_mode<synchronous>, transform_indices = @transform_3, window_bounds = array<i64: 128>}, {transform_indices = @transform_4, window_bounds = array<i64: 256, 128>}]} {
    %get3A = arith.constant 0 : index
    %get3A_0 = arith.constant 0 : index
    %get3A_1 = vector.load %arg1[%get3A, %get3A_0] : memref<256x128xf32, #tpu.memory_space<vmem>>, vector<256x128xf32>
    %get3A_2 = arith.constant 0 : index
    %get3A_3 = arith.constant 0 : index
    %get3A_4 = vector.load %arg2[%get3A_2, %get3A_3] : memref<256x128xf32, #tpu.memory_space<vmem>>, vector<256x128xf32>
    %add3A = arith.addf %get3A_1, %get3A_4 : vector<256x128xf32>
    %get3A_5 = arith.constant 0 : index
    %get3A_6 = vector.load %arg3[%get3A_5] : memref<256xf32, #tpu.memory_space<vmem>>, vector<256xf32>
    %broadcast_in_dim3A = vector.shape_cast %get3A_6 : vector<256xf32> to vector<256x1xf32>
    %mul3A = vector.broadcast %broadcast_in_dim3A : vector<256x1xf32> to vector<256x128xf32>
    %mul3A_7 = arith.mulf %add3A, %mul3A : vector<256x128xf32>
    %get3A_8 = arith.constant 0 : index
    %get3A_9 = vector.load %arg4[%get3A_8] : memref<128xf32, #tpu.memory_space<vmem>>, vector<128xf32>
    %broadcast_in_dim3A_10 = vector.shape_cast %get3A_9 : vector<128xf32> to vector<1x128xf32>
    %add3A_11 = vector.broadcast %broadcast_in_dim3A_10 : vector<1x128xf32> to vector<256x128xf32>
    %add3A_12 = arith.addf %mul3A_7, %add3A_11 : vector<256x128xf32>
    %swap3A = arith.constant 0 : index
    %swap3A_13 = arith.constant 0 : index
    %swap3A_14 = vector.load %arg5[%swap3A, %swap3A_13] : memref<256x128xf32, #tpu.memory_space<vmem>>, vector<256x128xf32>
    tpu.vector_store %arg5[%swap3A, %swap3A_13], %add3A_12 {strides = array<i32>} : memref<256x128xf32, #tpu.memory_space<vmem>>, vector<256x128xf32>,
    return
  }
  func.func @transform_0(%arg0: i32) -> (i32, i32) {
    %c0_i32 = arith.constant 0 : i32
    %c0_i32_0 = arith.constant 0 : i32
    return %arg0, %c0_i32 : i32, i32
  }
  func.func @transform_1(%arg0: i32) -> (i32, i32) {
    %add3A = arith.constant 40 : i32
    %add3A_0 = arith.addi %arg0, %add3A : i32
    %c0_i32 = arith.constant 0 : i32
    %c0_i32_1 = arith.constant 0 : i32
    return %add3A_0, %c0_i32 : i32, i32
  }
  func.func @transform_2(%arg0: i32) -> i32 {
    %c0_i32 = arith.constant 0 : i32
    return %arg0 : i32
  }
  func.func @transform_3(%arg0: i32) -> i32 {
    %c0_i32 = arith.constant 0 : i32
    %c0_i32_0 = arith.constant 0 : i32
    return %c0_i32 : i32
  }
  func.func @transform_4(%arg0: i32) -> (i32, i32) {
    %c0_i32 = arith.constant 0 : i32
    %c0_i32_0 = arith.constant 0 : i32
    return %arg0, %c0_i32 : i32, i32
  }
}

</mosaic_0001>

<sc_bundles>
// kernel: kernel.11.cloned.1.call-start
scs
__scs_entry_jumppad:
0x0: {  	(pc) =	sbr.rel $0x88, $3  }
0x1: {  	(tag) =	ssettag $0x0;
	lr =	simm.s32 $0x1  }
0x2: {  	[smem:$0x3F99] =	sst lr;
	_ =	strace $0xD0000000  }
0x3: {  	_ = 	snop  }
0x4: {  	_ = 	snop  }
0x5: {  	_ = 	snop  }
0x6: {  	_ = 	snop  }
0x7: {  	_ = 	snop  }
__scs_overlays_trampoline_lowered:
0x8: {  	[smem:$0x3FA8] =	sst s0  }
0x9: {  	[smem:$0x3FA9] =	sst s1  }
0xa: {  	[smem:$0x3FAA] =	sst s2  }
0xb: {  	[smem:$0x3FAB] =	sst s3  }
0xc: {  	[smem:$0x3FAC] =	sst s4  }
0xd: {  	[smem:$0x3FAD] =	sst s5  }
0xe: {  	[smem:$0x3FAE] =	sst s6  }
0xf: {  	[smem:$0x3FAF] =	sst s7  }
0x10: {  	[smem:$0x3FB0] =	sst s8  }
0x11: {  	[smem:$0x3FB1] =	sst s9;
	s0 =	simm.s32 @!p0 $0x0  }
0x12: {  	s1 =	sld [smem:$0x3F97];
	s0 =	simm.s32 @p0 $0x1  }
0x13: {  	[smem:$0x3FB2] =	sst s0;
	s0 =	simm.s32 @!p1 $0x0  }
0x14: {  	s2 =	sld [smem:$0x3F96];
	s0 =	simm.s32 @p1 $0x1  }
0x15: {  	[smem:$0x3FB3] =	sst s0;
	s0 =	simm.s32 @!p2 $0x0  }
0x16: {  	s3 =	sld [smem:$0x3FDB];
	s0 =	simm.s32 @p2 $0x1  }
0x17: {  	s4 =	simm.s32 $0x1BF5;
	[smem:$0x3FB5] =	sst s0  }
0x18: {  	s0 =	sld [smem:$0x3F98];
	_ =	swait.ge [sflag:s4], $0x0  }
0x19: {  	s7 =	sld [smem:$0x3F99]  }
0x1a: {  	s8 =	sadd.s32 $0xFFFFE003, lr  }
0x1b: {  	s9 =	sadd.s32 $0xFFFFFEF7, lr;
	s5 =	simm.s32 $0xFFFFFFFF;
	p2 =	slt.u32 s8, $0xFFFFF086  }
0x1c: {  	p1 =	slt.u32 s9, $0xF7A;
	s5 =	simm.s32 @!p2 $0x0  }
0x1d: {  	s5 =	simm.s32 @p1 $0x1;
	p0 =	seq.s32 s7, s2  }
0x1e: {  	s7 =	smul.u32 @!p0 $0xF7A, s2;
	p2 =	seq.s32 @!p0 s5, $0x0  }
0x1f: {  	s9 =	smul.u32 $0xF7A, s1;
	s8 =	simm.s32 @!p0 $0x1BF5;
	p2 =	por !p2, p0  }
0x20: {  	[sflag:s8] =	ssyncset.s32 @!p0 $0xFFFFF086;
	s6 =	sadd.s32 @!p0 s3, s7;
	s7 =	simm.s32 @!p0 $0x108  }
0x21: {  	s3 =	sadd.s32 s3, s9;
	s6 =	sadd.s32 @!p0 $0x88, s6;
	s7 =	simm.s32 @p2 $0x1082  }
0x22: {  	[simem:s7], [sflag:s8] =	dma.local @!p0 [hbm:s6], $0xF7A  }
0x23: {  	s9 =	sor.u32 $0xD0000000, s2;
	s6 =	simm.s32 $0x108;
	_ =	swait.ge @!p0 [sflag:s8], $0x0  }
0x24: {  	s3 =	sadd.s32 $0x88, s3;
	s6 =	simm.s32 @!p1 $0x1082;
	[sflag:s4] =	ssyncset.s32 $0xFFFFF086  }
0x25: {  	[simem:s6], [sflag:s4] =	dma.local [hbm:s3], $0xF7A  }
0x26: {  	[smem:$0x3F99] =	sst s1;
	(tag) =	ssettag s2;
	_ =	strace s9  }
0x27: {  	s1 =	sld [smem:$0x3FA9]  }
0x28: {  	s2 =	sld [smem:$0x3FAA]  }
0x29: {  	s4 =	sld [smem:$0x3FAC]  }
0x2a: {  	p0 =	seq.s32 s5, $0x0;
	s5 =	sld [smem:$0x3FAD]  }
0x2b: {  	s6 =	sld [smem:$0x3FAE]  }
0x2c: {  	s7 =	sld [smem:$0x3FAF]  }
0x2d: {  	s3 =	simm.s32 $0x108;
	s8 =	sld [smem:$0x3FB0]  }
0x2e: {  	s3 =	simm.s32 @!p0 $0x1082;
	s9 =	sld [smem:$0x3FB1]  }
0x2f: {  	lr =	sadd.s32 s0, s3;
	s0 =	sld [smem:$0x3FA8]  }
0x30: {  	s3 =	sld [smem:$0x3FAB]  }
0x31: {  	[smem:$0x3FB4] =	sst s10  }
0x32: {  	s10 =	sld [smem:$0x3FB2];
	_ =	sdelay $0x3  }
0x33: {  	p0 =	seq.s32 s10, $0x1;
	s10 =	sld [smem:$0x3FB4];
	_ =	sdelay $0x3  }
0x34: {  	[smem:$0x3FB4] =	sst s10  }
0x35: {  	s10 =	sld [smem:$0x3FB3];
	_ =	sdelay $0x3  }
0x36: {  	p1 =	seq.s32 s10, $0x1;
	s10 =	sld [smem:$0x3FB4];
	_ =	sdelay $0x3  }
0x37: {  	[smem:$0x3FB4] =	sst s10  }
0x38: {  	s10 =	sld [smem:$0x3FB5]  }
0x39: {  	_ = 	snop;
	(pc) =	sbr.ind lr, $3  }
0x3a: {  	_ = 	snop  }
0x3b: {  	_ = 	snop  }
0x3c: {  	p2 =	seq.s32 s10, $0x1;
	s10 =	sld [smem:$0x3FB4]  }
0x3d: {  	_ =	shalt  }
0x3e: {  	_ =	shalt  }
0x3f: {  	_ =	shalt  }
0x40: {  	_ =	shalt  }
0x41: {  	_ =	shalt  }
0x42: {  	_ =	shalt  }
0x43: {  	_ =	shalt  }
0x44: {  	_ =	shalt  }
0x45: {  	_ =	shalt  }
0x46: {  	_ =	shalt  }
0x47: {  	_ =	shalt  }
0x48: {  	_ =	shalt  }
0x49: {  	_ =	shalt  }
0x4a: {  	_ =	shalt  }
0x4b: {  	_ =	shalt  }
0x4c: {  	_ =	shalt  }
0x4d: {  	_ =	shalt  }
0x4e: {  	_ =	shalt  }
0x4f: {  	_ =	shalt  }
0x50: {  	_ =	shalt  }
0x51: {  	_ =	shalt  }
0x52: {  	_ =	shalt  }
0x53: {  	_ =	shalt  }
0x54: {  	_ =	shalt  }
0x55: {  	_ =	shalt  }
0x56: {  	_ =	shalt  }
0x57: {  	_ =	shalt  }
0x58: {  	_ =	shalt  }
0x59: {  	_ =	shalt  }
0x5a: {  	_ =	shalt  }
0x5b: {  	_ =	shalt  }
0x5c: {  	_ =	shalt  }
0x5d: {  	_ =	shalt  }
0x5e: {  	_ =	shalt  }
0x5f: {  	_ =	shalt  }
0x60: {  	_ =	shalt  }
0x61: {  	_ =	shalt  }
0x62: {  	_ =	shalt  }
0x63: {  	_ =	shalt  }
0x64: {  	_ =	shalt  }
0x65: {  	_ =	shalt  }
0x66: {  	_ =	shalt  }
0x67: {  	_ =	shalt  }
0x68: {  	_ =	shalt  }
0x69: {  	_ =	shalt  }
0x6a: {  	_ =	shalt  }
0x6b: {  	_ =	shalt  }
0x6c: {  	_ =	shalt  }
0x6d: {  	_ =	shalt  }
0x6e: {  	_ =	shalt  }
0x6f: {  	_ =	shalt  }
0x70: {  	_ =	shalt  }
0x71: {  	_ =	shalt  }
0x72: {  	_ =	shalt  }
0x73: {  	_ =	shalt  }
0x74: {  	_ =	shalt  }
0x75: {  	_ =	shalt  }
0x76: {  	_ =	shalt  }
0x77: {  	_ =	shalt  }
0x78: {  	_ =	shalt  }
0x79: {  	_ =	shalt  }
0x7a: {  	_ =	shalt  }
0x7b: {  	_ =	shalt  }
0x7c: {  	_ =	shalt  }
0x7d: {  	_ =	shalt  }
0x7e: {  	_ =	shalt  }
0x7f: {  	_ =	shalt  }
0x80: {  	_ =	shalt  }
0x81: {  	_ =	shalt  }
0x82: {  	_ =	shalt  }
0x83: {  	_ =	shalt  }
0x84: {  	_ =	shalt  }
0x85: {  	_ =	shalt  }
0x86: {  	_ =	shalt  }
0x87: {  	_ =	shalt  }
.Lfunc_end0:
.L_simem_size_0:
called_computation_lowered:
.L_overlay_start_0:
0x88: {  	s2 =	sld [smem:$0x3FD9]  }
0x89: {  	s3 =	sld [smem:$0x3FFE];
	_ =	sdelay $0x1  }
0x8a: {  	s1 =	srdreg.scid  }
0x8b: {  	s0 =	sand.u32 $0x1, s1  }
0x8c: {  	s16 =	sshll.u32 s0, $0xA;
	s2 =	sadd.s32 s3, s2  }
0x8d: {  	s2 =	sadd.s32 s2, s16  }
0x8e: {  	[smem:$0x3FC0] =	sst s2  }
0x8f: {  	_ = 	snop  }
0x90: {  	(tm) =	ssettm $0x1  }
0x91: {  	s17 =	sld [smem:$0x3FFB];
	_ =	sdelay $0x3  }
0x92: {  	_ =	strace s17  }
0x93: {  	s2 =	sld [smem:$0x3FFC];
	_ =	sdelay $0x3  }
0x94: {  	_ =	strace s2  }
0x95: {  	s2 =	sld [smem:$0x3FFD];
	_ =	sdelay $0x3  }
0x96: {  	_ =	strace s2  }
0x97: {  	_ =	strace $0x8FFFFFFF  }
0x98: {  	s18 =	sld [smem:$0x3FDB];
	_ =	sdelay $0x1  }
0x99: {  	s19 =	simm.s32 $_scs_section_size  }
0x9a: {  	s4 =	simm.s32 $_size__tile_overlayer_lowered;
	s5 =	simm.s32 $_tile_overlayer_lowered  }
0x9b: {  	s22 =	simm.s32 $0x1BFF;
	s21 =	sshll.u32 s5, $0x1;
	s2 =	sadd.s32 s19, s18  }
0x9c: {  	s6 =	simm.s32 $0x0;
	s20 =	sshll.u32 s4, $0x1;
	s4 =	sadd.s32 s21, s2  }
0x9d: {  	[timem:s6], [sflag:s22] =	dma.local [hbm:s4], s20  }
0x9e: {  	_ =	swait.ge [sflag:s22], s20  }
0x9f: {  	s3 =	ssub.s32 $0x0, s20;
	[sflag:s22] =	ssyncset.done $0x0  }
0xa0: {  	[sflag:s22] =	ssyncadd.s32 s3;
	_ =	sdelay $0x1  }
0xa1: {  	s23 =	simm.s32 $0x1B8B  }
0xa2: {  	_ =	swait.ge [sflag:s23], $0x1  }
0xa3: {  	[sflag:s23] =	ssyncset.done $0x0  }
0xa4: {  	s25 =	simm.s32 $0x1B8E;
	s24 =	sld [smem:$0x3FFE];
	[sflag:s23] =	ssyncadd.s32 $0xFFFFFFFF  }
0xa5: {  	s26 =	simm.s32 $execute0_lowered;
	[smem:$0x3FD2] =	sst s25  }
0xa6: {  	s4 =	sshll.u32 s26, $0x1;
	_ =	strace $0x80000046;
	[dreg:$0x1] =	wrdreg $0xFFFFFFFF  }
0xa7: {  	s28 =	simm.s32 $_size_execute0_lowered;
	s2 =	sadd.s32 s2, s4;
	[dreg:$0x0] =	wrdreg $0x0  }
0xa8: {  	s4 =	sshll.u32 s28, $0x1;
	[dreg:$0x2] =	wrdreg s2  }
0xa9: {  	[dreg:$0x3] =	wrdreg s4  }
0xaa: {  	[dreg:$0x4] =	wrdreg $0xC0  }
0xab: {  	_ =	task [dreg:s6], $0x5FFFF  }
0xac: {  	[dreg:$0x1] =	wrdreg $0xFFFFFFFF  }
0xad: {  	[dreg:$0x0] =	wrdreg $0x60  }
0xae: {  	[dreg:$0x2] =	wrdreg s24  }
0xaf: {  	[dreg:$0x3] =	wrdreg $0x68000  }
0xb0: {  	[dreg:$0x4] =	wrdreg $0x9  }
0xb1: {  	_ =	task.clear_ibuf [dreg:s6], $0x5FFFF;
	_ =	strace $0x90000046  }
0xb2: {  	s29 =	simm.s32 $0x9;
	_ =	strace $0x80000048  }
0xb3: {  	_ =	swait.ge [sflag:s29], $0x1  }
0xb4: {  	[sflag:s29] =	ssyncadd.s32 $0xFFFFFFFF  }
0xb5: {  	_ =	strace $0x90000048  }
0xb6: {  	_ =	sfence  }
0xb7: {  	s30 =	sld [smem:$0x0];
	_ =	sdelay $0x2  }
0xb8: {  	s31 =	sshll.u32 s1, $0xD;
	s1 =	sshrl.u32 s1, $0x2  }
0xb9: {  	s3 =	sand.u32 $0x4000, s31;
	s1 =	sadd.s32 s1, s30  }
0xba: {  	s0 =	sor.u32 s3, s0;
	s1 =	sshll.u32 s1, $0x11  }
0xbb: {  	s0 =	sor.u32 s1, s0  }
0xbc: {  	s0 =	sadd.s32 $0x8F2B, s0  }
0xbd: {  	[sflag:s0] =	ssyncadd.remote.s32 $0x1  }
0xbe: {  	_ =	sfence.sel $0xFFFF  }
0xbf: {  	[dreg:$0x0] =	wrdreg $0xFFFFFFFF;
	(pc) =	sbr.abs _section_cstart, $3  }
0xc0: {  	[dreg:$0x1] =	wrdreg $0xFFFFFFFF  }
0xc1: {  	_ =	task.clear_ibuf [dreg:s6], $0x2FFFF;
	_ =	strace $0x9FFFFFFF  }
0xc2: {  	(tm) =	ssettm $0x7FFFFFFF  }
0xc3: {  	_ =	shalt  }
tec
execute0_lowered:
.L_overlay_start_1:
0x0: {  	(tag) =	ssettag $0x1  }
0x1: {  	s1 =	srdreg.scid;
	s6 =	rddreg [dreg:$0x0]  }
0x2: {  	s0 =	stileid.u32;
	s2 =	rddreg [dreg:$0x1];
	s3 =	simm.s32 $0x0  }
0x3: {  	s13 =	simm.s32 $0x80;
	s14 =	simm.s32 $0x0;
	s7 =	sand.u32 $0x1, s1  }
0x4: {  	s26 =	sshll.u32 s0, $0x1;
	s1 =	rddreg [dreg:$0x2];
	s8 =	smul.u32 $0x2800, s0  }
0x5: {  	[smem:$0x7FF] =	sst s3;
	s11 =	smul.u32 $0x50000, s0;
	s5 =	sadd.s32 $0xCE00, s6  }
0x6: {  	s31 =	sshll.u32 s0, $0x6;
	s4 =	sor.u32 s7, s26;
	s9 =	smul.u32 $0x28000, s7  }
0x7: {  	_ =	strace $0x80000047;
	s7 =	ssub.s32 $0x2, s7;
	s4 =	smul.u32 $0x500, s4  }
0x8: {  	s28 =	sshrl.u32 s7, $0x1;
	s29 =	sshrl.u32 s11, $0x2;
	s11 =	simm.s32 $0x1  }
0x9: {  	s8 =	sadd.s32 s8, s9;
	s30 =	ssub.s32 s7, s28;
	s12 =	sadd.s32 s29, s2  }
0xa: {  	s10 =	sadd.s32 s4, s6;
	s4 =	sadd.s32 $0xF600, s6;
	s8 =	sadd.s32 s8, s6  }
0xb: {  	s6 =	sor.u32 $0x1C01, s31;
	s9 =	smax.u32 s30, $0x1;
	s7 =	sadd.s32 $0x2E00, s10  }
0xc: {  	s8 =	sadd.s32 $0xFE00, s8;
	s10 =	sshrl.u32 s12, $0x3;
	s12 =	simm.s32 $0x2800  }
.LBB2_1:
0xd: {  	[spmem:s10], [sflag:s6] =	dma.local [hbm:s5], $0x2800  }
0xe: {  	_ =	swait.ge [sflag:s11], $0x2800  }
0xf: {  	[sflag:s11] =	ssyncset.done $0x0  }
0x10: {  	[sflag:s11] =	ssyncadd.s32 $0xFFFFD800  }
0x11: {  	[tilespmem:s12], [sflag:$0x1] =	stream.linear.gather [hbm4b:s4+s3], $0x4000, $0x38;
	[tilespmem:$0x1A800] =	vst v63  }
0x12: {  	_ =	swait.ge [sflag:s11], $0x4000  }
0x13: {  	[sflag:s11] =	ssyncset.done $0x0  }
0x14: {  	[sflag:s11] =	ssyncadd.s32 $0xFFFFC000  }
0x15: {  	[tilespmem:s3], [sflag:$0x1] =	stream.linear.gather [hbm4b:s7+s3], $0x2800, $0x38;
	[tilespmem:$0x1A800] =	vst v63  }
0x16: {  	_ =	swait.ge [sflag:s11], $0x2800  }
0x17: {  	[sflag:s11] =	ssyncset.done $0x0  }
0x18: {  	[sflag:s11] =	ssyncadd.s32 $0xFFFFD800  }
0x19: {  	s15 =	simm.s32 $0x0;
	[bflag:$0x0] =	sbarrier.arrive $0xFFFF  }
0x1a: {  	[spmem:s2] =	stream.indirect.scatter.add.f32 [tilespmem:s12], [sflag:$0x1], $0x80, s15, s13, $0xb8;
	[tilespmem:$0x1A800] =	vst v63  }
0x1b: {  	_ =	swait.ge [sflag:s11], $0x4000  }
0x1c: {  	s15 =	simm.s32 $0x200;
	[sflag:s11] =	ssyncset.done $0x0  }
.LBB2_2:
0x1d: {  	s16 =	sshra.s32 s15, $0x2;
	[sflag:s11] =	ssyncadd.s32 $0xFFFFC000;
	p0 =	sne.s32 s15, $0x9E00  }
0x1e: {  	[spmem:s2] =	stream.indirect.scatter.add.f32 [tilespmem:s12], [sflag:$0x1], $0x80, s16, s13, $0xb8;
	[tilespmem:$0x1A800] =	vst v63  }
.Ltmp0:
0x1f: {  	_ = 	snop;
	(pc) =	sbr.rel @p0 .LBB2_2-.Ltmp0, $4  }
0x20: {  	_ = 	snop  }
0x21: {  	s15 =	sadd.s32 $0x200, s15  }
0x22: {  	_ =	swait.ge [sflag:s11], $0x4000  }
0x23: {  	[sflag:s11] =	ssyncset.done $0x0  }
0x24: {  	s14 =	sadd.s32 $0x1, s14  }
0x25: {  	[sflag:s11] =	ssyncadd.s32 $0xFFFFC000;
	p0 =	sne.s32 s14, s9  }
.Ltmp1:
0x26: {  	[bflag:$0x0] =	sbarrier.arrive $0xFFFF;
	(pc) =	sbr.rel @p0 .LBB2_1-.Ltmp1, $4  }
0x27: {  	[hbm:s8], [sflag:s6] =	dma.local [spmem:s10], $0x2800  }
0x28: {  	_ =	swait.ge [sflag:s11], $0x2800  }
0x29: {  	[sflag:s11] =	ssyncset.done $0x0  }
0x2a: {  	[sflag:s11] =	ssyncadd.s32 $0xFFFFD800  }
0x2b: {  	_ =	sfence.sel $0x180000  }
0x2c: {  	[bflag:$0x0] =	sbarrier.arrive $0xFFFF  }
0x2d: {  	p0 =	sne.s32 s0, $0x0;
	_ =	strace $0x90000047  }
0x2e: {  	s0 =	sadd.s32 @!p0 $0x100000, s1;
	[bflag:$0x2] =	sbarrier.arrive $0xFFFF  }
0x2f: {  	[sflag:s0] =	ssyncadd.tile.s32 @!p0 $0x1;
	_ =	shalt  }
.Lfunc_end2:
_tile_overlayer_lowered:
.L_overlay_start_2:
0x30: {  	(tag) =	ssettag $0x2  }
0x31: {  	s0 =	rddreg [dreg:$0x0];
	s2 =	stileid.u32  }
0x32: {  	s1 =	rddreg [dreg:$0x1];
	p0 =	sne.s32 s2, $0x0  }
0x33: {  	s3 =	rddreg [dreg:$0x2];
	[bflag:$0x3] =	sbarrier.arrive $0xFFFF;
	s2 =	simm.s32 @!p0 $0x1C01  }
0x34: {  	[timem:s3], [sflag:s2] =	dma.local @!p0 [hbm:s0], s1  }
0x35: {  	s0 =	simm.s32 @!p0 $0x1  }
0x36: {  	_ =	swait.ge @!p0 [sflag:s0], s1  }
0x37: {  	s1 =	ssub.s32 @!p0 $0x0, s1;
	[sflag:s0] =	ssyncset.done @!p0 $0x0  }
0x38: {  	[sflag:s0] =	ssyncadd.s32 @!p0 s1  }
0x39: {  	[bflag:$0x3] =	sbarrier.arrive $0xFFFF  }
0x3a: {  	_ =	shalt  }

// kernel: kernel.14.cloned.1.call-start
scs
__scs_entry_jumppad:
0x0: {  	(pc) =	sbr.rel $0x88, $3  }
0x1: {  	(tag) =	ssettag $0x0;
	lr =	simm.s32 $0x1  }
0x2: {  	[smem:$0x3F99] =	sst lr;
	_ =	strace $0xD0000000  }
0x3: {  	_ = 	snop  }
0x4: {  	_ = 	snop  }
0x5: {  	_ = 	snop  }
0x6: {  	_ = 	snop  }
0x7: {  	_ = 	snop  }
__scs_overlays_trampoline_lowered:
0x8: {  	[smem:$0x3FA8] =	sst s0  }
0x9: {  	[smem:$0x3FA9] =	sst s1  }
0xa: {  	[smem:$0x3FAA] =	sst s2  }
0xb: {  	[smem:$0x3FAB] =	sst s3  }
0xc: {  	[smem:$0x3FAC] =	sst s4  }
0xd: {  	[smem:$0x3FAD] =	sst s5  }
0xe: {  	[smem:$0x3FAE] =	sst s6  }
0xf: {  	[smem:$0x3FAF] =	sst s7  }
0x10: {  	[smem:$0x3FB0] =	sst s8  }
0x11: {  	[smem:$0x3FB1] =	sst s9;
	s0 =	simm.s32 @!p0 $0x0  }
0x12: {  	s1 =	sld [smem:$0x3F97];
	s0 =	simm.s32 @p0 $0x1  }
0x13: {  	[smem:$0x3FB2] =	sst s0;
	s0 =	simm.s32 @!p1 $0x0  }
0x14: {  	s2 =	sld [smem:$0x3F96];
	s0 =	simm.s32 @p1 $0x1  }
0x15: {  	[smem:$0x3FB3] =	sst s0;
	s0 =	simm.s32 @!p2 $0x0  }
0x16: {  	s3 =	sld [smem:$0x3FDB];
	s0 =	simm.s32 @p2 $0x1  }
0x17: {  	s4 =	simm.s32 $0x1BF5;
	[smem:$0x3FB5] =	sst s0  }
0x18: {  	s0 =	sld [smem:$0x3F98];
	_ =	swait.ge [sflag:s4], $0x0  }
0x19: {  	s7 =	sld [smem:$0x3F99]  }
0x1a: {  	s8 =	sadd.s32 $0xFFFFE003, lr  }
0x1b: {  	s9 =	sadd.s32 $0xFFFFFEF7, lr;
	s5 =	simm.s32 $0xFFFFFFFF;
	p2 =	slt.u32 s8, $0xFFFFF086  }
0x1c: {  	p1 =	slt.u32 s9, $0xF7A;
	s5 =	simm.s32 @!p2 $0x0  }
0x1d: {  	s5 =	simm.s32 @p1 $0x1;
	p0 =	seq.s32 s7, s2  }
0x1e: {  	s7 =	smul.u32 @!p0 $0xF7A, s2;
	p2 =	seq.s32 @!p0 s5, $0x0  }
0x1f: {  	s9 =	smul.u32 $0xF7A, s1;
	s8 =	simm.s32 @!p0 $0x1BF5;
	p2 =	por !p2, p0  }
0x20: {  	[sflag:s8] =	ssyncset.s32 @!p0 $0xFFFFF086;
	s6 =	sadd.s32 @!p0 s3, s7;
	s7 =	simm.s32 @!p0 $0x108  }
0x21: {  	s3 =	sadd.s32 s3, s9;
	s6 =	sadd.s32 @!p0 $0x88, s6;
	s7 =	simm.s32 @p2 $0x1082  }
0x22: {  	[simem:s7], [sflag:s8] =	dma.local @!p0 [hbm:s6], $0xF7A  }
0x23: {  	s9 =	sor.u32 $0xD0000000, s2;
	s6 =	simm.s32 $0x108;
	_ =	swait.ge @!p0 [sflag:s8], $0x0  }
0x24: {  	s3 =	sadd.s32 $0x88, s3;
	s6 =	simm.s32 @!p1 $0x1082;
	[sflag:s4] =	ssyncset.s32 $0xFFFFF086  }
0x25: {  	[simem:s6], [sflag:s4] =	dma.local [hbm:s3], $0xF7A  }
0x26: {  	[smem:$0x3F99] =	sst s1;
	(tag) =	ssettag s2;
	_ =	strace s9  }
0x27: {  	s1 =	sld [smem:$0x3FA9]  }
0x28: {  	s2 =	sld [smem:$0x3FAA]  }
0x29: {  	s4 =	sld [smem:$0x3FAC]  }
0x2a: {  	p0 =	seq.s32 s5, $0x0;
	s5 =	sld [smem:$0x3FAD]  }
0x2b: {  	s6 =	sld [smem:$0x3FAE]  }
0x2c: {  	s7 =	sld [smem:$0x3FAF]  }
0x2d: {  	s3 =	simm.s32 $0x108;
	s8 =	sld [smem:$0x3FB0]  }
0x2e: {  	s3 =	simm.s32 @!p0 $0x1082;
	s9 =	sld [smem:$0x3FB1]  }
0x2f: {  	lr =	sadd.s32 s0, s3;
	s0 =	sld [smem:$0x3FA8]  }
0x30: {  	s3 =	sld [smem:$0x3FAB]  }
0x31: {  	[smem:$0x3FB4] =	sst s10  }
0x32: {  	s10 =	sld [smem:$0x3FB2];
	_ =	sdelay $0x3  }
0x33: {  	p0 =	seq.s32 s10, $0x1;
	s10 =	sld [smem:$0x3FB4];
	_ =	sdelay $0x3  }
0x34: {  	[smem:$0x3FB4] =	sst s10  }
0x35: {  	s10 =	sld [smem:$0x3FB3];
	_ =	sdelay $0x3  }
0x36: {  	p1 =	seq.s32 s10, $0x1;
	s10 =	sld [smem:$0x3FB4];
	_ =	sdelay $0x3  }
0x37: {  	[smem:$0x3FB4] =	sst s10  }
0x38: {  	s10 =	sld [smem:$0x3FB5]  }
0x39: {  	_ = 	snop;
	(pc) =	sbr.ind lr, $3  }
0x3a: {  	_ = 	snop  }
0x3b: {  	_ = 	snop  }
0x3c: {  	p2 =	seq.s32 s10, $0x1;
	s10 =	sld [smem:$0x3FB4]  }
0x3d: {  	_ =	shalt  }
0x3e: {  	_ =	shalt  }
0x3f: {  	_ =	shalt  }
0x40: {  	_ =	shalt  }
0x41: {  	_ =	shalt  }
0x42: {  	_ =	shalt  }
0x43: {  	_ =	shalt  }
0x44: {  	_ =	shalt  }
0x45: {  	_ =	shalt  }
0x46: {  	_ =	shalt  }
0x47: {  	_ =	shalt  }
0x48: {  	_ =	shalt  }
0x49: {  	_ =	shalt  }
0x4a: {  	_ =	shalt  }
0x4b: {  	_ =	shalt  }
0x4c: {  	_ =	shalt  }
0x4d: {  	_ =	shalt  }
0x4e: {  	_ =	shalt  }
0x4f: {  	_ =	shalt  }
0x50: {  	_ =	shalt  }
0x51: {  	_ =	shalt  }
0x52: {  	_ =	shalt  }
0x53: {  	_ =	shalt  }
0x54: {  	_ =	shalt  }
0x55: {  	_ =	shalt  }
0x56: {  	_ =	shalt  }
0x57: {  	_ =	shalt  }
0x58: {  	_ =	shalt  }
0x59: {  	_ =	shalt  }
0x5a: {  	_ =	shalt  }
0x5b: {  	_ =	shalt  }
0x5c: {  	_ =	shalt  }
0x5d: {  	_ =	shalt  }
0x5e: {  	_ =	shalt  }
0x5f: {  	_ =	shalt  }
0x60: {  	_ =	shalt  }
0x61: {  	_ =	shalt  }
0x62: {  	_ =	shalt  }
0x63: {  	_ =	shalt  }
0x64: {  	_ =	shalt  }
0x65: {  	_ =	shalt  }
0x66: {  	_ =	shalt  }
0x67: {  	_ =	shalt  }
0x68: {  	_ =	shalt  }
0x69: {  	_ =	shalt  }
0x6a: {  	_ =	shalt  }
0x6b: {  	_ =	shalt  }
0x6c: {  	_ =	shalt  }
0x6d: {  	_ =	shalt  }
0x6e: {  	_ =	shalt  }
0x6f: {  	_ =	shalt  }
0x70: {  	_ =	shalt  }
0x71: {  	_ =	shalt  }
0x72: {  	_ =	shalt  }
0x73: {  	_ =	shalt  }
0x74: {  	_ =	shalt  }
0x75: {  	_ =	shalt  }
0x76: {  	_ =	shalt  }
0x77: {  	_ =	shalt  }
0x78: {  	_ =	shalt  }
0x79: {  	_ =	shalt  }
0x7a: {  	_ =	shalt  }
0x7b: {  	_ =	shalt  }
0x7c: {  	_ =	shalt  }
0x7d: {  	_ =	shalt  }
0x7e: {  	_ =	shalt  }
0x7f: {  	_ =	shalt  }
0x80: {  	_ =	shalt  }
0x81: {  	_ =	shalt  }
0x82: {  	_ =	shalt  }
0x83: {  	_ =	shalt  }
0x84: {  	_ =	shalt  }
0x85: {  	_ =	shalt  }
0x86: {  	_ =	shalt  }
0x87: {  	_ =	shalt  }
.Lfunc_end0:
.L_simem_size_0:
called_computation.1_lowered:
.L_overlay_start_0:
0x88: {  	s2 =	sld [smem:$0x3FD9]  }
0x89: {  	s3 =	sld [smem:$0x3FFE];
	_ =	sdelay $0x1  }
0x8a: {  	s1 =	srdreg.scid  }
0x8b: {  	s0 =	sand.u32 $0x1, s1  }
0x8c: {  	s17 =	sshll.u32 s0, $0xA;
	s2 =	sadd.s32 s3, s2  }
0x8d: {  	s2 =	sadd.s32 s2, s17  }
0x8e: {  	[smem:$0x3FC0] =	sst s2  }
0x8f: {  	_ = 	snop  }
0x90: {  	s2 =	sld [smem:$0x3FD0];
	(tm) =	ssettm $0x1  }
0x91: {  	s18 =	sld [smem:$0x3FFB];
	_ =	sdelay $0x3  }
0x92: {  	_ =	strace s18  }
0x93: {  	s3 =	sld [smem:$0x3FFC];
	_ =	sdelay $0x3  }
0x94: {  	_ =	strace s3  }
0x95: {  	s3 =	sld [smem:$0x3FFD];
	_ =	sdelay $0x3  }
0x96: {  	_ =	strace s3  }
0x97: {  	_ =	strace $0x8FFFFFFF  }
0x98: {  	s19 =	sld [smem:$0x3FDB];
	_ =	sdelay $0x1  }
0x99: {  	s4 =	simm.s32 $_scs_section_size  }
0x9a: {  	s5 =	simm.s32 $_size__tile_overlayer_lowered;
	s6 =	simm.s32 $_tile_overlayer_lowered  }
0x9b: {  	s22 =	simm.s32 $0x1BFF;
	s21 =	sshll.u32 s6, $0x1;
	s3 =	sadd.s32 s4, s19  }
0x9c: {  	s7 =	simm.s32 $0x0;
	s20 =	sshll.u32 s5, $0x1;
	s5 =	sadd.s32 s21, s3  }
0x9d: {  	[timem:s7], [sflag:s22] =	dma.local [hbm:s5], s20  }
0x9e: {  	_ =	swait.ge [sflag:s22], s20  }
0x9f: {  	s4 =	ssub.s32 $0x0, s20;
	[sflag:s22] =	ssyncset.done $0x0  }
0xa0: {  	[sflag:s22] =	ssyncadd.s32 s4;
	_ =	sdelay $0x1  }
0xa1: {  	s23 =	simm.s32 $0x1B8B  }
0xa2: {  	_ =	swait.ge [sflag:s23], $0x1  }
0xa3: {  	[sflag:s23] =	ssyncset.done $0x0  }
0xa4: {  	s25 =	simm.s32 $0x1B8E;
	s24 =	sld [smem:$0x3FFE];
	[sflag:s23] =	ssyncadd.s32 $0xFFFFFFFF  }
0xa5: {  	s26 =	simm.s32 $execute0_lowered;
	[smem:$0x3FD2] =	sst s25  }
0xa6: {  	s5 =	sshll.u32 s26, $0x1;
	_ =	strace $0x80000049;
	[dreg:$0x1] =	wrdreg $0xFFFFFFFF  }
0xa7: {  	s28 =	simm.s32 $_size_execute0_lowered;
	s3 =	sadd.s32 s3, s5;
	[dreg:$0x0] =	wrdreg $0x0  }
0xa8: {  	s5 =	sshll.u32 s28, $0x1;
	[dreg:$0x2] =	wrdreg s3  }
0xa9: {  	[dreg:$0x3] =	wrdreg s5  }
0xaa: {  	[dreg:$0x4] =	wrdreg $0xC0  }
0xab: {  	_ =	task [dreg:s7], $0x5FFFF  }
0xac: {  	[dreg:$0x1] =	wrdreg $0xFFFFFFFF  }
0xad: {  	[dreg:$0x0] =	wrdreg $0x60  }
0xae: {  	[dreg:$0x2] =	wrdreg s24  }
0xaf: {  	[dreg:$0x3] =	wrdreg s2  }
0xb0: {  	[dreg:$0x4] =	wrdreg $0xA8000  }
0xb1: {  	[dreg:$0x5] =	wrdreg $0x9  }
0xb2: {  	_ =	task.clear_ibuf [dreg:s7], $0x6FFFF;
	_ =	strace $0x90000049  }
0xb3: {  	s29 =	simm.s32 $0x9;
	_ =	strace $0x8000004B  }
0xb4: {  	_ =	swait.ge [sflag:s29], $0x1  }
0xb5: {  	[sflag:s29] =	ssyncadd.s32 $0xFFFFFFFF  }
0xb6: {  	_ =	strace $0x9000004B  }
0xb7: {  	_ =	sfence  }
0xb8: {  	s30 =	sld [smem:$0x0];
	_ =	sdelay $0x2  }
0xb9: {  	s31 =	sshll.u32 s1, $0xD;
	s1 =	sshrl.u32 s1, $0x2  }
0xba: {  	s3 =	sand.u32 $0x4000, s31;
	s1 =	sadd.s32 s1, s30  }
0xbb: {  	s0 =	sor.u32 s3, s0;
	s1 =	sshll.u32 s1, $0x11  }
0xbc: {  	s0 =	sor.u32 s1, s0  }
0xbd: {  	s0 =	sadd.s32 $0x8F2B, s0  }
0xbe: {  	[sflag:s0] =	ssyncadd.remote.s32 $0x1  }
0xbf: {  	_ =	sfence.sel $0xFFFF  }
0xc0: {  	[dreg:$0x0] =	wrdreg $0xFFFFFFFF;
	(pc) =	sbr.abs _section_cstart, $3  }
0xc1: {  	[dreg:$0x1] =	wrdreg $0xFFFFFFFF  }
0xc2: {  	_ =	task.clear_ibuf [dreg:s7], $0x2FFFF;
	_ =	strace $0x9FFFFFFF  }
0xc3: {  	(tm) =	ssettm $0x7FFFFFFF  }
tec
execute0_lowered:
.L_overlay_start_1:
0x0: {  	(tag) =	ssettag $0x1  }
0x1: {  	s6 =	rddreg [dreg:$0x0]  }
0x2: {  	s13 =	rddreg [dreg:$0x1]  }
0x3: {  	s2 =	rddreg [dreg:$0x2]  }
0x4: {  	s0 =	rddreg [dreg:$0x3]  }
0x5: {  	s3 =	simm.s32 $0x0;
	s4 =	srdreg.scid;
	s1 =	stileid.u32  }
0x6: {  	s20 =	simm.s32 $0x80;
	s21 =	simm.s32 $0x2800;
	s5 =	smul.u32 $0x2800, s1  }
0x7: {  	s22 =	simm.s32 $0x6800;
	s23 =	simm.s32 $0x1480;
	s11 =	smul.u32 $0x50000, s1  }
0x8: {  	s24 =	simm.s32 $0x1;
	[smem:$0x7FF] =	sst s3;
	s28 =	smul.u32 $0x3C00, s1  }
0x9: {  	s7 =	sand.u32 $0x1, s4;
	s4 =	sadd.s32 $0xF600, s6;
	s29 =	smul.u32 $0x780, s1  }
0xa: {  	s14 =	sadd.s32 $0x2E00, s6;
	s26 =	sshll.u32 s1, $0x6;
	s31 =	smul.u32 $0x1400, s1  }
0xb: {  	_ =	strace $0x8000004A;
	s8 =	smul.u32 $0x28000, s7;
	s9 =	ssub.s32 $0x2, s7  }
0xc: {  	p0 =	seq.s32 s7, $0x1;
	s10 =	sshrl.u32 s9, $0x1;
	s25 =	sshrl.u32 s11, $0x2  }
0xd: {  	s30 =	sshrl.u32 s28, $0x3;
	s7 =	sadd.s32 s13, s29;
	s19 =	sshrl.u32 s31, $0x3  }
0xe: {  	s8 =	sadd.s32 s5, s8;
	s5 =	sadd.s32 $0xCE00, s6;
	s16 =	ssub.s32 s9, s10  }
0xf: {  	s17 =	sadd.s32 s25, s2;
	s12 =	sadd.s32 $0x280, s30;
	s18 =	sadd.s32 $0x500, s30  }
0x10: {  	s19 =	sadd.s32 $0x7800, s19;
	s25 =	simm.s32 $0x2;
	s15 =	sadd.s32 s8, s6  }
.Ltmp0:
0x11: {  	s6 =	sor.u32 $0x1C03, s26;
	s8 =	sadd.s32 s14, s29;
	(pc) =	sbr.rel .LBB2_1-.Ltmp0, $4  }
0x12: {  	s9 =	sadd.s32 s13, s12;
	s10 =	sadd.s32 s14, s12;
	s11 =	sadd.s32 s13, s18  }
0x13: {  	s12 =	sadd.s32 s14, s18;
	s13 =	sadd.s32 s13, s19;
	s14 =	sadd.s32 s14, s19  }
0x14: {  	s16 =	smax.u32 s16, $0x1;
	s17 =	sshrl.u32 s17, $0x3;
	s18 =	simm.s32 $0x3  }
0x15: {  	s19 =	simm.s32 $0x1400;
	s26 =	simm.s32 $0x0;
	s15 =	sadd.s32 $0x37600, s15  }
.LBB2_11:
0x16: {  	[spmem:s2] =	stream.indirect.scatter.add.f32 [tilespmem:s22], [sflag:$0x2], $0x80, s29, s20, $0xb8;
	[tilespmem:$0x1E800] =	vst v63  }
.LBB2_12:
0x17: {  	_ =	swait.ge [sflag:s24], $0x4000  }
0x18: {  	[sflag:s24] =	ssyncset.done $0x0  }
0x19: {  	[sflag:s24] =	ssyncadd.s32 $0xFFFFC000  }
0x1a: {  	_ =	swait.ge [sflag:s25], $0x4000  }
0x1b: {  	s26 =	sadd.s32 $0x1, s26;
	[sflag:s25] =	ssyncset.done $0x0  }
0x1c: {  	p1 =	sne.s32 s26, s16;
	[sflag:s25] =	ssyncadd.s32 $0xFFFFC000  }
.Ltmp1:
0x1d: {  	[bflag:$0x0] =	sbarrier.arrive $0xFFFF;
	(pc) =	sbr.rel @!p1 .LBB2_13-.Ltmp1, $4  }
0x1e: {  	[hbm:s15], [sflag:s6] =	dma.local [spmem:s17], $0x2800  }
0x1f: {  	_ =	swait.ge [sflag:s18], $0x2800  }
0x20: {  	[sflag:s18] =	ssyncset.done $0x0  }
0x21: {  	[sflag:s18] =	ssyncadd.s32 $0xFFFFD800  }
.LBB2_1:
0x22: {  	[spmem:s17], [sflag:s6] =	dma.local [hbm:s5], $0x2800  }
.Ltmp2:
0x23: {  	_ =	swait.ge [sflag:s18], $0x2800;
	(pc) =	sbr.rel @!p0 .LBB2_2-.Ltmp2, $3  }
0x24: {  	[sflag:s18] =	ssyncset.done $0x0  }
0x25: {  	[sflag:s18] =	ssyncadd.s32 $0xFFFFD800  }
0x26: {  	[bflag:$0x0] =	sbarrier.arrive $0xFFFF;
	_ =	sdelay $0x1  }
0x27: {  	[tilespmem:s3], [sflag:$0x3] =	stream.linear.gather [hbm4b:s13+s3], $0x1400, $0x38;
	[tilespmem:$0x1E800] =	vst v63  }
0x28: {  	_ =	swait.ge [sflag:s18], $0x1400  }
0x29: {  	[sflag:s18] =	ssyncset.done $0x0  }
0x2a: {  	[sflag:s18] =	ssyncadd.s32 $0xFFFFEC00  }
0x2b: {  	[tilespmem:s19], [sflag:$0x3] =	stream.linear.gather [hbm4b:s14+s3], $0x1400, $0x38;
	[tilespmem:$0x1E800] =	vst v63  }
0x2c: {  	_ =	swait.ge [sflag:s18], $0x1400  }
0x2d: {  	[sflag:s18] =	ssyncset.done $0x0  }
0x2e: {  	[sflag:s18] =	ssyncadd.s32 $0xFFFFEC00  }
0x2f: {  	[tilespmem:s21], [sflag:$0x3] =	stream.indirect.gather [hbm4b:s4+s20], $0x80, s3, s20, $0xb8;
	[tilespmem:$0x1E800] =	vst v63  }
0x30: {  	_ =	swait.ge [sflag:s18], $0x4000  }
0x31: {  	[sflag:s18] =	ssyncset.done $0x0  }
0x32: {  	[sflag:s18] =	ssyncadd.s32 $0xFFFFC000  }
0x33: {  	[spmem:s2] =	stream.indirect.scatter.add.f32 [tilespmem:s21], [sflag:$0x1], $0x80, s19, s20, $0xb8;
	[tilespmem:$0x1E800] =	vst v63  }
0x34: {  	_ = 	snop  }
0x35: {  	[tilespmem:s22], [sflag:$0x3] =	stream.indirect.gather [hbm4b:s4+s20], $0x80, s20, s20, $0xb8;
	[tilespmem:$0x1E800] =	vst v63  }
0x36: {  	_ =	swait.ge [sflag:s18], $0x4000  }
0x37: {  	[sflag:s18] =	ssyncset.done $0x0  }
0x38: {  	[sflag:s18] =	ssyncadd.s32 $0xFFFFC000  }
0x39: {  	[spmem:s2] =	stream.indirect.scatter.add.f32 [tilespmem:s22], [sflag:$0x2], $0x80, s23, s20, $0xb8;
	[tilespmem:$0x1E800] =	vst v63  }
0x3a: {  	_ =	swait.ge [sflag:s24], $0x4000  }
0x3b: {  	[sflag:s24] =	ssyncset.done $0x0  }
0x3c: {  	s28 =	simm.s32 $0x100;
	[sflag:s24] =	ssyncadd.s32 $0xFFFFC000  }
0x3d: {  	[tilespmem:s21], [sflag:$0x3] =	stream.indirect.gather [hbm4b:s4+s20], $0x80, s28, s20, $0xb8;
	[tilespmem:$0x1E800] =	vst v63  }
0x3e: {  	_ =	swait.ge [sflag:s18], $0x4000  }
0x3f: {  	[sflag:s18] =	ssyncset.done $0x0  }
0x40: {  	s28 =	simm.s32 $0x1500;
	[sflag:s18] =	ssyncadd.s32 $0xFFFFC000  }
0x41: {  	[spmem:s2] =	stream.indirect.scatter.add.f32 [tilespmem:s21], [sflag:$0x1], $0x80, s28, s20, $0xb8;
	[tilespmem:$0x1E800] =	vst v63  }
0x42: {  	_ =	swait.ge [sflag:s25], $0x4000  }
0x43: {  	[sflag:s25] =	ssyncset.done $0x0  }
0x44: {  	s28 =	simm.s32 $0x180;
	[sflag:s25] =	ssyncadd.s32 $0xFFFFC000  }
0x45: {  	[tilespmem:s22], [sflag:$0x3] =	stream.indirect.gather [hbm4b:s4+s20], $0x80, s28, s20, $0xb8;
	[tilespmem:$0x1E800] =	vst v63  }
0x46: {  	_ =	swait.ge [sflag:s18], $0x4000  }
0x47: {  	[sflag:s18] =	ssyncset.done $0x0  }
0x48: {  	s29 =	simm.s32 $0x1580;
	s28 =	simm.s32 $0xFFFFB800;
	[sflag:s18] =	ssyncadd.s32 $0xFFFFC000  }
.LBB2_10:
0x49: {  	[spmem:s2] =	stream.indirect.scatter.add.f32 [tilespmem:s22], [sflag:$0x2], $0x80, s29, s20, $0xb8;
	[tilespmem:$0x1E800] =	vst v63  }
0x4a: {  	s29 =	smov.u32 s28  }
0x4b: {  	p1 =	sne.s32 s28, $0xFFFFFC00;
	s28 =	sadd.s32 $0x400, s28;
	_ =	swait.ge [sflag:s24], $0x4000  }
0x4c: {  	s29 =	sshra.s32 s29, $0x2;
	[sflag:s24] =	ssyncset.done $0x0  }
0x4d: {  	s30 =	sadd.s32 $0x1400, s29;
	[sflag:s24] =	ssyncadd.s32 $0xFFFFC000  }
0x4e: {  	[tilespmem:s21], [sflag:$0x3] =	stream.indirect.gather [hbm4b:s4+s20], $0x80, s30, s20, $0xb8;
	[tilespmem:$0x1E800] =	vst v63  }
0x4f: {  	_ =	swait.ge [sflag:s18], $0x4000  }
0x50: {  	[sflag:s18] =	ssyncset.done $0x0  }
0x51: {  	s30 =	sadd.s32 $0x2800, s29;
	[sflag:s18] =	ssyncadd.s32 $0xFFFFC000  }
0x52: {  	[spmem:s2] =	stream.indirect.scatter.add.f32 [tilespmem:s21], [sflag:$0x1], $0x80, s30, s20, $0xb8;
	[tilespmem:$0x1E800] =	vst v63  }
0x53: {  	_ =	swait.ge [sflag:s25], $0x4000  }
0x54: {  	[sflag:s25] =	ssyncset.done $0x0  }
.Ltmp3:
0x55: {  	s30 =	sadd.s32 $0x1480, s29;
	[sflag:s25] =	ssyncadd.s32 $0xFFFFC000;
	(pc) =	sbr.rel @p1 .LBB2_10-.Ltmp3, $4  }
0x56: {  	[tilespmem:s22], [sflag:$0x3] =	stream.indirect.gather [hbm4b:s4+s20], $0x80, s30, s20, $0xb8;
	[tilespmem:$0x1E800] =	vst v63  }
0x57: {  	_ =	swait.ge [sflag:s18], $0x4000  }
0x58: {  	[sflag:s18] =	ssyncset.done $0x0  }
0x59: {  	s29 =	sadd.s32 $0x2880, s29;
	[sflag:s18] =	ssyncadd.s32 $0xFFFFC000  }
.Ltmp4:
0x5a: {  	_ = 	snop;
	(pc) =	sbr.rel .LBB2_11-.Ltmp4, $1  }
0x5b: {  	_ =	sdelay $0x3  }
.LBB2_2:
0x5c: {  	[tilespmem:s3], [sflag:$0x3] =	stream.linear.gather [hbm4b:s7+s3], $0x1400, $0x38;
	[tilespmem:$0x1E800] =	vst v63  }
0x5d: {  	_ =	swait.ge [sflag:s18], $0x1400  }
0x5e: {  	[sflag:s18] =	ssyncset.done $0x0  }
0x5f: {  	[sflag:s18] =	ssyncadd.s32 $0xFFFFEC00  }
0x60: {  	[tilespmem:s19], [sflag:$0x3] =	stream.linear.gather [hbm4b:s8+s3], $0x1400, $0x38;
	[tilespmem:$0x1E800] =	vst v63  }
0x61: {  	_ =	swait.ge [sflag:s18], $0x1400  }
0x62: {  	[sflag:s18] =	ssyncset.done $0x0  }
0x63: {  	[sflag:s18] =	ssyncadd.s32 $0xFFFFEC00  }
0x64: {  	[tilespmem:s21], [sflag:$0x3] =	stream.indirect.gather [hbm4b:s4+s20], $0x80, s3, s20, $0xb8;
	[tilespmem:$0x1E800] =	vst v63  }
0x65: {  	_ =	swait.ge [sflag:s18], $0x4000  }
0x66: {  	[sflag:s18] =	ssyncset.done $0x0  }
0x67: {  	[sflag:s18] =	ssyncadd.s32 $0xFFFFC000  }
0x68: {  	[spmem:s2] =	stream.indirect.scatter.add.f32 [tilespmem:s21], [sflag:$0x1], $0x80, s19, s20, $0xb8;
	[tilespmem:$0x1E800] =	vst v63  }
0x69: {  	_ = 	snop  }
0x6a: {  	[tilespmem:s22], [sflag:$0x3] =	stream.indirect.gather [hbm4b:s4+s20], $0x80, s20, s20, $0xb8;
	[tilespmem:$0x1E800] =	vst v63  }
0x6b: {  	_ =	swait.ge [sflag:s18], $0x4000  }
0x6c: {  	[sflag:s18] =	ssyncset.done $0x0  }
0x6d: {  	[sflag:s18] =	ssyncadd.s32 $0xFFFFC000  }
0x6e: {  	[spmem:s2] =	stream.indirect.scatter.add.f32 [tilespmem:s22], [sflag:$0x2], $0x80, s23, s20, $0xb8;
	[tilespmem:$0x1E800] =	vst v63  }
0x6f: {  	_ =	swait.ge [sflag:s24], $0x4000  }
0x70: {  	[sflag:s24] =	ssyncset.done $0x0  }
0x71: {  	s28 =	simm.s32 $0x100;
	[sflag:s24] =	ssyncadd.s32 $0xFFFFC000  }
0x72: {  	[tilespmem:s21], [sflag:$0x3] =	stream.indirect.gather [hbm4b:s4+s20], $0x80, s28, s20, $0xb8;
	[tilespmem:$0x1E800] =	vst v63  }
0x73: {  	_ =	swait.ge [sflag:s18], $0x4000  }
0x74: {  	[sflag:s18] =	ssyncset.done $0x0  }
0x75: {  	s28 =	simm.s32 $0x1500;
	[sflag:s18] =	ssyncadd.s32 $0xFFFFC000  }
0x76: {  	[spmem:s2] =	stream.indirect.scatter.add.f32 [tilespmem:s21], [sflag:$0x1], $0x80, s28, s20, $0xb8;
	[tilespmem:$0x1E800] =	vst v63  }
0x77: {  	_ =	swait.ge [sflag:s25], $0x4000  }
0x78: {  	[sflag:s25] =	ssyncset.done $0x0  }
0x79: {  	s28 =	simm.s32 $0x180;
	[sflag:s25] =	ssyncadd.s32 $0xFFFFC000  }
0x7a: {  	[tilespmem:s22], [sflag:$0x3] =	stream.indirect.gather [hbm4b:s4+s20], $0x80, s28, s20, $0xb8;
	[tilespmem:$0x1E800] =	vst v63  }
0x7b: {  	_ =	swait.ge [sflag:s18], $0x4000  }
0x7c: {  	[sflag:s18] =	ssyncset.done $0x0  }
0x7d: {  	s29 =	simm.s32 $0x1580;
	s28 =	simm.s32 $0xFFFFB800;
	[sflag:s18] =	ssyncadd.s32 $0xFFFFC000  }
.LBB2_3:
0x7e: {  	[spmem:s2] =	stream.indirect.scatter.add.f32 [tilespmem:s22], [sflag:$0x2], $0x80, s29, s20, $0xb8;
	[tilespmem:$0x1E800] =	vst v63  }
0x7f: {  	s29 =	smov.u32 s28  }
0x80: {  	p1 =	sne.s32 s28, $0xFFFFFC00;
	s28 =	sadd.s32 $0x400, s28;
	_ =	swait.ge [sflag:s24], $0x4000  }
0x81: {  	s29 =	sshra.s32 s29, $0x2;
	[sflag:s24] =	ssyncset.done $0x0  }
0x82: {  	s30 =	sadd.s32 $0x1400, s29;
	[sflag:s24] =	ssyncadd.s32 $0xFFFFC000  }
0x83: {  	[tilespmem:s21], [sflag:$0x3] =	stream.indirect.gather [hbm4b:s4+s20], $0x80, s30, s20, $0xb8;
	[tilespmem:$0x1E800] =	vst v63  }
0x84: {  	_ =	swait.ge [sflag:s18], $0x4000  }
0x85: {  	[sflag:s18] =	ssyncset.done $0x0  }
0x86: {  	s30 =	sadd.s32 $0x2800, s29;
	[sflag:s18] =	ssyncadd.s32 $0xFFFFC000  }
0x87: {  	[spmem:s2] =	stream.indirect.scatter.add.f32 [tilespmem:s21], [sflag:$0x1], $0x80, s30, s20, $0xb8;
	[tilespmem:$0x1E800] =	vst v63  }
0x88: {  	_ =	swait.ge [sflag:s25], $0x4000  }
0x89: {  	[sflag:s25] =	ssyncset.done $0x0  }
.Ltmp5:
0x8a: {  	s30 =	sadd.s32 $0x1480, s29;
	[sflag:s25] =	ssyncadd.s32 $0xFFFFC000;
	(pc) =	sbr.rel @p1 .LBB2_3-.Ltmp5, $4  }
0x8b: {  	[tilespmem:s22], [sflag:$0x3] =	stream.indirect.gather [hbm4b:s4+s20], $0x80, s30, s20, $0xb8;
	[tilespmem:$0x1E800] =	vst v63  }
0x8c: {  	_ =	swait.ge [sflag:s18], $0x4000  }
0x8d: {  	[sflag:s18] =	ssyncset.done $0x0  }
0x8e: {  	s29 =	sadd.s32 $0x2880, s29;
	[sflag:s18] =	ssyncadd.s32 $0xFFFFC000  }
0x8f: {  	[spmem:s2] =	stream.indirect.scatter.add.f32 [tilespmem:s22], [sflag:$0x2], $0x80, s29, s20, $0xb8;
	[tilespmem:$0x1E800] =	vst v63  }
0x90: {  	_ =	swait.ge [sflag:s24], $0x4000  }
0x91: {  	[sflag:s24] =	ssyncset.done $0x0  }
0x92: {  	[sflag:s24] =	ssyncadd.s32 $0xFFFFC000  }
0x93: {  	_ =	swait.ge [sflag:s25], $0x4000  }
0x94: {  	[sflag:s25] =	ssyncset.done $0x0  }
0x95: {  	[sflag:s25] =	ssyncadd.s32 $0xFFFFC000  }
0x96: {  	[tilespmem:s3], [sflag:$0x3] =	stream.linear.gather [hbm4b:s9+s3], $0x1400, $0x38;
	[tilespmem:$0x1E800] =	vst v63  }
0x97: {  	_ =	swait.ge [sflag:s18], $0x1400  }
0x98: {  	[sflag:s18] =	ssyncset.done $0x0  }
0x99: {  	[sflag:s18] =	ssyncadd.s32 $0xFFFFEC00  }
0x9a: {  	[tilespmem:s19], [sflag:$0x3] =	stream.linear.gather [hbm4b:s10+s3], $0x1400, $0x38;
	[tilespmem:$0x1E800] =	vst v63  }
0x9b: {  	_ =	swait.ge [sflag:s18], $0x1400  }
0x9c: {  	[sflag:s18] =	ssyncset.done $0x0  }
0x9d: {  	[sflag:s18] =	ssyncadd.s32 $0xFFFFEC00  }
0x9e: {  	[tilespmem:s21], [sflag:$0x3] =	stream.indirect.gather [hbm4b:s4+s20], $0x80, s3, s20, $0xb8;
	[tilespmem:$0x1E800] =	vst v63  }
0x9f: {  	_ =	swait.ge [sflag:s18], $0x4000  }
0xa0: {  	[sflag:s18] =	ssyncset.done $0x0  }
0xa1: {  	[sflag:s18] =	ssyncadd.s32 $0xFFFFC000  }
0xa2: {  	[spmem:s2] =	stream.indirect.scatter.add.f32 [tilespmem:s21], [sflag:$0x1], $0x80, s19, s20, $0xb8;
	[tilespmem:$0x1E800] =	vst v63  }
0xa3: {  	_ = 	snop  }
0xa4: {  	[tilespmem:s22], [sflag:$0x3] =	stream.indirect.gather [hbm4b:s4+s20], $0x80, s20, s20, $0xb8;
	[tilespmem:$0x1E800] =	vst v63  }
0xa5: {  	_ =	swait.ge [sflag:s18], $0x4000  }
0xa6: {  	[sflag:s18] =	ssyncset.done $0x0  }
0xa7: {  	[sflag:s18] =	ssyncadd.s32 $0xFFFFC000  }
0xa8: {  	[spmem:s2] =	stream.indirect.scatter.add.f32 [tilespmem:s22], [sflag:$0x2], $0x80, s23, s20, $0xb8;
	[tilespmem:$0x1E800] =	vst v63  }
0xa9: {  	_ =	swait.ge [sflag:s24], $0x4000  }
0xaa: {  	[sflag:s24] =	ssyncset.done $0x0  }
0xab: {  	s28 =	simm.s32 $0x100;
	[sflag:s24] =	ssyncadd.s32 $0xFFFFC000  }
0xac: {  	[tilespmem:s21], [sflag:$0x3] =	stream.indirect.gather [hbm4b:s4+s20], $0x80, s28, s20, $0xb8;
	[tilespmem:$0x1E800] =	vst v63  }
0xad: {  	_ =	swait.ge [sflag:s18], $0x4000  }
0xae: {  	[sflag:s18] =	ssyncset.done $0x0  }
0xaf: {  	s28 =	simm.s32 $0x1500;
	[sflag:s18] =	ssyncadd.s32 $0xFFFFC000  }
0xb0: {  	[spmem:s2] =	stream.indirect.scatter.add.f32 [tilespmem:s21], [sflag:$0x1], $0x80, s28, s20, $0xb8;
	[tilespmem:$0x1E800] =	vst v63  }
0xb1: {  	_ =	swait.ge [sflag:s25], $0x4000  }
0xb2: {  	[sflag:s25] =	ssyncset.done $0x0  }
0xb3: {  	s28 =	simm.s32 $0x180;
	[sflag:s25] =	ssyncadd.s32 $0xFFFFC000  }
0xb4: {  	[tilespmem:s22], [sflag:$0x3] =	stream.indirect.gather [hbm4b:s4+s20], $0x80, s28, s20, $0xb8;
	[tilespmem:$0x1E800] =	vst v63  }
0xb5: {  	_ =	swait.ge [sflag:s18], $0x4000  }
0xb6: {  	[sflag:s18] =	ssyncset.done $0x0  }
0xb7: {  	s29 =	simm.s32 $0x1580;
	s28 =	simm.s32 $0xFFFFB800;
	[sflag:s18] =	ssyncadd.s32 $0xFFFFC000  }
.LBB2_5:
0xb8: {  	[spmem:s2] =	stream.indirect.scatter.add.f32 [tilespmem:s22], [sflag:$0x2], $0x80, s29, s20, $0xb8;
	[tilespmem:$0x1E800] =	vst v63  }
0xb9: {  	s29 =	smov.u32 s28  }
0xba: {  	p1 =	sne.s32 s28, $0xFFFFFC00;
	s28 =	sadd.s32 $0x400, s28;
	_ =	swait.ge [sflag:s24], $0x4000  }
0xbb: {  	s29 =	sshra.s32 s29, $0x2;
	[sflag:s24] =	ssyncset.done $0x0  }
0xbc: {  	s30 =	sadd.s32 $0x1400, s29;
	[sflag:s24] =	ssyncadd.s32 $0xFFFFC000  }
0xbd: {  	[tilespmem:s21], [sflag:$0x3] =	stream.indirect.gather [hbm4b:s4+s20], $0x80, s30, s20, $0xb8;
	[tilespmem:$0x1E800] =	vst v63  }
0xbe: {  	_ =	swait.ge [sflag:s18], $0x4000  }
0xbf: {  	[sflag:s18] =	ssyncset.done $0x0  }
0xc0: {  	s30 =	sadd.s32 $0x2800, s29;
	[sflag:s18] =	ssyncadd.s32 $0xFFFFC000  }
0xc1: {  	[spmem:s2] =	stream.indirect.scatter.add.f32 [tilespmem:s21], [sflag:$0x1], $0x80, s30, s20, $0xb8;
	[tilespmem:$0x1E800] =	vst v63  }
0xc2: {  	_ =	swait.ge [sflag:s25], $0x4000  }
0xc3: {  	[sflag:s25] =	ssyncset.done $0x0  }
.Ltmp6:
0xc4: {  	s30 =	sadd.s32 $0x1480, s29;
	[sflag:s25] =	ssyncadd.s32 $0xFFFFC000;
	(pc) =	sbr.rel @p1 .LBB2_5-.Ltmp6, $4  }
0xc5: {  	[tilespmem:s22], [sflag:$0x3] =	stream.indirect.gather [hbm4b:s4+s20], $0x80, s30, s20, $0xb8;
	[tilespmem:$0x1E800] =	vst v63  }
0xc6: {  	_ =	swait.ge [sflag:s18], $0x4000  }
0xc7: {  	[sflag:s18] =	ssyncset.done $0x0  }
0xc8: {  	s29 =	sadd.s32 $0x2880, s29;
	[sflag:s18] =	ssyncadd.s32 $0xFFFFC000  }
0xc9: {  	[spmem:s2] =	stream.indirect.scatter.add.f32 [tilespmem:s22], [sflag:$0x2], $0x80, s29, s20, $0xb8;
	[tilespmem:$0x1E800] =	vst v63  }
0xca: {  	_ =	swait.ge [sflag:s24], $0x4000  }
0xcb: {  	[sflag:s24] =	ssyncset.done $0x0  }
0xcc: {  	[sflag:s24] =	ssyncadd.s32 $0xFFFFC000  }
0xcd: {  	_ =	swait.ge [sflag:s25], $0x4000  }
0xce: {  	[sflag:s25] =	ssyncset.done $0x0  }
0xcf: {  	[sflag:s25] =	ssyncadd.s32 $0xFFFFC000  }
0xd0: {  	[tilespmem:s3], [sflag:$0x3] =	stream.linear.gather [hbm4b:s11+s3], $0x1400, $0x38;
	[tilespmem:$0x1E800] =	vst v63  }
0xd1: {  	_ =	swait.ge [sflag:s18], $0x1400  }
0xd2: {  	[sflag:s18] =	ssyncset.done $0x0  }
0xd3: {  	[sflag:s18] =	ssyncadd.s32 $0xFFFFEC00  }
0xd4: {  	[tilespmem:s19], [sflag:$0x3] =	stream.linear.gather [hbm4b:s12+s3], $0x1400, $0x38;
	[tilespmem:$0x1E800] =	vst v63  }
0xd5: {  	_ =	swait.ge [sflag:s18], $0x1400  }
0xd6: {  	[sflag:s18] =	ssyncset.done $0x0  }
0xd7: {  	[sflag:s18] =	ssyncadd.s32 $0xFFFFEC00  }
0xd8: {  	[tilespmem:s21], [sflag:$0x3] =	stream.indirect.gather [hbm4b:s4+s20], $0x80, s3, s20, $0xb8;
	[tilespmem:$0x1E800] =	vst v63  }
0xd9: {  	_ =	swait.ge [sflag:s18], $0x4000  }
0xda: {  	[sflag:s18] =	ssyncset.done $0x0  }
0xdb: {  	[sflag:s18] =	ssyncadd.s32 $0xFFFFC000  }
0xdc: {  	[spmem:s2] =	stream.indirect.scatter.add.f32 [tilespmem:s21], [sflag:$0x1], $0x80, s19, s20, $0xb8;
	[tilespmem:$0x1E800] =	vst v63  }
0xdd: {  	_ = 	snop  }
0xde: {  	[tilespmem:s22], [sflag:$0x3] =	stream.indirect.gather [hbm4b:s4+s20], $0x80, s20, s20, $0xb8;
	[tilespmem:$0x1E800] =	vst v63  }
0xdf: {  	_ =	swait.ge [sflag:s18], $0x4000  }
0xe0: {  	[sflag:s18] =	ssyncset.done $0x0  }
0xe1: {  	[sflag:s18] =	ssyncadd.s32 $0xFFFFC000  }
0xe2: {  	[spmem:s2] =	stream.indirect.scatter.add.f32 [tilespmem:s22], [sflag:$0x2], $0x80, s23, s20, $0xb8;
	[tilespmem:$0x1E800] =	vst v63  }
0xe3: {  	_ =	swait.ge [sflag:s24], $0x4000  }
0xe4: {  	[sflag:s24] =	ssyncset.done $0x0  }
0xe5: {  	s28 =	simm.s32 $0x100;
	[sflag:s24] =	ssyncadd.s32 $0xFFFFC000  }
0xe6: {  	[tilespmem:s21], [sflag:$0x3] =	stream.indirect.gather [hbm4b:s4+s20], $0x80, s28, s20, $0xb8;
	[tilespmem:$0x1E800] =	vst v63  }
0xe7: {  	_ =	swait.ge [sflag:s18], $0x4000  }
0xe8: {  	[sflag:s18] =	ssyncset.done $0x0  }
0xe9: {  	s28 =	simm.s32 $0x1500;
	[sflag:s18] =	ssyncadd.s32 $0xFFFFC000  }
0xea: {  	[spmem:s2] =	stream.indirect.scatter.add.f32 [tilespmem:s21], [sflag:$0x1], $0x80, s28, s20, $0xb8;
	[tilespmem:$0x1E800] =	vst v63  }
0xeb: {  	_ =	swait.ge [sflag:s25], $0x4000  }
0xec: {  	[sflag:s25] =	ssyncset.done $0x0  }
0xed: {  	s28 =	simm.s32 $0x180;
	[sflag:s25] =	ssyncadd.s32 $0xFFFFC000  }
0xee: {  	[tilespmem:s22], [sflag:$0x3] =	stream.indirect.gather [hbm4b:s4+s20], $0x80, s28, s20, $0xb8;
	[tilespmem:$0x1E800] =	vst v63  }
0xef: {  	_ =	swait.ge [sflag:s18], $0x4000  }
0xf0: {  	[sflag:s18] =	ssyncset.done $0x0  }
0xf1: {  	s29 =	simm.s32 $0x1580;
	s28 =	simm.s32 $0xFFFFB800;
	[sflag:s18] =	ssyncadd.s32 $0xFFFFC000  }
.LBB2_7:
0xf2: {  	[spmem:s2] =	stream.indirect.scatter.add.f32 [tilespmem:s22], [sflag:$0x2], $0x80, s29, s20, $0xb8;
	[tilespmem:$0x1E800] =	vst v63  }
0xf3: {  	s29 =	smov.u32 s28  }
0xf4: {  	p1 =	seq.s32 s28, $0xFFFFFC00;
	s28 =	sadd.s32 $0x400, s28;
	_ =	swait.ge [sflag:s24], $0x4000  }
0xf5: {  	s29 =	sshra.s32 s29, $0x2;
	[sflag:s24] =	ssyncset.done $0x0  }
0xf6: {  	s30 =	sadd.s32 $0x1400, s29;
	[sflag:s24] =	ssyncadd.s32 $0xFFFFC000  }
0xf7: {  	[tilespmem:s21], [sflag:$0x3] =	stream.indirect.gather [hbm4b:s4+s20], $0x80, s30, s20, $0xb8;
	[tilespmem:$0x1E800] =	vst v63  }
0xf8: {  	_ =	swait.ge [sflag:s18], $0x4000  }
0xf9: {  	[sflag:s18] =	ssyncset.done $0x0  }
0xfa: {  	s30 =	sadd.s32 $0x2800, s29;
	[sflag:s18] =	ssyncadd.s32 $0xFFFFC000  }
0xfb: {  	[spmem:s2] =	stream.indirect.scatter.add.f32 [tilespmem:s21], [sflag:$0x1], $0x80, s30, s20, $0xb8;
	[tilespmem:$0x1E800] =	vst v63  }
0xfc: {  	_ =	swait.ge [sflag:s25], $0x4000  }
0xfd: {  	[sflag:s25] =	ssyncset.done $0x0  }
.Ltmp7:
0xfe: {  	s30 =	sadd.s32 $0x1480, s29;
	[sflag:s25] =	ssyncadd.s32 $0xFFFFC000;
	(pc) =	sbr.rel @!p1 .LBB2_7-.Ltmp7, $4  }
0xff: {  	[tilespmem:s22], [sflag:$0x3] =	stream.indirect.gather [hbm4b:s4+s20], $0x80, s30, s20, $0xb8;
	[tilespmem:$0x1E800] =	vst v63  }
0x100: {  	_ =	swait.ge [sflag:s18], $0x4000  }
0x101: {  	[sflag:s18] =	ssyncset.done $0x0  }
0x102: {  	s29 =	sadd.s32 $0x2880, s29;
	[sflag:s18] =	ssyncadd.s32 $0xFFFFC000  }
.Ltmp8:
0x103: {  	(pc) =	sbr.rel .LBB2_12-.Ltmp8, $2  }
0x104: {  	_ =	sdelay $0x2  }
0x105: {  	[spmem:s2] =	stream.indirect.scatter.add.f32 [tilespmem:s22], [sflag:$0x2], $0x80, s29, s20, $0xb8;
	[tilespmem:$0x1E800] =	vst v63  }
.LBB2_13:
0x106: {  	_ =	sfence.sel $0x180000  }
0x107: {  	[bflag:$0x0] =	sbarrier.arrive $0xFFFF  }
0x108: {  	p0 =	sne.s32 s1, $0x0;
	_ =	strace $0x9000004A  }
0x109: {  	s0 =	sadd.s32 @!p0 $0x100000, s0;
	[bflag:$0x2] =	sbarrier.arrive $0xFFFF  }
0x10a: {  	[sflag:s0] =	ssyncadd.tile.s32 @!p0 $0x1;
	_ =	shalt  }
.Lfunc_end2:
_tile_overlayer_lowered:
.L_overlay_start_2:
0x10b: {  	(tag) =	ssettag $0x2  }
0x10c: {  	s0 =	rddreg [dreg:$0x0];
	s2 =	stileid.u32  }
0x10d: {  	s1 =	rddreg [dreg:$0x1];
	p0 =	sne.s32 s2, $0x0  }
0x10e: {  	s3 =	rddreg [dreg:$0x2];
	[bflag:$0x3] =	sbarrier.arrive $0xFFFF;
	s2 =	simm.s32 @!p0 $0x1C03  }
0x10f: {  	[timem:s3], [sflag:s2] =	dma.local @!p0 [hbm:s0], s1  }
0x110: {  	s0 =	simm.s32 @!p0 $0x3  }
0x111: {  	_ =	swait.ge @!p0 [sflag:s0], s1  }
0x112: {  	s1 =	ssub.s32 @!p0 $0x0, s1;
	[sflag:s0] =	ssyncset.done @!p0 $0x0  }
0x113: {  	[sflag:s0] =	ssyncadd.s32 @!p0 s1  }
0x114: {  	[bflag:$0x3] =	sbarrier.arrive $0xFFFF  }
0x115: {  	_ =	shalt  }

// kernel: kernel.17.cloned.1.call-start
scs
__scs_entry_jumppad:
0x0: {  	(pc) =	sbr.rel $0x88, $3  }
0x1: {  	(tag) =	ssettag $0x0;
	lr =	simm.s32 $0x1  }
0x2: {  	[smem:$0x3F99] =	sst lr;
	_ =	strace $0xD0000000  }
0x3: {  	_ = 	snop  }
0x4: {  	_ = 	snop  }
0x5: {  	_ = 	snop  }
0x6: {  	_ = 	snop  }
0x7: {  	_ = 	snop  }
__scs_overlays_trampoline_lowered:
0x8: {  	[smem:$0x3FA8] =	sst s0  }
0x9: {  	[smem:$0x3FA9] =	sst s1  }
0xa: {  	[smem:$0x3FAA] =	sst s2  }
0xb: {  	[smem:$0x3FAB] =	sst s3  }
0xc: {  	[smem:$0x3FAC] =	sst s4  }
0xd: {  	[smem:$0x3FAD] =	sst s5  }
0xe: {  	[smem:$0x3FAE] =	sst s6  }
0xf: {  	[smem:$0x3FAF] =	sst s7  }
0x10: {  	[smem:$0x3FB0] =	sst s8  }
0x11: {  	[smem:$0x3FB1] =	sst s9;
	s0 =	simm.s32 @!p0 $0x0  }
0x12: {  	s1 =	sld [smem:$0x3F97];
	s0 =	simm.s32 @p0 $0x1  }
0x13: {  	[smem:$0x3FB2] =	sst s0;
	s0 =	simm.s32 @!p1 $0x0  }
0x14: {  	s2 =	sld [smem:$0x3F96];
	s0 =	simm.s32 @p1 $0x1  }
0x15: {  	[smem:$0x3FB3] =	sst s0;
	s0 =	simm.s32 @!p2 $0x0  }
0x16: {  	s3 =	sld [smem:$0x3FDB];
	s0 =	simm.s32 @p2 $0x1  }
0x17: {  	s4 =	simm.s32 $0x1BF5;
	[smem:$0x3FB5] =	sst s0  }
0x18: {  	s0 =	sld [smem:$0x3F98];
	_ =	swait.ge [sflag:s4], $0x0  }
0x19: {  	s7 =	sld [smem:$0x3F99]  }
0x1a: {  	s8 =	sadd.s32 $0xFFFFE003, lr  }
0x1b: {  	s9 =	sadd.s32 $0xFFFFFEF7, lr;
	s5 =	simm.s32 $0xFFFFFFFF;
	p2 =	slt.u32 s8, $0xFFFFF086  }
0x1c: {  	p1 =	slt.u32 s9, $0xF7A;
	s5 =	simm.s32 @!p2 $0x0  }
0x1d: {  	s5 =	simm.s32 @p1 $0x1;
	p0 =	seq.s32 s7, s2  }
0x1e: {  	s7 =	smul.u32 @!p0 $0xF7A, s2;
	p2 =	seq.s32 @!p0 s5, $0x0  }
0x1f: {  	s9 =	smul.u32 $0xF7A, s1;
	s8 =	simm.s32 @!p0 $0x1BF5;
	p2 =	por !p2, p0  }
0x20: {  	[sflag:s8] =	ssyncset.s32 @!p0 $0xFFFFF086;
	s6 =	sadd.s32 @!p0 s3, s7;
	s7 =	simm.s32 @!p0 $0x108  }
0x21: {  	s3 =	sadd.s32 s3, s9;
	s6 =	sadd.s32 @!p0 $0x88, s6;
	s7 =	simm.s32 @p2 $0x1082  }
0x22: {  	[simem:s7], [sflag:s8] =	dma.local @!p0 [hbm:s6], $0xF7A  }
0x23: {  	s9 =	sor.u32 $0xD0000000, s2;
	s6 =	simm.s32 $0x108;
	_ =	swait.ge @!p0 [sflag:s8], $0x0  }
0x24: {  	s3 =	sadd.s32 $0x88, s3;
	s6 =	simm.s32 @!p1 $0x1082;
	[sflag:s4] =	ssyncset.s32 $0xFFFFF086  }
0x25: {  	[simem:s6], [sflag:s4] =	dma.local [hbm:s3], $0xF7A  }
0x26: {  	[smem:$0x3F99] =	sst s1;
	(tag) =	ssettag s2;
	_ =	strace s9  }
0x27: {  	s1 =	sld [smem:$0x3FA9]  }
0x28: {  	s2 =	sld [smem:$0x3FAA]  }
0x29: {  	s4 =	sld [smem:$0x3FAC]  }
0x2a: {  	p0 =	seq.s32 s5, $0x0;
	s5 =	sld [smem:$0x3FAD]  }
0x2b: {  	s6 =	sld [smem:$0x3FAE]  }
0x2c: {  	s7 =	sld [smem:$0x3FAF]  }
0x2d: {  	s3 =	simm.s32 $0x108;
	s8 =	sld [smem:$0x3FB0]  }
0x2e: {  	s3 =	simm.s32 @!p0 $0x1082;
	s9 =	sld [smem:$0x3FB1]  }
0x2f: {  	lr =	sadd.s32 s0, s3;
	s0 =	sld [smem:$0x3FA8]  }
0x30: {  	s3 =	sld [smem:$0x3FAB]  }
0x31: {  	[smem:$0x3FB4] =	sst s10  }
0x32: {  	s10 =	sld [smem:$0x3FB2];
	_ =	sdelay $0x3  }
0x33: {  	p0 =	seq.s32 s10, $0x1;
	s10 =	sld [smem:$0x3FB4];
	_ =	sdelay $0x3  }
0x34: {  	[smem:$0x3FB4] =	sst s10  }
0x35: {  	s10 =	sld [smem:$0x3FB3];
	_ =	sdelay $0x3  }
0x36: {  	p1 =	seq.s32 s10, $0x1;
	s10 =	sld [smem:$0x3FB4];
	_ =	sdelay $0x3  }
0x37: {  	[smem:$0x3FB4] =	sst s10  }
0x38: {  	s10 =	sld [smem:$0x3FB5]  }
0x39: {  	_ = 	snop;
	(pc) =	sbr.ind lr, $3  }
0x3a: {  	_ = 	snop  }
0x3b: {  	_ = 	snop  }
0x3c: {  	p2 =	seq.s32 s10, $0x1;
	s10 =	sld [smem:$0x3FB4]  }
0x3d: {  	_ =	shalt  }
0x3e: {  	_ =	shalt  }
0x3f: {  	_ =	shalt  }
0x40: {  	_ =	shalt  }
0x41: {  	_ =	shalt  }
0x42: {  	_ =	shalt  }
0x43: {  	_ =	shalt  }
0x44: {  	_ =	shalt  }
0x45: {  	_ =	shalt  }
0x46: {  	_ =	shalt  }
0x47: {  	_ =	shalt  }
0x48: {  	_ =	shalt  }
0x49: {  	_ =	shalt  }
0x4a: {  	_ =	shalt  }
0x4b: {  	_ =	shalt  }
0x4c: {  	_ =	shalt  }
0x4d: {  	_ =	shalt  }
0x4e: {  	_ =	shalt  }
0x4f: {  	_ =	shalt  }
0x50: {  	_ =	shalt  }
0x51: {  	_ =	shalt  }
0x52: {  	_ =	shalt  }
0x53: {  	_ =	shalt  }
0x54: {  	_ =	shalt  }
0x55: {  	_ =	shalt  }
0x56: {  	_ =	shalt  }
0x57: {  	_ =	shalt  }
0x58: {  	_ =	shalt  }
0x59: {  	_ =	shalt  }
0x5a: {  	_ =	shalt  }
0x5b: {  	_ =	shalt  }
0x5c: {  	_ =	shalt  }
0x5d: {  	_ =	shalt  }
0x5e: {  	_ =	shalt  }
0x5f: {  	_ =	shalt  }
0x60: {  	_ =	shalt  }
0x61: {  	_ =	shalt  }
0x62: {  	_ =	shalt  }
0x63: {  	_ =	shalt  }
0x64: {  	_ =	shalt  }
0x65: {  	_ =	shalt  }
0x66: {  	_ =	shalt  }
0x67: {  	_ =	shalt  }
0x68: {  	_ =	shalt  }
0x69: {  	_ =	shalt  }
0x6a: {  	_ =	shalt  }
0x6b: {  	_ =	shalt  }
0x6c: {  	_ =	shalt  }
0x6d: {  	_ =	shalt  }
0x6e: {  	_ =	shalt  }
0x6f: {  	_ =	shalt  }
0x70: {  	_ =	shalt  }
0x71: {  	_ =	shalt  }
0x72: {  	_ =	shalt  }
0x73: {  	_ =	shalt  }
0x74: {  	_ =	shalt  }
0x75: {  	_ =	shalt  }
0x76: {  	_ =	shalt  }
0x77: {  	_ =	shalt  }
0x78: {  	_ =	shalt  }
0x79: {  	_ =	shalt  }
0x7a: {  	_ =	shalt  }
0x7b: {  	_ =	shalt  }
0x7c: {  	_ =	shalt  }
0x7d: {  	_ =	shalt  }
0x7e: {  	_ =	shalt  }
0x7f: {  	_ =	shalt  }
0x80: {  	_ =	shalt  }
0x81: {  	_ =	shalt  }
0x82: {  	_ =	shalt  }
0x83: {  	_ =	shalt  }
0x84: {  	_ =	shalt  }
0x85: {  	_ =	shalt  }
0x86: {  	_ =	shalt  }
0x87: {  	_ =	shalt  }
.Lfunc_end0:
.L_simem_size_0:
called_computation.2_lowered:
.L_overlay_start_0:
0x88: {  	s2 =	sld [smem:$0x3FD9]  }
0x89: {  	s3 =	sld [smem:$0x3FFE];
	_ =	sdelay $0x1  }
0x8a: {  	s1 =	srdreg.scid  }
0x8b: {  	s0 =	sand.u32 $0x1, s1  }
0x8c: {  	s17 =	sshll.u32 s0, $0xA;
	s2 =	sadd.s32 s3, s2  }
0x8d: {  	s2 =	sadd.s32 s2, s17  }
0x8e: {  	[smem:$0x3FC0] =	sst s2  }
0x8f: {  	_ = 	snop  }
0x90: {  	s2 =	sld [smem:$0x3FD0];
	(tm) =	ssettm $0x1  }
0x91: {  	s18 =	sld [smem:$0x3FFB];
	_ =	sdelay $0x3  }
0x92: {  	_ =	strace s18  }
0x93: {  	s3 =	sld [smem:$0x3FFC];
	_ =	sdelay $0x3  }
0x94: {  	_ =	strace s3  }
0x95: {  	s3 =	sld [smem:$0x3FFD];
	_ =	sdelay $0x3  }
0x96: {  	_ =	strace s3  }
0x97: {  	_ =	strace $0x8FFFFFFF  }
0x98: {  	s19 =	sld [smem:$0x3FDB];
	_ =	sdelay $0x1  }
0x99: {  	s4 =	simm.s32 $_scs_section_size  }
0x9a: {  	s5 =	simm.s32 $_size__tile_overlayer_lowered;
	s6 =	simm.s32 $_tile_overlayer_lowered  }
0x9b: {  	s22 =	simm.s32 $0x1BFF;
	s21 =	sshll.u32 s6, $0x1;
	s3 =	sadd.s32 s4, s19  }
0x9c: {  	s7 =	simm.s32 $0x0;
	s20 =	sshll.u32 s5, $0x1;
	s5 =	sadd.s32 s21, s3  }
0x9d: {  	[timem:s7], [sflag:s22] =	dma.local [hbm:s5], s20  }
0x9e: {  	_ =	swait.ge [sflag:s22], s20  }
0x9f: {  	s4 =	ssub.s32 $0x0, s20;
	[sflag:s22] =	ssyncset.done $0x0  }
0xa0: {  	[sflag:s22] =	ssyncadd.s32 s4;
	_ =	sdelay $0x1  }
0xa1: {  	s23 =	simm.s32 $0x1B8B  }
0xa2: {  	_ =	swait.ge [sflag:s23], $0x1  }
0xa3: {  	[sflag:s23] =	ssyncset.done $0x0  }
0xa4: {  	s25 =	simm.s32 $0x1B8E;
	s24 =	sld [smem:$0x3FFE];
	[sflag:s23] =	ssyncadd.s32 $0xFFFFFFFF  }
0xa5: {  	s26 =	simm.s32 $execute0_lowered;
	[smem:$0x3FD2] =	sst s25  }
0xa6: {  	s5 =	sshll.u32 s26, $0x1;
	_ =	strace $0x8000004C;
	[dreg:$0x1] =	wrdreg $0xFFFFFFFF  }
0xa7: {  	s28 =	simm.s32 $_size_execute0_lowered;
	s3 =	sadd.s32 s3, s5;
	[dreg:$0x0] =	wrdreg $0x0  }
0xa8: {  	s5 =	sshll.u32 s28, $0x1;
	[dreg:$0x2] =	wrdreg s3  }
0xa9: {  	[dreg:$0x3] =	wrdreg s5  }
0xaa: {  	[dreg:$0x4] =	wrdreg $0xC0  }
0xab: {  	_ =	task [dreg:s7], $0x5FFFF  }
0xac: {  	[dreg:$0x1] =	wrdreg $0xFFFFFFFF  }
0xad: {  	[dreg:$0x0] =	wrdreg $0x60  }
0xae: {  	[dreg:$0x2] =	wrdreg s24  }
0xaf: {  	[dreg:$0x3] =	wrdreg s2  }
0xb0: {  	[dreg:$0x4] =	wrdreg $0xA8000  }
0xb1: {  	[dreg:$0x5] =	wrdreg $0x9  }
0xb2: {  	_ =	task.clear_ibuf [dreg:s7], $0x6FFFF;
	_ =	strace $0x9000004C  }
0xb3: {  	s29 =	simm.s32 $0x9;
	_ =	strace $0x8000004E  }
0xb4: {  	_ =	swait.ge [sflag:s29], $0x1  }
0xb5: {  	[sflag:s29] =	ssyncadd.s32 $0xFFFFFFFF  }
0xb6: {  	_ =	strace $0x9000004E  }
0xb7: {  	_ =	sfence  }
0xb8: {  	s30 =	sld [smem:$0x0];
	_ =	sdelay $0x2  }
0xb9: {  	s31 =	sshll.u32 s1, $0xD;
	s1 =	sshrl.u32 s1, $0x2  }
0xba: {  	s3 =	sand.u32 $0x4000, s31;
	s1 =	sadd.s32 s1, s30  }
0xbb: {  	s0 =	sor.u32 s3, s0;
	s1 =	sshll.u32 s1, $0x11  }
0xbc: {  	s0 =	sor.u32 s1, s0  }
0xbd: {  	s0 =	sadd.s32 $0x8F2B, s0  }
0xbe: {  	[sflag:s0] =	ssyncadd.remote.s32 $0x1  }
0xbf: {  	_ =	sfence.sel $0xFFFF  }
0xc0: {  	[dreg:$0x0] =	wrdreg $0xFFFFFFFF;
	(pc) =	sbr.abs _section_cstart, $3  }
0xc1: {  	[dreg:$0x1] =	wrdreg $0xFFFFFFFF  }
0xc2: {  	_ =	task.clear_ibuf [dreg:s7], $0x2FFFF;
	_ =	strace $0x9FFFFFFF  }
0xc3: {  	(tm) =	ssettm $0x7FFFFFFF  }
tec
execute0_lowered:
.L_overlay_start_1:
0x0: {  	(tag) =	ssettag $0x1  }
0x1: {  	s6 =	rddreg [dreg:$0x0]  }
0x2: {  	s13 =	rddreg [dreg:$0x1]  }
0x3: {  	s2 =	rddreg [dreg:$0x2]  }
0x4: {  	s0 =	rddreg [dreg:$0x3]  }
0x5: {  	s3 =	simm.s32 $0x0;
	s4 =	srdreg.scid;
	s1 =	stileid.u32  }
0x6: {  	s20 =	simm.s32 $0x80;
	s21 =	simm.s32 $0x2800;
	s5 =	smul.u32 $0x2800, s1  }
0x7: {  	s22 =	simm.s32 $0x6800;
	s23 =	simm.s32 $0x1480;
	s11 =	smul.u32 $0x50000, s1  }
0x8: {  	s24 =	simm.s32 $0x1;
	[smem:$0x7FF] =	sst s3;
	s28 =	smul.u32 $0x3C00, s1  }
0x9: {  	s7 =	sand.u32 $0x1, s4;
	s4 =	sadd.s32 $0xF600, s6;
	s29 =	smul.u32 $0x780, s1  }
0xa: {  	s14 =	sadd.s32 $0x2E00, s6;
	s26 =	sshll.u32 s1, $0x6;
	s31 =	smul.u32 $0x1400, s1  }
0xb: {  	_ =	strace $0x8000004D;
	s8 =	smul.u32 $0x28000, s7;
	s9 =	ssub.s32 $0x2, s7  }
0xc: {  	p0 =	seq.s32 s7, $0x1;
	s10 =	sshrl.u32 s9, $0x1;
	s25 =	sshrl.u32 s11, $0x2  }
0xd: {  	s30 =	sshrl.u32 s28, $0x3;
	s7 =	sadd.s32 s13, s29;
	s19 =	sshrl.u32 s31, $0x3  }
0xe: {  	s8 =	sadd.s32 s5, s8;
	s5 =	sadd.s32 $0xCE00, s6;
	s16 =	ssub.s32 s9, s10  }
0xf: {  	s17 =	sadd.s32 s25, s2;
	s12 =	sadd.s32 $0x280, s30;
	s18 =	sadd.s32 $0x500, s30  }
0x10: {  	s19 =	sadd.s32 $0x7800, s19;
	s25 =	simm.s32 $0x2;
	s15 =	sadd.s32 s8, s6  }
.Ltmp0:
0x11: {  	s6 =	sor.u32 $0x1C03, s26;
	s8 =	sadd.s32 s14, s29;
	(pc) =	sbr.rel .LBB2_1-.Ltmp0, $4  }
0x12: {  	s9 =	sadd.s32 s13, s12;
	s10 =	sadd.s32 s14, s12;
	s11 =	sadd.s32 s13, s18  }
0x13: {  	s12 =	sadd.s32 s14, s18;
	s13 =	sadd.s32 s13, s19;
	s14 =	sadd.s32 s14, s19  }
0x14: {  	s16 =	smax.u32 s16, $0x1;
	s17 =	sshrl.u32 s17, $0x3;
	s18 =	simm.s32 $0x3  }
0x15: {  	s19 =	simm.s32 $0x1400;
	s26 =	simm.s32 $0x0;
	s15 =	sadd.s32 $0x37600, s15  }
.LBB2_11:
0x16: {  	[spmem:s2] =	stream.indirect.scatter.add.f32 [tilespmem:s22], [sflag:$0x2], $0x80, s29, s20, $0xb8;
	[tilespmem:$0x1E800] =	vst v63  }
.LBB2_12:
0x17: {  	_ =	swait.ge [sflag:s24], $0x4000  }
0x18: {  	[sflag:s24] =	ssyncset.done $0x0  }
0x19: {  	[sflag:s24] =	ssyncadd.s32 $0xFFFFC000  }
0x1a: {  	_ =	swait.ge [sflag:s25], $0x4000  }
0x1b: {  	s26 =	sadd.s32 $0x1, s26;
	[sflag:s25] =	ssyncset.done $0x0  }
0x1c: {  	p1 =	sne.s32 s26, s16;
	[sflag:s25] =	ssyncadd.s32 $0xFFFFC000  }
.Ltmp1:
0x1d: {  	[bflag:$0x0] =	sbarrier.arrive $0xFFFF;
	(pc) =	sbr.rel @!p1 .LBB2_13-.Ltmp1, $4  }
0x1e: {  	[hbm:s15], [sflag:s6] =	dma.local [spmem:s17], $0x2800  }
0x1f: {  	_ =	swait.ge [sflag:s18], $0x2800  }
0x20: {  	[sflag:s18] =	ssyncset.done $0x0  }
0x21: {  	[sflag:s18] =	ssyncadd.s32 $0xFFFFD800  }
.LBB2_1:
0x22: {  	[spmem:s17], [sflag:s6] =	dma.local [hbm:s5], $0x2800  }
.Ltmp2:
0x23: {  	_ =	swait.ge [sflag:s18], $0x2800;
	(pc) =	sbr.rel @!p0 .LBB2_2-.Ltmp2, $3  }
0x24: {  	[sflag:s18] =	ssyncset.done $0x0  }
0x25: {  	[sflag:s18] =	ssyncadd.s32 $0xFFFFD800  }
0x26: {  	[bflag:$0x0] =	sbarrier.arrive $0xFFFF;
	_ =	sdelay $0x1  }
0x27: {  	[tilespmem:s3], [sflag:$0x3] =	stream.linear.gather [hbm4b:s13+s3], $0x1400, $0x38;
	[tilespmem:$0x1E800] =	vst v63  }
0x28: {  	_ =	swait.ge [sflag:s18], $0x1400  }
0x29: {  	[sflag:s18] =	ssyncset.done $0x0  }
0x2a: {  	[sflag:s18] =	ssyncadd.s32 $0xFFFFEC00  }
0x2b: {  	[tilespmem:s19], [sflag:$0x3] =	stream.linear.gather [hbm4b:s14+s3], $0x1400, $0x38;
	[tilespmem:$0x1E800] =	vst v63  }
0x2c: {  	_ =	swait.ge [sflag:s18], $0x1400  }
0x2d: {  	[sflag:s18] =	ssyncset.done $0x0  }
0x2e: {  	[sflag:s18] =	ssyncadd.s32 $0xFFFFEC00  }
0x2f: {  	[tilespmem:s21], [sflag:$0x3] =	stream.indirect.gather [hbm4b:s4+s20], $0x80, s3, s20, $0xb8;
	[tilespmem:$0x1E800] =	vst v63  }
0x30: {  	_ =	swait.ge [sflag:s18], $0x4000  }
0x31: {  	[sflag:s18] =	ssyncset.done $0x0  }
0x32: {  	[sflag:s18] =	ssyncadd.s32 $0xFFFFC000  }
0x33: {  	[spmem:s2] =	stream.indirect.scatter.add.f32 [tilespmem:s21], [sflag:$0x1], $0x80, s19, s20, $0xb8;
	[tilespmem:$0x1E800] =	vst v63  }
0x34: {  	_ = 	snop  }
0x35: {  	[tilespmem:s22], [sflag:$0x3] =	stream.indirect.gather [hbm4b:s4+s20], $0x80, s20, s20, $0xb8;
	[tilespmem:$0x1E800] =	vst v63  }
0x36: {  	_ =	swait.ge [sflag:s18], $0x4000  }
0x37: {  	[sflag:s18] =	ssyncset.done $0x0  }
0x38: {  	[sflag:s18] =	ssyncadd.s32 $0xFFFFC000  }
0x39: {  	[spmem:s2] =	stream.indirect.scatter.add.f32 [tilespmem:s22], [sflag:$0x2], $0x80, s23, s20, $0xb8;
	[tilespmem:$0x1E800] =	vst v63  }
0x3a: {  	_ =	swait.ge [sflag:s24], $0x4000  }
0x3b: {  	[sflag:s24] =	ssyncset.done $0x0  }
0x3c: {  	s28 =	simm.s32 $0x100;
	[sflag:s24] =	ssyncadd.s32 $0xFFFFC000  }
0x3d: {  	[tilespmem:s21], [sflag:$0x3] =	stream.indirect.gather [hbm4b:s4+s20], $0x80, s28, s20, $0xb8;
	[tilespmem:$0x1E800] =	vst v63  }
0x3e: {  	_ =	swait.ge [sflag:s18], $0x4000  }
0x3f: {  	[sflag:s18] =	ssyncset.done $0x0  }
0x40: {  	s28 =	simm.s32 $0x1500;
	[sflag:s18] =	ssyncadd.s32 $0xFFFFC000  }
0x41: {  	[spmem:s2] =	stream.indirect.scatter.add.f32 [tilespmem:s21], [sflag:$0x1], $0x80, s28, s20, $0xb8;
	[tilespmem:$0x1E800] =	vst v63  }
0x42: {  	_ =	swait.ge [sflag:s25], $0x4000  }
0x43: {  	[sflag:s25] =	ssyncset.done $0x0  }
0x44: {  	s28 =	simm.s32 $0x180;
	[sflag:s25] =	ssyncadd.s32 $0xFFFFC000  }
0x45: {  	[tilespmem:s22], [sflag:$0x3] =	stream.indirect.gather [hbm4b:s4+s20], $0x80, s28, s20, $0xb8;
	[tilespmem:$0x1E800] =	vst v63  }
0x46: {  	_ =	swait.ge [sflag:s18], $0x4000  }
0x47: {  	[sflag:s18] =	ssyncset.done $0x0  }
0x48: {  	s29 =	simm.s32 $0x1580;
	s28 =	simm.s32 $0xFFFFB800;
	[sflag:s18] =	ssyncadd.s32 $0xFFFFC000  }
.LBB2_10:
0x49: {  	[spmem:s2] =	stream.indirect.scatter.add.f32 [tilespmem:s22], [sflag:$0x2], $0x80, s29, s20, $0xb8;
	[tilespmem:$0x1E800] =	vst v63  }
0x4a: {  	s29 =	smov.u32 s28  }
0x4b: {  	p1 =	sne.s32 s28, $0xFFFFFC00;
	s28 =	sadd.s32 $0x400, s28;
	_ =	swait.ge [sflag:s24], $0x4000  }
0x4c: {  	s29 =	sshra.s32 s29, $0x2;
	[sflag:s24] =	ssyncset.done $0x0  }
0x4d: {  	s30 =	sadd.s32 $0x1400, s29;
	[sflag:s24] =	ssyncadd.s32 $0xFFFFC000  }
0x4e: {  	[tilespmem:s21], [sflag:$0x3] =	stream.indirect.gather [hbm4b:s4+s20], $0x80, s30, s20, $0xb8;
	[tilespmem:$0x1E800] =	vst v63  }
0x4f: {  	_ =	swait.ge [sflag:s18], $0x4000  }
0x50: {  	[sflag:s18] =	ssyncset.done $0x0  }
0x51: {  	s30 =	sadd.s32 $0x2800, s29;
	[sflag:s18] =	ssyncadd.s32 $0xFFFFC000  }
0x52: {  	[spmem:s2] =	stream.indirect.scatter.add.f32 [tilespmem:s21], [sflag:$0x1], $0x80, s30, s20, $0xb8;
	[tilespmem:$0x1E800] =	vst v63  }
0x53: {  	_ =	swait.ge [sflag:s25], $0x4000  }
0x54: {  	[sflag:s25] =	ssyncset.done $0x0  }
.Ltmp3:
0x55: {  	s30 =	sadd.s32 $0x1480, s29;
	[sflag:s25] =	ssyncadd.s32 $0xFFFFC000;
	(pc) =	sbr.rel @p1 .LBB2_10-.Ltmp3, $4  }
0x56: {  	[tilespmem:s22], [sflag:$0x3] =	stream.indirect.gather [hbm4b:s4+s20], $0x80, s30, s20, $0xb8;
	[tilespmem:$0x1E800] =	vst v63  }
0x57: {  	_ =	swait.ge [sflag:s18], $0x4000  }
0x58: {  	[sflag:s18] =	ssyncset.done $0x0  }
0x59: {  	s29 =	sadd.s32 $0x2880, s29;
	[sflag:s18] =	ssyncadd.s32 $0xFFFFC000  }
.Ltmp4:
0x5a: {  	_ = 	snop;
	(pc) =	sbr.rel .LBB2_11-.Ltmp4, $1  }
0x5b: {  	_ =	sdelay $0x3  }
.LBB2_2:
0x5c: {  	[tilespmem:s3], [sflag:$0x3] =	stream.linear.gather [hbm4b:s7+s3], $0x1400, $0x38;
	[tilespmem:$0x1E800] =	vst v63  }
0x5d: {  	_ =	swait.ge [sflag:s18], $0x1400  }
0x5e: {  	[sflag:s18] =	ssyncset.done $0x0  }
0x5f: {  	[sflag:s18] =	ssyncadd.s32 $0xFFFFEC00  }
0x60: {  	[tilespmem:s19], [sflag:$0x3] =	stream.linear.gather [hbm4b:s8+s3], $0x1400, $0x38;
	[tilespmem:$0x1E800] =	vst v63  }
0x61: {  	_ =	swait.ge [sflag:s18], $0x1400  }
0x62: {  	[sflag:s18] =	ssyncset.done $0x0  }
0x63: {  	[sflag:s18] =	ssyncadd.s32 $0xFFFFEC00  }
0x64: {  	[tilespmem:s21], [sflag:$0x3] =	stream.indirect.gather [hbm4b:s4+s20], $0x80, s3, s20, $0xb8;
	[tilespmem:$0x1E800] =	vst v63  }
0x65: {  	_ =	swait.ge [sflag:s18], $0x4000  }
0x66: {  	[sflag:s18] =	ssyncset.done $0x0  }
0x67: {  	[sflag:s18] =	ssyncadd.s32 $0xFFFFC000  }
0x68: {  	[spmem:s2] =	stream.indirect.scatter.add.f32 [tilespmem:s21], [sflag:$0x1], $0x80, s19, s20, $0xb8;
	[tilespmem:$0x1E800] =	vst v63  }
0x69: {  	_ = 	snop  }
0x6a: {  	[tilespmem:s22], [sflag:$0x3] =	stream.indirect.gather [hbm4b:s4+s20], $0x80, s20, s20, $0xb8;
	[tilespmem:$0x1E800] =	vst v63  }
0x6b: {  	_ =	swait.ge [sflag:s18], $0x4000  }
0x6c: {  	[sflag:s18] =	ssyncset.done $0x0  }
0x6d: {  	[sflag:s18] =	ssyncadd.s32 $0xFFFFC000  }
0x6e: {  	[spmem:s2] =	stream.indirect.scatter.add.f32 [tilespmem:s22], [sflag:$0x2], $0x80, s23, s20, $0xb8;
	[tilespmem:$0x1E800] =	vst v63  }
0x6f: {  	_ =	swait.ge [sflag:s24], $0x4000  }
0x70: {  	[sflag:s24] =	ssyncset.done $0x0  }
0x71: {  	s28 =	simm.s32 $0x100;
	[sflag:s24] =	ssyncadd.s32 $0xFFFFC000  }
0x72: {  	[tilespmem:s21], [sflag:$0x3] =	stream.indirect.gather [hbm4b:s4+s20], $0x80, s28, s20, $0xb8;
	[tilespmem:$0x1E800] =	vst v63  }
0x73: {  	_ =	swait.ge [sflag:s18], $0x4000  }
0x74: {  	[sflag:s18] =	ssyncset.done $0x0  }
0x75: {  	s28 =	simm.s32 $0x1500;
	[sflag:s18] =	ssyncadd.s32 $0xFFFFC000  }
0x76: {  	[spmem:s2] =	stream.indirect.scatter.add.f32 [tilespmem:s21], [sflag:$0x1], $0x80, s28, s20, $0xb8;
	[tilespmem:$0x1E800] =	vst v63  }
0x77: {  	_ =	swait.ge [sflag:s25], $0x4000  }
0x78: {  	[sflag:s25] =	ssyncset.done $0x0  }
0x79: {  	s28 =	simm.s32 $0x180;
	[sflag:s25] =	ssyncadd.s32 $0xFFFFC000  }
0x7a: {  	[tilespmem:s22], [sflag:$0x3] =	stream.indirect.gather [hbm4b:s4+s20], $0x80, s28, s20, $0xb8;
	[tilespmem:$0x1E800] =	vst v63  }
0x7b: {  	_ =	swait.ge [sflag:s18], $0x4000  }
0x7c: {  	[sflag:s18] =	ssyncset.done $0x0  }
0x7d: {  	s29 =	simm.s32 $0x1580;
	s28 =	simm.s32 $0xFFFFB800;
	[sflag:s18] =	ssyncadd.s32 $0xFFFFC000  }
.LBB2_3:
0x7e: {  	[spmem:s2] =	stream.indirect.scatter.add.f32 [tilespmem:s22], [sflag:$0x2], $0x80, s29, s20, $0xb8;
	[tilespmem:$0x1E800] =	vst v63  }
0x7f: {  	s29 =	smov.u32 s28  }
0x80: {  	p1 =	sne.s32 s28, $0xFFFFFC00;
	s28 =	sadd.s32 $0x400, s28;
	_ =	swait.ge [sflag:s24], $0x4000  }
0x81: {  	s29 =	sshra.s32 s29, $0x2;
	[sflag:s24] =	ssyncset.done $0x0  }
0x82: {  	s30 =	sadd.s32 $0x1400, s29;
	[sflag:s24] =	ssyncadd.s32 $0xFFFFC000  }
0x83: {  	[tilespmem:s21], [sflag:$0x3] =	stream.indirect.gather [hbm4b:s4+s20], $0x80, s30, s20, $0xb8;
	[tilespmem:$0x1E800] =	vst v63  }
0x84: {  	_ =	swait.ge [sflag:s18], $0x4000  }
0x85: {  	[sflag:s18] =	ssyncset.done $0x0  }
0x86: {  	s30 =	sadd.s32 $0x2800, s29;
	[sflag:s18] =	ssyncadd.s32 $0xFFFFC000  }
0x87: {  	[spmem:s2] =	stream.indirect.scatter.add.f32 [tilespmem:s21], [sflag:$0x1], $0x80, s30, s20, $0xb8;
	[tilespmem:$0x1E800] =	vst v63  }
0x88: {  	_ =	swait.ge [sflag:s25], $0x4000  }
0x89: {  	[sflag:s25] =	ssyncset.done $0x0  }
.Ltmp5:
0x8a: {  	s30 =	sadd.s32 $0x1480, s29;
	[sflag:s25] =	ssyncadd.s32 $0xFFFFC000;
	(pc) =	sbr.rel @p1 .LBB2_3-.Ltmp5, $4  }
0x8b: {  	[tilespmem:s22], [sflag:$0x3] =	stream.indirect.gather [hbm4b:s4+s20], $0x80, s30, s20, $0xb8;
	[tilespmem:$0x1E800] =	vst v63  }
0x8c: {  	_ =	swait.ge [sflag:s18], $0x4000  }
0x8d: {  	[sflag:s18] =	ssyncset.done $0x0  }
0x8e: {  	s29 =	sadd.s32 $0x2880, s29;
	[sflag:s18] =	ssyncadd.s32 $0xFFFFC000  }
0x8f: {  	[spmem:s2] =	stream.indirect.scatter.add.f32 [tilespmem:s22], [sflag:$0x2], $0x80, s29, s20, $0xb8;
	[tilespmem:$0x1E800] =	vst v63  }
0x90: {  	_ =	swait.ge [sflag:s24], $0x4000  }
0x91: {  	[sflag:s24] =	ssyncset.done $0x0  }
0x92: {  	[sflag:s24] =	ssyncadd.s32 $0xFFFFC000  }
0x93: {  	_ =	swait.ge [sflag:s25], $0x4000  }
0x94: {  	[sflag:s25] =	ssyncset.done $0x0  }
0x95: {  	[sflag:s25] =	ssyncadd.s32 $0xFFFFC000  }
0x96: {  	[tilespmem:s3], [sflag:$0x3] =	stream.linear.gather [hbm4b:s9+s3], $0x1400, $0x38;
	[tilespmem:$0x1E800] =	vst v63  }
0x97: {  	_ =	swait.ge [sflag:s18], $0x1400  }
0x98: {  	[sflag:s18] =	ssyncset.done $0x0  }
0x99: {  	[sflag:s18] =	ssyncadd.s32 $0xFFFFEC00  }
0x9a: {  	[tilespmem:s19], [sflag:$0x3] =	stream.linear.gather [hbm4b:s10+s3], $0x1400, $0x38;
	[tilespmem:$0x1E800] =	vst v63  }
0x9b: {  	_ =	swait.ge [sflag:s18], $0x1400  }
0x9c: {  	[sflag:s18] =	ssyncset.done $0x0  }
0x9d: {  	[sflag:s18] =	ssyncadd.s32 $0xFFFFEC00  }
0x9e: {  	[tilespmem:s21], [sflag:$0x3] =	stream.indirect.gather [hbm4b:s4+s20], $0x80, s3, s20, $0xb8;
	[tilespmem:$0x1E800] =	vst v63  }
0x9f: {  	_ =	swait.ge [sflag:s18], $0x4000  }
0xa0: {  	[sflag:s18] =	ssyncset.done $0x0  }
0xa1: {  	[sflag:s18] =	ssyncadd.s32 $0xFFFFC000  }
0xa2: {  	[spmem:s2] =	stream.indirect.scatter.add.f32 [tilespmem:s21], [sflag:$0x1], $0x80, s19, s20, $0xb8;
	[tilespmem:$0x1E800] =	vst v63  }
0xa3: {  	_ = 	snop  }
0xa4: {  	[tilespmem:s22], [sflag:$0x3] =	stream.indirect.gather [hbm4b:s4+s20], $0x80, s20, s20, $0xb8;
	[tilespmem:$0x1E800] =	vst v63  }
0xa5: {  	_ =	swait.ge [sflag:s18], $0x4000  }
0xa6: {  	[sflag:s18] =	ssyncset.done $0x0  }
0xa7: {  	[sflag:s18] =	ssyncadd.s32 $0xFFFFC000  }
0xa8: {  	[spmem:s2] =	stream.indirect.scatter.add.f32 [tilespmem:s22], [sflag:$0x2], $0x80, s23, s20, $0xb8;
	[tilespmem:$0x1E800] =	vst v63  }
0xa9: {  	_ =	swait.ge [sflag:s24], $0x4000  }
0xaa: {  	[sflag:s24] =	ssyncset.done $0x0  }
0xab: {  	s28 =	simm.s32 $0x100;
	[sflag:s24] =	ssyncadd.s32 $0xFFFFC000  }
0xac: {  	[tilespmem:s21], [sflag:$0x3] =	stream.indirect.gather [hbm4b:s4+s20], $0x80, s28, s20, $0xb8;
	[tilespmem:$0x1E800] =	vst v63  }
0xad: {  	_ =	swait.ge [sflag:s18], $0x4000  }
0xae: {  	[sflag:s18] =	ssyncset.done $0x0  }
0xaf: {  	s28 =	simm.s32 $0x1500;
	[sflag:s18] =	ssyncadd.s32 $0xFFFFC000  }
0xb0: {  	[spmem:s2] =	stream.indirect.scatter.add.f32 [tilespmem:s21], [sflag:$0x1], $0x80, s28, s20, $0xb8;
	[tilespmem:$0x1E800] =	vst v63  }
0xb1: {  	_ =	swait.ge [sflag:s25], $0x4000  }
0xb2: {  	[sflag:s25] =	ssyncset.done $0x0  }
0xb3: {  	s28 =	simm.s32 $0x180;
	[sflag:s25] =	ssyncadd.s32 $0xFFFFC000  }
0xb4: {  	[tilespmem:s22], [sflag:$0x3] =	stream.indirect.gather [hbm4b:s4+s20], $0x80, s28, s20, $0xb8;
	[tilespmem:$0x1E800] =	vst v63  }
0xb5: {  	_ =	swait.ge [sflag:s18], $0x4000  }
0xb6: {  	[sflag:s18] =	ssyncset.done $0x0  }
0xb7: {  	s29 =	simm.s32 $0x1580;
	s28 =	simm.s32 $0xFFFFB800;
	[sflag:s18] =	ssyncadd.s32 $0xFFFFC000  }
.LBB2_5:
0xb8: {  	[spmem:s2] =	stream.indirect.scatter.add.f32 [tilespmem:s22], [sflag:$0x2], $0x80, s29, s20, $0xb8;
	[tilespmem:$0x1E800] =	vst v63  }
0xb9: {  	s29 =	smov.u32 s28  }
0xba: {  	p1 =	sne.s32 s28, $0xFFFFFC00;
	s28 =	sadd.s32 $0x400, s28;
	_ =	swait.ge [sflag:s24], $0x4000  }
0xbb: {  	s29 =	sshra.s32 s29, $0x2;
	[sflag:s24] =	ssyncset.done $0x0  }
0xbc: {  	s30 =	sadd.s32 $0x1400, s29;
	[sflag:s24] =	ssyncadd.s32 $0xFFFFC000  }
0xbd: {  	[tilespmem:s21], [sflag:$0x3] =	stream.indirect.gather [hbm4b:s4+s20], $0x80, s30, s20, $0xb8;
	[tilespmem:$0x1E800] =	vst v63  }
0xbe: {  	_ =	swait.ge [sflag:s18], $0x4000  }
0xbf: {  	[sflag:s18] =	ssyncset.done $0x0  }
0xc0: {  	s30 =	sadd.s32 $0x2800, s29;
	[sflag:s18] =	ssyncadd.s32 $0xFFFFC000  }
0xc1: {  	[spmem:s2] =	stream.indirect.scatter.add.f32 [tilespmem:s21], [sflag:$0x1], $0x80, s30, s20, $0xb8;
	[tilespmem:$0x1E800] =	vst v63  }
0xc2: {  	_ =	swait.ge [sflag:s25], $0x4000  }
0xc3: {  	[sflag:s25] =	ssyncset.done $0x0  }
.Ltmp6:
0xc4: {  	s30 =	sadd.s32 $0x1480, s29;
	[sflag:s25] =	ssyncadd.s32 $0xFFFFC000;
	(pc) =	sbr.rel @p1 .LBB2_5-.Ltmp6, $4  }
0xc5: {  	[tilespmem:s22], [sflag:$0x3] =	stream.indirect.gather [hbm4b:s4+s20], $0x80, s30, s20, $0xb8;
	[tilespmem:$0x1E800] =	vst v63  }
0xc6: {  	_ =	swait.ge [sflag:s18], $0x4000  }
0xc7: {  	[sflag:s18] =	ssyncset.done $0x0  }
0xc8: {  	s29 =	sadd.s32 $0x2880, s29;
	[sflag:s18] =	ssyncadd.s32 $0xFFFFC000  }
0xc9: {  	[spmem:s2] =	stream.indirect.scatter.add.f32 [tilespmem:s22], [sflag:$0x2], $0x80, s29, s20, $0xb8;
	[tilespmem:$0x1E800] =	vst v63  }
0xca: {  	_ =	swait.ge [sflag:s24], $0x4000  }
0xcb: {  	[sflag:s24] =	ssyncset.done $0x0  }
0xcc: {  	[sflag:s24] =	ssyncadd.s32 $0xFFFFC000  }
0xcd: {  	_ =	swait.ge [sflag:s25], $0x4000  }
0xce: {  	[sflag:s25] =	ssyncset.done $0x0  }
0xcf: {  	[sflag:s25] =	ssyncadd.s32 $0xFFFFC000  }
0xd0: {  	[tilespmem:s3], [sflag:$0x3] =	stream.linear.gather [hbm4b:s11+s3], $0x1400, $0x38;
	[tilespmem:$0x1E800] =	vst v63  }
0xd1: {  	_ =	swait.ge [sflag:s18], $0x1400  }
0xd2: {  	[sflag:s18] =	ssyncset.done $0x0  }
0xd3: {  	[sflag:s18] =	ssyncadd.s32 $0xFFFFEC00  }
0xd4: {  	[tilespmem:s19], [sflag:$0x3] =	stream.linear.gather [hbm4b:s12+s3], $0x1400, $0x38;
	[tilespmem:$0x1E800] =	vst v63  }
0xd5: {  	_ =	swait.ge [sflag:s18], $0x1400  }
0xd6: {  	[sflag:s18] =	ssyncset.done $0x0  }
0xd7: {  	[sflag:s18] =	ssyncadd.s32 $0xFFFFEC00  }
0xd8: {  	[tilespmem:s21], [sflag:$0x3] =	stream.indirect.gather [hbm4b:s4+s20], $0x80, s3, s20, $0xb8;
	[tilespmem:$0x1E800] =	vst v63  }
0xd9: {  	_ =	swait.ge [sflag:s18], $0x4000  }
0xda: {  	[sflag:s18] =	ssyncset.done $0x0  }
0xdb: {  	[sflag:s18] =	ssyncadd.s32 $0xFFFFC000  }
0xdc: {  	[spmem:s2] =	stream.indirect.scatter.add.f32 [tilespmem:s21], [sflag:$0x1], $0x80, s19, s20, $0xb8;
	[tilespmem:$0x1E800] =	vst v63  }
0xdd: {  	_ = 	snop  }
0xde: {  	[tilespmem:s22], [sflag:$0x3] =	stream.indirect.gather [hbm4b:s4+s20], $0x80, s20, s20, $0xb8;
	[tilespmem:$0x1E800] =	vst v63  }
0xdf: {  	_ =	swait.ge [sflag:s18], $0x4000  }
0xe0: {  	[sflag:s18] =	ssyncset.done $0x0  }
0xe1: {  	[sflag:s18] =	ssyncadd.s32 $0xFFFFC000  }
0xe2: {  	[spmem:s2] =	stream.indirect.scatter.add.f32 [tilespmem:s22], [sflag:$0x2], $0x80, s23, s20, $0xb8;
	[tilespmem:$0x1E800] =	vst v63  }
0xe3: {  	_ =	swait.ge [sflag:s24], $0x4000  }
0xe4: {  	[sflag:s24] =	ssyncset.done $0x0  }
0xe5: {  	s28 =	simm.s32 $0x100;
	[sflag:s24] =	ssyncadd.s32 $0xFFFFC000  }
0xe6: {  	[tilespmem:s21], [sflag:$0x3] =	stream.indirect.gather [hbm4b:s4+s20], $0x80, s28, s20, $0xb8;
	[tilespmem:$0x1E800] =	vst v63  }
0xe7: {  	_ =	swait.ge [sflag:s18], $0x4000  }
0xe8: {  	[sflag:s18] =	ssyncset.done $0x0  }
0xe9: {  	s28 =	simm.s32 $0x1500;
	[sflag:s18] =	ssyncadd.s32 $0xFFFFC000  }
0xea: {  	[spmem:s2] =	stream.indirect.scatter.add.f32 [tilespmem:s21], [sflag:$0x1], $0x80, s28, s20, $0xb8;
	[tilespmem:$0x1E800] =	vst v63  }
0xeb: {  	_ =	swait.ge [sflag:s25], $0x4000  }
0xec: {  	[sflag:s25] =	ssyncset.done $0x0  }
0xed: {  	s28 =	simm.s32 $0x180;
	[sflag:s25] =	ssyncadd.s32 $0xFFFFC000  }
0xee: {  	[tilespmem:s22], [sflag:$0x3] =	stream.indirect.gather [hbm4b:s4+s20], $0x80, s28, s20, $0xb8;
	[tilespmem:$0x1E800] =	vst v63  }
0xef: {  	_ =	swait.ge [sflag:s18], $0x4000  }
0xf0: {  	[sflag:s18] =	ssyncset.done $0x0  }
0xf1: {  	s29 =	simm.s32 $0x1580;
	s28 =	simm.s32 $0xFFFFB800;
	[sflag:s18] =	ssyncadd.s32 $0xFFFFC000  }
.LBB2_7:
0xf2: {  	[spmem:s2] =	stream.indirect.scatter.add.f32 [tilespmem:s22], [sflag:$0x2], $0x80, s29, s20, $0xb8;
	[tilespmem:$0x1E800] =	vst v63  }
0xf3: {  	s29 =	smov.u32 s28  }
0xf4: {  	p1 =	seq.s32 s28, $0xFFFFFC00;
	s28 =	sadd.s32 $0x400, s28;
	_ =	swait.ge [sflag:s24], $0x4000  }
0xf5: {  	s29 =	sshra.s32 s29, $0x2;
	[sflag:s24] =	ssyncset.done $0x0  }
0xf6: {  	s30 =	sadd.s32 $0x1400, s29;
	[sflag:s24] =	ssyncadd.s32 $0xFFFFC000  }
0xf7: {  	[tilespmem:s21], [sflag:$0x3] =	stream.indirect.gather [hbm4b:s4+s20], $0x80, s30, s20, $0xb8;
	[tilespmem:$0x1E800] =	vst v63  }
0xf8: {  	_ =	swait.ge [sflag:s18], $0x4000  }
0xf9: {  	[sflag:s18] =	ssyncset.done $0x0  }
0xfa: {  	s30 =	sadd.s32 $0x2800, s29;
	[sflag:s18] =	ssyncadd.s32 $0xFFFFC000  }
0xfb: {  	[spmem:s2] =	stream.indirect.scatter.add.f32 [tilespmem:s21], [sflag:$0x1], $0x80, s30, s20, $0xb8;
	[tilespmem:$0x1E800] =	vst v63  }
0xfc: {  	_ =	swait.ge [sflag:s25], $0x4000  }
0xfd: {  	[sflag:s25] =	ssyncset.done $0x0  }
.Ltmp7:
0xfe: {  	s30 =	sadd.s32 $0x1480, s29;
	[sflag:s25] =	ssyncadd.s32 $0xFFFFC000;
	(pc) =	sbr.rel @!p1 .LBB2_7-.Ltmp7, $4  }
0xff: {  	[tilespmem:s22], [sflag:$0x3] =	stream.indirect.gather [hbm4b:s4+s20], $0x80, s30, s20, $0xb8;
	[tilespmem:$0x1E800] =	vst v63  }
0x100: {  	_ =	swait.ge [sflag:s18], $0x4000  }
0x101: {  	[sflag:s18] =	ssyncset.done $0x0  }
0x102: {  	s29 =	sadd.s32 $0x2880, s29;
	[sflag:s18] =	ssyncadd.s32 $0xFFFFC000  }
.Ltmp8:
0x103: {  	(pc) =	sbr.rel .LBB2_12-.Ltmp8, $2  }
0x104: {  	_ =	sdelay $0x2  }
0x105: {  	[spmem:s2] =	stream.indirect.scatter.add.f32 [tilespmem:s22], [sflag:$0x2], $0x80, s29, s20, $0xb8;
	[tilespmem:$0x1E800] =	vst v63  }
.LBB2_13:
0x106: {  	_ =	sfence.sel $0x180000  }
0x107: {  	[bflag:$0x0] =	sbarrier.arrive $0xFFFF  }
0x108: {  	p0 =	sne.s32 s1, $0x0;
	_ =	strace $0x9000004D  }
0x109: {  	s0 =	sadd.s32 @!p0 $0x100000, s0;
	[bflag:$0x2] =	sbarrier.arrive $0xFFFF  }
0x10a: {  	[sflag:s0] =	ssyncadd.tile.s32 @!p0 $0x1;
	_ =	shalt  }
.Lfunc_end2:
_tile_overlayer_lowered:
.L_overlay_start_2:
0x10b: {  	(tag) =	ssettag $0x2  }
0x10c: {  	s0 =	rddreg [dreg:$0x0];
	s2 =	stileid.u32  }
0x10d: {  	s1 =	rddreg [dreg:$0x1];
	p0 =	sne.s32 s2, $0x0  }
0x10e: {  	s3 =	rddreg [dreg:$0x2];
	[bflag:$0x3] =	sbarrier.arrive $0xFFFF;
	s2 =	simm.s32 @!p0 $0x1C03  }
0x10f: {  	[timem:s3], [sflag:s2] =	dma.local @!p0 [hbm:s0], s1  }
0x110: {  	s0 =	simm.s32 @!p0 $0x3  }
0x111: {  	_ =	swait.ge @!p0 [sflag:s0], s1  }
0x112: {  	s1 =	ssub.s32 @!p0 $0x0, s1;
	[sflag:s0] =	ssyncset.done @!p0 $0x0  }
0x113: {  	[sflag:s0] =	ssyncadd.s32 @!p0 s1  }
0x114: {  	[bflag:$0x3] =	sbarrier.arrive $0xFFFF  }
0x115: {  	_ =	shalt  }

// kernel: kernel.20.cloned.1.call-start
scs
__scs_entry_jumppad:
0x0: {  	(pc) =	sbr.rel $0x88, $3  }
0x1: {  	(tag) =	ssettag $0x0;
	lr =	simm.s32 $0x1  }
0x2: {  	[smem:$0x3F99] =	sst lr;
	_ =	strace $0xD0000000  }
0x3: {  	_ = 	snop  }
0x4: {  	_ = 	snop  }
0x5: {  	_ = 	snop  }
0x6: {  	_ = 	snop  }
0x7: {  	_ = 	snop  }
__scs_overlays_trampoline_lowered:
0x8: {  	[smem:$0x3FA8] =	sst s0  }
0x9: {  	[smem:$0x3FA9] =	sst s1  }
0xa: {  	[smem:$0x3FAA] =	sst s2  }
0xb: {  	[smem:$0x3FAB] =	sst s3  }
0xc: {  	[smem:$0x3FAC] =	sst s4  }
0xd: {  	[smem:$0x3FAD] =	sst s5  }
0xe: {  	[smem:$0x3FAE] =	sst s6  }
0xf: {  	[smem:$0x3FAF] =	sst s7  }
0x10: {  	[smem:$0x3FB0] =	sst s8  }
0x11: {  	[smem:$0x3FB1] =	sst s9;
	s0 =	simm.s32 @!p0 $0x0  }
0x12: {  	s1 =	sld [smem:$0x3F97];
	s0 =	simm.s32 @p0 $0x1  }
0x13: {  	[smem:$0x3FB2] =	sst s0;
	s0 =	simm.s32 @!p1 $0x0  }
0x14: {  	s2 =	sld [smem:$0x3F96];
	s0 =	simm.s32 @p1 $0x1  }
0x15: {  	[smem:$0x3FB3] =	sst s0;
	s0 =	simm.s32 @!p2 $0x0  }
0x16: {  	s3 =	sld [smem:$0x3FDB];
	s0 =	simm.s32 @p2 $0x1  }
0x17: {  	s4 =	simm.s32 $0x1BF5;
	[smem:$0x3FB5] =	sst s0  }
0x18: {  	s0 =	sld [smem:$0x3F98];
	_ =	swait.ge [sflag:s4], $0x0  }
0x19: {  	s7 =	sld [smem:$0x3F99]  }
0x1a: {  	s8 =	sadd.s32 $0xFFFFE003, lr  }
0x1b: {  	s9 =	sadd.s32 $0xFFFFFEF7, lr;
	s5 =	simm.s32 $0xFFFFFFFF;
	p2 =	slt.u32 s8, $0xFFFFF086  }
0x1c: {  	p1 =	slt.u32 s9, $0xF7A;
	s5 =	simm.s32 @!p2 $0x0  }
0x1d: {  	s5 =	simm.s32 @p1 $0x1;
	p0 =	seq.s32 s7, s2  }
0x1e: {  	s7 =	smul.u32 @!p0 $0xF7A, s2;
	p2 =	seq.s32 @!p0 s5, $0x0  }
0x1f: {  	s9 =	smul.u32 $0xF7A, s1;
	s8 =	simm.s32 @!p0 $0x1BF5;
	p2 =	por !p2, p0  }
0x20: {  	[sflag:s8] =	ssyncset.s32 @!p0 $0xFFFFF086;
	s6 =	sadd.s32 @!p0 s3, s7;
	s7 =	simm.s32 @!p0 $0x108  }
0x21: {  	s3 =	sadd.s32 s3, s9;
	s6 =	sadd.s32 @!p0 $0x88, s6;
	s7 =	simm.s32 @p2 $0x1082  }
0x22: {  	[simem:s7], [sflag:s8] =	dma.local @!p0 [hbm:s6], $0xF7A  }
0x23: {  	s9 =	sor.u32 $0xD0000000, s2;
	s6 =	simm.s32 $0x108;
	_ =	swait.ge @!p0 [sflag:s8], $0x0  }
0x24: {  	s3 =	sadd.s32 $0x88, s3;
	s6 =	simm.s32 @!p1 $0x1082;
	[sflag:s4] =	ssyncset.s32 $0xFFFFF086  }
0x25: {  	[simem:s6], [sflag:s4] =	dma.local [hbm:s3], $0xF7A  }
0x26: {  	[smem:$0x3F99] =	sst s1;
	(tag) =	ssettag s2;
	_ =	strace s9  }
0x27: {  	s1 =	sld [smem:$0x3FA9]  }
0x28: {  	s2 =	sld [smem:$0x3FAA]  }
0x29: {  	s4 =	sld [smem:$0x3FAC]  }
0x2a: {  	p0 =	seq.s32 s5, $0x0;
	s5 =	sld [smem:$0x3FAD]  }
0x2b: {  	s6 =	sld [smem:$0x3FAE]  }
0x2c: {  	s7 =	sld [smem:$0x3FAF]  }
0x2d: {  	s3 =	simm.s32 $0x108;
	s8 =	sld [smem:$0x3FB0]  }
0x2e: {  	s3 =	simm.s32 @!p0 $0x1082;
	s9 =	sld [smem:$0x3FB1]  }
0x2f: {  	lr =	sadd.s32 s0, s3;
	s0 =	sld [smem:$0x3FA8]  }
0x30: {  	s3 =	sld [smem:$0x3FAB]  }
0x31: {  	[smem:$0x3FB4] =	sst s10  }
0x32: {  	s10 =	sld [smem:$0x3FB2];
	_ =	sdelay $0x3  }
0x33: {  	p0 =	seq.s32 s10, $0x1;
	s10 =	sld [smem:$0x3FB4];
	_ =	sdelay $0x3  }
0x34: {  	[smem:$0x3FB4] =	sst s10  }
0x35: {  	s10 =	sld [smem:$0x3FB3];
	_ =	sdelay $0x3  }
0x36: {  	p1 =	seq.s32 s10, $0x1;
	s10 =	sld [smem:$0x3FB4];
	_ =	sdelay $0x3  }
0x37: {  	[smem:$0x3FB4] =	sst s10  }
0x38: {  	s10 =	sld [smem:$0x3FB5]  }
0x39: {  	_ = 	snop;
	(pc) =	sbr.ind lr, $3  }
0x3a: {  	_ = 	snop  }
0x3b: {  	_ = 	snop  }
0x3c: {  	p2 =	seq.s32 s10, $0x1;
	s10 =	sld [smem:$0x3FB4]  }
0x3d: {  	_ =	shalt  }
0x3e: {  	_ =	shalt  }
0x3f: {  	_ =	shalt  }
0x40: {  	_ =	shalt  }
0x41: {  	_ =	shalt  }
0x42: {  	_ =	shalt  }
0x43: {  	_ =	shalt  }
0x44: {  	_ =	shalt  }
0x45: {  	_ =	shalt  }
0x46: {  	_ =	shalt  }
0x47: {  	_ =	shalt  }
0x48: {  	_ =	shalt  }
0x49: {  	_ =	shalt  }
0x4a: {  	_ =	shalt  }
0x4b: {  	_ =	shalt  }
0x4c: {  	_ =	shalt  }
0x4d: {  	_ =	shalt  }
0x4e: {  	_ =	shalt  }
0x4f: {  	_ =	shalt  }
0x50: {  	_ =	shalt  }
0x51: {  	_ =	shalt  }
0x52: {  	_ =	shalt  }
0x53: {  	_ =	shalt  }
0x54: {  	_ =	shalt  }
0x55: {  	_ =	shalt  }
0x56: {  	_ =	shalt  }
0x57: {  	_ =	shalt  }
0x58: {  	_ =	shalt  }
0x59: {  	_ =	shalt  }
0x5a: {  	_ =	shalt  }
0x5b: {  	_ =	shalt  }
0x5c: {  	_ =	shalt  }
0x5d: {  	_ =	shalt  }
0x5e: {  	_ =	shalt  }
0x5f: {  	_ =	shalt  }
0x60: {  	_ =	shalt  }
0x61: {  	_ =	shalt  }
0x62: {  	_ =	shalt  }
0x63: {  	_ =	shalt  }
0x64: {  	_ =	shalt  }
0x65: {  	_ =	shalt  }
0x66: {  	_ =	shalt  }
0x67: {  	_ =	shalt  }
0x68: {  	_ =	shalt  }
0x69: {  	_ =	shalt  }
0x6a: {  	_ =	shalt  }
0x6b: {  	_ =	shalt  }
0x6c: {  	_ =	shalt  }
0x6d: {  	_ =	shalt  }
0x6e: {  	_ =	shalt  }
0x6f: {  	_ =	shalt  }
0x70: {  	_ =	shalt  }
0x71: {  	_ =	shalt  }
0x72: {  	_ =	shalt  }
0x73: {  	_ =	shalt  }
0x74: {  	_ =	shalt  }
0x75: {  	_ =	shalt  }
0x76: {  	_ =	shalt  }
0x77: {  	_ =	shalt  }
0x78: {  	_ =	shalt  }
0x79: {  	_ =	shalt  }
0x7a: {  	_ =	shalt  }
0x7b: {  	_ =	shalt  }
0x7c: {  	_ =	shalt  }
0x7d: {  	_ =	shalt  }
0x7e: {  	_ =	shalt  }
0x7f: {  	_ =	shalt  }
0x80: {  	_ =	shalt  }
0x81: {  	_ =	shalt  }
0x82: {  	_ =	shalt  }
0x83: {  	_ =	shalt  }
0x84: {  	_ =	shalt  }
0x85: {  	_ =	shalt  }
0x86: {  	_ =	shalt  }
0x87: {  	_ =	shalt  }
.Lfunc_end0:
.L_simem_size_0:
called_computation.3_lowered:
.L_overlay_start_0:
0x88: {  	s2 =	sld [smem:$0x3FD9]  }
0x89: {  	s3 =	sld [smem:$0x3FFE];
	_ =	sdelay $0x1  }
0x8a: {  	s1 =	srdreg.scid  }
0x8b: {  	s0 =	sand.u32 $0x1, s1  }
0x8c: {  	s17 =	sshll.u32 s0, $0xA;
	s2 =	sadd.s32 s3, s2  }
0x8d: {  	s2 =	sadd.s32 s2, s17  }
0x8e: {  	[smem:$0x3FC0] =	sst s2  }
0x8f: {  	_ = 	snop  }
0x90: {  	s2 =	sld [smem:$0x3FD0];
	(tm) =	ssettm $0x1  }
0x91: {  	s18 =	sld [smem:$0x3FFB];
	_ =	sdelay $0x3  }
0x92: {  	_ =	strace s18  }
0x93: {  	s3 =	sld [smem:$0x3FFC];
	_ =	sdelay $0x3  }
0x94: {  	_ =	strace s3  }
0x95: {  	s3 =	sld [smem:$0x3FFD];
	_ =	sdelay $0x3  }
0x96: {  	_ =	strace s3  }
0x97: {  	_ =	strace $0x8FFFFFFF  }
0x98: {  	s19 =	sld [smem:$0x3FDB];
	_ =	sdelay $0x1  }
0x99: {  	s4 =	simm.s32 $_scs_section_size  }
0x9a: {  	s5 =	simm.s32 $_size__tile_overlayer_lowered;
	s6 =	simm.s32 $_tile_overlayer_lowered  }
0x9b: {  	s22 =	simm.s32 $0x1BFF;
	s21 =	sshll.u32 s6, $0x1;
	s3 =	sadd.s32 s4, s19  }
0x9c: {  	s7 =	simm.s32 $0x0;
	s20 =	sshll.u32 s5, $0x1;
	s5 =	sadd.s32 s21, s3  }
0x9d: {  	[timem:s7], [sflag:s22] =	dma.local [hbm:s5], s20  }
0x9e: {  	_ =	swait.ge [sflag:s22], s20  }
0x9f: {  	s4 =	ssub.s32 $0x0, s20;
	[sflag:s22] =	ssyncset.done $0x0  }
0xa0: {  	[sflag:s22] =	ssyncadd.s32 s4;
	_ =	sdelay $0x1  }
0xa1: {  	s23 =	simm.s32 $0x1B8B  }
0xa2: {  	_ =	swait.ge [sflag:s23], $0x1  }
0xa3: {  	[sflag:s23] =	ssyncset.done $0x0  }
0xa4: {  	s25 =	simm.s32 $0x1B8E;
	s24 =	sld [smem:$0x3FFE];
	[sflag:s23] =	ssyncadd.s32 $0xFFFFFFFF  }
0xa5: {  	s26 =	simm.s32 $execute0_lowered;
	[smem:$0x3FD2] =	sst s25  }
0xa6: {  	s5 =	sshll.u32 s26, $0x1;
	_ =	strace $0x8000004F;
	[dreg:$0x1] =	wrdreg $0xFFFFFFFF  }
0xa7: {  	s28 =	simm.s32 $_size_execute0_lowered;
	s3 =	sadd.s32 s3, s5;
	[dreg:$0x0] =	wrdreg $0x0  }
0xa8: {  	s5 =	sshll.u32 s28, $0x1;
	[dreg:$0x2] =	wrdreg s3  }
0xa9: {  	[dreg:$0x3] =	wrdreg s5  }
0xaa: {  	[dreg:$0x4] =	wrdreg $0xC0  }
0xab: {  	_ =	task [dreg:s7], $0x5FFFF  }
0xac: {  	[dreg:$0x1] =	wrdreg $0xFFFFFFFF  }
0xad: {  	[dreg:$0x0] =	wrdreg $0x60  }
0xae: {  	[dreg:$0x2] =	wrdreg s24  }
0xaf: {  	[dreg:$0x3] =	wrdreg s2  }
0xb0: {  	[dreg:$0x4] =	wrdreg $0xA8000  }
0xb1: {  	[dreg:$0x5] =	wrdreg $0x9  }
0xb2: {  	_ =	task.clear_ibuf [dreg:s7], $0x6FFFF;
	_ =	strace $0x9000004F  }
0xb3: {  	s29 =	simm.s32 $0x9;
	_ =	strace $0x80000051  }
0xb4: {  	_ =	swait.ge [sflag:s29], $0x1  }
0xb5: {  	[sflag:s29] =	ssyncadd.s32 $0xFFFFFFFF  }
0xb6: {  	_ =	strace $0x90000051  }
0xb7: {  	_ =	sfence  }
0xb8: {  	s30 =	sld [smem:$0x0];
	_ =	sdelay $0x2  }
0xb9: {  	s31 =	sshll.u32 s1, $0xD;
	s1 =	sshrl.u32 s1, $0x2  }
0xba: {  	s3 =	sand.u32 $0x4000, s31;
	s1 =	sadd.s32 s1, s30  }
0xbb: {  	s0 =	sor.u32 s3, s0;
	s1 =	sshll.u32 s1, $0x11  }
0xbc: {  	s0 =	sor.u32 s1, s0  }
0xbd: {  	s0 =	sadd.s32 $0x8F2B, s0  }
0xbe: {  	[sflag:s0] =	ssyncadd.remote.s32 $0x1  }
0xbf: {  	_ =	sfence.sel $0xFFFF  }
0xc0: {  	[dreg:$0x0] =	wrdreg $0xFFFFFFFF;
	(pc) =	sbr.abs _section_cstart, $3  }
0xc1: {  	[dreg:$0x1] =	wrdreg $0xFFFFFFFF  }
0xc2: {  	_ =	task.clear_ibuf [dreg:s7], $0x2FFFF;
	_ =	strace $0x9FFFFFFF  }
0xc3: {  	(tm) =	ssettm $0x7FFFFFFF  }
tec
execute0_lowered:
.L_overlay_start_1:
0x0: {  	(tag) =	ssettag $0x1  }
0x1: {  	s6 =	rddreg [dreg:$0x0]  }
0x2: {  	s13 =	rddreg [dreg:$0x1]  }
0x3: {  	s2 =	rddreg [dreg:$0x2]  }
0x4: {  	s0 =	rddreg [dreg:$0x3]  }
0x5: {  	s3 =	simm.s32 $0x0;
	s4 =	srdreg.scid;
	s1 =	stileid.u32  }
0x6: {  	s20 =	simm.s32 $0x80;
	s21 =	simm.s32 $0x2800;
	s5 =	smul.u32 $0x2800, s1  }
0x7: {  	s22 =	simm.s32 $0x6800;
	s23 =	simm.s32 $0x1480;
	s11 =	smul.u32 $0x50000, s1  }
0x8: {  	s24 =	simm.s32 $0x1;
	[smem:$0x7FF] =	sst s3;
	s28 =	smul.u32 $0x3C00, s1  }
0x9: {  	s7 =	sand.u32 $0x1, s4;
	s4 =	sadd.s32 $0xF600, s6;
	s29 =	smul.u32 $0x780, s1  }
0xa: {  	s14 =	sadd.s32 $0x2E00, s6;
	s26 =	sshll.u32 s1, $0x6;
	s31 =	smul.u32 $0x1400, s1  }
0xb: {  	_ =	strace $0x80000050;
	s8 =	smul.u32 $0x28000, s7;
	s9 =	ssub.s32 $0x2, s7  }
0xc: {  	p0 =	seq.s32 s7, $0x1;
	s10 =	sshrl.u32 s9, $0x1;
	s25 =	sshrl.u32 s11, $0x2  }
0xd: {  	s30 =	sshrl.u32 s28, $0x3;
	s7 =	sadd.s32 s13, s29;
	s19 =	sshrl.u32 s31, $0x3  }
0xe: {  	s8 =	sadd.s32 s5, s8;
	s5 =	sadd.s32 $0xCE00, s6;
	s16 =	ssub.s32 s9, s10  }
0xf: {  	s17 =	sadd.s32 s25, s2;
	s12 =	sadd.s32 $0x280, s30;
	s18 =	sadd.s32 $0x500, s30  }
0x10: {  	s19 =	sadd.s32 $0x7800, s19;
	s25 =	simm.s32 $0x2;
	s15 =	sadd.s32 s8, s6  }
.Ltmp0:
0x11: {  	s6 =	sor.u32 $0x1C03, s26;
	s8 =	sadd.s32 s14, s29;
	(pc) =	sbr.rel .LBB2_1-.Ltmp0, $4  }
0x12: {  	s9 =	sadd.s32 s13, s12;
	s10 =	sadd.s32 s14, s12;
	s11 =	sadd.s32 s13, s18  }
0x13: {  	s12 =	sadd.s32 s14, s18;
	s13 =	sadd.s32 s13, s19;
	s14 =	sadd.s32 s14, s19  }
0x14: {  	s16 =	smax.u32 s16, $0x1;
	s17 =	sshrl.u32 s17, $0x3;
	s18 =	simm.s32 $0x3  }
0x15: {  	s19 =	simm.s32 $0x1400;
	s26 =	simm.s32 $0x0;
	s15 =	sadd.s32 $0x37600, s15  }
.LBB2_11:
0x16: {  	[spmem:s2] =	stream.indirect.scatter.add.f32 [tilespmem:s22], [sflag:$0x2], $0x80, s29, s20, $0xb8;
	[tilespmem:$0x1E800] =	vst v63  }
.LBB2_12:
0x17: {  	_ =	swait.ge [sflag:s24], $0x4000  }
0x18: {  	[sflag:s24] =	ssyncset.done $0x0  }
0x19: {  	[sflag:s24] =	ssyncadd.s32 $0xFFFFC000  }
0x1a: {  	_ =	swait.ge [sflag:s25], $0x4000  }
0x1b: {  	s26 =	sadd.s32 $0x1, s26;
	[sflag:s25] =	ssyncset.done $0x0  }
0x1c: {  	p1 =	sne.s32 s26, s16;
	[sflag:s25] =	ssyncadd.s32 $0xFFFFC000  }
.Ltmp1:
0x1d: {  	[bflag:$0x0] =	sbarrier.arrive $0xFFFF;
	(pc) =	sbr.rel @!p1 .LBB2_13-.Ltmp1, $4  }
0x1e: {  	[hbm:s15], [sflag:s6] =	dma.local [spmem:s17], $0x2800  }
0x1f: {  	_ =	swait.ge [sflag:s18], $0x2800  }
0x20: {  	[sflag:s18] =	ssyncset.done $0x0  }
0x21: {  	[sflag:s18] =	ssyncadd.s32 $0xFFFFD800  }
.LBB2_1:
0x22: {  	[spmem:s17], [sflag:s6] =	dma.local [hbm:s5], $0x2800  }
.Ltmp2:
0x23: {  	_ =	swait.ge [sflag:s18], $0x2800;
	(pc) =	sbr.rel @!p0 .LBB2_2-.Ltmp2, $3  }
0x24: {  	[sflag:s18] =	ssyncset.done $0x0  }
0x25: {  	[sflag:s18] =	ssyncadd.s32 $0xFFFFD800  }
0x26: {  	[bflag:$0x0] =	sbarrier.arrive $0xFFFF;
	_ =	sdelay $0x1  }
0x27: {  	[tilespmem:s3], [sflag:$0x3] =	stream.linear.gather [hbm4b:s13+s3], $0x1400, $0x38;
	[tilespmem:$0x1E800] =	vst v63  }
0x28: {  	_ =	swait.ge [sflag:s18], $0x1400  }
0x29: {  	[sflag:s18] =	ssyncset.done $0x0  }
0x2a: {  	[sflag:s18] =	ssyncadd.s32 $0xFFFFEC00  }
0x2b: {  	[tilespmem:s19], [sflag:$0x3] =	stream.linear.gather [hbm4b:s14+s3], $0x1400, $0x38;
	[tilespmem:$0x1E800] =	vst v63  }
0x2c: {  	_ =	swait.ge [sflag:s18], $0x1400  }
0x2d: {  	[sflag:s18] =	ssyncset.done $0x0  }
0x2e: {  	[sflag:s18] =	ssyncadd.s32 $0xFFFFEC00  }
0x2f: {  	[tilespmem:s21], [sflag:$0x3] =	stream.indirect.gather [hbm4b:s4+s20], $0x80, s3, s20, $0xb8;
	[tilespmem:$0x1E800] =	vst v63  }
0x30: {  	_ =	swait.ge [sflag:s18], $0x4000  }
0x31: {  	[sflag:s18] =	ssyncset.done $0x0  }
0x32: {  	[sflag:s18] =	ssyncadd.s32 $0xFFFFC000  }
0x33: {  	[spmem:s2] =	stream.indirect.scatter.add.f32 [tilespmem:s21], [sflag:$0x1], $0x80, s19, s20, $0xb8;
	[tilespmem:$0x1E800] =	vst v63  }
0x34: {  	_ = 	snop  }
0x35: {  	[tilespmem:s22], [sflag:$0x3] =	stream.indirect.gather [hbm4b:s4+s20], $0x80, s20, s20, $0xb8;
	[tilespmem:$0x1E800] =	vst v63  }
0x36: {  	_ =	swait.ge [sflag:s18], $0x4000  }
0x37: {  	[sflag:s18] =	ssyncset.done $0x0  }
0x38: {  	[sflag:s18] =	ssyncadd.s32 $0xFFFFC000  }
0x39: {  	[spmem:s2] =	stream.indirect.scatter.add.f32 [tilespmem:s22], [sflag:$0x2], $0x80, s23, s20, $0xb8;
	[tilespmem:$0x1E800] =	vst v63  }
0x3a: {  	_ =	swait.ge [sflag:s24], $0x4000  }
0x3b: {  	[sflag:s24] =	ssyncset.done $0x0  }
0x3c: {  	s28 =	simm.s32 $0x100;
	[sflag:s24] =	ssyncadd.s32 $0xFFFFC000  }
0x3d: {  	[tilespmem:s21], [sflag:$0x3] =	stream.indirect.gather [hbm4b:s4+s20], $0x80, s28, s20, $0xb8;
	[tilespmem:$0x1E800] =	vst v63  }
0x3e: {  	_ =	swait.ge [sflag:s18], $0x4000  }
0x3f: {  	[sflag:s18] =	ssyncset.done $0x0  }
0x40: {  	s28 =	simm.s32 $0x1500;
	[sflag:s18] =	ssyncadd.s32 $0xFFFFC000  }
0x41: {  	[spmem:s2] =	stream.indirect.scatter.add.f32 [tilespmem:s21], [sflag:$0x1], $0x80, s28, s20, $0xb8;
	[tilespmem:$0x1E800] =	vst v63  }
0x42: {  	_ =	swait.ge [sflag:s25], $0x4000  }
0x43: {  	[sflag:s25] =	ssyncset.done $0x0  }
0x44: {  	s28 =	simm.s32 $0x180;
	[sflag:s25] =	ssyncadd.s32 $0xFFFFC000  }
0x45: {  	[tilespmem:s22], [sflag:$0x3] =	stream.indirect.gather [hbm4b:s4+s20], $0x80, s28, s20, $0xb8;
	[tilespmem:$0x1E800] =	vst v63  }
0x46: {  	_ =	swait.ge [sflag:s18], $0x4000  }
0x47: {  	[sflag:s18] =	ssyncset.done $0x0  }
0x48: {  	s29 =	simm.s32 $0x1580;
	s28 =	simm.s32 $0xFFFFB800;
	[sflag:s18] =	ssyncadd.s32 $0xFFFFC000  }
.LBB2_10:
0x49: {  	[spmem:s2] =	stream.indirect.scatter.add.f32 [tilespmem:s22], [sflag:$0x2], $0x80, s29, s20, $0xb8;
	[tilespmem:$0x1E800] =	vst v63  }
0x4a: {  	s29 =	smov.u32 s28  }
0x4b: {  	p1 =	sne.s32 s28, $0xFFFFFC00;
	s28 =	sadd.s32 $0x400, s28;
	_ =	swait.ge [sflag:s24], $0x4000  }
0x4c: {  	s29 =	sshra.s32 s29, $0x2;
	[sflag:s24] =	ssyncset.done $0x0  }
0x4d: {  	s30 =	sadd.s32 $0x1400, s29;
	[sflag:s24] =	ssyncadd.s32 $0xFFFFC000  }
0x4e: {  	[tilespmem:s21], [sflag:$0x3] =	stream.indirect.gather [hbm4b:s4+s20], $0x80, s30, s20, $0xb8;
	[tilespmem:$0x1E800] =	vst v63  }
0x4f: {  	_ =	swait.ge [sflag:s18], $0x4000  }
0x50: {  	[sflag:s18] =	ssyncset.done $0x0  }
0x51: {  	s30 =	sadd.s32 $0x2800, s29;
	[sflag:s18] =	ssyncadd.s32 $0xFFFFC000  }
0x52: {  	[spmem:s2] =	stream.indirect.scatter.add.f32 [tilespmem:s21], [sflag:$0x1], $0x80, s30, s20, $0xb8;
	[tilespmem:$0x1E800] =	vst v63  }
0x53: {  	_ =	swait.ge [sflag:s25], $0x4000  }
0x54: {  	[sflag:s25] =	ssyncset.done $0x0  }
.Ltmp3:
0x55: {  	s30 =	sadd.s32 $0x1480, s29;
	[sflag:s25] =	ssyncadd.s32 $0xFFFFC000;
	(pc) =	sbr.rel @p1 .LBB2_10-.Ltmp3, $4  }
0x56: {  	[tilespmem:s22], [sflag:$0x3] =	stream.indirect.gather [hbm4b:s4+s20], $0x80, s30, s20, $0xb8;
	[tilespmem:$0x1E800] =	vst v63  }
0x57: {  	_ =	swait.ge [sflag:s18], $0x4000  }
0x58: {  	[sflag:s18] =	ssyncset.done $0x0  }
0x59: {  	s29 =	sadd.s32 $0x2880, s29;
	[sflag:s18] =	ssyncadd.s32 $0xFFFFC000  }
.Ltmp4:
0x5a: {  	_ = 	snop;
	(pc) =	sbr.rel .LBB2_11-.Ltmp4, $1  }
0x5b: {  	_ =	sdelay $0x3  }
.LBB2_2:
0x5c: {  	[tilespmem:s3], [sflag:$0x3] =	stream.linear.gather [hbm4b:s7+s3], $0x1400, $0x38;
	[tilespmem:$0x1E800] =	vst v63  }
0x5d: {  	_ =	swait.ge [sflag:s18], $0x1400  }
0x5e: {  	[sflag:s18] =	ssyncset.done $0x0  }
0x5f: {  	[sflag:s18] =	ssyncadd.s32 $0xFFFFEC00  }
0x60: {  	[tilespmem:s19], [sflag:$0x3] =	stream.linear.gather [hbm4b:s8+s3], $0x1400, $0x38;
	[tilespmem:$0x1E800] =	vst v63  }
0x61: {  	_ =	swait.ge [sflag:s18], $0x1400  }
0x62: {  	[sflag:s18] =	ssyncset.done $0x0  }
0x63: {  	[sflag:s18] =	ssyncadd.s32 $0xFFFFEC00  }
0x64: {  	[tilespmem:s21], [sflag:$0x3] =	stream.indirect.gather [hbm4b:s4+s20], $0x80, s3, s20, $0xb8;
	[tilespmem:$0x1E800] =	vst v63  }
0x65: {  	_ =	swait.ge [sflag:s18], $0x4000  }
0x66: {  	[sflag:s18] =	ssyncset.done $0x0  }
0x67: {  	[sflag:s18] =	ssyncadd.s32 $0xFFFFC000  }
0x68: {  	[spmem:s2] =	stream.indirect.scatter.add.f32 [tilespmem:s21], [sflag:$0x1], $0x80, s19, s20, $0xb8;
	[tilespmem:$0x1E800] =	vst v63  }
0x69: {  	_ = 	snop  }
0x6a: {  	[tilespmem:s22], [sflag:$0x3] =	stream.indirect.gather [hbm4b:s4+s20], $0x80, s20, s20, $0xb8;
	[tilespmem:$0x1E800] =	vst v63  }
0x6b: {  	_ =	swait.ge [sflag:s18], $0x4000  }
0x6c: {  	[sflag:s18] =	ssyncset.done $0x0  }
0x6d: {  	[sflag:s18] =	ssyncadd.s32 $0xFFFFC000  }
0x6e: {  	[spmem:s2] =	stream.indirect.scatter.add.f32 [tilespmem:s22], [sflag:$0x2], $0x80, s23, s20, $0xb8;
	[tilespmem:$0x1E800] =	vst v63  }
0x6f: {  	_ =	swait.ge [sflag:s24], $0x4000  }
0x70: {  	[sflag:s24] =	ssyncset.done $0x0  }
0x71: {  	s28 =	simm.s32 $0x100;
	[sflag:s24] =	ssyncadd.s32 $0xFFFFC000  }
0x72: {  	[tilespmem:s21], [sflag:$0x3] =	stream.indirect.gather [hbm4b:s4+s20], $0x80, s28, s20, $0xb8;
	[tilespmem:$0x1E800] =	vst v63  }
0x73: {  	_ =	swait.ge [sflag:s18], $0x4000  }
0x74: {  	[sflag:s18] =	ssyncset.done $0x0  }
0x75: {  	s28 =	simm.s32 $0x1500;
	[sflag:s18] =	ssyncadd.s32 $0xFFFFC000  }
0x76: {  	[spmem:s2] =	stream.indirect.scatter.add.f32 [tilespmem:s21], [sflag:$0x1], $0x80, s28, s20, $0xb8;
	[tilespmem:$0x1E800] =	vst v63  }
0x77: {  	_ =	swait.ge [sflag:s25], $0x4000  }
0x78: {  	[sflag:s25] =	ssyncset.done $0x0  }
0x79: {  	s28 =	simm.s32 $0x180;
	[sflag:s25] =	ssyncadd.s32 $0xFFFFC000  }
0x7a: {  	[tilespmem:s22], [sflag:$0x3] =	stream.indirect.gather [hbm4b:s4+s20], $0x80, s28, s20, $0xb8;
	[tilespmem:$0x1E800] =	vst v63  }
0x7b: {  	_ =	swait.ge [sflag:s18], $0x4000  }
0x7c: {  	[sflag:s18] =	ssyncset.done $0x0  }
0x7d: {  	s29 =	simm.s32 $0x1580;
	s28 =	simm.s32 $0xFFFFB800;
	[sflag:s18] =	ssyncadd.s32 $0xFFFFC000  }
.LBB2_3:
0x7e: {  	[spmem:s2] =	stream.indirect.scatter.add.f32 [tilespmem:s22], [sflag:$0x2], $0x80, s29, s20, $0xb8;
	[tilespmem:$0x1E800] =	vst v63  }
0x7f: {  	s29 =	smov.u32 s28  }
0x80: {  	p1 =	sne.s32 s28, $0xFFFFFC00;
	s28 =	sadd.s32 $0x400, s28;
	_ =	swait.ge [sflag:s24], $0x4000  }
0x81: {  	s29 =	sshra.s32 s29, $0x2;
	[sflag:s24] =	ssyncset.done $0x0  }
0x82: {  	s30 =	sadd.s32 $0x1400, s29;
	[sflag:s24] =	ssyncadd.s32 $0xFFFFC000  }
0x83: {  	[tilespmem:s21], [sflag:$0x3] =	stream.indirect.gather [hbm4b:s4+s20], $0x80, s30, s20, $0xb8;
	[tilespmem:$0x1E800] =	vst v63  }
0x84: {  	_ =	swait.ge [sflag:s18], $0x4000  }
0x85: {  	[sflag:s18] =	ssyncset.done $0x0  }
0x86: {  	s30 =	sadd.s32 $0x2800, s29;
	[sflag:s18] =	ssyncadd.s32 $0xFFFFC000  }
0x87: {  	[spmem:s2] =	stream.indirect.scatter.add.f32 [tilespmem:s21], [sflag:$0x1], $0x80, s30, s20, $0xb8;
	[tilespmem:$0x1E800] =	vst v63  }
0x88: {  	_ =	swait.ge [sflag:s25], $0x4000  }
0x89: {  	[sflag:s25] =	ssyncset.done $0x0  }
.Ltmp5:
0x8a: {  	s30 =	sadd.s32 $0x1480, s29;
	[sflag:s25] =	ssyncadd.s32 $0xFFFFC000;
	(pc) =	sbr.rel @p1 .LBB2_3-.Ltmp5, $4  }
0x8b: {  	[tilespmem:s22], [sflag:$0x3] =	stream.indirect.gather [hbm4b:s4+s20], $0x80, s30, s20, $0xb8;
	[tilespmem:$0x1E800] =	vst v63  }
0x8c: {  	_ =	swait.ge [sflag:s18], $0x4000  }
0x8d: {  	[sflag:s18] =	ssyncset.done $0x0  }
0x8e: {  	s29 =	sadd.s32 $0x2880, s29;
	[sflag:s18] =	ssyncadd.s32 $0xFFFFC000  }
0x8f: {  	[spmem:s2] =	stream.indirect.scatter.add.f32 [tilespmem:s22], [sflag:$0x2], $0x80, s29, s20, $0xb8;
	[tilespmem:$0x1E800] =	vst v63  }
0x90: {  	_ =	swait.ge [sflag:s24], $0x4000  }
0x91: {  	[sflag:s24] =	ssyncset.done $0x0  }
0x92: {  	[sflag:s24] =	ssyncadd.s32 $0xFFFFC000  }
0x93: {  	_ =	swait.ge [sflag:s25], $0x4000  }
0x94: {  	[sflag:s25] =	ssyncset.done $0x0  }
0x95: {  	[sflag:s25] =	ssyncadd.s32 $0xFFFFC000  }
0x96: {  	[tilespmem:s3], [sflag:$0x3] =	stream.linear.gather [hbm4b:s9+s3], $0x1400, $0x38;
	[tilespmem:$0x1E800] =	vst v63  }
0x97: {  	_ =	swait.ge [sflag:s18], $0x1400  }
0x98: {  	[sflag:s18] =	ssyncset.done $0x0  }
0x99: {  	[sflag:s18] =	ssyncadd.s32 $0xFFFFEC00  }
0x9a: {  	[tilespmem:s19], [sflag:$0x3] =	stream.linear.gather [hbm4b:s10+s3], $0x1400, $0x38;
	[tilespmem:$0x1E800] =	vst v63  }
0x9b: {  	_ =	swait.ge [sflag:s18], $0x1400  }
0x9c: {  	[sflag:s18] =	ssyncset.done $0x0  }
0x9d: {  	[sflag:s18] =	ssyncadd.s32 $0xFFFFEC00  }
0x9e: {  	[tilespmem:s21], [sflag:$0x3] =	stream.indirect.gather [hbm4b:s4+s20], $0x80, s3, s20, $0xb8;
	[tilespmem:$0x1E800] =	vst v63  }
0x9f: {  	_ =	swait.ge [sflag:s18], $0x4000  }
0xa0: {  	[sflag:s18] =	ssyncset.done $0x0  }
0xa1: {  	[sflag:s18] =	ssyncadd.s32 $0xFFFFC000  }
0xa2: {  	[spmem:s2] =	stream.indirect.scatter.add.f32 [tilespmem:s21], [sflag:$0x1], $0x80, s19, s20, $0xb8;
	[tilespmem:$0x1E800] =	vst v63  }
0xa3: {  	_ = 	snop  }
0xa4: {  	[tilespmem:s22], [sflag:$0x3] =	stream.indirect.gather [hbm4b:s4+s20], $0x80, s20, s20, $0xb8;
	[tilespmem:$0x1E800] =	vst v63  }
0xa5: {  	_ =	swait.ge [sflag:s18], $0x4000  }
0xa6: {  	[sflag:s18] =	ssyncset.done $0x0  }
0xa7: {  	[sflag:s18] =	ssyncadd.s32 $0xFFFFC000  }
0xa8: {  	[spmem:s2] =	stream.indirect.scatter.add.f32 [tilespmem:s22], [sflag:$0x2], $0x80, s23, s20, $0xb8;
	[tilespmem:$0x1E800] =	vst v63  }
0xa9: {  	_ =	swait.ge [sflag:s24], $0x4000  }
0xaa: {  	[sflag:s24] =	ssyncset.done $0x0  }
0xab: {  	s28 =	simm.s32 $0x100;
	[sflag:s24] =	ssyncadd.s32 $0xFFFFC000  }
0xac: {  	[tilespmem:s21], [sflag:$0x3] =	stream.indirect.gather [hbm4b:s4+s20], $0x80, s28, s20, $0xb8;
	[tilespmem:$0x1E800] =	vst v63  }
0xad: {  	_ =	swait.ge [sflag:s18], $0x4000  }
0xae: {  	[sflag:s18] =	ssyncset.done $0x0  }
0xaf: {  	s28 =	simm.s32 $0x1500;
	[sflag:s18] =	ssyncadd.s32 $0xFFFFC000  }
0xb0: {  	[spmem:s2] =	stream.indirect.scatter.add.f32 [tilespmem:s21], [sflag:$0x1], $0x80, s28, s20, $0xb8;
	[tilespmem:$0x1E800] =	vst v63  }
0xb1: {  	_ =	swait.ge [sflag:s25], $0x4000  }
0xb2: {  	[sflag:s25] =	ssyncset.done $0x0  }
0xb3: {  	s28 =	simm.s32 $0x180;
	[sflag:s25] =	ssyncadd.s32 $0xFFFFC000  }
0xb4: {  	[tilespmem:s22], [sflag:$0x3] =	stream.indirect.gather [hbm4b:s4+s20], $0x80, s28, s20, $0xb8;
	[tilespmem:$0x1E800] =	vst v63  }
0xb5: {  	_ =	swait.ge [sflag:s18], $0x4000  }
0xb6: {  	[sflag:s18] =	ssyncset.done $0x0  }
0xb7: {  	s29 =	simm.s32 $0x1580;
	s28 =	simm.s32 $0xFFFFB800;
	[sflag:s18] =	ssyncadd.s32 $0xFFFFC000  }
.LBB2_5:
0xb8: {  	[spmem:s2] =	stream.indirect.scatter.add.f32 [tilespmem:s22], [sflag:$0x2], $0x80, s29, s20, $0xb8;
	[tilespmem:$0x1E800] =	vst v63  }
0xb9: {  	s29 =	smov.u32 s28  }
0xba: {  	p1 =	sne.s32 s28, $0xFFFFFC00;
	s28 =	sadd.s32 $0x400, s28;
	_ =	swait.ge [sflag:s24], $0x4000  }
0xbb: {  	s29 =	sshra.s32 s29, $0x2;
	[sflag:s24] =	ssyncset.done $0x0  }
0xbc: {  	s30 =	sadd.s32 $0x1400, s29;
	[sflag:s24] =	ssyncadd.s32 $0xFFFFC000  }
0xbd: {  	[tilespmem:s21], [sflag:$0x3] =	stream.indirect.gather [hbm4b:s4+s20], $0x80, s30, s20, $0xb8;
	[tilespmem:$0x1E800] =	vst v63  }
0xbe: {  	_ =	swait.ge [sflag:s18], $0x4000  }
0xbf: {  	[sflag:s18] =	ssyncset.done $0x0  }
0xc0: {  	s30 =	sadd.s32 $0x2800, s29;
	[sflag:s18] =	ssyncadd.s32 $0xFFFFC000  }
0xc1: {  	[spmem:s2] =	stream.indirect.scatter.add.f32 [tilespmem:s21], [sflag:$0x1], $0x80, s30, s20, $0xb8;
	[tilespmem:$0x1E800] =	vst v63  }
0xc2: {  	_ =	swait.ge [sflag:s25], $0x4000  }
0xc3: {  	[sflag:s25] =	ssyncset.done $0x0  }
.Ltmp6:
0xc4: {  	s30 =	sadd.s32 $0x1480, s29;
	[sflag:s25] =	ssyncadd.s32 $0xFFFFC000;
	(pc) =	sbr.rel @p1 .LBB2_5-.Ltmp6, $4  }
0xc5: {  	[tilespmem:s22], [sflag:$0x3] =	stream.indirect.gather [hbm4b:s4+s20], $0x80, s30, s20, $0xb8;
	[tilespmem:$0x1E800] =	vst v63  }
0xc6: {  	_ =	swait.ge [sflag:s18], $0x4000  }
0xc7: {  	[sflag:s18] =	ssyncset.done $0x0  }
0xc8: {  	s29 =	sadd.s32 $0x2880, s29;
	[sflag:s18] =	ssyncadd.s32 $0xFFFFC000  }
0xc9: {  	[spmem:s2] =	stream.indirect.scatter.add.f32 [tilespmem:s22], [sflag:$0x2], $0x80, s29, s20, $0xb8;
	[tilespmem:$0x1E800] =	vst v63  }
0xca: {  	_ =	swait.ge [sflag:s24], $0x4000  }
0xcb: {  	[sflag:s24] =	ssyncset.done $0x0  }
0xcc: {  	[sflag:s24] =	ssyncadd.s32 $0xFFFFC000  }
0xcd: {  	_ =	swait.ge [sflag:s25], $0x4000  }
0xce: {  	[sflag:s25] =	ssyncset.done $0x0  }
0xcf: {  	[sflag:s25] =	ssyncadd.s32 $0xFFFFC000  }
0xd0: {  	[tilespmem:s3], [sflag:$0x3] =	stream.linear.gather [hbm4b:s11+s3], $0x1400, $0x38;
	[tilespmem:$0x1E800] =	vst v63  }
0xd1: {  	_ =	swait.ge [sflag:s18], $0x1400  }
0xd2: {  	[sflag:s18] =	ssyncset.done $0x0  }
0xd3: {  	[sflag:s18] =	ssyncadd.s32 $0xFFFFEC00  }
0xd4: {  	[tilespmem:s19], [sflag:$0x3] =	stream.linear.gather [hbm4b:s12+s3], $0x1400, $0x38;
	[tilespmem:$0x1E800] =	vst v63  }
0xd5: {  	_ =	swait.ge [sflag:s18], $0x1400  }
0xd6: {  	[sflag:s18] =	ssyncset.done $0x0  }
0xd7: {  	[sflag:s18] =	ssyncadd.s32 $0xFFFFEC00  }
0xd8: {  	[tilespmem:s21], [sflag:$0x3] =	stream.indirect.gather [hbm4b:s4+s20], $0x80, s3, s20, $0xb8;
	[tilespmem:$0x1E800] =	vst v63  }
0xd9: {  	_ =	swait.ge [sflag:s18], $0x4000  }
0xda: {  	[sflag:s18] =	ssyncset.done $0x0  }
0xdb: {  	[sflag:s18] =	ssyncadd.s32 $0xFFFFC000  }
0xdc: {  	[spmem:s2] =	stream.indirect.scatter.add.f32 [tilespmem:s21], [sflag:$0x1], $0x80, s19, s20, $0xb8;
	[tilespmem:$0x1E800] =	vst v63  }
0xdd: {  	_ = 	snop  }
0xde: {  	[tilespmem:s22], [sflag:$0x3] =	stream.indirect.gather [hbm4b:s4+s20], $0x80, s20, s20, $0xb8;
	[tilespmem:$0x1E800] =	vst v63  }
0xdf: {  	_ =	swait.ge [sflag:s18], $0x4000  }
0xe0: {  	[sflag:s18] =	ssyncset.done $0x0  }
0xe1: {  	[sflag:s18] =	ssyncadd.s32 $0xFFFFC000  }
0xe2: {  	[spmem:s2] =	stream.indirect.scatter.add.f32 [tilespmem:s22], [sflag:$0x2], $0x80, s23, s20, $0xb8;
	[tilespmem:$0x1E800] =	vst v63  }
0xe3: {  	_ =	swait.ge [sflag:s24], $0x4000  }
0xe4: {  	[sflag:s24] =	ssyncset.done $0x0  }
0xe5: {  	s28 =	simm.s32 $0x100;
	[sflag:s24] =	ssyncadd.s32 $0xFFFFC000  }
0xe6: {  	[tilespmem:s21], [sflag:$0x3] =	stream.indirect.gather [hbm4b:s4+s20], $0x80, s28, s20, $0xb8;
	[tilespmem:$0x1E800] =	vst v63  }
0xe7: {  	_ =	swait.ge [sflag:s18], $0x4000  }
0xe8: {  	[sflag:s18] =	ssyncset.done $0x0  }
0xe9: {  	s28 =	simm.s32 $0x1500;
	[sflag:s18] =	ssyncadd.s32 $0xFFFFC000  }
0xea: {  	[spmem:s2] =	stream.indirect.scatter.add.f32 [tilespmem:s21], [sflag:$0x1], $0x80, s28, s20, $0xb8;
	[tilespmem:$0x1E800] =	vst v63  }
0xeb: {  	_ =	swait.ge [sflag:s25], $0x4000  }
0xec: {  	[sflag:s25] =	ssyncset.done $0x0  }
0xed: {  	s28 =	simm.s32 $0x180;
	[sflag:s25] =	ssyncadd.s32 $0xFFFFC000  }
0xee: {  	[tilespmem:s22], [sflag:$0x3] =	stream.indirect.gather [hbm4b:s4+s20], $0x80, s28, s20, $0xb8;
	[tilespmem:$0x1E800] =	vst v63  }
0xef: {  	_ =	swait.ge [sflag:s18], $0x4000  }
0xf0: {  	[sflag:s18] =	ssyncset.done $0x0  }
0xf1: {  	s29 =	simm.s32 $0x1580;
	s28 =	simm.s32 $0xFFFFB800;
	[sflag:s18] =	ssyncadd.s32 $0xFFFFC000  }
.LBB2_7:
0xf2: {  	[spmem:s2] =	stream.indirect.scatter.add.f32 [tilespmem:s22], [sflag:$0x2], $0x80, s29, s20, $0xb8;
	[tilespmem:$0x1E800] =	vst v63  }
0xf3: {  	s29 =	smov.u32 s28  }
0xf4: {  	p1 =	seq.s32 s28, $0xFFFFFC00;
	s28 =	sadd.s32 $0x400, s28;
	_ =	swait.ge [sflag:s24], $0x4000  }
0xf5: {  	s29 =	sshra.s32 s29, $0x2;
	[sflag:s24] =	ssyncset.done $0x0  }
0xf6: {  	s30 =	sadd.s32 $0x1400, s29;
	[sflag:s24] =	ssyncadd.s32 $0xFFFFC000  }
0xf7: {  	[tilespmem:s21], [sflag:$0x3] =	stream.indirect.gather [hbm4b:s4+s20], $0x80, s30, s20, $0xb8;
	[tilespmem:$0x1E800] =	vst v63  }
0xf8: {  	_ =	swait.ge [sflag:s18], $0x4000  }
0xf9: {  	[sflag:s18] =	ssyncset.done $0x0  }
0xfa: {  	s30 =	sadd.s32 $0x2800, s29;
	[sflag:s18] =	ssyncadd.s32 $0xFFFFC000  }
0xfb: {  	[spmem:s2] =	stream.indirect.scatter.add.f32 [tilespmem:s21], [sflag:$0x1], $0x80, s30, s20, $0xb8;
	[tilespmem:$0x1E800] =	vst v63  }
0xfc: {  	_ =	swait.ge [sflag:s25], $0x4000  }
0xfd: {  	[sflag:s25] =	ssyncset.done $0x0  }
.Ltmp7:
0xfe: {  	s30 =	sadd.s32 $0x1480, s29;
	[sflag:s25] =	ssyncadd.s32 $0xFFFFC000;
	(pc) =	sbr.rel @!p1 .LBB2_7-.Ltmp7, $4  }
0xff: {  	[tilespmem:s22], [sflag:$0x3] =	stream.indirect.gather [hbm4b:s4+s20], $0x80, s30, s20, $0xb8;
	[tilespmem:$0x1E800] =	vst v63  }
0x100: {  	_ =	swait.ge [sflag:s18], $0x4000  }
0x101: {  	[sflag:s18] =	ssyncset.done $0x0  }
0x102: {  	s29 =	sadd.s32 $0x2880, s29;
	[sflag:s18] =	ssyncadd.s32 $0xFFFFC000  }
.Ltmp8:
0x103: {  	(pc) =	sbr.rel .LBB2_12-.Ltmp8, $2  }
0x104: {  	_ =	sdelay $0x2  }
0x105: {  	[spmem:s2] =	stream.indirect.scatter.add.f32 [tilespmem:s22], [sflag:$0x2], $0x80, s29, s20, $0xb8;
	[tilespmem:$0x1E800] =	vst v63  }
.LBB2_13:
0x106: {  	_ =	sfence.sel $0x180000  }
0x107: {  	[bflag:$0x0] =	sbarrier.arrive $0xFFFF  }
0x108: {  	p0 =	sne.s32 s1, $0x0;
	_ =	strace $0x90000050  }
0x109: {  	s0 =	sadd.s32 @!p0 $0x100000, s0;
	[bflag:$0x2] =	sbarrier.arrive $0xFFFF  }
0x10a: {  	[sflag:s0] =	ssyncadd.tile.s32 @!p0 $0x1;
	_ =	shalt  }
.Lfunc_end2:
_tile_overlayer_lowered:
.L_overlay_start_2:
0x10b: {  	(tag) =	ssettag $0x2  }
0x10c: {  	s0 =	rddreg [dreg:$0x0];
	s2 =	stileid.u32  }
0x10d: {  	s1 =	rddreg [dreg:$0x1];
	p0 =	sne.s32 s2, $0x0  }
0x10e: {  	s3 =	rddreg [dreg:$0x2];
	[bflag:$0x3] =	sbarrier.arrive $0xFFFF;
	s2 =	simm.s32 @!p0 $0x1C03  }
0x10f: {  	[timem:s3], [sflag:s2] =	dma.local @!p0 [hbm:s0], s1  }
0x110: {  	s0 =	simm.s32 @!p0 $0x3  }
0x111: {  	_ =	swait.ge @!p0 [sflag:s0], s1  }
0x112: {  	s1 =	ssub.s32 @!p0 $0x0, s1;
	[sflag:s0] =	ssyncset.done @!p0 $0x0  }
0x113: {  	[sflag:s0] =	ssyncadd.s32 @!p0 s1  }
0x114: {  	[bflag:$0x3] =	sbarrier.arrive $0xFFFF  }
0x115: {  	_ =	shalt  }

</sc_bundles>
